<compile_context>
chip_gen: v7x
topology: tpu7x:2x2x1
jax: 0.10.2.dev20260603
libtpu: 0.0.44.dev20260713+nightly
codegen_flags: <defaults>
</compile_context>

<pallas_src>
import numpy as np
import jax
import jax.numpy as jnp
from jax.experimental import pallas as pl
from jax.experimental.pallas import tpu as pltpu

B = 16
N = 4096
NDIR = 8
SL = 3
NM = 12
DIM = 128
DIMS = [8, 16, 16, 32, 32, 64, 64, 128, 128, 128, 128, 128, 128]
OFFS = [0]
for _j in range(1, NM + 1):
    OFFS.append(OFFS[-1] + (N >> _j))
DN0 = (((0,), (0,)), ((), ()))
DN1 = (((1,), (1,)), ((), ()))


def _prelu(h, a):
    return jnp.where(h >= 0, h, a * h)


def _lvl(A, vrow, wf, bb, dmap_s, drev_s, alpha, idim, odim, sp, W):
    Ash = jnp.concatenate([A[:, sp:], A[:, :sp]], axis=1)
    cat = jnp.concatenate([A, Ash, jnp.ones((1, W), jnp.float32)], axis=0)
    h = jnp.zeros((odim, W), jnp.float32)
    for d in range(NDIR):
        e = dmap_s[d]
        Wd = wf[pl.ds(e * (2 * idim), 2 * idim), :]
        Wsw = jnp.concatenate([Wd[idim:], Wd[:idim]], axis=0)
        Wsel = jnp.where(drev_s[d] == 1, Wsw, Wd)
        brow = bb[pl.ds(e, 1), :]
        Waug = jnp.concatenate([Wsel, brow], axis=0)
        Hd = jax.lax.dot_general(Waug, cat, DN0,
                                 preferred_element_type=jnp.float32)
        h = h + (vrow == d).astype(jnp.float32) * Hd
    return _prelu(h, alpha)


def _samp(h, smp, wup, bup, wmg, bmg, a_up, a_mg, W):
    ones = jnp.ones((1, W), jnp.float32)
    wupa = jnp.concatenate([wup[...], bup[...]], axis=0)
    smp2 = _prelu(jax.lax.dot_general(
        wupa, jnp.concatenate([smp, ones], axis=0), DN0,
        preferred_element_type=jnp.float32), a_up)
    wmga = jnp.concatenate([wmg[...], bmg[...]], axis=0)
    hcat = jnp.concatenate([h, smp2, ones], axis=0)
    return _prelu(jax.lax.dot_general(
        wmga, hcat, DN0, preferred_element_type=jnp.float32), a_mg)


def _body_a(x_ref, vx_ref, wl_ref, w1, b1, w2, b2, dmap_s, drev_s, al,
            out_ref):
    W = 65536
    cat0 = jnp.concatenate([x_ref[...], jnp.ones((1, W), jnp.float32)],
                           axis=0)
    a0 = _prelu(jax.lax.dot_general(wl_ref[...], cat0, DN0,
                                    preferred_element_type=jnp.float32),
                al[0])
    out_ref[0:8, :] = a0
    a1 = _lvl(a0, vx_ref[0:1, :], w1, b1, dmap_s, drev_s, al[1], 8, 16, 1, W)
    out_ref[8:24, :] = a1
    a2 = _lvl(a1, vx_ref[1:2, :], w2, b2, dmap_s, drev_s, al[2], 16, 16, 2, W)
    out_ref[24:40, :] = a2


def _body_b(ca4_ref, vx_ref, w3, b3, up3w, up3b, mg3w, mg3b,
            w4, b4, up4w, up4b, mg4w, mg4b, dmap_s, drev_s, al, out_ref):
    W = 16384
    a2 = ca4_ref[24:40, :]
    a3 = _lvl(a2, vx_ref[0:1, :], w3, b3, dmap_s, drev_s, al[0], 16, 32, 1, W)
    a3 = _samp(a3, ca4_ref[0:8, :], up3w, up3b, mg3w, mg3b, al[1], al[2], W)
    out_ref[0:32, :] = a3
    a4 = _lvl(a3, vx_ref[1:2, :], w4, b4, dmap_s, drev_s, al[3], 32, 32, 2, W)
    a4 = _samp(a4, ca4_ref[8:24, :], up4w, up4b, mg4w, mg4b, al[4], al[5], W)
    out_ref[32:64, :] = a4


def _body_c(cb4_ref, ca16_ref, vx_ref,
            w5, b5, up5w, up5b, mg5w, mg5b,
            w6, b6, up6w, up6b, mg6w, mg6b,
            w7, b7, up7w, up7b, mg7w, mg7b, dmap_s, drev_s, al, out_ref):
    W = 4096
    a4 = cb4_ref[32:64, :]
    a5 = _lvl(a4, vx_ref[0:1, :], w5, b5, dmap_s, drev_s, al[0], 32, 64, 1, W)
    a5 = _samp(a5, ca16_ref[24:40, :], up5w, up5b, mg5w, mg5b,
               al[1], al[2], W)
    out_ref[0:64, :] = a5
    a6 = _lvl(a5, vx_ref[1:2, :], w6, b6, dmap_s, drev_s, al[3], 64, 64, 2, W)
    a6 = _samp(a6, cb4_ref[0:32, :], up6w, up6b, mg6w, mg6b, al[4], al[5], W)
    out_ref[64:128, :] = a6
    a7 = _lvl(a6, vx_ref[2:3, :], w7, b7, dmap_s, drev_s, al[6], 64, 128, 4,
              W)
    a7 = _samp(a7, cb4_ref[32:64, :], up7w, up7b, mg7w, mg7b,
               al[7], al[8], W)
    out_ref[128:256, :] = a7


def _body_d(*refs):
    W = 512
    out_ref = refs[-1]
    al = refs[-2]
    drev_s = refs[-3]
    dmap_s = refs[-4]
    cc8_ref, vx_ref, e_ref = refs[0:3]
    wrefs = refs[3:-4]
    A = cc8_ref[128:256, :]
    saved = {}
    for t in range(5):
        j = 8 + t
        w, bb, upw, upb, mgw, mgb = wrefs[6 * t:6 * t + 6]
        A = _lvl(A, vx_ref[t:t + 1, :], w, bb, dmap_s, drev_s, al[3 * t],
                 128, 128, 2 ** t, W)
        if j == 8:
            smp = cc8_ref[0:64, :]
        elif j == 9:
            smp = cc8_ref[64:128, :]
        elif j == 10:
            smp = cc8_ref[128:256, :]
        else:
            smp = saved[j - SL]
        A = _samp(A, smp, upw, upb, mgw, mgb, al[3 * t + 1], al[3 * t + 2],
                  W)
        saved[j] = A
    out_ref[...] = jax.lax.dot_general(e_ref[...], A, DN1,
                                       preferred_element_type=jnp.float32)


def _vexp_idx(levels, width):
    wb = width // B
    c = np.arange(width)
    b = c // wb
    m = c % wb
    rows = []
    for j in levels:
        s = wb // (N >> j)
        rows.append(b * (N - 1) + OFFS[j - 1] + m // s)
    return jnp.asarray(np.stack(rows).astype(np.int32))


def kernel(points, vec_flat, dmap, drev, axisperm, axissgn, params):
    f32 = jnp.float32
    smem = pl.BlockSpec(memory_space=pltpu.SMEM)
    vmem = pl.BlockSpec(memory_space=pltpu.VMEM)

    def vspecs(k):
        return [vmem for _ in range(k)]

    Wl, bl, al_leaf = params["leaf"]
    P = (axisperm[None, :] == jnp.arange(3)[:, None]).astype(f32)
    wl_aug = jnp.concatenate([(P * axissgn[None, :]) @ Wl, bl[None, :]],
                             axis=0)
    x_t = points.reshape(B * N, 3).T

    vflat = vec_flat.reshape(B * (N - 1))
    dmap_i = dmap.astype(jnp.int32)
    drev_i = drev.astype(jnp.int32)

    def wargs(j):
        Wm, bbm, _ = params["merge"][j - 1]
        return [Wm.reshape(NDIR * 2 * DIMS[j - 1], DIMS[j]), bbm]

    def sargs(j):
        wup, bup, _ = params["samp_up"][str(j)]
        wmg, bmg, _ = params["samp_mg"][str(j)]
        return [wup, bup[None, :], wmg, bmg[None, :]]

    def alphas(js, lead=None):
        out = [] if lead is None else list(lead)
        for j in js:
            out.append(params["merge"][j - 1][2])
            if j >= SL:
                out.append(params["samp_up"][str(j)][2])
                out.append(params["samp_mg"][str(j)][2])
        return jnp.stack(out).astype(f32)

    vx_a = jnp.take(vflat, _vexp_idx([1, 2], 65536))
    comb_a = pl.pallas_call(
        _body_a,
        out_shape=jax.ShapeDtypeStruct((40, 65536), f32),
        in_specs=vspecs(7) + [smem, smem, smem],
        out_specs=vmem,
    )(x_t, vx_a, wl_aug, *wargs(1), *wargs(2), dmap_i, drev_i,
      alphas([1, 2], lead=[al_leaf]))

    ca4 = comb_a[:, ::4]
    ca16 = comb_a[:, ::16]

    vx_b = jnp.take(vflat, _vexp_idx([3, 4], 16384))
    comb_b = pl.pallas_call(
        _body_b,
        out_shape=jax.ShapeDtypeStruct((64, 16384), f32),
        in_specs=vspecs(14) + [smem, smem, smem],
        out_specs=vmem,
    )(ca4, vx_b, *wargs(3), *sargs(3), *wargs(4), *sargs(4),
      dmap_i, drev_i, alphas([3, 4]))

    cb4 = comb_b[:, ::4]

    vx_c = jnp.take(vflat, _vexp_idx([5, 6, 7], 4096))
    comb_c = pl.pallas_call(
        _body_c,
        out_shape=jax.ShapeDtypeStruct((256, 4096), f32),
        in_specs=vspecs(21) + [smem, smem, smem],
        out_specs=vmem,
    )(cb4, ca16, vx_c, *wargs(5), *sargs(5), *wargs(6), *sargs(6),
      *wargs(7), *sargs(7), dmap_i, drev_i, alphas([5, 6, 7]))

    cc8 = comb_c[:, ::8]

    vx_d = jnp.take(vflat, _vexp_idx([8, 9, 10, 11, 12], 512))
    e_sel = jnp.asarray(
        (np.arange(512)[None, :] == (np.arange(B) * 32)[:, None])
        .astype(np.float32))
    wd = []
    for j in range(8, NM + 1):
        wd += wargs(j) + sargs(j)
    out = pl.pallas_call(
        _body_d,
        out_shape=jax.ShapeDtypeStruct((B, DIM), f32),
        in_specs=vspecs(3 + len(wd)) + [smem, smem, smem],
        out_specs=vmem,
    )(cc8, vx_d, e_sel, *wd, dmap_i, drev_i,
      alphas([8, 9, 10, 11, 12]))
    return out

# --- scband reference (transcript-rebuilt; emitter-appended) ---
"""Pipeline reference for scband-encoder-28595892256995 (READ-ONLY COPY).

The authoritative reference and input builder live on the scoring server;
editing this copy changes nothing except your own understanding.
"""

import jax, jax.numpy as jnp
import numpy as np

B = 16
N = 4096
NDIR = 8
SL = 3
NM = 12
DIM = 128

def _dims():
    odims = [-1] * 100 + [8]
    dims = [8]
    fd = 8
    for j in range(1, NM + 1):
        if odims[-2] in (-1, fd):
            fd = min(fd * 2, DIM)
        odims.append(fd)
        dims.append(fd)
    return dims

def _init_fc(key, idim, odim):
    W = jax.random.normal(key, (idim, odim), jnp.float32) / np.sqrt(idim)
    b = jnp.zeros((odim,), jnp.float32)
    a = jnp.asarray(0.25, jnp.float32)
    return (W, b, a)

def _fc(x, p):
    W, b, a = p
    h = x @ W + b
    return jnp.where(h >= 0, h, a * h)

def setup_inputs(seed: int = 0):
    key = jax.random.key(seed)
    ks = jax.random.split(key, 4)
    dims = _dims()
    points = jax.random.normal(ks[0], (B, N, 3), jnp.float32)
    vec_flat = jax.random.randint(ks[1], (B, N - 1), 0, NDIR).astype(jnp.int32)
    dmap = jnp.arange(NDIR, dtype=jnp.int32)
    drev = jax.random.randint(ks[2], (NDIR,), 0, 2).astype(jnp.int32)
    axisperm = jnp.arange(3, dtype=jnp.int32)
    axissgn = jnp.ones((3,), jnp.float32)
    pk = jax.random.fold_in(key, 1)
    leaf = _init_fc(jax.random.fold_in(pk, 0), 3, dims[0])
    merge = []
    samp_up = {}
    samp_mg = {}
    for j in range(1, NM + 1):
        idim = dims[j - 1]
        odim = dims[j]
        kk = jax.random.fold_in(pk, j)
        W = jax.random.normal(kk, (NDIR, 2 * idim, odim), jnp.float32) / np.sqrt(2 * idim)
        bb = jnp.zeros((NDIR, odim), jnp.float32)
        aa = jnp.asarray(0.25, jnp.float32)
        merge.append((W, bb, aa))
        if j >= SL:
            sdim = dims[j - SL]
            samp_up[str(j)] = _init_fc(jax.random.fold_in(pk, 100 + j), sdim, odim)
            samp_mg[str(j)] = _init_fc(jax.random.fold_in(pk, 200 + j), 2 * odim, odim)
    params = {"leaf": leaf, "merge": merge, "samp_up": samp_up, "samp_mg": samp_mg}
    return {"points": points, "vec_flat": vec_flat, "dmap": dmap, "drev": drev, "axisperm": axisperm, "axissgn": axissgn, "params": params}

def reference(points, vec_flat, dmap, drev, axisperm, axissgn, params):
    # leaf layer: apply rotation transform then point-to-embed FC (PReLU)
    x = points[:, :, axisperm] * axissgn
    ans = _fc(x, params["leaf"])
    backup = [ans]
    off = 0
    n = N
    for j in range(1, NM + 1):
        n //= 2
        vec = vec_flat[:, off:off + n]
        off += n
        # children of the complete binary tree
        lch = ans[:, 0::2]
        rch = ans[:, 1::2]
        # direction-dependent left/right swap (drev lookup)
        dr = jnp.take(drev, vec, axis=0).astype(jnp.float32)[:, :, None]
        a_ = lch * (1 - dr) + rch * dr
        b_ = rch * (1 - dr) + lch * dr
        cat = jnp.concatenate([a_, b_], axis=-1)
        # hard top-1 routing to one of NDIR direction-experts (dmap lookup)
        v = jnp.take(dmap, vec, axis=0)
        W, bb, aa = params["merge"][j - 1]
        Wsel = jnp.take(W, v, axis=0)
        bsel = jnp.take(bb, v, axis=0)
        h = jnp.einsum('bnd,bndo->bno', cat, Wsel) + bsel
        ans = jnp.where(h >= 0, h, aa * h)
        if j >= SL:
            # sampled layer: merge with features from SL levels below
            src = backup[-SL]
            child_s = jnp.arange(n) * (2 ** SL)
            smp = jnp.take(src, child_s, axis=1)
            smp = _fc(smp, params["samp_up"][str(j)])
            ans = _fc(jnp.concatenate([ans, smp], axis=-1), params["samp_mg"][str(j)])
        backup.append(ans)
    # root layer has a single node -> squeeze node axis
    return ans.squeeze(1)

if __name__ == "__main__":
    import jax
    _d = setup_inputs()
    print(jax.jit(kernel)(*tuple(_d.values())))

</pallas_src>

<mosaic_0001>
module attributes {stable_mosaic.version = 14 : i64} {
  func.func @_body_a(%arg0: memref<3x65536xf32, #tpu.memory_space<vmem>>, %arg1: memref<2x65536xi32, #tpu.memory_space<vmem>>, %arg2: memref<4x8xf32, #tpu.memory_space<vmem>>, %arg3: memref<128x16xf32, #tpu.memory_space<vmem>>, %arg4: memref<8x16xf32, #tpu.memory_space<vmem>>, %arg5: memref<256x16xf32, #tpu.memory_space<vmem>>, %arg6: memref<8x16xf32, #tpu.memory_space<vmem>>, %arg7: memref<8xi32, #tpu.memory_space<smem>>, %arg8: memref<8xi32, #tpu.memory_space<smem>>, %arg9: memref<3xf32, #tpu.memory_space<smem>>, %arg10: memref<40x65536xf32, #tpu.memory_space<vmem>>) attributes {dimension_semantics = [], scalar_prefetch = 0 : i64, scratch_operands = 0 : i64, tpu.core_type = #tpu.core_type<tc>} {
    %get3A = arith.constant 0 : index
    %get3A_0 = arith.constant 0 : index
    %get3A_1 = vector.load %arg0[%get3A, %get3A_0] : memref<3x65536xf32, #tpu.memory_space<vmem>>, vector<3x65536xf32>
    %broadcast_in_dim3A = arith.constant 1.000000e+00 : f32
    %broadcast_in_dim3A_2 = vector.broadcast %broadcast_in_dim3A : f32 to vector<1x65536xf32>
    %concatenate3A = tpu.concatenate %get3A_1, %broadcast_in_dim3A_2 in 0 : vector<3x65536xf32>, vector<1x65536xf32> -> vector<4x65536xf32>
    %get3A_3 = arith.constant 0 : index
    %get3A_4 = arith.constant 0 : index
    %get3A_5 = vector.load %arg2[%get3A_3, %get3A_4] : memref<4x8xf32, #tpu.memory_space<vmem>>, vector<4x8xf32>
    %dot_general3A = arith.constant dense<0.000000e+00> : vector<8x65536xf32>
    %dot_general3A_6 = tpu.matmul %get3A_5, %concatenate3A, %dot_general3A {dimension_numbers = #tpu.dot_dimension_numbers<[0], [0], [1], [1], [0, 1, 1, 1], [], []>, transpose_lhs_hint = false} : vector<4x8xf32>, vector<4x65536xf32>, vector<8x65536xf32> -> vector<8x65536xf32>
    %get3A_7 = arith.constant 0 : index
    %get3A_8 = memref.load %arg9[%get3A_7] : memref<3xf32, #tpu.memory_space<smem>>
    %ge3A = arith.constant 0.000000e+00 : f32
    %ge3A_9 = vector.broadcast %ge3A : f32 to vector<8x65536xf32>
    %ge3A_10 = arith.cmpf oge, %dot_general3A_6, %ge3A_9 : vector<8x65536xf32>
    %mul3A = vector.broadcast %get3A_8 : f32 to vector<8x65536xf32>
    %mul3A_11 = arith.mulf %mul3A, %dot_general3A_6 : vector<8x65536xf32>
    %select_n3A = arith.select %ge3A_10, %dot_general3A_6, %mul3A_11 : vector<8x65536xi1>, vector<8x65536xf32>
    %swap3A = arith.constant 0 : index
    %swap3A_12 = arith.constant 0 : index
    %swap3A_13 = vector.load %arg10[%swap3A, %swap3A_12] : memref<40x65536xf32, #tpu.memory_space<vmem>>, vector<8x65536xf32>
    tpu.vector_store %arg10[%swap3A, %swap3A_12], %select_n3A {strides = array<i32>} : memref<40x65536xf32, #tpu.memory_space<vmem>>, vector<8x65536xf32>,
    %get3A_14 = arith.constant 0 : index
    %get3A_15 = arith.constant 0 : index
    %get3A_16 = vector.load %arg1[%get3A_14, %get3A_15] : memref<2x65536xi32, #tpu.memory_space<vmem>>, vector<1x65536xi32>
    %get3A_17 = arith.constant 1 : index
    %get3A_18 = memref.load %arg9[%get3A_17] : memref<3xf32, #tpu.memory_space<smem>>
    %slice3A = vector.extract_strided_slice %select_n3A {offsets = [0, 1], sizes = [8, 65535], strides = [1, 1]} : vector<8x65536xf32> to vector<8x65535xf32>
    %slice3A_19 = vector.extract_strided_slice %select_n3A {offsets = [0, 0], sizes = [8, 1], strides = [1, 1]} : vector<8x65536xf32> to vector<8x1xf32>
    %concatenate3A_20 = tpu.concatenate %slice3A, %slice3A_19 in 1 : vector<8x65535xf32>, vector<8x1xf32> -> vector<8x65536xf32>
    %broadcast_in_dim3A_21 = arith.constant 1.000000e+00 : f32
    %broadcast_in_dim3A_22 = vector.broadcast %broadcast_in_dim3A_21 : f32 to vector<1x65536xf32>
    %concatenate3A_23 = tpu.concatenate %select_n3A, %concatenate3A_20, %broadcast_in_dim3A_22 in 0 : vector<8x65536xf32>, vector<8x65536xf32>, vector<1x65536xf32> -> vector<17x65536xf32>
    %broadcast_in_dim3A_24 = arith.constant 0.000000e+00 : f32
    %broadcast_in_dim3A_25 = vector.broadcast %broadcast_in_dim3A_24 : f32 to vector<16x65536xf32>
    %get3A_26 = arith.constant 0 : index
    %get3A_27 = memref.load %arg7[%get3A_26] : memref<8xi32, #tpu.memory_space<smem>>
    %mul3A_28 = arith.constant 16 : i32
    %mul3A_29 = arith.muli %get3A_27, %mul3A_28 : i32
    %get3A_30 = arith.index_cast %mul3A_29 : i32 to index
    %get3A_31 = arith.constant 0 : index
    %get3A_32 = vector.load %arg3[%get3A_30, %get3A_31] : memref<128x16xf32, #tpu.memory_space<vmem>>, vector<16x16xf32>
    %slice3A_33 = vector.extract_strided_slice %get3A_32 {offsets = [8, 0], sizes = [8, 16], strides = [1, 1]} : vector<16x16xf32> to vector<8x16xf32>
    %slice3A_34 = vector.extract_strided_slice %get3A_32 {offsets = [0, 0], sizes = [8, 16], strides = [1, 1]} : vector<16x16xf32> to vector<8x16xf32>
    %concatenate3A_35 = tpu.concatenate %slice3A_33, %slice3A_34 in 0 : vector<8x16xf32>, vector<8x16xf32> -> vector<16x16xf32>
    %get3A_36 = arith.constant 0 : index
    %get3A_37 = memref.load %arg8[%get3A_36] : memref<8xi32, #tpu.memory_space<smem>>
    %eq3A = arith.constant 1 : i32
    %eq3A_38 = arith.cmpi eq, %get3A_37, %eq3A : i32
    %select_n3A_39 = arith.select %eq3A_38, %concatenate3A_35, %get3A_32 : vector<16x16xf32>
    %get3A_40 = arith.index_cast %get3A_27 : i32 to index
    %get3A_41 = arith.constant 0 : index
    %get3A_42 = vector.load %arg4[%get3A_40, %get3A_41] : memref<8x16xf32, #tpu.memory_space<vmem>>, vector<1x16xf32>
    %concatenate3A_43 = tpu.concatenate %select_n3A_39, %get3A_42 in 0 : vector<16x16xf32>, vector<1x16xf32> -> vector<17x16xf32>
    %dot_general3A_44 = arith.constant dense<0.000000e+00> : vector<16x65536xf32>
    %dot_general3A_45 = tpu.matmul %concatenate3A_43, %concatenate3A_23, %dot_general3A_44 {dimension_numbers = #tpu.dot_dimension_numbers<[0], [0], [1], [1], [0, 1, 1, 1], [], []>, transpose_lhs_hint = false} : vector<17x16xf32>, vector<17x65536xf32>, vector<16x65536xf32> -> vector<16x65536xf32>
    %eq3A_46 = arith.constant 0 : i32
    %eq3A_47 = vector.broadcast %eq3A_46 : i32 to vector<1x65536xi32>
    %eq3A_48 = arith.cmpi eq, %get3A_16, %eq3A_47 : vector<1x65536xi32>
    %convert_element_type3A = arith.extui %eq3A_48 : vector<1x65536xi1> to vector<1x65536xi32>
    %convert_element_type3A_49 = arith.sitofp %convert_element_type3A : vector<1x65536xi32> to vector<1x65536xf32>
    %mul3A_50 = vector.broadcast %convert_element_type3A_49 : vector<1x65536xf32> to vector<16x65536xf32>
    %mul3A_51 = arith.mulf %mul3A_50, %dot_general3A_45 : vector<16x65536xf32>
    %add3A = arith.addf %broadcast_in_dim3A_25, %mul3A_51 : vector<16x65536xf32>
    %get3A_52 = arith.constant 1 : index
    %get3A_53 = memref.load %arg7[%get3A_52] : memref<8xi32, #tpu.memory_space<smem>>
    %mul3A_54 = arith.constant 16 : i32
    %mul3A_55 = arith.muli %get3A_53, %mul3A_54 : i32
    %get3A_56 = arith.index_cast %mul3A_55 : i32 to index
    %get3A_57 = arith.constant 0 : index
    %get3A_58 = vector.load %arg3[%get3A_56, %get3A_57] : memref<128x16xf32, #tpu.memory_space<vmem>>, vector<16x16xf32>
    %slice3A_59 = vector.extract_strided_slice %get3A_58 {offsets = [8, 0], sizes = [8, 16], strides = [1, 1]} : vector<16x16xf32> to vector<8x16xf32>
    %slice3A_60 = vector.extract_strided_slice %get3A_58 {offsets = [0, 0], sizes = [8, 16], strides = [1, 1]} : vector<16x16xf32> to vector<8x16xf32>
    %concatenate3A_61 = tpu.concatenate %slice3A_59, %slice3A_60 in 0 : vector<8x16xf32>, vector<8x16xf32> -> vector<16x16xf32>
    %get3A_62 = arith.constant 1 : index
    %get3A_63 = memref.load %arg8[%get3A_62] : memref<8xi32, #tpu.memory_space<smem>>
    %eq3A_64 = arith.constant 1 : i32
    %eq3A_65 = arith.cmpi eq, %get3A_63, %eq3A_64 : i32
    %select_n3A_66 = arith.select %eq3A_65, %concatenate3A_61, %get3A_58 : vector<16x16xf32>
    %get3A_67 = arith.index_cast %get3A_53 : i32 to index
    %get3A_68 = arith.constant 0 : index
    %get3A_69 = vector.load %arg4[%get3A_67, %get3A_68] : memref<8x16xf32, #tpu.memory_space<vmem>>, vector<1x16xf32>
    %concatenate3A_70 = tpu.concatenate %select_n3A_66, %get3A_69 in 0 : vector<16x16xf32>, vector<1x16xf32> -> vector<17x16xf32>
    %dot_general3A_71 = arith.constant dense<0.000000e+00> : vector<16x65536xf32>
    %dot_general3A_72 = tpu.matmul %concatenate3A_70, %concatenate3A_23, %dot_general3A_71 {dimension_numbers = #tpu.dot_dimension_numbers<[0], [0], [1], [1], [0, 1, 1, 1], [], []>, transpose_lhs_hint = false} : vector<17x16xf32>, vector<17x65536xf32>, vector<16x65536xf32> -> vector<16x65536xf32>
    %eq3A_73 = arith.constant 1 : i32
    %eq3A_74 = vector.broadcast %eq3A_73 : i32 to vector<1x65536xi32>
    %eq3A_75 = arith.cmpi eq, %get3A_16, %eq3A_74 : vector<1x65536xi32>
    %convert_element_type3A_76 = arith.extui %eq3A_75 : vector<1x65536xi1> to vector<1x65536xi32>
    %convert_element_type3A_77 = arith.sitofp %convert_element_type3A_76 : vector<1x65536xi32> to vector<1x65536xf32>
    %mul3A_78 = vector.broadcast %convert_element_type3A_77 : vector<1x65536xf32> to vector<16x65536xf32>
    %mul3A_79 = arith.mulf %mul3A_78, %dot_general3A_72 : vector<16x65536xf32>
    %add3A_80 = arith.addf %add3A, %mul3A_79 : vector<16x65536xf32>
    %get3A_81 = arith.constant 2 : index
    %get3A_82 = memref.load %arg7[%get3A_81] : memref<8xi32, #tpu.memory_space<smem>>
    %mul3A_83 = arith.constant 16 : i32
    %mul3A_84 = arith.muli %get3A_82, %mul3A_83 : i32
    %get3A_85 = arith.index_cast %mul3A_84 : i32 to index
    %get3A_86 = arith.constant 0 : index
    %get3A_87 = vector.load %arg3[%get3A_85, %get3A_86] : memref<128x16xf32, #tpu.memory_space<vmem>>, vector<16x16xf32>
    %slice3A_88 = vector.extract_strided_slice %get3A_87 {offsets = [8, 0], sizes = [8, 16], strides = [1, 1]} : vector<16x16xf32> to vector<8x16xf32>
    %slice3A_89 = vector.extract_strided_slice %get3A_87 {offsets = [0, 0], sizes = [8, 16], strides = [1, 1]} : vector<16x16xf32> to vector<8x16xf32>
    %concatenate3A_90 = tpu.concatenate %slice3A_88, %slice3A_89 in 0 : vector<8x16xf32>, vector<8x16xf32> -> vector<16x16xf32>
    %get3A_91 = arith.constant 2 : index
    %get3A_92 = memref.load %arg8[%get3A_91] : memref<8xi32, #tpu.memory_space<smem>>
    %eq3A_93 = arith.constant 1 : i32
    %eq3A_94 = arith.cmpi eq, %get3A_92, %eq3A_93 : i32
    %select_n3A_95 = arith.select %eq3A_94, %concatenate3A_90, %get3A_87 : vector<16x16xf32>
    %get3A_96 = arith.index_cast %get3A_82 : i32 to index
    %get3A_97 = arith.constant 0 : index
    %get3A_98 = vector.load %arg4[%get3A_96, %get3A_97] : memref<8x16xf32, #tpu.memory_space<vmem>>, vector<1x16xf32>
    %concatenate3A_99 = tpu.concatenate %select_n3A_95, %get3A_98 in 0 : vector<16x16xf32>, vector<1x16xf32> -> vector<17x16xf32>
    %dot_general3A_100 = arith.constant dense<0.000000e+00> : vector<16x65536xf32>
    %dot_general3A_101 = tpu.matmul %concatenate3A_99, %concatenate3A_23, %dot_general3A_100 {dimension_numbers = #tpu.dot_dimension_numbers<[0], [0], [1], [1], [0, 1, 1, 1], [], []>, transpose_lhs_hint = false} : vector<17x16xf32>, vector<17x65536xf32>, vector<16x65536xf32> -> vector<16x65536xf32>
    %eq3A_102 = arith.constant 2 : i32
    %eq3A_103 = vector.broadcast %eq3A_102 : i32 to vector<1x65536xi32>
    %eq3A_104 = arith.cmpi eq, %get3A_16, %eq3A_103 : vector<1x65536xi32>
    %convert_element_type3A_105 = arith.extui %eq3A_104 : vector<1x65536xi1> to vector<1x65536xi32>
    %convert_element_type3A_106 = arith.sitofp %convert_element_type3A_105 : vector<1x65536xi32> to vector<1x65536xf32>
    %mul3A_107 = vector.broadcast %convert_element_type3A_106 : vector<1x65536xf32> to vector<16x65536xf32>
    %mul3A_108 = arith.mulf %mul3A_107, %dot_general3A_101 : vector<16x65536xf32>
    %add3A_109 = arith.addf %add3A_80, %mul3A_108 : vector<16x65536xf32>
    %get3A_110 = arith.constant 3 : index
    %get3A_111 = memref.load %arg7[%get3A_110] : memref<8xi32, #tpu.memory_space<smem>>
    %mul3A_112 = arith.constant 16 : i32
    %mul3A_113 = arith.muli %get3A_111, %mul3A_112 : i32
    %get3A_114 = arith.index_cast %mul3A_113 : i32 to index
    %get3A_115 = arith.constant 0 : index
    %get3A_116 = vector.load %arg3[%get3A_114, %get3A_115] : memref<128x16xf32, #tpu.memory_space<vmem>>, vector<16x16xf32>
    %slice3A_117 = vector.extract_strided_slice %get3A_116 {offsets = [8, 0], sizes = [8, 16], strides = [1, 1]} : vector<16x16xf32> to vector<8x16xf32>
    %slice3A_118 = vector.extract_strided_slice %get3A_116 {offsets = [0, 0], sizes = [8, 16], strides = [1, 1]} : vector<16x16xf32> to vector<8x16xf32>
    %concatenate3A_119 = tpu.concatenate %slice3A_117, %slice3A_118 in 0 : vector<8x16xf32>, vector<8x16xf32> -> vector<16x16xf32>
    %get3A_120 = arith.constant 3 : index
    %get3A_121 = memref.load %arg8[%get3A_120] : memref<8xi32, #tpu.memory_space<smem>>
    %eq3A_122 = arith.constant 1 : i32
    %eq3A_123 = arith.cmpi eq, %get3A_121, %eq3A_122 : i32
    %select_n3A_124 = arith.select %eq3A_123, %concatenate3A_119, %get3A_116 : vector<16x16xf32>
    %get3A_125 = arith.index_cast %get3A_111 : i32 to index
    %get3A_126 = arith.constant 0 : index
    %get3A_127 = vector.load %arg4[%get3A_125, %get3A_126] : memref<8x16xf32, #tpu.memory_space<vmem>>, vector<1x16xf32>
    %concatenate3A_128 = tpu.concatenate %select_n3A_124, %get3A_127 in 0 : vector<16x16xf32>, vector<1x16xf32> -> vector<17x16xf32>
    %dot_general3A_129 = arith.constant dense<0.000000e+00> : vector<16x65536xf32>
    %dot_general3A_130 = tpu.matmul %concatenate3A_128, %concatenate3A_23, %dot_general3A_129 {dimension_numbers = #tpu.dot_dimension_numbers<[0], [0], [1], [1], [0, 1, 1, 1], [], []>, transpose_lhs_hint = false} : vector<17x16xf32>, vector<17x65536xf32>, vector<16x65536xf32> -> vector<16x65536xf32>
    %eq3A_131 = arith.constant 3 : i32
    %eq3A_132 = vector.broadcast %eq3A_131 : i32 to vector<1x65536xi32>
    %eq3A_133 = arith.cmpi eq, %get3A_16, %eq3A_132 : vector<1x65536xi32>
    %convert_element_type3A_134 = arith.extui %eq3A_133 : vector<1x65536xi1> to vector<1x65536xi32>
    %convert_element_type3A_135 = arith.sitofp %convert_element_type3A_134 : vector<1x65536xi32> to vector<1x65536xf32>
    %mul3A_136 = vector.broadcast %convert_element_type3A_135 : vector<1x65536xf32> to vector<16x65536xf32>
    %mul3A_137 = arith.mulf %mul3A_136, %dot_general3A_130 : vector<16x65536xf32>
    %add3A_138 = arith.addf %add3A_109, %mul3A_137 : vector<16x65536xf32>
    %get3A_139 = arith.constant 4 : index
    %get3A_140 = memref.load %arg7[%get3A_139] : memref<8xi32, #tpu.memory_space<smem>>
    %mul3A_141 = arith.constant 16 : i32
    %mul3A_142 = arith.muli %get3A_140, %mul3A_141 : i32
    %get3A_143 = arith.index_cast %mul3A_142 : i32 to index
    %get3A_144 = arith.constant 0 : index
    %get3A_145 = vector.load %arg3[%get3A_143, %get3A_144] : memref<128x16xf32, #tpu.memory_space<vmem>>, vector<16x16xf32>
    %slice3A_146 = vector.extract_strided_slice %get3A_145 {offsets = [8, 0], sizes = [8, 16], strides = [1, 1]} : vector<16x16xf32> to vector<8x16xf32>
    %slice3A_147 = vector.extract_strided_slice %get3A_145 {offsets = [0, 0], sizes = [8, 16], strides = [1, 1]} : vector<16x16xf32> to vector<8x16xf32>
    %concatenate3A_148 = tpu.concatenate %slice3A_146, %slice3A_147 in 0 : vector<8x16xf32>, vector<8x16xf32> -> vector<16x16xf32>
    %get3A_149 = arith.constant 4 : index
    %get3A_150 = memref.load %arg8[%get3A_149] : memref<8xi32, #tpu.memory_space<smem>>
    %eq3A_151 = arith.constant 1 : i32
    %eq3A_152 = arith.cmpi eq, %get3A_150, %eq3A_151 : i32
    %select_n3A_153 = arith.select %eq3A_152, %concatenate3A_148, %get3A_145 : vector<16x16xf32>
    %get3A_154 = arith.index_cast %get3A_140 : i32 to index
    %get3A_155 = arith.constant 0 : index
    %get3A_156 = vector.load %arg4[%get3A_154, %get3A_155] : memref<8x16xf32, #tpu.memory_space<vmem>>, vector<1x16xf32>
    %concatenate3A_157 = tpu.concatenate %select_n3A_153, %get3A_156 in 0 : vector<16x16xf32>, vector<1x16xf32> -> vector<17x16xf32>
    %dot_general3A_158 = arith.constant dense<0.000000e+00> : vector<16x65536xf32>
    %dot_general3A_159 = tpu.matmul %concatenate3A_157, %concatenate3A_23, %dot_general3A_158 {dimension_numbers = #tpu.dot_dimension_numbers<[0], [0], [1], [1], [0, 1, 1, 1], [], []>, transpose_lhs_hint = false} : vector<17x16xf32>, vector<17x65536xf32>, vector<16x65536xf32> -> vector<16x65536xf32>
    %eq3A_160 = arith.constant 4 : i32
    %eq3A_161 = vector.broadcast %eq3A_160 : i32 to vector<1x65536xi32>
    %eq3A_162 = arith.cmpi eq, %get3A_16, %eq3A_161 : vector<1x65536xi32>
    %convert_element_type3A_163 = arith.extui %eq3A_162 : vector<1x65536xi1> to vector<1x65536xi32>
    %convert_element_type3A_164 = arith.sitofp %convert_element_type3A_163 : vector<1x65536xi32> to vector<1x65536xf32>
    %mul3A_165 = vector.broadcast %convert_element_type3A_164 : vector<1x65536xf32> to vector<16x65536xf32>
    %mul3A_166 = arith.mulf %mul3A_165, %dot_general3A_159 : vector<16x65536xf32>
    %add3A_167 = arith.addf %add3A_138, %mul3A_166 : vector<16x65536xf32>
    %get3A_168 = arith.constant 5 : index
    %get3A_169 = memref.load %arg7[%get3A_168] : memref<8xi32, #tpu.memory_space<smem>>
    %mul3A_170 = arith.constant 16 : i32
    %mul3A_171 = arith.muli %get3A_169, %mul3A_170 : i32
    %get3A_172 = arith.index_cast %mul3A_171 : i32 to index
    %get3A_173 = arith.constant 0 : index
    %get3A_174 = vector.load %arg3[%get3A_172, %get3A_173] : memref<128x16xf32, #tpu.memory_space<vmem>>, vector<16x16xf32>
    %slice3A_175 = vector.extract_strided_slice %get3A_174 {offsets = [8, 0], sizes = [8, 16], strides = [1, 1]} : vector<16x16xf32> to vector<8x16xf32>
    %slice3A_176 = vector.extract_strided_slice %get3A_174 {offsets = [0, 0], sizes = [8, 16], strides = [1, 1]} : vector<16x16xf32> to vector<8x16xf32>
    %concatenate3A_177 = tpu.concatenate %slice3A_175, %slice3A_176 in 0 : vector<8x16xf32>, vector<8x16xf32> -> vector<16x16xf32>
    %get3A_178 = arith.constant 5 : index
    %get3A_179 = memref.load %arg8[%get3A_178] : memref<8xi32, #tpu.memory_space<smem>>
    %eq3A_180 = arith.constant 1 : i32
    %eq3A_181 = arith.cmpi eq, %get3A_179, %eq3A_180 : i32
    %select_n3A_182 = arith.select %eq3A_181, %concatenate3A_177, %get3A_174 : vector<16x16xf32>
    %get3A_183 = arith.index_cast %get3A_169 : i32 to index
    %get3A_184 = arith.constant 0 : index
    %get3A_185 = vector.load %arg4[%get3A_183, %get3A_184] : memref<8x16xf32, #tpu.memory_space<vmem>>, vector<1x16xf32>
    %concatenate3A_186 = tpu.concatenate %select_n3A_182, %get3A_185 in 0 : vector<16x16xf32>, vector<1x16xf32> -> vector<17x16xf32>
    %dot_general3A_187 = arith.constant dense<0.000000e+00> : vector<16x65536xf32>
    %dot_general3A_188 = tpu.matmul %concatenate3A_186, %concatenate3A_23, %dot_general3A_187 {dimension_numbers = #tpu.dot_dimension_numbers<[0], [0], [1], [1], [0, 1, 1, 1], [], []>, transpose_lhs_hint = false} : vector<17x16xf32>, vector<17x65536xf32>, vector<16x65536xf32> -> vector<16x65536xf32>
    %eq3A_189 = arith.constant 5 : i32
    %eq3A_190 = vector.broadcast %eq3A_189 : i32 to vector<1x65536xi32>
    %eq3A_191 = arith.cmpi eq, %get3A_16, %eq3A_190 : vector<1x65536xi32>
    %convert_element_type3A_192 = arith.extui %eq3A_191 : vector<1x65536xi1> to vector<1x65536xi32>
    %convert_element_type3A_193 = arith.sitofp %convert_element_type3A_192 : vector<1x65536xi32> to vector<1x65536xf32>
    %mul3A_194 = vector.broadcast %convert_element_type3A_193 : vector<1x65536xf32> to vector<16x65536xf32>
    %mul3A_195 = arith.mulf %mul3A_194, %dot_general3A_188 : vector<16x65536xf32>
    %add3A_196 = arith.addf %add3A_167, %mul3A_195 : vector<16x65536xf32>
    %get3A_197 = arith.constant 6 : index
    %get3A_198 = memref.load %arg7[%get3A_197] : memref<8xi32, #tpu.memory_space<smem>>
    %mul3A_199 = arith.constant 16 : i32
    %mul3A_200 = arith.muli %get3A_198, %mul3A_199 : i32
    %get3A_201 = arith.index_cast %mul3A_200 : i32 to index
    %get3A_202 = arith.constant 0 : index
    %get3A_203 = vector.load %arg3[%get3A_201, %get3A_202] : memref<128x16xf32, #tpu.memory_space<vmem>>, vector<16x16xf32>
    %slice3A_204 = vector.extract_strided_slice %get3A_203 {offsets = [8, 0], sizes = [8, 16], strides = [1, 1]} : vector<16x16xf32> to vector<8x16xf32>
    %slice3A_205 = vector.extract_strided_slice %get3A_203 {offsets = [0, 0], sizes = [8, 16], strides = [1, 1]} : vector<16x16xf32> to vector<8x16xf32>
    %concatenate3A_206 = tpu.concatenate %slice3A_204, %slice3A_205 in 0 : vector<8x16xf32>, vector<8x16xf32> -> vector<16x16xf32>
    %get3A_207 = arith.constant 6 : index
    %get3A_208 = memref.load %arg8[%get3A_207] : memref<8xi32, #tpu.memory_space<smem>>
    %eq3A_209 = arith.constant 1 : i32
    %eq3A_210 = arith.cmpi eq, %get3A_208, %eq3A_209 : i32
    %select_n3A_211 = arith.select %eq3A_210, %concatenate3A_206, %get3A_203 : vector<16x16xf32>
    %get3A_212 = arith.index_cast %get3A_198 : i32 to index
    %get3A_213 = arith.constant 0 : index
    %get3A_214 = vector.load %arg4[%get3A_212, %get3A_213] : memref<8x16xf32, #tpu.memory_space<vmem>>, vector<1x16xf32>
    %concatenate3A_215 = tpu.concatenate %select_n3A_211, %get3A_214 in 0 : vector<16x16xf32>, vector<1x16xf32> -> vector<17x16xf32>
    %dot_general3A_216 = arith.constant dense<0.000000e+00> : vector<16x65536xf32>
    %dot_general3A_217 = tpu.matmul %concatenate3A_215, %concatenate3A_23, %dot_general3A_216 {dimension_numbers = #tpu.dot_dimension_numbers<[0], [0], [1], [1], [0, 1, 1, 1], [], []>, transpose_lhs_hint = false} : vector<17x16xf32>, vector<17x65536xf32>, vector<16x65536xf32> -> vector<16x65536xf32>
    %eq3A_218 = arith.constant 6 : i32
    %eq3A_219 = vector.broadcast %eq3A_218 : i32 to vector<1x65536xi32>
    %eq3A_220 = arith.cmpi eq, %get3A_16, %eq3A_219 : vector<1x65536xi32>
    %convert_element_type3A_221 = arith.extui %eq3A_220 : vector<1x65536xi1> to vector<1x65536xi32>
    %convert_element_type3A_222 = arith.sitofp %convert_element_type3A_221 : vector<1x65536xi32> to vector<1x65536xf32>
    %mul3A_223 = vector.broadcast %convert_element_type3A_222 : vector<1x65536xf32> to vector<16x65536xf32>
    %mul3A_224 = arith.mulf %mul3A_223, %dot_general3A_217 : vector<16x65536xf32>
    %add3A_225 = arith.addf %add3A_196, %mul3A_224 : vector<16x65536xf32>
    %get3A_226 = arith.constant 7 : index
    %get3A_227 = memref.load %arg7[%get3A_226] : memref<8xi32, #tpu.memory_space<smem>>
    %mul3A_228 = arith.constant 16 : i32
    %mul3A_229 = arith.muli %get3A_227, %mul3A_228 : i32
    %get3A_230 = arith.index_cast %mul3A_229 : i32 to index
    %get3A_231 = arith.constant 0 : index
    %get3A_232 = vector.load %arg3[%get3A_230, %get3A_231] : memref<128x16xf32, #tpu.memory_space<vmem>>, vector<16x16xf32>
    %slice3A_233 = vector.extract_strided_slice %get3A_232 {offsets = [8, 0], sizes = [8, 16], strides = [1, 1]} : vector<16x16xf32> to vector<8x16xf32>
    %slice3A_234 = vector.extract_strided_slice %get3A_232 {offsets = [0, 0], sizes = [8, 16], strides = [1, 1]} : vector<16x16xf32> to vector<8x16xf32>
    %concatenate3A_235 = tpu.concatenate %slice3A_233, %slice3A_234 in 0 : vector<8x16xf32>, vector<8x16xf32> -> vector<16x16xf32>
    %get3A_236 = arith.constant 7 : index
    %get3A_237 = memref.load %arg8[%get3A_236] : memref<8xi32, #tpu.memory_space<smem>>
    %eq3A_238 = arith.constant 1 : i32
    %eq3A_239 = arith.cmpi eq, %get3A_237, %eq3A_238 : i32
    %select_n3A_240 = arith.select %eq3A_239, %concatenate3A_235, %get3A_232 : vector<16x16xf32>
    %get3A_241 = arith.index_cast %get3A_227 : i32 to index
    %get3A_242 = arith.constant 0 : index
    %get3A_243 = vector.load %arg4[%get3A_241, %get3A_242] : memref<8x16xf32, #tpu.memory_space<vmem>>, vector<1x16xf32>
    %concatenate3A_244 = tpu.concatenate %select_n3A_240, %get3A_243 in 0 : vector<16x16xf32>, vector<1x16xf32> -> vector<17x16xf32>
    %dot_general3A_245 = arith.constant dense<0.000000e+00> : vector<16x65536xf32>
    %dot_general3A_246 = tpu.matmul %concatenate3A_244, %concatenate3A_23, %dot_general3A_245 {dimension_numbers = #tpu.dot_dimension_numbers<[0], [0], [1], [1], [0, 1, 1, 1], [], []>, transpose_lhs_hint = false} : vector<17x16xf32>, vector<17x65536xf32>, vector<16x65536xf32> -> vector<16x65536xf32>
    %eq3A_247 = arith.constant 7 : i32
    %eq3A_248 = vector.broadcast %eq3A_247 : i32 to vector<1x65536xi32>
    %eq3A_249 = arith.cmpi eq, %get3A_16, %eq3A_248 : vector<1x65536xi32>
    %convert_element_type3A_250 = arith.extui %eq3A_249 : vector<1x65536xi1> to vector<1x65536xi32>
    %convert_element_type3A_251 = arith.sitofp %convert_element_type3A_250 : vector<1x65536xi32> to vector<1x65536xf32>
    %mul3A_252 = vector.broadcast %convert_element_type3A_251 : vector<1x65536xf32> to vector<16x65536xf32>
    %mul3A_253 = arith.mulf %mul3A_252, %dot_general3A_246 : vector<16x65536xf32>
    %add3A_254 = arith.addf %add3A_225, %mul3A_253 : vector<16x65536xf32>
    %ge3A_255 = arith.constant 0.000000e+00 : f32
    %ge3A_256 = vector.broadcast %ge3A_255 : f32 to vector<16x65536xf32>
    %ge3A_257 = arith.cmpf oge, %add3A_254, %ge3A_256 : vector<16x65536xf32>
    %mul3A_258 = vector.broadcast %get3A_18 : f32 to vector<16x65536xf32>
    %mul3A_259 = arith.mulf %mul3A_258, %add3A_254 : vector<16x65536xf32>
    %select_n3A_260 = arith.select %ge3A_257, %add3A_254, %mul3A_259 : vector<16x65536xi1>, vector<16x65536xf32>
    %swap3A_261 = arith.constant 8 : index
    %swap3A_262 = arith.constant 0 : index
    %swap3A_263 = vector.load %arg10[%swap3A_261, %swap3A_262] : memref<40x65536xf32, #tpu.memory_space<vmem>>, vector<16x65536xf32>
    tpu.vector_store %arg10[%swap3A_261, %swap3A_262], %select_n3A_260 {strides = array<i32>} : memref<40x65536xf32, #tpu.memory_space<vmem>>, vector<16x65536xf32>,
    %get3A_264 = arith.constant 1 : index
    %get3A_265 = arith.constant 0 : index
    %get3A_266 = vector.load %arg1[%get3A_264, %get3A_265] : memref<2x65536xi32, #tpu.memory_space<vmem>>, vector<1x65536xi32>
    %get3A_267 = arith.constant 2 : index
    %get3A_268 = memref.load %arg9[%get3A_267] : memref<3xf32, #tpu.memory_space<smem>>
    %slice3A_269 = vector.extract_strided_slice %select_n3A_260 {offsets = [0, 2], sizes = [16, 65534], strides = [1, 1]} : vector<16x65536xf32> to vector<16x65534xf32>
    %slice3A_270 = vector.extract_strided_slice %select_n3A_260 {offsets = [0, 0], sizes = [16, 2], strides = [1, 1]} : vector<16x65536xf32> to vector<16x2xf32>
    %concatenate3A_271 = tpu.concatenate %slice3A_269, %slice3A_270 in 1 : vector<16x65534xf32>, vector<16x2xf32> -> vector<16x65536xf32>
    %broadcast_in_dim3A_272 = arith.constant 1.000000e+00 : f32
    %broadcast_in_dim3A_273 = vector.broadcast %broadcast_in_dim3A_272 : f32 to vector<1x65536xf32>
    %concatenate3A_274 = tpu.concatenate %select_n3A_260, %concatenate3A_271, %broadcast_in_dim3A_273 in 0 : vector<16x65536xf32>, vector<16x65536xf32>, vector<1x65536xf32> -> vector<33x65536xf32>
    %broadcast_in_dim3A_275 = arith.constant 0.000000e+00 : f32
    %broadcast_in_dim3A_276 = vector.broadcast %broadcast_in_dim3A_275 : f32 to vector<16x65536xf32>
    %get3A_277 = arith.constant 0 : index
    %get3A_278 = memref.load %arg7[%get3A_277] : memref<8xi32, #tpu.memory_space<smem>>
    %mul3A_279 = arith.constant 32 : i32
    %mul3A_280 = arith.muli %get3A_278, %mul3A_279 : i32
    %get3A_281 = arith.index_cast %mul3A_280 : i32 to index
    %get3A_282 = arith.constant 0 : index
    %get3A_283 = vector.load %arg5[%get3A_281, %get3A_282] : memref<256x16xf32, #tpu.memory_space<vmem>>, vector<32x16xf32>
    %slice3A_284 = vector.extract_strided_slice %get3A_283 {offsets = [16, 0], sizes = [16, 16], strides = [1, 1]} : vector<32x16xf32> to vector<16x16xf32>
    %slice3A_285 = vector.extract_strided_slice %get3A_283 {offsets = [0, 0], sizes = [16, 16], strides = [1, 1]} : vector<32x16xf32> to vector<16x16xf32>
    %concatenate3A_286 = tpu.concatenate %slice3A_284, %slice3A_285 in 0 : vector<16x16xf32>, vector<16x16xf32> -> vector<32x16xf32>
    %get3A_287 = arith.constant 0 : index
    %get3A_288 = memref.load %arg8[%get3A_287] : memref<8xi32, #tpu.memory_space<smem>>
    %eq3A_289 = arith.constant 1 : i32
    %eq3A_290 = arith.cmpi eq, %get3A_288, %eq3A_289 : i32
    %select_n3A_291 = arith.select %eq3A_290, %concatenate3A_286, %get3A_283 : vector<32x16xf32>
    %get3A_292 = arith.index_cast %get3A_278 : i32 to index
    %get3A_293 = arith.constant 0 : index
    %get3A_294 = vector.load %arg6[%get3A_292, %get3A_293] : memref<8x16xf32, #tpu.memory_space<vmem>>, vector<1x16xf32>
    %concatenate3A_295 = tpu.concatenate %select_n3A_291, %get3A_294 in 0 : vector<32x16xf32>, vector<1x16xf32> -> vector<33x16xf32>
    %dot_general3A_296 = arith.constant dense<0.000000e+00> : vector<16x65536xf32>
    %dot_general3A_297 = tpu.matmul %concatenate3A_295, %concatenate3A_274, %dot_general3A_296 {dimension_numbers = #tpu.dot_dimension_numbers<[0], [0], [1], [1], [0, 1, 1, 1], [], []>, transpose_lhs_hint = false} : vector<33x16xf32>, vector<33x65536xf32>, vector<16x65536xf32> -> vector<16x65536xf32>
    %eq3A_298 = arith.constant 0 : i32
    %eq3A_299 = vector.broadcast %eq3A_298 : i32 to vector<1x65536xi32>
    %eq3A_300 = arith.cmpi eq, %get3A_266, %eq3A_299 : vector<1x65536xi32>
    %convert_element_type3A_301 = arith.extui %eq3A_300 : vector<1x65536xi1> to vector<1x65536xi32>
    %convert_element_type3A_302 = arith.sitofp %convert_element_type3A_301 : vector<1x65536xi32> to vector<1x65536xf32>
    %mul3A_303 = vector.broadcast %convert_element_type3A_302 : vector<1x65536xf32> to vector<16x65536xf32>
    %mul3A_304 = arith.mulf %mul3A_303, %dot_general3A_297 : vector<16x65536xf32>
    %add3A_305 = arith.addf %broadcast_in_dim3A_276, %mul3A_304 : vector<16x65536xf32>
    %get3A_306 = arith.constant 1 : index
    %get3A_307 = memref.load %arg7[%get3A_306] : memref<8xi32, #tpu.memory_space<smem>>
    %mul3A_308 = arith.constant 32 : i32
    %mul3A_309 = arith.muli %get3A_307, %mul3A_308 : i32
    %get3A_310 = arith.index_cast %mul3A_309 : i32 to index
    %get3A_311 = arith.constant 0 : index
    %get3A_312 = vector.load %arg5[%get3A_310, %get3A_311] : memref<256x16xf32, #tpu.memory_space<vmem>>, vector<32x16xf32>
    %slice3A_313 = vector.extract_strided_slice %get3A_312 {offsets = [16, 0], sizes = [16, 16], strides = [1, 1]} : vector<32x16xf32> to vector<16x16xf32>
    %slice3A_314 = vector.extract_strided_slice %get3A_312 {offsets = [0, 0], sizes = [16, 16], strides = [1, 1]} : vector<32x16xf32> to vector<16x16xf32>
    %concatenate3A_315 = tpu.concatenate %slice3A_313, %slice3A_314 in 0 : vector<16x16xf32>, vector<16x16xf32> -> vector<32x16xf32>
    %get3A_316 = arith.constant 1 : index
    %get3A_317 = memref.load %arg8[%get3A_316] : memref<8xi32, #tpu.memory_space<smem>>
    %eq3A_318 = arith.constant 1 : i32
    %eq3A_319 = arith.cmpi eq, %get3A_317, %eq3A_318 : i32
    %select_n3A_320 = arith.select %eq3A_319, %concatenate3A_315, %get3A_312 : vector<32x16xf32>
    %get3A_321 = arith.index_cast %get3A_307 : i32 to index
    %get3A_322 = arith.constant 0 : index
    %get3A_323 = vector.load %arg6[%get3A_321, %get3A_322] : memref<8x16xf32, #tpu.memory_space<vmem>>, vector<1x16xf32>
    %concatenate3A_324 = tpu.concatenate %select_n3A_320, %get3A_323 in 0 : vector<32x16xf32>, vector<1x16xf32> -> vector<33x16xf32>
    %dot_general3A_325 = arith.constant dense<0.000000e+00> : vector<16x65536xf32>
    %dot_general3A_326 = tpu.matmul %concatenate3A_324, %concatenate3A_274, %dot_general3A_325 {dimension_numbers = #tpu.dot_dimension_numbers<[0], [0], [1], [1], [0, 1, 1, 1], [], []>, transpose_lhs_hint = false} : vector<33x16xf32>, vector<33x65536xf32>, vector<16x65536xf32> -> vector<16x65536xf32>
    %eq3A_327 = arith.constant 1 : i32
    %eq3A_328 = vector.broadcast %eq3A_327 : i32 to vector<1x65536xi32>
    %eq3A_329 = arith.cmpi eq, %get3A_266, %eq3A_328 : vector<1x65536xi32>
    %convert_element_type3A_330 = arith.extui %eq3A_329 : vector<1x65536xi1> to vector<1x65536xi32>
    %convert_element_type3A_331 = arith.sitofp %convert_element_type3A_330 : vector<1x65536xi32> to vector<1x65536xf32>
    %mul3A_332 = vector.broadcast %convert_element_type3A_331 : vector<1x65536xf32> to vector<16x65536xf32>
    %mul3A_333 = arith.mulf %mul3A_332, %dot_general3A_326 : vector<16x65536xf32>
    %add3A_334 = arith.addf %add3A_305, %mul3A_333 : vector<16x65536xf32>
    %get3A_335 = arith.constant 2 : index
    %get3A_336 = memref.load %arg7[%get3A_335] : memref<8xi32, #tpu.memory_space<smem>>
    %mul3A_337 = arith.constant 32 : i32
    %mul3A_338 = arith.muli %get3A_336, %mul3A_337 : i32
    %get3A_339 = arith.index_cast %mul3A_338 : i32 to index
    %get3A_340 = arith.constant 0 : index
    %get3A_341 = vector.load %arg5[%get3A_339, %get3A_340] : memref<256x16xf32, #tpu.memory_space<vmem>>, vector<32x16xf32>
    %slice3A_342 = vector.extract_strided_slice %get3A_341 {offsets = [16, 0], sizes = [16, 16], strides = [1, 1]} : vector<32x16xf32> to vector<16x16xf32>
    %slice3A_343 = vector.extract_strided_slice %get3A_341 {offsets = [0, 0], sizes = [16, 16], strides = [1, 1]} : vector<32x16xf32> to vector<16x16xf32>
    %concatenate3A_344 = tpu.concatenate %slice3A_342, %slice3A_343 in 0 : vector<16x16xf32>, vector<16x16xf32> -> vector<32x16xf32>
    %get3A_345 = arith.constant 2 : index
    %get3A_346 = memref.load %arg8[%get3A_345] : memref<8xi32, #tpu.memory_space<smem>>
    %eq3A_347 = arith.constant 1 : i32
    %eq3A_348 = arith.cmpi eq, %get3A_346, %eq3A_347 : i32
    %select_n3A_349 = arith.select %eq3A_348, %concatenate3A_344, %get3A_341 : vector<32x16xf32>
    %get3A_350 = arith.index_cast %get3A_336 : i32 to index
    %get3A_351 = arith.constant 0 : index
    %get3A_352 = vector.load %arg6[%get3A_350, %get3A_351] : memref<8x16xf32, #tpu.memory_space<vmem>>, vector<1x16xf32>
    %concatenate3A_353 = tpu.concatenate %select_n3A_349, %get3A_352 in 0 : vector<32x16xf32>, vector<1x16xf32> -> vector<33x16xf32>
    %dot_general3A_354 = arith.constant dense<0.000000e+00> : vector<16x65536xf32>
    %dot_general3A_355 = tpu.matmul %concatenate3A_353, %concatenate3A_274, %dot_general3A_354 {dimension_numbers = #tpu.dot_dimension_numbers<[0], [0], [1], [1], [0, 1, 1, 1], [], []>, transpose_lhs_hint = false} : vector<33x16xf32>, vector<33x65536xf32>, vector<16x65536xf32> -> vector<16x65536xf32>
    %eq3A_356 = arith.constant 2 : i32
    %eq3A_357 = vector.broadcast %eq3A_356 : i32 to vector<1x65536xi32>
    %eq3A_358 = arith.cmpi eq, %get3A_266, %eq3A_357 : vector<1x65536xi32>
    %convert_element_type3A_359 = arith.extui %eq3A_358 : vector<1x65536xi1> to vector<1x65536xi32>
    %convert_element_type3A_360 = arith.sitofp %convert_element_type3A_359 : vector<1x65536xi32> to vector<1x65536xf32>
    %mul3A_361 = vector.broadcast %convert_element_type3A_360 : vector<1x65536xf32> to vector<16x65536xf32>
    %mul3A_362 = arith.mulf %mul3A_361, %dot_general3A_355 : vector<16x65536xf32>
    %add3A_363 = arith.addf %add3A_334, %mul3A_362 : vector<16x65536xf32>
    %get3A_364 = arith.constant 3 : index
    %get3A_365 = memref.load %arg7[%get3A_364] : memref<8xi32, #tpu.memory_space<smem>>
    %mul3A_366 = arith.constant 32 : i32
    %mul3A_367 = arith.muli %get3A_365, %mul3A_366 : i32
    %get3A_368 = arith.index_cast %mul3A_367 : i32 to index
    %get3A_369 = arith.constant 0 : index
    %get3A_370 = vector.load %arg5[%get3A_368, %get3A_369] : memref<256x16xf32, #tpu.memory_space<vmem>>, vector<32x16xf32>
    %slice3A_371 = vector.extract_strided_slice %get3A_370 {offsets = [16, 0], sizes = [16, 16], strides = [1, 1]} : vector<32x16xf32> to vector<16x16xf32>
    %slice3A_372 = vector.extract_strided_slice %get3A_370 {offsets = [0, 0], sizes = [16, 16], strides = [1, 1]} : vector<32x16xf32> to vector<16x16xf32>
    %concatenate3A_373 = tpu.concatenate %slice3A_371, %slice3A_372 in 0 : vector<16x16xf32>, vector<16x16xf32> -> vector<32x16xf32>
    %get3A_374 = arith.constant 3 : index
    %get3A_375 = memref.load %arg8[%get3A_374] : memref<8xi32, #tpu.memory_space<smem>>
    %eq3A_376 = arith.constant 1 : i32
    %eq3A_377 = arith.cmpi eq, %get3A_375, %eq3A_376 : i32
    %select_n3A_378 = arith.select %eq3A_377, %concatenate3A_373, %get3A_370 : vector<32x16xf32>
    %get3A_379 = arith.index_cast %get3A_365 : i32 to index
    %get3A_380 = arith.constant 0 : index
    %get3A_381 = vector.load %arg6[%get3A_379, %get3A_380] : memref<8x16xf32, #tpu.memory_space<vmem>>, vector<1x16xf32>
    %concatenate3A_382 = tpu.concatenate %select_n3A_378, %get3A_381 in 0 : vector<32x16xf32>, vector<1x16xf32> -> vector<33x16xf32>
    %dot_general3A_383 = arith.constant dense<0.000000e+00> : vector<16x65536xf32>
    %dot_general3A_384 = tpu.matmul %concatenate3A_382, %concatenate3A_274, %dot_general3A_383 {dimension_numbers = #tpu.dot_dimension_numbers<[0], [0], [1], [1], [0, 1, 1, 1], [], []>, transpose_lhs_hint = false} : vector<33x16xf32>, vector<33x65536xf32>, vector<16x65536xf32> -> vector<16x65536xf32>
    %eq3A_385 = arith.constant 3 : i32
    %eq3A_386 = vector.broadcast %eq3A_385 : i32 to vector<1x65536xi32>
    %eq3A_387 = arith.cmpi eq, %get3A_266, %eq3A_386 : vector<1x65536xi32>
    %convert_element_type3A_388 = arith.extui %eq3A_387 : vector<1x65536xi1> to vector<1x65536xi32>
    %convert_element_type3A_389 = arith.sitofp %convert_element_type3A_388 : vector<1x65536xi32> to vector<1x65536xf32>
    %mul3A_390 = vector.broadcast %convert_element_type3A_389 : vector<1x65536xf32> to vector<16x65536xf32>
    %mul3A_391 = arith.mulf %mul3A_390, %dot_general3A_384 : vector<16x65536xf32>
    %add3A_392 = arith.addf %add3A_363, %mul3A_391 : vector<16x65536xf32>
    %get3A_393 = arith.constant 4 : index
    %get3A_394 = memref.load %arg7[%get3A_393] : memref<8xi32, #tpu.memory_space<smem>>
    %mul3A_395 = arith.constant 32 : i32
    %mul3A_396 = arith.muli %get3A_394, %mul3A_395 : i32
    %get3A_397 = arith.index_cast %mul3A_396 : i32 to index
    %get3A_398 = arith.constant 0 : index
    %get3A_399 = vector.load %arg5[%get3A_397, %get3A_398] : memref<256x16xf32, #tpu.memory_space<vmem>>, vector<32x16xf32>
    %slice3A_400 = vector.extract_strided_slice %get3A_399 {offsets = [16, 0], sizes = [16, 16], strides = [1, 1]} : vector<32x16xf32> to vector<16x16xf32>
    %slice3A_401 = vector.extract_strided_slice %get3A_399 {offsets = [0, 0], sizes = [16, 16], strides = [1, 1]} : vector<32x16xf32> to vector<16x16xf32>
    %concatenate3A_402 = tpu.concatenate %slice3A_400, %slice3A_401 in 0 : vector<16x16xf32>, vector<16x16xf32> -> vector<32x16xf32>
    %get3A_403 = arith.constant 4 : index
    %get3A_404 = memref.load %arg8[%get3A_403] : memref<8xi32, #tpu.memory_space<smem>>
    %eq3A_405 = arith.constant 1 : i32
    %eq3A_406 = arith.cmpi eq, %get3A_404, %eq3A_405 : i32
    %select_n3A_407 = arith.select %eq3A_406, %concatenate3A_402, %get3A_399 : vector<32x16xf32>
    %get3A_408 = arith.index_cast %get3A_394 : i32 to index
    %get3A_409 = arith.constant 0 : index
    %get3A_410 = vector.load %arg6[%get3A_408, %get3A_409] : memref<8x16xf32, #tpu.memory_space<vmem>>, vector<1x16xf32>
    %concatenate3A_411 = tpu.concatenate %select_n3A_407, %get3A_410 in 0 : vector<32x16xf32>, vector<1x16xf32> -> vector<33x16xf32>
    %dot_general3A_412 = arith.constant dense<0.000000e+00> : vector<16x65536xf32>
    %dot_general3A_413 = tpu.matmul %concatenate3A_411, %concatenate3A_274, %dot_general3A_412 {dimension_numbers = #tpu.dot_dimension_numbers<[0], [0], [1], [1], [0, 1, 1, 1], [], []>, transpose_lhs_hint = false} : vector<33x16xf32>, vector<33x65536xf32>, vector<16x65536xf32> -> vector<16x65536xf32>
    %eq3A_414 = arith.constant 4 : i32
    %eq3A_415 = vector.broadcast %eq3A_414 : i32 to vector<1x65536xi32>
    %eq3A_416 = arith.cmpi eq, %get3A_266, %eq3A_415 : vector<1x65536xi32>
    %convert_element_type3A_417 = arith.extui %eq3A_416 : vector<1x65536xi1> to vector<1x65536xi32>
    %convert_element_type3A_418 = arith.sitofp %convert_element_type3A_417 : vector<1x65536xi32> to vector<1x65536xf32>
    %mul3A_419 = vector.broadcast %convert_element_type3A_418 : vector<1x65536xf32> to vector<16x65536xf32>
    %mul3A_420 = arith.mulf %mul3A_419, %dot_general3A_413 : vector<16x65536xf32>
    %add3A_421 = arith.addf %add3A_392, %mul3A_420 : vector<16x65536xf32>
    %get3A_422 = arith.constant 5 : index
    %get3A_423 = memref.load %arg7[%get3A_422] : memref<8xi32, #tpu.memory_space<smem>>
    %mul3A_424 = arith.constant 32 : i32
    %mul3A_425 = arith.muli %get3A_423, %mul3A_424 : i32
    %get3A_426 = arith.index_cast %mul3A_425 : i32 to index
    %get3A_427 = arith.constant 0 : index
    %get3A_428 = vector.load %arg5[%get3A_426, %get3A_427] : memref<256x16xf32, #tpu.memory_space<vmem>>, vector<32x16xf32>
    %slice3A_429 = vector.extract_strided_slice %get3A_428 {offsets = [16, 0], sizes = [16, 16], strides = [1, 1]} : vector<32x16xf32> to vector<16x16xf32>
    %slice3A_430 = vector.extract_strided_slice %get3A_428 {offsets = [0, 0], sizes = [16, 16], strides = [1, 1]} : vector<32x16xf32> to vector<16x16xf32>
    %concatenate3A_431 = tpu.concatenate %slice3A_429, %slice3A_430 in 0 : vector<16x16xf32>, vector<16x16xf32> -> vector<32x16xf32>
    %get3A_432 = arith.constant 5 : index
    %get3A_433 = memref.load %arg8[%get3A_432] : memref<8xi32, #tpu.memory_space<smem>>
    %eq3A_434 = arith.constant 1 : i32
    %eq3A_435 = arith.cmpi eq, %get3A_433, %eq3A_434 : i32
    %select_n3A_436 = arith.select %eq3A_435, %concatenate3A_431, %get3A_428 : vector<32x16xf32>
    %get3A_437 = arith.index_cast %get3A_423 : i32 to index
    %get3A_438 = arith.constant 0 : index
    %get3A_439 = vector.load %arg6[%get3A_437, %get3A_438] : memref<8x16xf32, #tpu.memory_space<vmem>>, vector<1x16xf32>
    %concatenate3A_440 = tpu.concatenate %select_n3A_436, %get3A_439 in 0 : vector<32x16xf32>, vector<1x16xf32> -> vector<33x16xf32>
    %dot_general3A_441 = arith.constant dense<0.000000e+00> : vector<16x65536xf32>
    %dot_general3A_442 = tpu.matmul %concatenate3A_440, %concatenate3A_274, %dot_general3A_441 {dimension_numbers = #tpu.dot_dimension_numbers<[0], [0], [1], [1], [0, 1, 1, 1], [], []>, transpose_lhs_hint = false} : vector<33x16xf32>, vector<33x65536xf32>, vector<16x65536xf32> -> vector<16x65536xf32>
    %eq3A_443 = arith.constant 5 : i32
    %eq3A_444 = vector.broadcast %eq3A_443 : i32 to vector<1x65536xi32>
    %eq3A_445 = arith.cmpi eq, %get3A_266, %eq3A_444 : vector<1x65536xi32>
    %convert_element_type3A_446 = arith.extui %eq3A_445 : vector<1x65536xi1> to vector<1x65536xi32>
    %convert_element_type3A_447 = arith.sitofp %convert_element_type3A_446 : vector<1x65536xi32> to vector<1x65536xf32>
    %mul3A_448 = vector.broadcast %convert_element_type3A_447 : vector<1x65536xf32> to vector<16x65536xf32>
    %mul3A_449 = arith.mulf %mul3A_448, %dot_general3A_442 : vector<16x65536xf32>
    %add3A_450 = arith.addf %add3A_421, %mul3A_449 : vector<16x65536xf32>
    %get3A_451 = arith.constant 6 : index
    %get3A_452 = memref.load %arg7[%get3A_451] : memref<8xi32, #tpu.memory_space<smem>>
    %mul3A_453 = arith.constant 32 : i32
    %mul3A_454 = arith.muli %get3A_452, %mul3A_453 : i32
    %get3A_455 = arith.index_cast %mul3A_454 : i32 to index
    %get3A_456 = arith.constant 0 : index
    %get3A_457 = vector.load %arg5[%get3A_455, %get3A_456] : memref<256x16xf32, #tpu.memory_space<vmem>>, vector<32x16xf32>
    %slice3A_458 = vector.extract_strided_slice %get3A_457 {offsets = [16, 0], sizes = [16, 16], strides = [1, 1]} : vector<32x16xf32> to vector<16x16xf32>
    %slice3A_459 = vector.extract_strided_slice %get3A_457 {offsets = [0, 0], sizes = [16, 16], strides = [1, 1]} : vector<32x16xf32> to vector<16x16xf32>
    %concatenate3A_460 = tpu.concatenate %slice3A_458, %slice3A_459 in 0 : vector<16x16xf32>, vector<16x16xf32> -> vector<32x16xf32>
    %get3A_461 = arith.constant 6 : index
    %get3A_462 = memref.load %arg8[%get3A_461] : memref<8xi32, #tpu.memory_space<smem>>
    %eq3A_463 = arith.constant 1 : i32
    %eq3A_464 = arith.cmpi eq, %get3A_462, %eq3A_463 : i32
    %select_n3A_465 = arith.select %eq3A_464, %concatenate3A_460, %get3A_457 : vector<32x16xf32>
    %get3A_466 = arith.index_cast %get3A_452 : i32 to index
    %get3A_467 = arith.constant 0 : index
    %get3A_468 = vector.load %arg6[%get3A_466, %get3A_467] : memref<8x16xf32, #tpu.memory_space<vmem>>, vector<1x16xf32>
    %concatenate3A_469 = tpu.concatenate %select_n3A_465, %get3A_468 in 0 : vector<32x16xf32>, vector<1x16xf32> -> vector<33x16xf32>
    %dot_general3A_470 = arith.constant dense<0.000000e+00> : vector<16x65536xf32>
    %dot_general3A_471 = tpu.matmul %concatenate3A_469, %concatenate3A_274, %dot_general3A_470 {dimension_numbers = #tpu.dot_dimension_numbers<[0], [0], [1], [1], [0, 1, 1, 1], [], []>, transpose_lhs_hint = false} : vector<33x16xf32>, vector<33x65536xf32>, vector<16x65536xf32> -> vector<16x65536xf32>
    %eq3A_472 = arith.constant 6 : i32
    %eq3A_473 = vector.broadcast %eq3A_472 : i32 to vector<1x65536xi32>
    %eq3A_474 = arith.cmpi eq, %get3A_266, %eq3A_473 : vector<1x65536xi32>
    %convert_element_type3A_475 = arith.extui %eq3A_474 : vector<1x65536xi1> to vector<1x65536xi32>
    %convert_element_type3A_476 = arith.sitofp %convert_element_type3A_475 : vector<1x65536xi32> to vector<1x65536xf32>
    %mul3A_477 = vector.broadcast %convert_element_type3A_476 : vector<1x65536xf32> to vector<16x65536xf32>
    %mul3A_478 = arith.mulf %mul3A_477, %dot_general3A_471 : vector<16x65536xf32>
    %add3A_479 = arith.addf %add3A_450, %mul3A_478 : vector<16x65536xf32>
    %get3A_480 = arith.constant 7 : index
    %get3A_481 = memref.load %arg7[%get3A_480] : memref<8xi32, #tpu.memory_space<smem>>
    %mul3A_482 = arith.constant 32 : i32
    %mul3A_483 = arith.muli %get3A_481, %mul3A_482 : i32
    %get3A_484 = arith.index_cast %mul3A_483 : i32 to index
    %get3A_485 = arith.constant 0 : index
    %get3A_486 = vector.load %arg5[%get3A_484, %get3A_485] : memref<256x16xf32, #tpu.memory_space<vmem>>, vector<32x16xf32>
    %slice3A_487 = vector.extract_strided_slice %get3A_486 {offsets = [16, 0], sizes = [16, 16], strides = [1, 1]} : vector<32x16xf32> to vector<16x16xf32>
    %slice3A_488 = vector.extract_strided_slice %get3A_486 {offsets = [0, 0], sizes = [16, 16], strides = [1, 1]} : vector<32x16xf32> to vector<16x16xf32>
    %concatenate3A_489 = tpu.concatenate %slice3A_487, %slice3A_488 in 0 : vector<16x16xf32>, vector<16x16xf32> -> vector<32x16xf32>
    %get3A_490 = arith.constant 7 : index
    %get3A_491 = memref.load %arg8[%get3A_490] : memref<8xi32, #tpu.memory_space<smem>>
    %eq3A_492 = arith.constant 1 : i32
    %eq3A_493 = arith.cmpi eq, %get3A_491, %eq3A_492 : i32
    %select_n3A_494 = arith.select %eq3A_493, %concatenate3A_489, %get3A_486 : vector<32x16xf32>
    %get3A_495 = arith.index_cast %get3A_481 : i32 to index
    %get3A_496 = arith.constant 0 : index
    %get3A_497 = vector.load %arg6[%get3A_495, %get3A_496] : memref<8x16xf32, #tpu.memory_space<vmem>>, vector<1x16xf32>
    %concatenate3A_498 = tpu.concatenate %select_n3A_494, %get3A_497 in 0 : vector<32x16xf32>, vector<1x16xf32> -> vector<33x16xf32>
    %dot_general3A_499 = arith.constant dense<0.000000e+00> : vector<16x65536xf32>
    %dot_general3A_500 = tpu.matmul %concatenate3A_498, %concatenate3A_274, %dot_general3A_499 {dimension_numbers = #tpu.dot_dimension_numbers<[0], [0], [1], [1], [0, 1, 1, 1], [], []>, transpose_lhs_hint = false} : vector<33x16xf32>, vector<33x65536xf32>, vector<16x65536xf32> -> vector<16x65536xf32>
    %eq3A_501 = arith.constant 7 : i32
    %eq3A_502 = vector.broadcast %eq3A_501 : i32 to vector<1x65536xi32>
    %eq3A_503 = arith.cmpi eq, %get3A_266, %eq3A_502 : vector<1x65536xi32>
    %convert_element_type3A_504 = arith.extui %eq3A_503 : vector<1x65536xi1> to vector<1x65536xi32>
    %convert_element_type3A_505 = arith.sitofp %convert_element_type3A_504 : vector<1x65536xi32> to vector<1x65536xf32>
    %mul3A_506 = vector.broadcast %convert_element_type3A_505 : vector<1x65536xf32> to vector<16x65536xf32>
    %mul3A_507 = arith.mulf %mul3A_506, %dot_general3A_500 : vector<16x65536xf32>
    %add3A_508 = arith.addf %add3A_479, %mul3A_507 : vector<16x65536xf32>
    %ge3A_509 = arith.constant 0.000000e+00 : f32
    %ge3A_510 = vector.broadcast %ge3A_509 : f32 to vector<16x65536xf32>
    %ge3A_511 = arith.cmpf oge, %add3A_508, %ge3A_510 : vector<16x65536xf32>
    %mul3A_512 = vector.broadcast %get3A_268 : f32 to vector<16x65536xf32>
    %mul3A_513 = arith.mulf %mul3A_512, %add3A_508 : vector<16x65536xf32>
    %select_n3A_514 = arith.select %ge3A_511, %add3A_508, %mul3A_513 : vector<16x65536xi1>, vector<16x65536xf32>
    %swap3A_515 = arith.constant 24 : index
    %swap3A_516 = arith.constant 0 : index
    %swap3A_517 = vector.load %arg10[%swap3A_515, %swap3A_516] : memref<40x65536xf32, #tpu.memory_space<vmem>>, vector<16x65536xf32>
    tpu.vector_store %arg10[%swap3A_515, %swap3A_516], %select_n3A_514 {strides = array<i32>} : memref<40x65536xf32, #tpu.memory_space<vmem>>, vector<16x65536xf32>,
    return
  }
}

module attributes {stable_mosaic.version = 14 : i64} {
  func.func @_body_b(%arg0: memref<40x16384xf32, #tpu.memory_space<vmem>>, %arg1: memref<2x16384xi32, #tpu.memory_space<vmem>>, %arg2: memref<256x32xf32, #tpu.memory_space<vmem>>, %arg3: memref<8x32xf32, #tpu.memory_space<vmem>>, %arg4: memref<8x32xf32, #tpu.memory_space<vmem>>, %arg5: memref<1x32xf32, #tpu.memory_space<vmem>>, %arg6: memref<64x32xf32, #tpu.memory_space<vmem>>, %arg7: memref<1x32xf32, #tpu.memory_space<vmem>>, %arg8: memref<512x32xf32, #tpu.memory_space<vmem>>, %arg9: memref<8x32xf32, #tpu.memory_space<vmem>>, %arg10: memref<16x32xf32, #tpu.memory_space<vmem>>, %arg11: memref<1x32xf32, #tpu.memory_space<vmem>>, %arg12: memref<64x32xf32, #tpu.memory_space<vmem>>, %arg13: memref<1x32xf32, #tpu.memory_space<vmem>>, %arg14: memref<8xi32, #tpu.memory_space<smem>>, %arg15: memref<8xi32, #tpu.memory_space<smem>>, %arg16: memref<6xf32, #tpu.memory_space<smem>>, %arg17: memref<64x16384xf32, #tpu.memory_space<vmem>>) attributes {dimension_semantics = [], scalar_prefetch = 0 : i64, scratch_operands = 0 : i64, tpu.core_type = #tpu.core_type<tc>} {
    %get3A = arith.constant 24 : index
    %get3A_0 = arith.constant 0 : index
    %get3A_1 = vector.load %arg0[%get3A, %get3A_0] : memref<40x16384xf32, #tpu.memory_space<vmem>>, vector<16x16384xf32>
    %get3A_2 = arith.constant 0 : index
    %get3A_3 = arith.constant 0 : index
    %get3A_4 = vector.load %arg1[%get3A_2, %get3A_3] : memref<2x16384xi32, #tpu.memory_space<vmem>>, vector<1x16384xi32>
    %get3A_5 = arith.constant 0 : index
    %get3A_6 = memref.load %arg16[%get3A_5] : memref<6xf32, #tpu.memory_space<smem>>
    %slice3A = vector.extract_strided_slice %get3A_1 {offsets = [0, 1], sizes = [16, 16383], strides = [1, 1]} : vector<16x16384xf32> to vector<16x16383xf32>
    %slice3A_7 = vector.extract_strided_slice %get3A_1 {offsets = [0, 0], sizes = [16, 1], strides = [1, 1]} : vector<16x16384xf32> to vector<16x1xf32>
    %concatenate3A = tpu.concatenate %slice3A, %slice3A_7 in 1 : vector<16x16383xf32>, vector<16x1xf32> -> vector<16x16384xf32>
    %broadcast_in_dim3A = arith.constant 1.000000e+00 : f32
    %broadcast_in_dim3A_8 = vector.broadcast %broadcast_in_dim3A : f32 to vector<1x16384xf32>
    %concatenate3A_9 = tpu.concatenate %get3A_1, %concatenate3A, %broadcast_in_dim3A_8 in 0 : vector<16x16384xf32>, vector<16x16384xf32>, vector<1x16384xf32> -> vector<33x16384xf32>
    %broadcast_in_dim3A_10 = arith.constant 0.000000e+00 : f32
    %broadcast_in_dim3A_11 = vector.broadcast %broadcast_in_dim3A_10 : f32 to vector<32x16384xf32>
    %get3A_12 = arith.constant 0 : index
    %get3A_13 = memref.load %arg14[%get3A_12] : memref<8xi32, #tpu.memory_space<smem>>
    %mul3A = arith.constant 32 : i32
    %mul3A_14 = arith.muli %get3A_13, %mul3A : i32
    %get3A_15 = arith.index_cast %mul3A_14 : i32 to index
    %get3A_16 = arith.constant 0 : index
    %get3A_17 = vector.load %arg2[%get3A_15, %get3A_16] : memref<256x32xf32, #tpu.memory_space<vmem>>, vector<32x32xf32>
    %slice3A_18 = vector.extract_strided_slice %get3A_17 {offsets = [16, 0], sizes = [16, 32], strides = [1, 1]} : vector<32x32xf32> to vector<16x32xf32>
    %slice3A_19 = vector.extract_strided_slice %get3A_17 {offsets = [0, 0], sizes = [16, 32], strides = [1, 1]} : vector<32x32xf32> to vector<16x32xf32>
    %concatenate3A_20 = tpu.concatenate %slice3A_18, %slice3A_19 in 0 : vector<16x32xf32>, vector<16x32xf32> -> vector<32x32xf32>
    %get3A_21 = arith.constant 0 : index
    %get3A_22 = memref.load %arg15[%get3A_21] : memref<8xi32, #tpu.memory_space<smem>>
    %eq3A = arith.constant 1 : i32
    %eq3A_23 = arith.cmpi eq, %get3A_22, %eq3A : i32
    %select_n3A = arith.select %eq3A_23, %concatenate3A_20, %get3A_17 : vector<32x32xf32>
    %get3A_24 = arith.index_cast %get3A_13 : i32 to index
    %get3A_25 = arith.constant 0 : index
    %get3A_26 = vector.load %arg3[%get3A_24, %get3A_25] : memref<8x32xf32, #tpu.memory_space<vmem>>, vector<1x32xf32>
    %concatenate3A_27 = tpu.concatenate %select_n3A, %get3A_26 in 0 : vector<32x32xf32>, vector<1x32xf32> -> vector<33x32xf32>
    %dot_general3A = arith.constant dense<0.000000e+00> : vector<32x16384xf32>
    %dot_general3A_28 = tpu.matmul %concatenate3A_27, %concatenate3A_9, %dot_general3A {dimension_numbers = #tpu.dot_dimension_numbers<[0], [0], [1], [1], [0, 1, 1, 1], [], []>, transpose_lhs_hint = false} : vector<33x32xf32>, vector<33x16384xf32>, vector<32x16384xf32> -> vector<32x16384xf32>
    %eq3A_29 = arith.constant 0 : i32
    %eq3A_30 = vector.broadcast %eq3A_29 : i32 to vector<1x16384xi32>
    %eq3A_31 = arith.cmpi eq, %get3A_4, %eq3A_30 : vector<1x16384xi32>
    %convert_element_type3A = arith.extui %eq3A_31 : vector<1x16384xi1> to vector<1x16384xi32>
    %convert_element_type3A_32 = arith.sitofp %convert_element_type3A : vector<1x16384xi32> to vector<1x16384xf32>
    %mul3A_33 = vector.broadcast %convert_element_type3A_32 : vector<1x16384xf32> to vector<32x16384xf32>
    %mul3A_34 = arith.mulf %mul3A_33, %dot_general3A_28 : vector<32x16384xf32>
    %add3A = arith.addf %broadcast_in_dim3A_11, %mul3A_34 : vector<32x16384xf32>
    %get3A_35 = arith.constant 1 : index
    %get3A_36 = memref.load %arg14[%get3A_35] : memref<8xi32, #tpu.memory_space<smem>>
    %mul3A_37 = arith.constant 32 : i32
    %mul3A_38 = arith.muli %get3A_36, %mul3A_37 : i32
    %get3A_39 = arith.index_cast %mul3A_38 : i32 to index
    %get3A_40 = arith.constant 0 : index
    %get3A_41 = vector.load %arg2[%get3A_39, %get3A_40] : memref<256x32xf32, #tpu.memory_space<vmem>>, vector<32x32xf32>
    %slice3A_42 = vector.extract_strided_slice %get3A_41 {offsets = [16, 0], sizes = [16, 32], strides = [1, 1]} : vector<32x32xf32> to vector<16x32xf32>
    %slice3A_43 = vector.extract_strided_slice %get3A_41 {offsets = [0, 0], sizes = [16, 32], strides = [1, 1]} : vector<32x32xf32> to vector<16x32xf32>
    %concatenate3A_44 = tpu.concatenate %slice3A_42, %slice3A_43 in 0 : vector<16x32xf32>, vector<16x32xf32> -> vector<32x32xf32>
    %get3A_45 = arith.constant 1 : index
    %get3A_46 = memref.load %arg15[%get3A_45] : memref<8xi32, #tpu.memory_space<smem>>
    %eq3A_47 = arith.constant 1 : i32
    %eq3A_48 = arith.cmpi eq, %get3A_46, %eq3A_47 : i32
    %select_n3A_49 = arith.select %eq3A_48, %concatenate3A_44, %get3A_41 : vector<32x32xf32>
    %get3A_50 = arith.index_cast %get3A_36 : i32 to index
    %get3A_51 = arith.constant 0 : index
    %get3A_52 = vector.load %arg3[%get3A_50, %get3A_51] : memref<8x32xf32, #tpu.memory_space<vmem>>, vector<1x32xf32>
    %concatenate3A_53 = tpu.concatenate %select_n3A_49, %get3A_52 in 0 : vector<32x32xf32>, vector<1x32xf32> -> vector<33x32xf32>
    %dot_general3A_54 = arith.constant dense<0.000000e+00> : vector<32x16384xf32>
    %dot_general3A_55 = tpu.matmul %concatenate3A_53, %concatenate3A_9, %dot_general3A_54 {dimension_numbers = #tpu.dot_dimension_numbers<[0], [0], [1], [1], [0, 1, 1, 1], [], []>, transpose_lhs_hint = false} : vector<33x32xf32>, vector<33x16384xf32>, vector<32x16384xf32> -> vector<32x16384xf32>
    %eq3A_56 = arith.constant 1 : i32
    %eq3A_57 = vector.broadcast %eq3A_56 : i32 to vector<1x16384xi32>
    %eq3A_58 = arith.cmpi eq, %get3A_4, %eq3A_57 : vector<1x16384xi32>
    %convert_element_type3A_59 = arith.extui %eq3A_58 : vector<1x16384xi1> to vector<1x16384xi32>
    %convert_element_type3A_60 = arith.sitofp %convert_element_type3A_59 : vector<1x16384xi32> to vector<1x16384xf32>
    %mul3A_61 = vector.broadcast %convert_element_type3A_60 : vector<1x16384xf32> to vector<32x16384xf32>
    %mul3A_62 = arith.mulf %mul3A_61, %dot_general3A_55 : vector<32x16384xf32>
    %add3A_63 = arith.addf %add3A, %mul3A_62 : vector<32x16384xf32>
    %get3A_64 = arith.constant 2 : index
    %get3A_65 = memref.load %arg14[%get3A_64] : memref<8xi32, #tpu.memory_space<smem>>
    %mul3A_66 = arith.constant 32 : i32
    %mul3A_67 = arith.muli %get3A_65, %mul3A_66 : i32
    %get3A_68 = arith.index_cast %mul3A_67 : i32 to index
    %get3A_69 = arith.constant 0 : index
    %get3A_70 = vector.load %arg2[%get3A_68, %get3A_69] : memref<256x32xf32, #tpu.memory_space<vmem>>, vector<32x32xf32>
    %slice3A_71 = vector.extract_strided_slice %get3A_70 {offsets = [16, 0], sizes = [16, 32], strides = [1, 1]} : vector<32x32xf32> to vector<16x32xf32>
    %slice3A_72 = vector.extract_strided_slice %get3A_70 {offsets = [0, 0], sizes = [16, 32], strides = [1, 1]} : vector<32x32xf32> to vector<16x32xf32>
    %concatenate3A_73 = tpu.concatenate %slice3A_71, %slice3A_72 in 0 : vector<16x32xf32>, vector<16x32xf32> -> vector<32x32xf32>
    %get3A_74 = arith.constant 2 : index
    %get3A_75 = memref.load %arg15[%get3A_74] : memref<8xi32, #tpu.memory_space<smem>>
    %eq3A_76 = arith.constant 1 : i32
    %eq3A_77 = arith.cmpi eq, %get3A_75, %eq3A_76 : i32
    %select_n3A_78 = arith.select %eq3A_77, %concatenate3A_73, %get3A_70 : vector<32x32xf32>
    %get3A_79 = arith.index_cast %get3A_65 : i32 to index
    %get3A_80 = arith.constant 0 : index
    %get3A_81 = vector.load %arg3[%get3A_79, %get3A_80] : memref<8x32xf32, #tpu.memory_space<vmem>>, vector<1x32xf32>
    %concatenate3A_82 = tpu.concatenate %select_n3A_78, %get3A_81 in 0 : vector<32x32xf32>, vector<1x32xf32> -> vector<33x32xf32>
    %dot_general3A_83 = arith.constant dense<0.000000e+00> : vector<32x16384xf32>
    %dot_general3A_84 = tpu.matmul %concatenate3A_82, %concatenate3A_9, %dot_general3A_83 {dimension_numbers = #tpu.dot_dimension_numbers<[0], [0], [1], [1], [0, 1, 1, 1], [], []>, transpose_lhs_hint = false} : vector<33x32xf32>, vector<33x16384xf32>, vector<32x16384xf32> -> vector<32x16384xf32>
    %eq3A_85 = arith.constant 2 : i32
    %eq3A_86 = vector.broadcast %eq3A_85 : i32 to vector<1x16384xi32>
    %eq3A_87 = arith.cmpi eq, %get3A_4, %eq3A_86 : vector<1x16384xi32>
    %convert_element_type3A_88 = arith.extui %eq3A_87 : vector<1x16384xi1> to vector<1x16384xi32>
    %convert_element_type3A_89 = arith.sitofp %convert_element_type3A_88 : vector<1x16384xi32> to vector<1x16384xf32>
    %mul3A_90 = vector.broadcast %convert_element_type3A_89 : vector<1x16384xf32> to vector<32x16384xf32>
    %mul3A_91 = arith.mulf %mul3A_90, %dot_general3A_84 : vector<32x16384xf32>
    %add3A_92 = arith.addf %add3A_63, %mul3A_91 : vector<32x16384xf32>
    %get3A_93 = arith.constant 3 : index
    %get3A_94 = memref.load %arg14[%get3A_93] : memref<8xi32, #tpu.memory_space<smem>>
    %mul3A_95 = arith.constant 32 : i32
    %mul3A_96 = arith.muli %get3A_94, %mul3A_95 : i32
    %get3A_97 = arith.index_cast %mul3A_96 : i32 to index
    %get3A_98 = arith.constant 0 : index
    %get3A_99 = vector.load %arg2[%get3A_97, %get3A_98] : memref<256x32xf32, #tpu.memory_space<vmem>>, vector<32x32xf32>
    %slice3A_100 = vector.extract_strided_slice %get3A_99 {offsets = [16, 0], sizes = [16, 32], strides = [1, 1]} : vector<32x32xf32> to vector<16x32xf32>
    %slice3A_101 = vector.extract_strided_slice %get3A_99 {offsets = [0, 0], sizes = [16, 32], strides = [1, 1]} : vector<32x32xf32> to vector<16x32xf32>
    %concatenate3A_102 = tpu.concatenate %slice3A_100, %slice3A_101 in 0 : vector<16x32xf32>, vector<16x32xf32> -> vector<32x32xf32>
    %get3A_103 = arith.constant 3 : index
    %get3A_104 = memref.load %arg15[%get3A_103] : memref<8xi32, #tpu.memory_space<smem>>
    %eq3A_105 = arith.constant 1 : i32
    %eq3A_106 = arith.cmpi eq, %get3A_104, %eq3A_105 : i32
    %select_n3A_107 = arith.select %eq3A_106, %concatenate3A_102, %get3A_99 : vector<32x32xf32>
    %get3A_108 = arith.index_cast %get3A_94 : i32 to index
    %get3A_109 = arith.constant 0 : index
    %get3A_110 = vector.load %arg3[%get3A_108, %get3A_109] : memref<8x32xf32, #tpu.memory_space<vmem>>, vector<1x32xf32>
    %concatenate3A_111 = tpu.concatenate %select_n3A_107, %get3A_110 in 0 : vector<32x32xf32>, vector<1x32xf32> -> vector<33x32xf32>
    %dot_general3A_112 = arith.constant dense<0.000000e+00> : vector<32x16384xf32>
    %dot_general3A_113 = tpu.matmul %concatenate3A_111, %concatenate3A_9, %dot_general3A_112 {dimension_numbers = #tpu.dot_dimension_numbers<[0], [0], [1], [1], [0, 1, 1, 1], [], []>, transpose_lhs_hint = false} : vector<33x32xf32>, vector<33x16384xf32>, vector<32x16384xf32> -> vector<32x16384xf32>
    %eq3A_114 = arith.constant 3 : i32
    %eq3A_115 = vector.broadcast %eq3A_114 : i32 to vector<1x16384xi32>
    %eq3A_116 = arith.cmpi eq, %get3A_4, %eq3A_115 : vector<1x16384xi32>
    %convert_element_type3A_117 = arith.extui %eq3A_116 : vector<1x16384xi1> to vector<1x16384xi32>
    %convert_element_type3A_118 = arith.sitofp %convert_element_type3A_117 : vector<1x16384xi32> to vector<1x16384xf32>
    %mul3A_119 = vector.broadcast %convert_element_type3A_118 : vector<1x16384xf32> to vector<32x16384xf32>
    %mul3A_120 = arith.mulf %mul3A_119, %dot_general3A_113 : vector<32x16384xf32>
    %add3A_121 = arith.addf %add3A_92, %mul3A_120 : vector<32x16384xf32>
    %get3A_122 = arith.constant 4 : index
    %get3A_123 = memref.load %arg14[%get3A_122] : memref<8xi32, #tpu.memory_space<smem>>
    %mul3A_124 = arith.constant 32 : i32
    %mul3A_125 = arith.muli %get3A_123, %mul3A_124 : i32
    %get3A_126 = arith.index_cast %mul3A_125 : i32 to index
    %get3A_127 = arith.constant 0 : index
    %get3A_128 = vector.load %arg2[%get3A_126, %get3A_127] : memref<256x32xf32, #tpu.memory_space<vmem>>, vector<32x32xf32>
    %slice3A_129 = vector.extract_strided_slice %get3A_128 {offsets = [16, 0], sizes = [16, 32], strides = [1, 1]} : vector<32x32xf32> to vector<16x32xf32>
    %slice3A_130 = vector.extract_strided_slice %get3A_128 {offsets = [0, 0], sizes = [16, 32], strides = [1, 1]} : vector<32x32xf32> to vector<16x32xf32>
    %concatenate3A_131 = tpu.concatenate %slice3A_129, %slice3A_130 in 0 : vector<16x32xf32>, vector<16x32xf32> -> vector<32x32xf32>
    %get3A_132 = arith.constant 4 : index
    %get3A_133 = memref.load %arg15[%get3A_132] : memref<8xi32, #tpu.memory_space<smem>>
    %eq3A_134 = arith.constant 1 : i32
    %eq3A_135 = arith.cmpi eq, %get3A_133, %eq3A_134 : i32
    %select_n3A_136 = arith.select %eq3A_135, %concatenate3A_131, %get3A_128 : vector<32x32xf32>
    %get3A_137 = arith.index_cast %get3A_123 : i32 to index
    %get3A_138 = arith.constant 0 : index
    %get3A_139 = vector.load %arg3[%get3A_137, %get3A_138] : memref<8x32xf32, #tpu.memory_space<vmem>>, vector<1x32xf32>
    %concatenate3A_140 = tpu.concatenate %select_n3A_136, %get3A_139 in 0 : vector<32x32xf32>, vector<1x32xf32> -> vector<33x32xf32>
    %dot_general3A_141 = arith.constant dense<0.000000e+00> : vector<32x16384xf32>
    %dot_general3A_142 = tpu.matmul %concatenate3A_140, %concatenate3A_9, %dot_general3A_141 {dimension_numbers = #tpu.dot_dimension_numbers<[0], [0], [1], [1], [0, 1, 1, 1], [], []>, transpose_lhs_hint = false} : vector<33x32xf32>, vector<33x16384xf32>, vector<32x16384xf32> -> vector<32x16384xf32>
    %eq3A_143 = arith.constant 4 : i32
    %eq3A_144 = vector.broadcast %eq3A_143 : i32 to vector<1x16384xi32>
    %eq3A_145 = arith.cmpi eq, %get3A_4, %eq3A_144 : vector<1x16384xi32>
    %convert_element_type3A_146 = arith.extui %eq3A_145 : vector<1x16384xi1> to vector<1x16384xi32>
    %convert_element_type3A_147 = arith.sitofp %convert_element_type3A_146 : vector<1x16384xi32> to vector<1x16384xf32>
    %mul3A_148 = vector.broadcast %convert_element_type3A_147 : vector<1x16384xf32> to vector<32x16384xf32>
    %mul3A_149 = arith.mulf %mul3A_148, %dot_general3A_142 : vector<32x16384xf32>
    %add3A_150 = arith.addf %add3A_121, %mul3A_149 : vector<32x16384xf32>
    %get3A_151 = arith.constant 5 : index
    %get3A_152 = memref.load %arg14[%get3A_151] : memref<8xi32, #tpu.memory_space<smem>>
    %mul3A_153 = arith.constant 32 : i32
    %mul3A_154 = arith.muli %get3A_152, %mul3A_153 : i32
    %get3A_155 = arith.index_cast %mul3A_154 : i32 to index
    %get3A_156 = arith.constant 0 : index
    %get3A_157 = vector.load %arg2[%get3A_155, %get3A_156] : memref<256x32xf32, #tpu.memory_space<vmem>>, vector<32x32xf32>
    %slice3A_158 = vector.extract_strided_slice %get3A_157 {offsets = [16, 0], sizes = [16, 32], strides = [1, 1]} : vector<32x32xf32> to vector<16x32xf32>
    %slice3A_159 = vector.extract_strided_slice %get3A_157 {offsets = [0, 0], sizes = [16, 32], strides = [1, 1]} : vector<32x32xf32> to vector<16x32xf32>
    %concatenate3A_160 = tpu.concatenate %slice3A_158, %slice3A_159 in 0 : vector<16x32xf32>, vector<16x32xf32> -> vector<32x32xf32>
    %get3A_161 = arith.constant 5 : index
    %get3A_162 = memref.load %arg15[%get3A_161] : memref<8xi32, #tpu.memory_space<smem>>
    %eq3A_163 = arith.constant 1 : i32
    %eq3A_164 = arith.cmpi eq, %get3A_162, %eq3A_163 : i32
    %select_n3A_165 = arith.select %eq3A_164, %concatenate3A_160, %get3A_157 : vector<32x32xf32>
    %get3A_166 = arith.index_cast %get3A_152 : i32 to index
    %get3A_167 = arith.constant 0 : index
    %get3A_168 = vector.load %arg3[%get3A_166, %get3A_167] : memref<8x32xf32, #tpu.memory_space<vmem>>, vector<1x32xf32>
    %concatenate3A_169 = tpu.concatenate %select_n3A_165, %get3A_168 in 0 : vector<32x32xf32>, vector<1x32xf32> -> vector<33x32xf32>
    %dot_general3A_170 = arith.constant dense<0.000000e+00> : vector<32x16384xf32>
    %dot_general3A_171 = tpu.matmul %concatenate3A_169, %concatenate3A_9, %dot_general3A_170 {dimension_numbers = #tpu.dot_dimension_numbers<[0], [0], [1], [1], [0, 1, 1, 1], [], []>, transpose_lhs_hint = false} : vector<33x32xf32>, vector<33x16384xf32>, vector<32x16384xf32> -> vector<32x16384xf32>
    %eq3A_172 = arith.constant 5 : i32
    %eq3A_173 = vector.broadcast %eq3A_172 : i32 to vector<1x16384xi32>
    %eq3A_174 = arith.cmpi eq, %get3A_4, %eq3A_173 : vector<1x16384xi32>
    %convert_element_type3A_175 = arith.extui %eq3A_174 : vector<1x16384xi1> to vector<1x16384xi32>
    %convert_element_type3A_176 = arith.sitofp %convert_element_type3A_175 : vector<1x16384xi32> to vector<1x16384xf32>
    %mul3A_177 = vector.broadcast %convert_element_type3A_176 : vector<1x16384xf32> to vector<32x16384xf32>
    %mul3A_178 = arith.mulf %mul3A_177, %dot_general3A_171 : vector<32x16384xf32>
    %add3A_179 = arith.addf %add3A_150, %mul3A_178 : vector<32x16384xf32>
    %get3A_180 = arith.constant 6 : index
    %get3A_181 = memref.load %arg14[%get3A_180] : memref<8xi32, #tpu.memory_space<smem>>
    %mul3A_182 = arith.constant 32 : i32
    %mul3A_183 = arith.muli %get3A_181, %mul3A_182 : i32
    %get3A_184 = arith.index_cast %mul3A_183 : i32 to index
    %get3A_185 = arith.constant 0 : index
    %get3A_186 = vector.load %arg2[%get3A_184, %get3A_185] : memref<256x32xf32, #tpu.memory_space<vmem>>, vector<32x32xf32>
    %slice3A_187 = vector.extract_strided_slice %get3A_186 {offsets = [16, 0], sizes = [16, 32], strides = [1, 1]} : vector<32x32xf32> to vector<16x32xf32>
    %slice3A_188 = vector.extract_strided_slice %get3A_186 {offsets = [0, 0], sizes = [16, 32], strides = [1, 1]} : vector<32x32xf32> to vector<16x32xf32>
    %concatenate3A_189 = tpu.concatenate %slice3A_187, %slice3A_188 in 0 : vector<16x32xf32>, vector<16x32xf32> -> vector<32x32xf32>
    %get3A_190 = arith.constant 6 : index
    %get3A_191 = memref.load %arg15[%get3A_190] : memref<8xi32, #tpu.memory_space<smem>>
    %eq3A_192 = arith.constant 1 : i32
    %eq3A_193 = arith.cmpi eq, %get3A_191, %eq3A_192 : i32
    %select_n3A_194 = arith.select %eq3A_193, %concatenate3A_189, %get3A_186 : vector<32x32xf32>
    %get3A_195 = arith.index_cast %get3A_181 : i32 to index
    %get3A_196 = arith.constant 0 : index
    %get3A_197 = vector.load %arg3[%get3A_195, %get3A_196] : memref<8x32xf32, #tpu.memory_space<vmem>>, vector<1x32xf32>
    %concatenate3A_198 = tpu.concatenate %select_n3A_194, %get3A_197 in 0 : vector<32x32xf32>, vector<1x32xf32> -> vector<33x32xf32>
    %dot_general3A_199 = arith.constant dense<0.000000e+00> : vector<32x16384xf32>
    %dot_general3A_200 = tpu.matmul %concatenate3A_198, %concatenate3A_9, %dot_general3A_199 {dimension_numbers = #tpu.dot_dimension_numbers<[0], [0], [1], [1], [0, 1, 1, 1], [], []>, transpose_lhs_hint = false} : vector<33x32xf32>, vector<33x16384xf32>, vector<32x16384xf32> -> vector<32x16384xf32>
    %eq3A_201 = arith.constant 6 : i32
    %eq3A_202 = vector.broadcast %eq3A_201 : i32 to vector<1x16384xi32>
    %eq3A_203 = arith.cmpi eq, %get3A_4, %eq3A_202 : vector<1x16384xi32>
    %convert_element_type3A_204 = arith.extui %eq3A_203 : vector<1x16384xi1> to vector<1x16384xi32>
    %convert_element_type3A_205 = arith.sitofp %convert_element_type3A_204 : vector<1x16384xi32> to vector<1x16384xf32>
    %mul3A_206 = vector.broadcast %convert_element_type3A_205 : vector<1x16384xf32> to vector<32x16384xf32>
    %mul3A_207 = arith.mulf %mul3A_206, %dot_general3A_200 : vector<32x16384xf32>
    %add3A_208 = arith.addf %add3A_179, %mul3A_207 : vector<32x16384xf32>
    %get3A_209 = arith.constant 7 : index
    %get3A_210 = memref.load %arg14[%get3A_209] : memref<8xi32, #tpu.memory_space<smem>>
    %mul3A_211 = arith.constant 32 : i32
    %mul3A_212 = arith.muli %get3A_210, %mul3A_211 : i32
    %get3A_213 = arith.index_cast %mul3A_212 : i32 to index
    %get3A_214 = arith.constant 0 : index
    %get3A_215 = vector.load %arg2[%get3A_213, %get3A_214] : memref<256x32xf32, #tpu.memory_space<vmem>>, vector<32x32xf32>
    %slice3A_216 = vector.extract_strided_slice %get3A_215 {offsets = [16, 0], sizes = [16, 32], strides = [1, 1]} : vector<32x32xf32> to vector<16x32xf32>
    %slice3A_217 = vector.extract_strided_slice %get3A_215 {offsets = [0, 0], sizes = [16, 32], strides = [1, 1]} : vector<32x32xf32> to vector<16x32xf32>
    %concatenate3A_218 = tpu.concatenate %slice3A_216, %slice3A_217 in 0 : vector<16x32xf32>, vector<16x32xf32> -> vector<32x32xf32>
    %get3A_219 = arith.constant 7 : index
    %get3A_220 = memref.load %arg15[%get3A_219] : memref<8xi32, #tpu.memory_space<smem>>
    %eq3A_221 = arith.constant 1 : i32
    %eq3A_222 = arith.cmpi eq, %get3A_220, %eq3A_221 : i32
    %select_n3A_223 = arith.select %eq3A_222, %concatenate3A_218, %get3A_215 : vector<32x32xf32>
    %get3A_224 = arith.index_cast %get3A_210 : i32 to index
    %get3A_225 = arith.constant 0 : index
    %get3A_226 = vector.load %arg3[%get3A_224, %get3A_225] : memref<8x32xf32, #tpu.memory_space<vmem>>, vector<1x32xf32>
    %concatenate3A_227 = tpu.concatenate %select_n3A_223, %get3A_226 in 0 : vector<32x32xf32>, vector<1x32xf32> -> vector<33x32xf32>
    %dot_general3A_228 = arith.constant dense<0.000000e+00> : vector<32x16384xf32>
    %dot_general3A_229 = tpu.matmul %concatenate3A_227, %concatenate3A_9, %dot_general3A_228 {dimension_numbers = #tpu.dot_dimension_numbers<[0], [0], [1], [1], [0, 1, 1, 1], [], []>, transpose_lhs_hint = false} : vector<33x32xf32>, vector<33x16384xf32>, vector<32x16384xf32> -> vector<32x16384xf32>
    %eq3A_230 = arith.constant 7 : i32
    %eq3A_231 = vector.broadcast %eq3A_230 : i32 to vector<1x16384xi32>
    %eq3A_232 = arith.cmpi eq, %get3A_4, %eq3A_231 : vector<1x16384xi32>
    %convert_element_type3A_233 = arith.extui %eq3A_232 : vector<1x16384xi1> to vector<1x16384xi32>
    %convert_element_type3A_234 = arith.sitofp %convert_element_type3A_233 : vector<1x16384xi32> to vector<1x16384xf32>
    %mul3A_235 = vector.broadcast %convert_element_type3A_234 : vector<1x16384xf32> to vector<32x16384xf32>
    %mul3A_236 = arith.mulf %mul3A_235, %dot_general3A_229 : vector<32x16384xf32>
    %add3A_237 = arith.addf %add3A_208, %mul3A_236 : vector<32x16384xf32>
    %ge3A = arith.constant 0.000000e+00 : f32
    %ge3A_238 = vector.broadcast %ge3A : f32 to vector<32x16384xf32>
    %ge3A_239 = arith.cmpf oge, %add3A_237, %ge3A_238 : vector<32x16384xf32>
    %mul3A_240 = vector.broadcast %get3A_6 : f32 to vector<32x16384xf32>
    %mul3A_241 = arith.mulf %mul3A_240, %add3A_237 : vector<32x16384xf32>
    %select_n3A_242 = arith.select %ge3A_239, %add3A_237, %mul3A_241 : vector<32x16384xi1>, vector<32x16384xf32>
    %get3A_243 = arith.constant 0 : index
    %get3A_244 = arith.constant 0 : index
    %get3A_245 = vector.load %arg0[%get3A_243, %get3A_244] : memref<40x16384xf32, #tpu.memory_space<vmem>>, vector<8x16384xf32>
    %get3A_246 = arith.constant 1 : index
    %get3A_247 = memref.load %arg16[%get3A_246] : memref<6xf32, #tpu.memory_space<smem>>
    %get3A_248 = arith.constant 2 : index
    %get3A_249 = memref.load %arg16[%get3A_248] : memref<6xf32, #tpu.memory_space<smem>>
    %broadcast_in_dim3A_250 = arith.constant 1.000000e+00 : f32
    %broadcast_in_dim3A_251 = vector.broadcast %broadcast_in_dim3A_250 : f32 to vector<1x16384xf32>
    %get3A_252 = arith.constant 0 : index
    %get3A_253 = arith.constant 0 : index
    %get3A_254 = vector.load %arg4[%get3A_252, %get3A_253] : memref<8x32xf32, #tpu.memory_space<vmem>>, vector<8x32xf32>
    %get3A_255 = arith.constant 0 : index
    %get3A_256 = arith.constant 0 : index
    %get3A_257 = vector.load %arg5[%get3A_255, %get3A_256] : memref<1x32xf32, #tpu.memory_space<vmem>>, vector<1x32xf32>
    %concatenate3A_258 = tpu.concatenate %get3A_254, %get3A_257 in 0 : vector<8x32xf32>, vector<1x32xf32> -> vector<9x32xf32>
    %concatenate3A_259 = tpu.concatenate %get3A_245, %broadcast_in_dim3A_251 in 0 : vector<8x16384xf32>, vector<1x16384xf32> -> vector<9x16384xf32>
    %dot_general3A_260 = arith.constant dense<0.000000e+00> : vector<32x16384xf32>
    %dot_general3A_261 = tpu.matmul %concatenate3A_258, %concatenate3A_259, %dot_general3A_260 {dimension_numbers = #tpu.dot_dimension_numbers<[0], [0], [1], [1], [0, 1, 1, 1], [], []>, transpose_lhs_hint = false} : vector<9x32xf32>, vector<9x16384xf32>, vector<32x16384xf32> -> vector<32x16384xf32>
    %ge3A_262 = arith.constant 0.000000e+00 : f32
    %ge3A_263 = vector.broadcast %ge3A_262 : f32 to vector<32x16384xf32>
    %ge3A_264 = arith.cmpf oge, %dot_general3A_261, %ge3A_263 : vector<32x16384xf32>
    %mul3A_265 = vector.broadcast %get3A_247 : f32 to vector<32x16384xf32>
    %mul3A_266 = arith.mulf %mul3A_265, %dot_general3A_261 : vector<32x16384xf32>
    %select_n3A_267 = arith.select %ge3A_264, %dot_general3A_261, %mul3A_266 : vector<32x16384xi1>, vector<32x16384xf32>
    %get3A_268 = arith.constant 0 : index
    %get3A_269 = arith.constant 0 : index
    %get3A_270 = vector.load %arg6[%get3A_268, %get3A_269] : memref<64x32xf32, #tpu.memory_space<vmem>>, vector<64x32xf32>
    %get3A_271 = arith.constant 0 : index
    %get3A_272 = arith.constant 0 : index
    %get3A_273 = vector.load %arg7[%get3A_271, %get3A_272] : memref<1x32xf32, #tpu.memory_space<vmem>>, vector<1x32xf32>
    %concatenate3A_274 = tpu.concatenate %get3A_270, %get3A_273 in 0 : vector<64x32xf32>, vector<1x32xf32> -> vector<65x32xf32>
    %concatenate3A_275 = tpu.concatenate %select_n3A_242, %select_n3A_267, %broadcast_in_dim3A_251 in 0 : vector<32x16384xf32>, vector<32x16384xf32>, vector<1x16384xf32> -> vector<65x16384xf32>
    %dot_general3A_276 = arith.constant dense<0.000000e+00> : vector<32x16384xf32>
    %dot_general3A_277 = tpu.matmul %concatenate3A_274, %concatenate3A_275, %dot_general3A_276 {dimension_numbers = #tpu.dot_dimension_numbers<[0], [0], [1], [1], [0, 1, 1, 1], [], []>, transpose_lhs_hint = false} : vector<65x32xf32>, vector<65x16384xf32>, vector<32x16384xf32> -> vector<32x16384xf32>
    %ge3A_278 = arith.constant 0.000000e+00 : f32
    %ge3A_279 = vector.broadcast %ge3A_278 : f32 to vector<32x16384xf32>
    %ge3A_280 = arith.cmpf oge, %dot_general3A_277, %ge3A_279 : vector<32x16384xf32>
    %mul3A_281 = vector.broadcast %get3A_249 : f32 to vector<32x16384xf32>
    %mul3A_282 = arith.mulf %mul3A_281, %dot_general3A_277 : vector<32x16384xf32>
    %select_n3A_283 = arith.select %ge3A_280, %dot_general3A_277, %mul3A_282 : vector<32x16384xi1>, vector<32x16384xf32>
    %swap3A = arith.constant 0 : index
    %swap3A_284 = arith.constant 0 : index
    %swap3A_285 = vector.load %arg17[%swap3A, %swap3A_284] : memref<64x16384xf32, #tpu.memory_space<vmem>>, vector<32x16384xf32>
    tpu.vector_store %arg17[%swap3A, %swap3A_284], %select_n3A_283 {strides = array<i32>} : memref<64x16384xf32, #tpu.memory_space<vmem>>, vector<32x16384xf32>,
    %get3A_286 = arith.constant 1 : index
    %get3A_287 = arith.constant 0 : index
    %get3A_288 = vector.load %arg1[%get3A_286, %get3A_287] : memref<2x16384xi32, #tpu.memory_space<vmem>>, vector<1x16384xi32>
    %get3A_289 = arith.constant 3 : index
    %get3A_290 = memref.load %arg16[%get3A_289] : memref<6xf32, #tpu.memory_space<smem>>
    %slice3A_291 = vector.extract_strided_slice %select_n3A_283 {offsets = [0, 2], sizes = [32, 16382], strides = [1, 1]} : vector<32x16384xf32> to vector<32x16382xf32>
    %slice3A_292 = vector.extract_strided_slice %select_n3A_283 {offsets = [0, 0], sizes = [32, 2], strides = [1, 1]} : vector<32x16384xf32> to vector<32x2xf32>
    %concatenate3A_293 = tpu.concatenate %slice3A_291, %slice3A_292 in 1 : vector<32x16382xf32>, vector<32x2xf32> -> vector<32x16384xf32>
    %broadcast_in_dim3A_294 = arith.constant 1.000000e+00 : f32
    %broadcast_in_dim3A_295 = vector.broadcast %broadcast_in_dim3A_294 : f32 to vector<1x16384xf32>
    %concatenate3A_296 = tpu.concatenate %select_n3A_283, %concatenate3A_293, %broadcast_in_dim3A_295 in 0 : vector<32x16384xf32>, vector<32x16384xf32>, vector<1x16384xf32> -> vector<65x16384xf32>
    %broadcast_in_dim3A_297 = arith.constant 0.000000e+00 : f32
    %broadcast_in_dim3A_298 = vector.broadcast %broadcast_in_dim3A_297 : f32 to vector<32x16384xf32>
    %get3A_299 = arith.constant 0 : index
    %get3A_300 = memref.load %arg14[%get3A_299] : memref<8xi32, #tpu.memory_space<smem>>
    %mul3A_301 = arith.constant 64 : i32
    %mul3A_302 = arith.muli %get3A_300, %mul3A_301 : i32
    %get3A_303 = arith.index_cast %mul3A_302 : i32 to index
    %get3A_304 = arith.constant 0 : index
    %get3A_305 = vector.load %arg8[%get3A_303, %get3A_304] : memref<512x32xf32, #tpu.memory_space<vmem>>, vector<64x32xf32>
    %slice3A_306 = vector.extract_strided_slice %get3A_305 {offsets = [32, 0], sizes = [32, 32], strides = [1, 1]} : vector<64x32xf32> to vector<32x32xf32>
    %slice3A_307 = vector.extract_strided_slice %get3A_305 {offsets = [0, 0], sizes = [32, 32], strides = [1, 1]} : vector<64x32xf32> to vector<32x32xf32>
    %concatenate3A_308 = tpu.concatenate %slice3A_306, %slice3A_307 in 0 : vector<32x32xf32>, vector<32x32xf32> -> vector<64x32xf32>
    %get3A_309 = arith.constant 0 : index
    %get3A_310 = memref.load %arg15[%get3A_309] : memref<8xi32, #tpu.memory_space<smem>>
    %eq3A_311 = arith.constant 1 : i32
    %eq3A_312 = arith.cmpi eq, %get3A_310, %eq3A_311 : i32
    %select_n3A_313 = arith.select %eq3A_312, %concatenate3A_308, %get3A_305 : vector<64x32xf32>
    %get3A_314 = arith.index_cast %get3A_300 : i32 to index
    %get3A_315 = arith.constant 0 : index
    %get3A_316 = vector.load %arg9[%get3A_314, %get3A_315] : memref<8x32xf32, #tpu.memory_space<vmem>>, vector<1x32xf32>
    %concatenate3A_317 = tpu.concatenate %select_n3A_313, %get3A_316 in 0 : vector<64x32xf32>, vector<1x32xf32> -> vector<65x32xf32>
    %dot_general3A_318 = arith.constant dense<0.000000e+00> : vector<32x16384xf32>
    %dot_general3A_319 = tpu.matmul %concatenate3A_317, %concatenate3A_296, %dot_general3A_318 {dimension_numbers = #tpu.dot_dimension_numbers<[0], [0], [1], [1], [0, 1, 1, 1], [], []>, transpose_lhs_hint = false} : vector<65x32xf32>, vector<65x16384xf32>, vector<32x16384xf32> -> vector<32x16384xf32>
    %eq3A_320 = arith.constant 0 : i32
    %eq3A_321 = vector.broadcast %eq3A_320 : i32 to vector<1x16384xi32>
    %eq3A_322 = arith.cmpi eq, %get3A_288, %eq3A_321 : vector<1x16384xi32>
    %convert_element_type3A_323 = arith.extui %eq3A_322 : vector<1x16384xi1> to vector<1x16384xi32>
    %convert_element_type3A_324 = arith.sitofp %convert_element_type3A_323 : vector<1x16384xi32> to vector<1x16384xf32>
    %mul3A_325 = vector.broadcast %convert_element_type3A_324 : vector<1x16384xf32> to vector<32x16384xf32>
    %mul3A_326 = arith.mulf %mul3A_325, %dot_general3A_319 : vector<32x16384xf32>
    %add3A_327 = arith.addf %broadcast_in_dim3A_298, %mul3A_326 : vector<32x16384xf32>
    %get3A_328 = arith.constant 1 : index
    %get3A_329 = memref.load %arg14[%get3A_328] : memref<8xi32, #tpu.memory_space<smem>>
    %mul3A_330 = arith.constant 64 : i32
    %mul3A_331 = arith.muli %get3A_329, %mul3A_330 : i32
    %get3A_332 = arith.index_cast %mul3A_331 : i32 to index
    %get3A_333 = arith.constant 0 : index
    %get3A_334 = vector.load %arg8[%get3A_332, %get3A_333] : memref<512x32xf32, #tpu.memory_space<vmem>>, vector<64x32xf32>
    %slice3A_335 = vector.extract_strided_slice %get3A_334 {offsets = [32, 0], sizes = [32, 32], strides = [1, 1]} : vector<64x32xf32> to vector<32x32xf32>
    %slice3A_336 = vector.extract_strided_slice %get3A_334 {offsets = [0, 0], sizes = [32, 32], strides = [1, 1]} : vector<64x32xf32> to vector<32x32xf32>
    %concatenate3A_337 = tpu.concatenate %slice3A_335, %slice3A_336 in 0 : vector<32x32xf32>, vector<32x32xf32> -> vector<64x32xf32>
    %get3A_338 = arith.constant 1 : index
    %get3A_339 = memref.load %arg15[%get3A_338] : memref<8xi32, #tpu.memory_space<smem>>
    %eq3A_340 = arith.constant 1 : i32
    %eq3A_341 = arith.cmpi eq, %get3A_339, %eq3A_340 : i32
    %select_n3A_342 = arith.select %eq3A_341, %concatenate3A_337, %get3A_334 : vector<64x32xf32>
    %get3A_343 = arith.index_cast %get3A_329 : i32 to index
    %get3A_344 = arith.constant 0 : index
    %get3A_345 = vector.load %arg9[%get3A_343, %get3A_344] : memref<8x32xf32, #tpu.memory_space<vmem>>, vector<1x32xf32>
    %concatenate3A_346 = tpu.concatenate %select_n3A_342, %get3A_345 in 0 : vector<64x32xf32>, vector<1x32xf32> -> vector<65x32xf32>
    %dot_general3A_347 = arith.constant dense<0.000000e+00> : vector<32x16384xf32>
    %dot_general3A_348 = tpu.matmul %concatenate3A_346, %concatenate3A_296, %dot_general3A_347 {dimension_numbers = #tpu.dot_dimension_numbers<[0], [0], [1], [1], [0, 1, 1, 1], [], []>, transpose_lhs_hint = false} : vector<65x32xf32>, vector<65x16384xf32>, vector<32x16384xf32> -> vector<32x16384xf32>
    %eq3A_349 = arith.constant 1 : i32
    %eq3A_350 = vector.broadcast %eq3A_349 : i32 to vector<1x16384xi32>
    %eq3A_351 = arith.cmpi eq, %get3A_288, %eq3A_350 : vector<1x16384xi32>
    %convert_element_type3A_352 = arith.extui %eq3A_351 : vector<1x16384xi1> to vector<1x16384xi32>
    %convert_element_type3A_353 = arith.sitofp %convert_element_type3A_352 : vector<1x16384xi32> to vector<1x16384xf32>
    %mul3A_354 = vector.broadcast %convert_element_type3A_353 : vector<1x16384xf32> to vector<32x16384xf32>
    %mul3A_355 = arith.mulf %mul3A_354, %dot_general3A_348 : vector<32x16384xf32>
    %add3A_356 = arith.addf %add3A_327, %mul3A_355 : vector<32x16384xf32>
    %get3A_357 = arith.constant 2 : index
    %get3A_358 = memref.load %arg14[%get3A_357] : memref<8xi32, #tpu.memory_space<smem>>
    %mul3A_359 = arith.constant 64 : i32
    %mul3A_360 = arith.muli %get3A_358, %mul3A_359 : i32
    %get3A_361 = arith.index_cast %mul3A_360 : i32 to index
    %get3A_362 = arith.constant 0 : index
    %get3A_363 = vector.load %arg8[%get3A_361, %get3A_362] : memref<512x32xf32, #tpu.memory_space<vmem>>, vector<64x32xf32>
    %slice3A_364 = vector.extract_strided_slice %get3A_363 {offsets = [32, 0], sizes = [32, 32], strides = [1, 1]} : vector<64x32xf32> to vector<32x32xf32>
    %slice3A_365 = vector.extract_strided_slice %get3A_363 {offsets = [0, 0], sizes = [32, 32], strides = [1, 1]} : vector<64x32xf32> to vector<32x32xf32>
    %concatenate3A_366 = tpu.concatenate %slice3A_364, %slice3A_365 in 0 : vector<32x32xf32>, vector<32x32xf32> -> vector<64x32xf32>
    %get3A_367 = arith.constant 2 : index
    %get3A_368 = memref.load %arg15[%get3A_367] : memref<8xi32, #tpu.memory_space<smem>>
    %eq3A_369 = arith.constant 1 : i32
    %eq3A_370 = arith.cmpi eq, %get3A_368, %eq3A_369 : i32
    %select_n3A_371 = arith.select %eq3A_370, %concatenate3A_366, %get3A_363 : vector<64x32xf32>
    %get3A_372 = arith.index_cast %get3A_358 : i32 to index
    %get3A_373 = arith.constant 0 : index
    %get3A_374 = vector.load %arg9[%get3A_372, %get3A_373] : memref<8x32xf32, #tpu.memory_space<vmem>>, vector<1x32xf32>
    %concatenate3A_375 = tpu.concatenate %select_n3A_371, %get3A_374 in 0 : vector<64x32xf32>, vector<1x32xf32> -> vector<65x32xf32>
    %dot_general3A_376 = arith.constant dense<0.000000e+00> : vector<32x16384xf32>
    %dot_general3A_377 = tpu.matmul %concatenate3A_375, %concatenate3A_296, %dot_general3A_376 {dimension_numbers = #tpu.dot_dimension_numbers<[0], [0], [1], [1], [0, 1, 1, 1], [], []>, transpose_lhs_hint = false} : vector<65x32xf32>, vector<65x16384xf32>, vector<32x16384xf32> -> vector<32x16384xf32>
    %eq3A_378 = arith.constant 2 : i32
    %eq3A_379 = vector.broadcast %eq3A_378 : i32 to vector<1x16384xi32>
    %eq3A_380 = arith.cmpi eq, %get3A_288, %eq3A_379 : vector<1x16384xi32>
    %convert_element_type3A_381 = arith.extui %eq3A_380 : vector<1x16384xi1> to vector<1x16384xi32>
    %convert_element_type3A_382 = arith.sitofp %convert_element_type3A_381 : vector<1x16384xi32> to vector<1x16384xf32>
    %mul3A_383 = vector.broadcast %convert_element_type3A_382 : vector<1x16384xf32> to vector<32x16384xf32>
    %mul3A_384 = arith.mulf %mul3A_383, %dot_general3A_377 : vector<32x16384xf32>
    %add3A_385 = arith.addf %add3A_356, %mul3A_384 : vector<32x16384xf32>
    %get3A_386 = arith.constant 3 : index
    %get3A_387 = memref.load %arg14[%get3A_386] : memref<8xi32, #tpu.memory_space<smem>>
    %mul3A_388 = arith.constant 64 : i32
    %mul3A_389 = arith.muli %get3A_387, %mul3A_388 : i32
    %get3A_390 = arith.index_cast %mul3A_389 : i32 to index
    %get3A_391 = arith.constant 0 : index
    %get3A_392 = vector.load %arg8[%get3A_390, %get3A_391] : memref<512x32xf32, #tpu.memory_space<vmem>>, vector<64x32xf32>
    %slice3A_393 = vector.extract_strided_slice %get3A_392 {offsets = [32, 0], sizes = [32, 32], strides = [1, 1]} : vector<64x32xf32> to vector<32x32xf32>
    %slice3A_394 = vector.extract_strided_slice %get3A_392 {offsets = [0, 0], sizes = [32, 32], strides = [1, 1]} : vector<64x32xf32> to vector<32x32xf32>
    %concatenate3A_395 = tpu.concatenate %slice3A_393, %slice3A_394 in 0 : vector<32x32xf32>, vector<32x32xf32> -> vector<64x32xf32>
    %get3A_396 = arith.constant 3 : index
    %get3A_397 = memref.load %arg15[%get3A_396] : memref<8xi32, #tpu.memory_space<smem>>
    %eq3A_398 = arith.constant 1 : i32
    %eq3A_399 = arith.cmpi eq, %get3A_397, %eq3A_398 : i32
    %select_n3A_400 = arith.select %eq3A_399, %concatenate3A_395, %get3A_392 : vector<64x32xf32>
    %get3A_401 = arith.index_cast %get3A_387 : i32 to index
    %get3A_402 = arith.constant 0 : index
    %get3A_403 = vector.load %arg9[%get3A_401, %get3A_402] : memref<8x32xf32, #tpu.memory_space<vmem>>, vector<1x32xf32>
    %concatenate3A_404 = tpu.concatenate %select_n3A_400, %get3A_403 in 0 : vector<64x32xf32>, vector<1x32xf32> -> vector<65x32xf32>
    %dot_general3A_405 = arith.constant dense<0.000000e+00> : vector<32x16384xf32>
    %dot_general3A_406 = tpu.matmul %concatenate3A_404, %concatenate3A_296, %dot_general3A_405 {dimension_numbers = #tpu.dot_dimension_numbers<[0], [0], [1], [1], [0, 1, 1, 1], [], []>, transpose_lhs_hint = false} : vector<65x32xf32>, vector<65x16384xf32>, vector<32x16384xf32> -> vector<32x16384xf32>
    %eq3A_407 = arith.constant 3 : i32
    %eq3A_408 = vector.broadcast %eq3A_407 : i32 to vector<1x16384xi32>
    %eq3A_409 = arith.cmpi eq, %get3A_288, %eq3A_408 : vector<1x16384xi32>
    %convert_element_type3A_410 = arith.extui %eq3A_409 : vector<1x16384xi1> to vector<1x16384xi32>
    %convert_element_type3A_411 = arith.sitofp %convert_element_type3A_410 : vector<1x16384xi32> to vector<1x16384xf32>
    %mul3A_412 = vector.broadcast %convert_element_type3A_411 : vector<1x16384xf32> to vector<32x16384xf32>
    %mul3A_413 = arith.mulf %mul3A_412, %dot_general3A_406 : vector<32x16384xf32>
    %add3A_414 = arith.addf %add3A_385, %mul3A_413 : vector<32x16384xf32>
    %get3A_415 = arith.constant 4 : index
    %get3A_416 = memref.load %arg14[%get3A_415] : memref<8xi32, #tpu.memory_space<smem>>
    %mul3A_417 = arith.constant 64 : i32
    %mul3A_418 = arith.muli %get3A_416, %mul3A_417 : i32
    %get3A_419 = arith.index_cast %mul3A_418 : i32 to index
    %get3A_420 = arith.constant 0 : index
    %get3A_421 = vector.load %arg8[%get3A_419, %get3A_420] : memref<512x32xf32, #tpu.memory_space<vmem>>, vector<64x32xf32>
    %slice3A_422 = vector.extract_strided_slice %get3A_421 {offsets = [32, 0], sizes = [32, 32], strides = [1, 1]} : vector<64x32xf32> to vector<32x32xf32>
    %slice3A_423 = vector.extract_strided_slice %get3A_421 {offsets = [0, 0], sizes = [32, 32], strides = [1, 1]} : vector<64x32xf32> to vector<32x32xf32>
    %concatenate3A_424 = tpu.concatenate %slice3A_422, %slice3A_423 in 0 : vector<32x32xf32>, vector<32x32xf32> -> vector<64x32xf32>
    %get3A_425 = arith.constant 4 : index
    %get3A_426 = memref.load %arg15[%get3A_425] : memref<8xi32, #tpu.memory_space<smem>>
    %eq3A_427 = arith.constant 1 : i32
    %eq3A_428 = arith.cmpi eq, %get3A_426, %eq3A_427 : i32
    %select_n3A_429 = arith.select %eq3A_428, %concatenate3A_424, %get3A_421 : vector<64x32xf32>
    %get3A_430 = arith.index_cast %get3A_416 : i32 to index
    %get3A_431 = arith.constant 0 : index
    %get3A_432 = vector.load %arg9[%get3A_430, %get3A_431] : memref<8x32xf32, #tpu.memory_space<vmem>>, vector<1x32xf32>
    %concatenate3A_433 = tpu.concatenate %select_n3A_429, %get3A_432 in 0 : vector<64x32xf32>, vector<1x32xf32> -> vector<65x32xf32>
    %dot_general3A_434 = arith.constant dense<0.000000e+00> : vector<32x16384xf32>
    %dot_general3A_435 = tpu.matmul %concatenate3A_433, %concatenate3A_296, %dot_general3A_434 {dimension_numbers = #tpu.dot_dimension_numbers<[0], [0], [1], [1], [0, 1, 1, 1], [], []>, transpose_lhs_hint = false} : vector<65x32xf32>, vector<65x16384xf32>, vector<32x16384xf32> -> vector<32x16384xf32>
    %eq3A_436 = arith.constant 4 : i32
    %eq3A_437 = vector.broadcast %eq3A_436 : i32 to vector<1x16384xi32>
    %eq3A_438 = arith.cmpi eq, %get3A_288, %eq3A_437 : vector<1x16384xi32>
    %convert_element_type3A_439 = arith.extui %eq3A_438 : vector<1x16384xi1> to vector<1x16384xi32>
    %convert_element_type3A_440 = arith.sitofp %convert_element_type3A_439 : vector<1x16384xi32> to vector<1x16384xf32>
    %mul3A_441 = vector.broadcast %convert_element_type3A_440 : vector<1x16384xf32> to vector<32x16384xf32>
    %mul3A_442 = arith.mulf %mul3A_441, %dot_general3A_435 : vector<32x16384xf32>
    %add3A_443 = arith.addf %add3A_414, %mul3A_442 : vector<32x16384xf32>
    %get3A_444 = arith.constant 5 : index
    %get3A_445 = memref.load %arg14[%get3A_444] : memref<8xi32, #tpu.memory_space<smem>>
    %mul3A_446 = arith.constant 64 : i32
    %mul3A_447 = arith.muli %get3A_445, %mul3A_446 : i32
    %get3A_448 = arith.index_cast %mul3A_447 : i32 to index
    %get3A_449 = arith.constant 0 : index
    %get3A_450 = vector.load %arg8[%get3A_448, %get3A_449] : memref<512x32xf32, #tpu.memory_space<vmem>>, vector<64x32xf32>
    %slice3A_451 = vector.extract_strided_slice %get3A_450 {offsets = [32, 0], sizes = [32, 32], strides = [1, 1]} : vector<64x32xf32> to vector<32x32xf32>
    %slice3A_452 = vector.extract_strided_slice %get3A_450 {offsets = [0, 0], sizes = [32, 32], strides = [1, 1]} : vector<64x32xf32> to vector<32x32xf32>
    %concatenate3A_453 = tpu.concatenate %slice3A_451, %slice3A_452 in 0 : vector<32x32xf32>, vector<32x32xf32> -> vector<64x32xf32>
    %get3A_454 = arith.constant 5 : index
    %get3A_455 = memref.load %arg15[%get3A_454] : memref<8xi32, #tpu.memory_space<smem>>
    %eq3A_456 = arith.constant 1 : i32
    %eq3A_457 = arith.cmpi eq, %get3A_455, %eq3A_456 : i32
    %select_n3A_458 = arith.select %eq3A_457, %concatenate3A_453, %get3A_450 : vector<64x32xf32>
    %get3A_459 = arith.index_cast %get3A_445 : i32 to index
    %get3A_460 = arith.constant 0 : index
    %get3A_461 = vector.load %arg9[%get3A_459, %get3A_460] : memref<8x32xf32, #tpu.memory_space<vmem>>, vector<1x32xf32>
    %concatenate3A_462 = tpu.concatenate %select_n3A_458, %get3A_461 in 0 : vector<64x32xf32>, vector<1x32xf32> -> vector<65x32xf32>
    %dot_general3A_463 = arith.constant dense<0.000000e+00> : vector<32x16384xf32>
    %dot_general3A_464 = tpu.matmul %concatenate3A_462, %concatenate3A_296, %dot_general3A_463 {dimension_numbers = #tpu.dot_dimension_numbers<[0], [0], [1], [1], [0, 1, 1, 1], [], []>, transpose_lhs_hint = false} : vector<65x32xf32>, vector<65x16384xf32>, vector<32x16384xf32> -> vector<32x16384xf32>
    %eq3A_465 = arith.constant 5 : i32
    %eq3A_466 = vector.broadcast %eq3A_465 : i32 to vector<1x16384xi32>
    %eq3A_467 = arith.cmpi eq, %get3A_288, %eq3A_466 : vector<1x16384xi32>
    %convert_element_type3A_468 = arith.extui %eq3A_467 : vector<1x16384xi1> to vector<1x16384xi32>
    %convert_element_type3A_469 = arith.sitofp %convert_element_type3A_468 : vector<1x16384xi32> to vector<1x16384xf32>
    %mul3A_470 = vector.broadcast %convert_element_type3A_469 : vector<1x16384xf32> to vector<32x16384xf32>
    %mul3A_471 = arith.mulf %mul3A_470, %dot_general3A_464 : vector<32x16384xf32>
    %add3A_472 = arith.addf %add3A_443, %mul3A_471 : vector<32x16384xf32>
    %get3A_473 = arith.constant 6 : index
    %get3A_474 = memref.load %arg14[%get3A_473] : memref<8xi32, #tpu.memory_space<smem>>
    %mul3A_475 = arith.constant 64 : i32
    %mul3A_476 = arith.muli %get3A_474, %mul3A_475 : i32
    %get3A_477 = arith.index_cast %mul3A_476 : i32 to index
    %get3A_478 = arith.constant 0 : index
    %get3A_479 = vector.load %arg8[%get3A_477, %get3A_478] : memref<512x32xf32, #tpu.memory_space<vmem>>, vector<64x32xf32>
    %slice3A_480 = vector.extract_strided_slice %get3A_479 {offsets = [32, 0], sizes = [32, 32], strides = [1, 1]} : vector<64x32xf32> to vector<32x32xf32>
    %slice3A_481 = vector.extract_strided_slice %get3A_479 {offsets = [0, 0], sizes = [32, 32], strides = [1, 1]} : vector<64x32xf32> to vector<32x32xf32>
    %concatenate3A_482 = tpu.concatenate %slice3A_480, %slice3A_481 in 0 : vector<32x32xf32>, vector<32x32xf32> -> vector<64x32xf32>
    %get3A_483 = arith.constant 6 : index
    %get3A_484 = memref.load %arg15[%get3A_483] : memref<8xi32, #tpu.memory_space<smem>>
    %eq3A_485 = arith.constant 1 : i32
    %eq3A_486 = arith.cmpi eq, %get3A_484, %eq3A_485 : i32
    %select_n3A_487 = arith.select %eq3A_486, %concatenate3A_482, %get3A_479 : vector<64x32xf32>
    %get3A_488 = arith.index_cast %get3A_474 : i32 to index
    %get3A_489 = arith.constant 0 : index
    %get3A_490 = vector.load %arg9[%get3A_488, %get3A_489] : memref<8x32xf32, #tpu.memory_space<vmem>>, vector<1x32xf32>
    %concatenate3A_491 = tpu.concatenate %select_n3A_487, %get3A_490 in 0 : vector<64x32xf32>, vector<1x32xf32> -> vector<65x32xf32>
    %dot_general3A_492 = arith.constant dense<0.000000e+00> : vector<32x16384xf32>
    %dot_general3A_493 = tpu.matmul %concatenate3A_491, %concatenate3A_296, %dot_general3A_492 {dimension_numbers = #tpu.dot_dimension_numbers<[0], [0], [1], [1], [0, 1, 1, 1], [], []>, transpose_lhs_hint = false} : vector<65x32xf32>, vector<65x16384xf32>, vector<32x16384xf32> -> vector<32x16384xf32>
    %eq3A_494 = arith.constant 6 : i32
    %eq3A_495 = vector.broadcast %eq3A_494 : i32 to vector<1x16384xi32>
    %eq3A_496 = arith.cmpi eq, %get3A_288, %eq3A_495 : vector<1x16384xi32>
    %convert_element_type3A_497 = arith.extui %eq3A_496 : vector<1x16384xi1> to vector<1x16384xi32>
    %convert_element_type3A_498 = arith.sitofp %convert_element_type3A_497 : vector<1x16384xi32> to vector<1x16384xf32>
    %mul3A_499 = vector.broadcast %convert_element_type3A_498 : vector<1x16384xf32> to vector<32x16384xf32>
    %mul3A_500 = arith.mulf %mul3A_499, %dot_general3A_493 : vector<32x16384xf32>
    %add3A_501 = arith.addf %add3A_472, %mul3A_500 : vector<32x16384xf32>
    %get3A_502 = arith.constant 7 : index
    %get3A_503 = memref.load %arg14[%get3A_502] : memref<8xi32, #tpu.memory_space<smem>>
    %mul3A_504 = arith.constant 64 : i32
    %mul3A_505 = arith.muli %get3A_503, %mul3A_504 : i32
    %get3A_506 = arith.index_cast %mul3A_505 : i32 to index
    %get3A_507 = arith.constant 0 : index
    %get3A_508 = vector.load %arg8[%get3A_506, %get3A_507] : memref<512x32xf32, #tpu.memory_space<vmem>>, vector<64x32xf32>
    %slice3A_509 = vector.extract_strided_slice %get3A_508 {offsets = [32, 0], sizes = [32, 32], strides = [1, 1]} : vector<64x32xf32> to vector<32x32xf32>
    %slice3A_510 = vector.extract_strided_slice %get3A_508 {offsets = [0, 0], sizes = [32, 32], strides = [1, 1]} : vector<64x32xf32> to vector<32x32xf32>
    %concatenate3A_511 = tpu.concatenate %slice3A_509, %slice3A_510 in 0 : vector<32x32xf32>, vector<32x32xf32> -> vector<64x32xf32>
    %get3A_512 = arith.constant 7 : index
    %get3A_513 = memref.load %arg15[%get3A_512] : memref<8xi32, #tpu.memory_space<smem>>
    %eq3A_514 = arith.constant 1 : i32
    %eq3A_515 = arith.cmpi eq, %get3A_513, %eq3A_514 : i32
    %select_n3A_516 = arith.select %eq3A_515, %concatenate3A_511, %get3A_508 : vector<64x32xf32>
    %get3A_517 = arith.index_cast %get3A_503 : i32 to index
    %get3A_518 = arith.constant 0 : index
    %get3A_519 = vector.load %arg9[%get3A_517, %get3A_518] : memref<8x32xf32, #tpu.memory_space<vmem>>, vector<1x32xf32>
    %concatenate3A_520 = tpu.concatenate %select_n3A_516, %get3A_519 in 0 : vector<64x32xf32>, vector<1x32xf32> -> vector<65x32xf32>
    %dot_general3A_521 = arith.constant dense<0.000000e+00> : vector<32x16384xf32>
    %dot_general3A_522 = tpu.matmul %concatenate3A_520, %concatenate3A_296, %dot_general3A_521 {dimension_numbers = #tpu.dot_dimension_numbers<[0], [0], [1], [1], [0, 1, 1, 1], [], []>, transpose_lhs_hint = false} : vector<65x32xf32>, vector<65x16384xf32>, vector<32x16384xf32> -> vector<32x16384xf32>
    %eq3A_523 = arith.constant 7 : i32
    %eq3A_524 = vector.broadcast %eq3A_523 : i32 to vector<1x16384xi32>
    %eq3A_525 = arith.cmpi eq, %get3A_288, %eq3A_524 : vector<1x16384xi32>
    %convert_element_type3A_526 = arith.extui %eq3A_525 : vector<1x16384xi1> to vector<1x16384xi32>
    %convert_element_type3A_527 = arith.sitofp %convert_element_type3A_526 : vector<1x16384xi32> to vector<1x16384xf32>
    %mul3A_528 = vector.broadcast %convert_element_type3A_527 : vector<1x16384xf32> to vector<32x16384xf32>
    %mul3A_529 = arith.mulf %mul3A_528, %dot_general3A_522 : vector<32x16384xf32>
    %add3A_530 = arith.addf %add3A_501, %mul3A_529 : vector<32x16384xf32>
    %ge3A_531 = arith.constant 0.000000e+00 : f32
    %ge3A_532 = vector.broadcast %ge3A_531 : f32 to vector<32x16384xf32>
    %ge3A_533 = arith.cmpf oge, %add3A_530, %ge3A_532 : vector<32x16384xf32>
    %mul3A_534 = vector.broadcast %get3A_290 : f32 to vector<32x16384xf32>
    %mul3A_535 = arith.mulf %mul3A_534, %add3A_530 : vector<32x16384xf32>
    %select_n3A_536 = arith.select %ge3A_533, %add3A_530, %mul3A_535 : vector<32x16384xi1>, vector<32x16384xf32>
    %get3A_537 = arith.constant 8 : index
    %get3A_538 = arith.constant 0 : index
    %get3A_539 = vector.load %arg0[%get3A_537, %get3A_538] : memref<40x16384xf32, #tpu.memory_space<vmem>>, vector<16x16384xf32>
    %get3A_540 = arith.constant 4 : index
    %get3A_541 = memref.load %arg16[%get3A_540] : memref<6xf32, #tpu.memory_space<smem>>
    %get3A_542 = arith.constant 5 : index
    %get3A_543 = memref.load %arg16[%get3A_542] : memref<6xf32, #tpu.memory_space<smem>>
    %broadcast_in_dim3A_544 = arith.constant 1.000000e+00 : f32
    %broadcast_in_dim3A_545 = vector.broadcast %broadcast_in_dim3A_544 : f32 to vector<1x16384xf32>
    %get3A_546 = arith.constant 0 : index
    %get3A_547 = arith.constant 0 : index
    %get3A_548 = vector.load %arg10[%get3A_546, %get3A_547] : memref<16x32xf32, #tpu.memory_space<vmem>>, vector<16x32xf32>
    %get3A_549 = arith.constant 0 : index
    %get3A_550 = arith.constant 0 : index
    %get3A_551 = vector.load %arg11[%get3A_549, %get3A_550] : memref<1x32xf32, #tpu.memory_space<vmem>>, vector<1x32xf32>
    %concatenate3A_552 = tpu.concatenate %get3A_548, %get3A_551 in 0 : vector<16x32xf32>, vector<1x32xf32> -> vector<17x32xf32>
    %concatenate3A_553 = tpu.concatenate %get3A_539, %broadcast_in_dim3A_545 in 0 : vector<16x16384xf32>, vector<1x16384xf32> -> vector<17x16384xf32>
    %dot_general3A_554 = arith.constant dense<0.000000e+00> : vector<32x16384xf32>
    %dot_general3A_555 = tpu.matmul %concatenate3A_552, %concatenate3A_553, %dot_general3A_554 {dimension_numbers = #tpu.dot_dimension_numbers<[0], [0], [1], [1], [0, 1, 1, 1], [], []>, transpose_lhs_hint = false} : vector<17x32xf32>, vector<17x16384xf32>, vector<32x16384xf32> -> vector<32x16384xf32>
    %ge3A_556 = arith.constant 0.000000e+00 : f32
    %ge3A_557 = vector.broadcast %ge3A_556 : f32 to vector<32x16384xf32>
    %ge3A_558 = arith.cmpf oge, %dot_general3A_555, %ge3A_557 : vector<32x16384xf32>
    %mul3A_559 = vector.broadcast %get3A_541 : f32 to vector<32x16384xf32>
    %mul3A_560 = arith.mulf %mul3A_559, %dot_general3A_555 : vector<32x16384xf32>
    %select_n3A_561 = arith.select %ge3A_558, %dot_general3A_555, %mul3A_560 : vector<32x16384xi1>, vector<32x16384xf32>
    %get3A_562 = arith.constant 0 : index
    %get3A_563 = arith.constant 0 : index
    %get3A_564 = vector.load %arg12[%get3A_562, %get3A_563] : memref<64x32xf32, #tpu.memory_space<vmem>>, vector<64x32xf32>
    %get3A_565 = arith.constant 0 : index
    %get3A_566 = arith.constant 0 : index
    %get3A_567 = vector.load %arg13[%get3A_565, %get3A_566] : memref<1x32xf32, #tpu.memory_space<vmem>>, vector<1x32xf32>
    %concatenate3A_568 = tpu.concatenate %get3A_564, %get3A_567 in 0 : vector<64x32xf32>, vector<1x32xf32> -> vector<65x32xf32>
    %concatenate3A_569 = tpu.concatenate %select_n3A_536, %select_n3A_561, %broadcast_in_dim3A_545 in 0 : vector<32x16384xf32>, vector<32x16384xf32>, vector<1x16384xf32> -> vector<65x16384xf32>
    %dot_general3A_570 = arith.constant dense<0.000000e+00> : vector<32x16384xf32>
    %dot_general3A_571 = tpu.matmul %concatenate3A_568, %concatenate3A_569, %dot_general3A_570 {dimension_numbers = #tpu.dot_dimension_numbers<[0], [0], [1], [1], [0, 1, 1, 1], [], []>, transpose_lhs_hint = false} : vector<65x32xf32>, vector<65x16384xf32>, vector<32x16384xf32> -> vector<32x16384xf32>
    %ge3A_572 = arith.constant 0.000000e+00 : f32
    %ge3A_573 = vector.broadcast %ge3A_572 : f32 to vector<32x16384xf32>
    %ge3A_574 = arith.cmpf oge, %dot_general3A_571, %ge3A_573 : vector<32x16384xf32>
    %mul3A_575 = vector.broadcast %get3A_543 : f32 to vector<32x16384xf32>
    %mul3A_576 = arith.mulf %mul3A_575, %dot_general3A_571 : vector<32x16384xf32>
    %select_n3A_577 = arith.select %ge3A_574, %dot_general3A_571, %mul3A_576 : vector<32x16384xi1>, vector<32x16384xf32>
    %swap3A_578 = arith.constant 32 : index
    %swap3A_579 = arith.constant 0 : index
    %swap3A_580 = vector.load %arg17[%swap3A_578, %swap3A_579] : memref<64x16384xf32, #tpu.memory_space<vmem>>, vector<32x16384xf32>
    tpu.vector_store %arg17[%swap3A_578, %swap3A_579], %select_n3A_577 {strides = array<i32>} : memref<64x16384xf32, #tpu.memory_space<vmem>>, vector<32x16384xf32>,
    return
  }
}

module attributes {stable_mosaic.version = 14 : i64} {
  func.func @_body_c(%arg0: memref<64x4096xf32, #tpu.memory_space<vmem>>, %arg1: memref<40x4096xf32, #tpu.memory_space<vmem>>, %arg2: memref<3x4096xi32, #tpu.memory_space<vmem>>, %arg3: memref<512x64xf32, #tpu.memory_space<vmem>>, %arg4: memref<8x64xf32, #tpu.memory_space<vmem>>, %arg5: memref<16x64xf32, #tpu.memory_space<vmem>>, %arg6: memref<1x64xf32, #tpu.memory_space<vmem>>, %arg7: memref<128x64xf32, #tpu.memory_space<vmem>>, %arg8: memref<1x64xf32, #tpu.memory_space<vmem>>, %arg9: memref<1024x64xf32, #tpu.memory_space<vmem>>, %arg10: memref<8x64xf32, #tpu.memory_space<vmem>>, %arg11: memref<32x64xf32, #tpu.memory_space<vmem>>, %arg12: memref<1x64xf32, #tpu.memory_space<vmem>>, %arg13: memref<128x64xf32, #tpu.memory_space<vmem>>, %arg14: memref<1x64xf32, #tpu.memory_space<vmem>>, %arg15: memref<1024x128xf32, #tpu.memory_space<vmem>>, %arg16: memref<8x128xf32, #tpu.memory_space<vmem>>, %arg17: memref<32x128xf32, #tpu.memory_space<vmem>>, %arg18: memref<1x128xf32, #tpu.memory_space<vmem>>, %arg19: memref<256x128xf32, #tpu.memory_space<vmem>>, %arg20: memref<1x128xf32, #tpu.memory_space<vmem>>, %arg21: memref<8xi32, #tpu.memory_space<smem>>, %arg22: memref<8xi32, #tpu.memory_space<smem>>, %arg23: memref<9xf32, #tpu.memory_space<smem>>, %arg24: memref<256x4096xf32, #tpu.memory_space<vmem>>) attributes {dimension_semantics = [], scalar_prefetch = 0 : i64, scratch_operands = 0 : i64, tpu.core_type = #tpu.core_type<tc>} {
    %get3A = arith.constant 32 : index
    %get3A_0 = arith.constant 0 : index
    %get3A_1 = vector.load %arg0[%get3A, %get3A_0] : memref<64x4096xf32, #tpu.memory_space<vmem>>, vector<32x4096xf32>
    %get3A_2 = arith.constant 0 : index
    %get3A_3 = arith.constant 0 : index
    %get3A_4 = vector.load %arg2[%get3A_2, %get3A_3] : memref<3x4096xi32, #tpu.memory_space<vmem>>, vector<1x4096xi32>
    %get3A_5 = arith.constant 0 : index
    %get3A_6 = memref.load %arg23[%get3A_5] : memref<9xf32, #tpu.memory_space<smem>>
    %slice3A = vector.extract_strided_slice %get3A_1 {offsets = [0, 1], sizes = [32, 4095], strides = [1, 1]} : vector<32x4096xf32> to vector<32x4095xf32>
    %slice3A_7 = vector.extract_strided_slice %get3A_1 {offsets = [0, 0], sizes = [32, 1], strides = [1, 1]} : vector<32x4096xf32> to vector<32x1xf32>
    %concatenate3A = tpu.concatenate %slice3A, %slice3A_7 in 1 : vector<32x4095xf32>, vector<32x1xf32> -> vector<32x4096xf32>
    %broadcast_in_dim3A = arith.constant 1.000000e+00 : f32
    %broadcast_in_dim3A_8 = vector.broadcast %broadcast_in_dim3A : f32 to vector<1x4096xf32>
    %concatenate3A_9 = tpu.concatenate %get3A_1, %concatenate3A, %broadcast_in_dim3A_8 in 0 : vector<32x4096xf32>, vector<32x4096xf32>, vector<1x4096xf32> -> vector<65x4096xf32>
    %broadcast_in_dim3A_10 = arith.constant 0.000000e+00 : f32
    %broadcast_in_dim3A_11 = vector.broadcast %broadcast_in_dim3A_10 : f32 to vector<64x4096xf32>
    %get3A_12 = arith.constant 0 : index
    %get3A_13 = memref.load %arg21[%get3A_12] : memref<8xi32, #tpu.memory_space<smem>>
    %mul3A = arith.constant 64 : i32
    %mul3A_14 = arith.muli %get3A_13, %mul3A : i32
    %get3A_15 = arith.index_cast %mul3A_14 : i32 to index
    %get3A_16 = arith.constant 0 : index
    %get3A_17 = vector.load %arg3[%get3A_15, %get3A_16] : memref<512x64xf32, #tpu.memory_space<vmem>>, vector<64x64xf32>
    %slice3A_18 = vector.extract_strided_slice %get3A_17 {offsets = [32, 0], sizes = [32, 64], strides = [1, 1]} : vector<64x64xf32> to vector<32x64xf32>
    %slice3A_19 = vector.extract_strided_slice %get3A_17 {offsets = [0, 0], sizes = [32, 64], strides = [1, 1]} : vector<64x64xf32> to vector<32x64xf32>
    %concatenate3A_20 = tpu.concatenate %slice3A_18, %slice3A_19 in 0 : vector<32x64xf32>, vector<32x64xf32> -> vector<64x64xf32>
    %get3A_21 = arith.constant 0 : index
    %get3A_22 = memref.load %arg22[%get3A_21] : memref<8xi32, #tpu.memory_space<smem>>
    %eq3A = arith.constant 1 : i32
    %eq3A_23 = arith.cmpi eq, %get3A_22, %eq3A : i32
    %select_n3A = arith.select %eq3A_23, %concatenate3A_20, %get3A_17 : vector<64x64xf32>
    %get3A_24 = arith.index_cast %get3A_13 : i32 to index
    %get3A_25 = arith.constant 0 : index
    %get3A_26 = vector.load %arg4[%get3A_24, %get3A_25] : memref<8x64xf32, #tpu.memory_space<vmem>>, vector<1x64xf32>
    %concatenate3A_27 = tpu.concatenate %select_n3A, %get3A_26 in 0 : vector<64x64xf32>, vector<1x64xf32> -> vector<65x64xf32>
    %dot_general3A = arith.constant dense<0.000000e+00> : vector<64x4096xf32>
    %dot_general3A_28 = tpu.matmul %concatenate3A_27, %concatenate3A_9, %dot_general3A {dimension_numbers = #tpu.dot_dimension_numbers<[0], [0], [1], [1], [0, 1, 1, 1], [], []>, transpose_lhs_hint = false} : vector<65x64xf32>, vector<65x4096xf32>, vector<64x4096xf32> -> vector<64x4096xf32>
    %eq3A_29 = arith.constant 0 : i32
    %eq3A_30 = vector.broadcast %eq3A_29 : i32 to vector<1x4096xi32>
    %eq3A_31 = arith.cmpi eq, %get3A_4, %eq3A_30 : vector<1x4096xi32>
    %convert_element_type3A = arith.extui %eq3A_31 : vector<1x4096xi1> to vector<1x4096xi32>
    %convert_element_type3A_32 = arith.sitofp %convert_element_type3A : vector<1x4096xi32> to vector<1x4096xf32>
    %mul3A_33 = vector.broadcast %convert_element_type3A_32 : vector<1x4096xf32> to vector<64x4096xf32>
    %mul3A_34 = arith.mulf %mul3A_33, %dot_general3A_28 : vector<64x4096xf32>
    %add3A = arith.addf %broadcast_in_dim3A_11, %mul3A_34 : vector<64x4096xf32>
    %get3A_35 = arith.constant 1 : index
    %get3A_36 = memref.load %arg21[%get3A_35] : memref<8xi32, #tpu.memory_space<smem>>
    %mul3A_37 = arith.constant 64 : i32
    %mul3A_38 = arith.muli %get3A_36, %mul3A_37 : i32
    %get3A_39 = arith.index_cast %mul3A_38 : i32 to index
    %get3A_40 = arith.constant 0 : index
    %get3A_41 = vector.load %arg3[%get3A_39, %get3A_40] : memref<512x64xf32, #tpu.memory_space<vmem>>, vector<64x64xf32>
    %slice3A_42 = vector.extract_strided_slice %get3A_41 {offsets = [32, 0], sizes = [32, 64], strides = [1, 1]} : vector<64x64xf32> to vector<32x64xf32>
    %slice3A_43 = vector.extract_strided_slice %get3A_41 {offsets = [0, 0], sizes = [32, 64], strides = [1, 1]} : vector<64x64xf32> to vector<32x64xf32>
    %concatenate3A_44 = tpu.concatenate %slice3A_42, %slice3A_43 in 0 : vector<32x64xf32>, vector<32x64xf32> -> vector<64x64xf32>
    %get3A_45 = arith.constant 1 : index
    %get3A_46 = memref.load %arg22[%get3A_45] : memref<8xi32, #tpu.memory_space<smem>>
    %eq3A_47 = arith.constant 1 : i32
    %eq3A_48 = arith.cmpi eq, %get3A_46, %eq3A_47 : i32
    %select_n3A_49 = arith.select %eq3A_48, %concatenate3A_44, %get3A_41 : vector<64x64xf32>
    %get3A_50 = arith.index_cast %get3A_36 : i32 to index
    %get3A_51 = arith.constant 0 : index
    %get3A_52 = vector.load %arg4[%get3A_50, %get3A_51] : memref<8x64xf32, #tpu.memory_space<vmem>>, vector<1x64xf32>
    %concatenate3A_53 = tpu.concatenate %select_n3A_49, %get3A_52 in 0 : vector<64x64xf32>, vector<1x64xf32> -> vector<65x64xf32>
    %dot_general3A_54 = arith.constant dense<0.000000e+00> : vector<64x4096xf32>
    %dot_general3A_55 = tpu.matmul %concatenate3A_53, %concatenate3A_9, %dot_general3A_54 {dimension_numbers = #tpu.dot_dimension_numbers<[0], [0], [1], [1], [0, 1, 1, 1], [], []>, transpose_lhs_hint = false} : vector<65x64xf32>, vector<65x4096xf32>, vector<64x4096xf32> -> vector<64x4096xf32>
    %eq3A_56 = arith.constant 1 : i32
    %eq3A_57 = vector.broadcast %eq3A_56 : i32 to vector<1x4096xi32>
    %eq3A_58 = arith.cmpi eq, %get3A_4, %eq3A_57 : vector<1x4096xi32>
    %convert_element_type3A_59 = arith.extui %eq3A_58 : vector<1x4096xi1> to vector<1x4096xi32>
    %convert_element_type3A_60 = arith.sitofp %convert_element_type3A_59 : vector<1x4096xi32> to vector<1x4096xf32>
    %mul3A_61 = vector.broadcast %convert_element_type3A_60 : vector<1x4096xf32> to vector<64x4096xf32>
    %mul3A_62 = arith.mulf %mul3A_61, %dot_general3A_55 : vector<64x4096xf32>
    %add3A_63 = arith.addf %add3A, %mul3A_62 : vector<64x4096xf32>
    %get3A_64 = arith.constant 2 : index
    %get3A_65 = memref.load %arg21[%get3A_64] : memref<8xi32, #tpu.memory_space<smem>>
    %mul3A_66 = arith.constant 64 : i32
    %mul3A_67 = arith.muli %get3A_65, %mul3A_66 : i32
    %get3A_68 = arith.index_cast %mul3A_67 : i32 to index
    %get3A_69 = arith.constant 0 : index
    %get3A_70 = vector.load %arg3[%get3A_68, %get3A_69] : memref<512x64xf32, #tpu.memory_space<vmem>>, vector<64x64xf32>
    %slice3A_71 = vector.extract_strided_slice %get3A_70 {offsets = [32, 0], sizes = [32, 64], strides = [1, 1]} : vector<64x64xf32> to vector<32x64xf32>
    %slice3A_72 = vector.extract_strided_slice %get3A_70 {offsets = [0, 0], sizes = [32, 64], strides = [1, 1]} : vector<64x64xf32> to vector<32x64xf32>
    %concatenate3A_73 = tpu.concatenate %slice3A_71, %slice3A_72 in 0 : vector<32x64xf32>, vector<32x64xf32> -> vector<64x64xf32>
    %get3A_74 = arith.constant 2 : index
    %get3A_75 = memref.load %arg22[%get3A_74] : memref<8xi32, #tpu.memory_space<smem>>
    %eq3A_76 = arith.constant 1 : i32
    %eq3A_77 = arith.cmpi eq, %get3A_75, %eq3A_76 : i32
    %select_n3A_78 = arith.select %eq3A_77, %concatenate3A_73, %get3A_70 : vector<64x64xf32>
    %get3A_79 = arith.index_cast %get3A_65 : i32 to index
    %get3A_80 = arith.constant 0 : index
    %get3A_81 = vector.load %arg4[%get3A_79, %get3A_80] : memref<8x64xf32, #tpu.memory_space<vmem>>, vector<1x64xf32>
    %concatenate3A_82 = tpu.concatenate %select_n3A_78, %get3A_81 in 0 : vector<64x64xf32>, vector<1x64xf32> -> vector<65x64xf32>
    %dot_general3A_83 = arith.constant dense<0.000000e+00> : vector<64x4096xf32>
    %dot_general3A_84 = tpu.matmul %concatenate3A_82, %concatenate3A_9, %dot_general3A_83 {dimension_numbers = #tpu.dot_dimension_numbers<[0], [0], [1], [1], [0, 1, 1, 1], [], []>, transpose_lhs_hint = false} : vector<65x64xf32>, vector<65x4096xf32>, vector<64x4096xf32> -> vector<64x4096xf32>
    %eq3A_85 = arith.constant 2 : i32
    %eq3A_86 = vector.broadcast %eq3A_85 : i32 to vector<1x4096xi32>
    %eq3A_87 = arith.cmpi eq, %get3A_4, %eq3A_86 : vector<1x4096xi32>
    %convert_element_type3A_88 = arith.extui %eq3A_87 : vector<1x4096xi1> to vector<1x4096xi32>
    %convert_element_type3A_89 = arith.sitofp %convert_element_type3A_88 : vector<1x4096xi32> to vector<1x4096xf32>
    %mul3A_90 = vector.broadcast %convert_element_type3A_89 : vector<1x4096xf32> to vector<64x4096xf32>
    %mul3A_91 = arith.mulf %mul3A_90, %dot_general3A_84 : vector<64x4096xf32>
    %add3A_92 = arith.addf %add3A_63, %mul3A_91 : vector<64x4096xf32>
    %get3A_93 = arith.constant 3 : index
    %get3A_94 = memref.load %arg21[%get3A_93] : memref<8xi32, #tpu.memory_space<smem>>
    %mul3A_95 = arith.constant 64 : i32
    %mul3A_96 = arith.muli %get3A_94, %mul3A_95 : i32
    %get3A_97 = arith.index_cast %mul3A_96 : i32 to index
    %get3A_98 = arith.constant 0 : index
    %get3A_99 = vector.load %arg3[%get3A_97, %get3A_98] : memref<512x64xf32, #tpu.memory_space<vmem>>, vector<64x64xf32>
    %slice3A_100 = vector.extract_strided_slice %get3A_99 {offsets = [32, 0], sizes = [32, 64], strides = [1, 1]} : vector<64x64xf32> to vector<32x64xf32>
    %slice3A_101 = vector.extract_strided_slice %get3A_99 {offsets = [0, 0], sizes = [32, 64], strides = [1, 1]} : vector<64x64xf32> to vector<32x64xf32>
    %concatenate3A_102 = tpu.concatenate %slice3A_100, %slice3A_101 in 0 : vector<32x64xf32>, vector<32x64xf32> -> vector<64x64xf32>
    %get3A_103 = arith.constant 3 : index
    %get3A_104 = memref.load %arg22[%get3A_103] : memref<8xi32, #tpu.memory_space<smem>>
    %eq3A_105 = arith.constant 1 : i32
    %eq3A_106 = arith.cmpi eq, %get3A_104, %eq3A_105 : i32
    %select_n3A_107 = arith.select %eq3A_106, %concatenate3A_102, %get3A_99 : vector<64x64xf32>
    %get3A_108 = arith.index_cast %get3A_94 : i32 to index
    %get3A_109 = arith.constant 0 : index
    %get3A_110 = vector.load %arg4[%get3A_108, %get3A_109] : memref<8x64xf32, #tpu.memory_space<vmem>>, vector<1x64xf32>
    %concatenate3A_111 = tpu.concatenate %select_n3A_107, %get3A_110 in 0 : vector<64x64xf32>, vector<1x64xf32> -> vector<65x64xf32>
    %dot_general3A_112 = arith.constant dense<0.000000e+00> : vector<64x4096xf32>
    %dot_general3A_113 = tpu.matmul %concatenate3A_111, %concatenate3A_9, %dot_general3A_112 {dimension_numbers = #tpu.dot_dimension_numbers<[0], [0], [1], [1], [0, 1, 1, 1], [], []>, transpose_lhs_hint = false} : vector<65x64xf32>, vector<65x4096xf32>, vector<64x4096xf32> -> vector<64x4096xf32>
    %eq3A_114 = arith.constant 3 : i32
    %eq3A_115 = vector.broadcast %eq3A_114 : i32 to vector<1x4096xi32>
    %eq3A_116 = arith.cmpi eq, %get3A_4, %eq3A_115 : vector<1x4096xi32>
    %convert_element_type3A_117 = arith.extui %eq3A_116 : vector<1x4096xi1> to vector<1x4096xi32>
    %convert_element_type3A_118 = arith.sitofp %convert_element_type3A_117 : vector<1x4096xi32> to vector<1x4096xf32>
    %mul3A_119 = vector.broadcast %convert_element_type3A_118 : vector<1x4096xf32> to vector<64x4096xf32>
    %mul3A_120 = arith.mulf %mul3A_119, %dot_general3A_113 : vector<64x4096xf32>
    %add3A_121 = arith.addf %add3A_92, %mul3A_120 : vector<64x4096xf32>
    %get3A_122 = arith.constant 4 : index
    %get3A_123 = memref.load %arg21[%get3A_122] : memref<8xi32, #tpu.memory_space<smem>>
    %mul3A_124 = arith.constant 64 : i32
    %mul3A_125 = arith.muli %get3A_123, %mul3A_124 : i32
    %get3A_126 = arith.index_cast %mul3A_125 : i32 to index
    %get3A_127 = arith.constant 0 : index
    %get3A_128 = vector.load %arg3[%get3A_126, %get3A_127] : memref<512x64xf32, #tpu.memory_space<vmem>>, vector<64x64xf32>
    %slice3A_129 = vector.extract_strided_slice %get3A_128 {offsets = [32, 0], sizes = [32, 64], strides = [1, 1]} : vector<64x64xf32> to vector<32x64xf32>
    %slice3A_130 = vector.extract_strided_slice %get3A_128 {offsets = [0, 0], sizes = [32, 64], strides = [1, 1]} : vector<64x64xf32> to vector<32x64xf32>
    %concatenate3A_131 = tpu.concatenate %slice3A_129, %slice3A_130 in 0 : vector<32x64xf32>, vector<32x64xf32> -> vector<64x64xf32>
    %get3A_132 = arith.constant 4 : index
    %get3A_133 = memref.load %arg22[%get3A_132] : memref<8xi32, #tpu.memory_space<smem>>
    %eq3A_134 = arith.constant 1 : i32
    %eq3A_135 = arith.cmpi eq, %get3A_133, %eq3A_134 : i32
    %select_n3A_136 = arith.select %eq3A_135, %concatenate3A_131, %get3A_128 : vector<64x64xf32>
    %get3A_137 = arith.index_cast %get3A_123 : i32 to index
    %get3A_138 = arith.constant 0 : index
    %get3A_139 = vector.load %arg4[%get3A_137, %get3A_138] : memref<8x64xf32, #tpu.memory_space<vmem>>, vector<1x64xf32>
    %concatenate3A_140 = tpu.concatenate %select_n3A_136, %get3A_139 in 0 : vector<64x64xf32>, vector<1x64xf32> -> vector<65x64xf32>
    %dot_general3A_141 = arith.constant dense<0.000000e+00> : vector<64x4096xf32>
    %dot_general3A_142 = tpu.matmul %concatenate3A_140, %concatenate3A_9, %dot_general3A_141 {dimension_numbers = #tpu.dot_dimension_numbers<[0], [0], [1], [1], [0, 1, 1, 1], [], []>, transpose_lhs_hint = false} : vector<65x64xf32>, vector<65x4096xf32>, vector<64x4096xf32> -> vector<64x4096xf32>
    %eq3A_143 = arith.constant 4 : i32
    %eq3A_144 = vector.broadcast %eq3A_143 : i32 to vector<1x4096xi32>
    %eq3A_145 = arith.cmpi eq, %get3A_4, %eq3A_144 : vector<1x4096xi32>
    %convert_element_type3A_146 = arith.extui %eq3A_145 : vector<1x4096xi1> to vector<1x4096xi32>
    %convert_element_type3A_147 = arith.sitofp %convert_element_type3A_146 : vector<1x4096xi32> to vector<1x4096xf32>
    %mul3A_148 = vector.broadcast %convert_element_type3A_147 : vector<1x4096xf32> to vector<64x4096xf32>
    %mul3A_149 = arith.mulf %mul3A_148, %dot_general3A_142 : vector<64x4096xf32>
    %add3A_150 = arith.addf %add3A_121, %mul3A_149 : vector<64x4096xf32>
    %get3A_151 = arith.constant 5 : index
    %get3A_152 = memref.load %arg21[%get3A_151] : memref<8xi32, #tpu.memory_space<smem>>
    %mul3A_153 = arith.constant 64 : i32
    %mul3A_154 = arith.muli %get3A_152, %mul3A_153 : i32
    %get3A_155 = arith.index_cast %mul3A_154 : i32 to index
    %get3A_156 = arith.constant 0 : index
    %get3A_157 = vector.load %arg3[%get3A_155, %get3A_156] : memref<512x64xf32, #tpu.memory_space<vmem>>, vector<64x64xf32>
    %slice3A_158 = vector.extract_strided_slice %get3A_157 {offsets = [32, 0], sizes = [32, 64], strides = [1, 1]} : vector<64x64xf32> to vector<32x64xf32>
    %slice3A_159 = vector.extract_strided_slice %get3A_157 {offsets = [0, 0], sizes = [32, 64], strides = [1, 1]} : vector<64x64xf32> to vector<32x64xf32>
    %concatenate3A_160 = tpu.concatenate %slice3A_158, %slice3A_159 in 0 : vector<32x64xf32>, vector<32x64xf32> -> vector<64x64xf32>
    %get3A_161 = arith.constant 5 : index
    %get3A_162 = memref.load %arg22[%get3A_161] : memref<8xi32, #tpu.memory_space<smem>>
    %eq3A_163 = arith.constant 1 : i32
    %eq3A_164 = arith.cmpi eq, %get3A_162, %eq3A_163 : i32
    %select_n3A_165 = arith.select %eq3A_164, %concatenate3A_160, %get3A_157 : vector<64x64xf32>
    %get3A_166 = arith.index_cast %get3A_152 : i32 to index
    %get3A_167 = arith.constant 0 : index
    %get3A_168 = vector.load %arg4[%get3A_166, %get3A_167] : memref<8x64xf32, #tpu.memory_space<vmem>>, vector<1x64xf32>
    %concatenate3A_169 = tpu.concatenate %select_n3A_165, %get3A_168 in 0 : vector<64x64xf32>, vector<1x64xf32> -> vector<65x64xf32>
    %dot_general3A_170 = arith.constant dense<0.000000e+00> : vector<64x4096xf32>
    %dot_general3A_171 = tpu.matmul %concatenate3A_169, %concatenate3A_9, %dot_general3A_170 {dimension_numbers = #tpu.dot_dimension_numbers<[0], [0], [1], [1], [0, 1, 1, 1], [], []>, transpose_lhs_hint = false} : vector<65x64xf32>, vector<65x4096xf32>, vector<64x4096xf32> -> vector<64x4096xf32>
    %eq3A_172 = arith.constant 5 : i32
    %eq3A_173 = vector.broadcast %eq3A_172 : i32 to vector<1x4096xi32>
    %eq3A_174 = arith.cmpi eq, %get3A_4, %eq3A_173 : vector<1x4096xi32>
    %convert_element_type3A_175 = arith.extui %eq3A_174 : vector<1x4096xi1> to vector<1x4096xi32>
    %convert_element_type3A_176 = arith.sitofp %convert_element_type3A_175 : vector<1x4096xi32> to vector<1x4096xf32>
    %mul3A_177 = vector.broadcast %convert_element_type3A_176 : vector<1x4096xf32> to vector<64x4096xf32>
    %mul3A_178 = arith.mulf %mul3A_177, %dot_general3A_171 : vector<64x4096xf32>
    %add3A_179 = arith.addf %add3A_150, %mul3A_178 : vector<64x4096xf32>
    %get3A_180 = arith.constant 6 : index
    %get3A_181 = memref.load %arg21[%get3A_180] : memref<8xi32, #tpu.memory_space<smem>>
    %mul3A_182 = arith.constant 64 : i32
    %mul3A_183 = arith.muli %get3A_181, %mul3A_182 : i32
    %get3A_184 = arith.index_cast %mul3A_183 : i32 to index
    %get3A_185 = arith.constant 0 : index
    %get3A_186 = vector.load %arg3[%get3A_184, %get3A_185] : memref<512x64xf32, #tpu.memory_space<vmem>>, vector<64x64xf32>
    %slice3A_187 = vector.extract_strided_slice %get3A_186 {offsets = [32, 0], sizes = [32, 64], strides = [1, 1]} : vector<64x64xf32> to vector<32x64xf32>
    %slice3A_188 = vector.extract_strided_slice %get3A_186 {offsets = [0, 0], sizes = [32, 64], strides = [1, 1]} : vector<64x64xf32> to vector<32x64xf32>
    %concatenate3A_189 = tpu.concatenate %slice3A_187, %slice3A_188 in 0 : vector<32x64xf32>, vector<32x64xf32> -> vector<64x64xf32>
    %get3A_190 = arith.constant 6 : index
    %get3A_191 = memref.load %arg22[%get3A_190] : memref<8xi32, #tpu.memory_space<smem>>
    %eq3A_192 = arith.constant 1 : i32
    %eq3A_193 = arith.cmpi eq, %get3A_191, %eq3A_192 : i32
    %select_n3A_194 = arith.select %eq3A_193, %concatenate3A_189, %get3A_186 : vector<64x64xf32>
    %get3A_195 = arith.index_cast %get3A_181 : i32 to index
    %get3A_196 = arith.constant 0 : index
    %get3A_197 = vector.load %arg4[%get3A_195, %get3A_196] : memref<8x64xf32, #tpu.memory_space<vmem>>, vector<1x64xf32>
    %concatenate3A_198 = tpu.concatenate %select_n3A_194, %get3A_197 in 0 : vector<64x64xf32>, vector<1x64xf32> -> vector<65x64xf32>
    %dot_general3A_199 = arith.constant dense<0.000000e+00> : vector<64x4096xf32>
    %dot_general3A_200 = tpu.matmul %concatenate3A_198, %concatenate3A_9, %dot_general3A_199 {dimension_numbers = #tpu.dot_dimension_numbers<[0], [0], [1], [1], [0, 1, 1, 1], [], []>, transpose_lhs_hint = false} : vector<65x64xf32>, vector<65x4096xf32>, vector<64x4096xf32> -> vector<64x4096xf32>
    %eq3A_201 = arith.constant 6 : i32
    %eq3A_202 = vector.broadcast %eq3A_201 : i32 to vector<1x4096xi32>
    %eq3A_203 = arith.cmpi eq, %get3A_4, %eq3A_202 : vector<1x4096xi32>
    %convert_element_type3A_204 = arith.extui %eq3A_203 : vector<1x4096xi1> to vector<1x4096xi32>
    %convert_element_type3A_205 = arith.sitofp %convert_element_type3A_204 : vector<1x4096xi32> to vector<1x4096xf32>
    %mul3A_206 = vector.broadcast %convert_element_type3A_205 : vector<1x4096xf32> to vector<64x4096xf32>
    %mul3A_207 = arith.mulf %mul3A_206, %dot_general3A_200 : vector<64x4096xf32>
    %add3A_208 = arith.addf %add3A_179, %mul3A_207 : vector<64x4096xf32>
    %get3A_209 = arith.constant 7 : index
    %get3A_210 = memref.load %arg21[%get3A_209] : memref<8xi32, #tpu.memory_space<smem>>
    %mul3A_211 = arith.constant 64 : i32
    %mul3A_212 = arith.muli %get3A_210, %mul3A_211 : i32
    %get3A_213 = arith.index_cast %mul3A_212 : i32 to index
    %get3A_214 = arith.constant 0 : index
    %get3A_215 = vector.load %arg3[%get3A_213, %get3A_214] : memref<512x64xf32, #tpu.memory_space<vmem>>, vector<64x64xf32>
    %slice3A_216 = vector.extract_strided_slice %get3A_215 {offsets = [32, 0], sizes = [32, 64], strides = [1, 1]} : vector<64x64xf32> to vector<32x64xf32>
    %slice3A_217 = vector.extract_strided_slice %get3A_215 {offsets = [0, 0], sizes = [32, 64], strides = [1, 1]} : vector<64x64xf32> to vector<32x64xf32>
    %concatenate3A_218 = tpu.concatenate %slice3A_216, %slice3A_217 in 0 : vector<32x64xf32>, vector<32x64xf32> -> vector<64x64xf32>
    %get3A_219 = arith.constant 7 : index
    %get3A_220 = memref.load %arg22[%get3A_219] : memref<8xi32, #tpu.memory_space<smem>>
    %eq3A_221 = arith.constant 1 : i32
    %eq3A_222 = arith.cmpi eq, %get3A_220, %eq3A_221 : i32
    %select_n3A_223 = arith.select %eq3A_222, %concatenate3A_218, %get3A_215 : vector<64x64xf32>
    %get3A_224 = arith.index_cast %get3A_210 : i32 to index
    %get3A_225 = arith.constant 0 : index
    %get3A_226 = vector.load %arg4[%get3A_224, %get3A_225] : memref<8x64xf32, #tpu.memory_space<vmem>>, vector<1x64xf32>
    %concatenate3A_227 = tpu.concatenate %select_n3A_223, %get3A_226 in 0 : vector<64x64xf32>, vector<1x64xf32> -> vector<65x64xf32>
    %dot_general3A_228 = arith.constant dense<0.000000e+00> : vector<64x4096xf32>
    %dot_general3A_229 = tpu.matmul %concatenate3A_227, %concatenate3A_9, %dot_general3A_228 {dimension_numbers = #tpu.dot_dimension_numbers<[0], [0], [1], [1], [0, 1, 1, 1], [], []>, transpose_lhs_hint = false} : vector<65x64xf32>, vector<65x4096xf32>, vector<64x4096xf32> -> vector<64x4096xf32>
    %eq3A_230 = arith.constant 7 : i32
    %eq3A_231 = vector.broadcast %eq3A_230 : i32 to vector<1x4096xi32>
    %eq3A_232 = arith.cmpi eq, %get3A_4, %eq3A_231 : vector<1x4096xi32>
    %convert_element_type3A_233 = arith.extui %eq3A_232 : vector<1x4096xi1> to vector<1x4096xi32>
    %convert_element_type3A_234 = arith.sitofp %convert_element_type3A_233 : vector<1x4096xi32> to vector<1x4096xf32>
    %mul3A_235 = vector.broadcast %convert_element_type3A_234 : vector<1x4096xf32> to vector<64x4096xf32>
    %mul3A_236 = arith.mulf %mul3A_235, %dot_general3A_229 : vector<64x4096xf32>
    %add3A_237 = arith.addf %add3A_208, %mul3A_236 : vector<64x4096xf32>
    %ge3A = arith.constant 0.000000e+00 : f32
    %ge3A_238 = vector.broadcast %ge3A : f32 to vector<64x4096xf32>
    %ge3A_239 = arith.cmpf oge, %add3A_237, %ge3A_238 : vector<64x4096xf32>
    %mul3A_240 = vector.broadcast %get3A_6 : f32 to vector<64x4096xf32>
    %mul3A_241 = arith.mulf %mul3A_240, %add3A_237 : vector<64x4096xf32>
    %select_n3A_242 = arith.select %ge3A_239, %add3A_237, %mul3A_241 : vector<64x4096xi1>, vector<64x4096xf32>
    %get3A_243 = arith.constant 24 : index
    %get3A_244 = arith.constant 0 : index
    %get3A_245 = vector.load %arg1[%get3A_243, %get3A_244] : memref<40x4096xf32, #tpu.memory_space<vmem>>, vector<16x4096xf32>
    %get3A_246 = arith.constant 1 : index
    %get3A_247 = memref.load %arg23[%get3A_246] : memref<9xf32, #tpu.memory_space<smem>>
    %get3A_248 = arith.constant 2 : index
    %get3A_249 = memref.load %arg23[%get3A_248] : memref<9xf32, #tpu.memory_space<smem>>
    %broadcast_in_dim3A_250 = arith.constant 1.000000e+00 : f32
    %broadcast_in_dim3A_251 = vector.broadcast %broadcast_in_dim3A_250 : f32 to vector<1x4096xf32>
    %get3A_252 = arith.constant 0 : index
    %get3A_253 = arith.constant 0 : index
    %get3A_254 = vector.load %arg5[%get3A_252, %get3A_253] : memref<16x64xf32, #tpu.memory_space<vmem>>, vector<16x64xf32>
    %get3A_255 = arith.constant 0 : index
    %get3A_256 = arith.constant 0 : index
    %get3A_257 = vector.load %arg6[%get3A_255, %get3A_256] : memref<1x64xf32, #tpu.memory_space<vmem>>, vector<1x64xf32>
    %concatenate3A_258 = tpu.concatenate %get3A_254, %get3A_257 in 0 : vector<16x64xf32>, vector<1x64xf32> -> vector<17x64xf32>
    %concatenate3A_259 = tpu.concatenate %get3A_245, %broadcast_in_dim3A_251 in 0 : vector<16x4096xf32>, vector<1x4096xf32> -> vector<17x4096xf32>
    %dot_general3A_260 = arith.constant dense<0.000000e+00> : vector<64x4096xf32>
    %dot_general3A_261 = tpu.matmul %concatenate3A_258, %concatenate3A_259, %dot_general3A_260 {dimension_numbers = #tpu.dot_dimension_numbers<[0], [0], [1], [1], [0, 1, 1, 1], [], []>, transpose_lhs_hint = false} : vector<17x64xf32>, vector<17x4096xf32>, vector<64x4096xf32> -> vector<64x4096xf32>
    %ge3A_262 = arith.constant 0.000000e+00 : f32
    %ge3A_263 = vector.broadcast %ge3A_262 : f32 to vector<64x4096xf32>
    %ge3A_264 = arith.cmpf oge, %dot_general3A_261, %ge3A_263 : vector<64x4096xf32>
    %mul3A_265 = vector.broadcast %get3A_247 : f32 to vector<64x4096xf32>
    %mul3A_266 = arith.mulf %mul3A_265, %dot_general3A_261 : vector<64x4096xf32>
    %select_n3A_267 = arith.select %ge3A_264, %dot_general3A_261, %mul3A_266 : vector<64x4096xi1>, vector<64x4096xf32>
    %get3A_268 = arith.constant 0 : index
    %get3A_269 = arith.constant 0 : index
    %get3A_270 = vector.load %arg7[%get3A_268, %get3A_269] : memref<128x64xf32, #tpu.memory_space<vmem>>, vector<128x64xf32>
    %get3A_271 = arith.constant 0 : index
    %get3A_272 = arith.constant 0 : index
    %get3A_273 = vector.load %arg8[%get3A_271, %get3A_272] : memref<1x64xf32, #tpu.memory_space<vmem>>, vector<1x64xf32>
    %concatenate3A_274 = tpu.concatenate %get3A_270, %get3A_273 in 0 : vector<128x64xf32>, vector<1x64xf32> -> vector<129x64xf32>
    %concatenate3A_275 = tpu.concatenate %select_n3A_242, %select_n3A_267, %broadcast_in_dim3A_251 in 0 : vector<64x4096xf32>, vector<64x4096xf32>, vector<1x4096xf32> -> vector<129x4096xf32>
    %dot_general3A_276 = arith.constant dense<0.000000e+00> : vector<64x4096xf32>
    %dot_general3A_277 = tpu.matmul %concatenate3A_274, %concatenate3A_275, %dot_general3A_276 {dimension_numbers = #tpu.dot_dimension_numbers<[0], [0], [1], [1], [0, 1, 1, 1], [], []>, transpose_lhs_hint = false} : vector<129x64xf32>, vector<129x4096xf32>, vector<64x4096xf32> -> vector<64x4096xf32>
    %ge3A_278 = arith.constant 0.000000e+00 : f32
    %ge3A_279 = vector.broadcast %ge3A_278 : f32 to vector<64x4096xf32>
    %ge3A_280 = arith.cmpf oge, %dot_general3A_277, %ge3A_279 : vector<64x4096xf32>
    %mul3A_281 = vector.broadcast %get3A_249 : f32 to vector<64x4096xf32>
    %mul3A_282 = arith.mulf %mul3A_281, %dot_general3A_277 : vector<64x4096xf32>
    %select_n3A_283 = arith.select %ge3A_280, %dot_general3A_277, %mul3A_282 : vector<64x4096xi1>, vector<64x4096xf32>
    %swap3A = arith.constant 0 : index
    %swap3A_284 = arith.constant 0 : index
    %swap3A_285 = vector.load %arg24[%swap3A, %swap3A_284] : memref<256x4096xf32, #tpu.memory_space<vmem>>, vector<64x4096xf32>
    tpu.vector_store %arg24[%swap3A, %swap3A_284], %select_n3A_283 {strides = array<i32>} : memref<256x4096xf32, #tpu.memory_space<vmem>>, vector<64x4096xf32>,
    %get3A_286 = arith.constant 1 : index
    %get3A_287 = arith.constant 0 : index
    %get3A_288 = vector.load %arg2[%get3A_286, %get3A_287] : memref<3x4096xi32, #tpu.memory_space<vmem>>, vector<1x4096xi32>
    %get3A_289 = arith.constant 3 : index
    %get3A_290 = memref.load %arg23[%get3A_289] : memref<9xf32, #tpu.memory_space<smem>>
    %slice3A_291 = vector.extract_strided_slice %select_n3A_283 {offsets = [0, 2], sizes = [64, 4094], strides = [1, 1]} : vector<64x4096xf32> to vector<64x4094xf32>
    %slice3A_292 = vector.extract_strided_slice %select_n3A_283 {offsets = [0, 0], sizes = [64, 2], strides = [1, 1]} : vector<64x4096xf32> to vector<64x2xf32>
    %concatenate3A_293 = tpu.concatenate %slice3A_291, %slice3A_292 in 1 : vector<64x4094xf32>, vector<64x2xf32> -> vector<64x4096xf32>
    %broadcast_in_dim3A_294 = arith.constant 1.000000e+00 : f32
    %broadcast_in_dim3A_295 = vector.broadcast %broadcast_in_dim3A_294 : f32 to vector<1x4096xf32>
    %concatenate3A_296 = tpu.concatenate %select_n3A_283, %concatenate3A_293, %broadcast_in_dim3A_295 in 0 : vector<64x4096xf32>, vector<64x4096xf32>, vector<1x4096xf32> -> vector<129x4096xf32>
    %broadcast_in_dim3A_297 = arith.constant 0.000000e+00 : f32
    %broadcast_in_dim3A_298 = vector.broadcast %broadcast_in_dim3A_297 : f32 to vector<64x4096xf32>
    %get3A_299 = arith.constant 0 : index
    %get3A_300 = memref.load %arg21[%get3A_299] : memref<8xi32, #tpu.memory_space<smem>>
    %mul3A_301 = arith.constant 128 : i32
    %mul3A_302 = arith.muli %get3A_300, %mul3A_301 : i32
    %get3A_303 = arith.index_cast %mul3A_302 : i32 to index
    %get3A_304 = arith.constant 0 : index
    %get3A_305 = vector.load %arg9[%get3A_303, %get3A_304] : memref<1024x64xf32, #tpu.memory_space<vmem>>, vector<128x64xf32>
    %slice3A_306 = vector.extract_strided_slice %get3A_305 {offsets = [64, 0], sizes = [64, 64], strides = [1, 1]} : vector<128x64xf32> to vector<64x64xf32>
    %slice3A_307 = vector.extract_strided_slice %get3A_305 {offsets = [0, 0], sizes = [64, 64], strides = [1, 1]} : vector<128x64xf32> to vector<64x64xf32>
    %concatenate3A_308 = tpu.concatenate %slice3A_306, %slice3A_307 in 0 : vector<64x64xf32>, vector<64x64xf32> -> vector<128x64xf32>
    %get3A_309 = arith.constant 0 : index
    %get3A_310 = memref.load %arg22[%get3A_309] : memref<8xi32, #tpu.memory_space<smem>>
    %eq3A_311 = arith.constant 1 : i32
    %eq3A_312 = arith.cmpi eq, %get3A_310, %eq3A_311 : i32
    %select_n3A_313 = arith.select %eq3A_312, %concatenate3A_308, %get3A_305 : vector<128x64xf32>
    %get3A_314 = arith.index_cast %get3A_300 : i32 to index
    %get3A_315 = arith.constant 0 : index
    %get3A_316 = vector.load %arg10[%get3A_314, %get3A_315] : memref<8x64xf32, #tpu.memory_space<vmem>>, vector<1x64xf32>
    %concatenate3A_317 = tpu.concatenate %select_n3A_313, %get3A_316 in 0 : vector<128x64xf32>, vector<1x64xf32> -> vector<129x64xf32>
    %dot_general3A_318 = arith.constant dense<0.000000e+00> : vector<64x4096xf32>
    %dot_general3A_319 = tpu.matmul %concatenate3A_317, %concatenate3A_296, %dot_general3A_318 {dimension_numbers = #tpu.dot_dimension_numbers<[0], [0], [1], [1], [0, 1, 1, 1], [], []>, transpose_lhs_hint = false} : vector<129x64xf32>, vector<129x4096xf32>, vector<64x4096xf32> -> vector<64x4096xf32>
    %eq3A_320 = arith.constant 0 : i32
    %eq3A_321 = vector.broadcast %eq3A_320 : i32 to vector<1x4096xi32>
    %eq3A_322 = arith.cmpi eq, %get3A_288, %eq3A_321 : vector<1x4096xi32>
    %convert_element_type3A_323 = arith.extui %eq3A_322 : vector<1x4096xi1> to vector<1x4096xi32>
    %convert_element_type3A_324 = arith.sitofp %convert_element_type3A_323 : vector<1x4096xi32> to vector<1x4096xf32>
    %mul3A_325 = vector.broadcast %convert_element_type3A_324 : vector<1x4096xf32> to vector<64x4096xf32>
    %mul3A_326 = arith.mulf %mul3A_325, %dot_general3A_319 : vector<64x4096xf32>
    %add3A_327 = arith.addf %broadcast_in_dim3A_298, %mul3A_326 : vector<64x4096xf32>
    %get3A_328 = arith.constant 1 : index
    %get3A_329 = memref.load %arg21[%get3A_328] : memref<8xi32, #tpu.memory_space<smem>>
    %mul3A_330 = arith.constant 128 : i32
    %mul3A_331 = arith.muli %get3A_329, %mul3A_330 : i32
    %get3A_332 = arith.index_cast %mul3A_331 : i32 to index
    %get3A_333 = arith.constant 0 : index
    %get3A_334 = vector.load %arg9[%get3A_332, %get3A_333] : memref<1024x64xf32, #tpu.memory_space<vmem>>, vector<128x64xf32>
    %slice3A_335 = vector.extract_strided_slice %get3A_334 {offsets = [64, 0], sizes = [64, 64], strides = [1, 1]} : vector<128x64xf32> to vector<64x64xf32>
    %slice3A_336 = vector.extract_strided_slice %get3A_334 {offsets = [0, 0], sizes = [64, 64], strides = [1, 1]} : vector<128x64xf32> to vector<64x64xf32>
    %concatenate3A_337 = tpu.concatenate %slice3A_335, %slice3A_336 in 0 : vector<64x64xf32>, vector<64x64xf32> -> vector<128x64xf32>
    %get3A_338 = arith.constant 1 : index
    %get3A_339 = memref.load %arg22[%get3A_338] : memref<8xi32, #tpu.memory_space<smem>>
    %eq3A_340 = arith.constant 1 : i32
    %eq3A_341 = arith.cmpi eq, %get3A_339, %eq3A_340 : i32
    %select_n3A_342 = arith.select %eq3A_341, %concatenate3A_337, %get3A_334 : vector<128x64xf32>
    %get3A_343 = arith.index_cast %get3A_329 : i32 to index
    %get3A_344 = arith.constant 0 : index
    %get3A_345 = vector.load %arg10[%get3A_343, %get3A_344] : memref<8x64xf32, #tpu.memory_space<vmem>>, vector<1x64xf32>
    %concatenate3A_346 = tpu.concatenate %select_n3A_342, %get3A_345 in 0 : vector<128x64xf32>, vector<1x64xf32> -> vector<129x64xf32>
    %dot_general3A_347 = arith.constant dense<0.000000e+00> : vector<64x4096xf32>
    %dot_general3A_348 = tpu.matmul %concatenate3A_346, %concatenate3A_296, %dot_general3A_347 {dimension_numbers = #tpu.dot_dimension_numbers<[0], [0], [1], [1], [0, 1, 1, 1], [], []>, transpose_lhs_hint = false} : vector<129x64xf32>, vector<129x4096xf32>, vector<64x4096xf32> -> vector<64x4096xf32>
    %eq3A_349 = arith.constant 1 : i32
    %eq3A_350 = vector.broadcast %eq3A_349 : i32 to vector<1x4096xi32>
    %eq3A_351 = arith.cmpi eq, %get3A_288, %eq3A_350 : vector<1x4096xi32>
    %convert_element_type3A_352 = arith.extui %eq3A_351 : vector<1x4096xi1> to vector<1x4096xi32>
    %convert_element_type3A_353 = arith.sitofp %convert_element_type3A_352 : vector<1x4096xi32> to vector<1x4096xf32>
    %mul3A_354 = vector.broadcast %convert_element_type3A_353 : vector<1x4096xf32> to vector<64x4096xf32>
    %mul3A_355 = arith.mulf %mul3A_354, %dot_general3A_348 : vector<64x4096xf32>
    %add3A_356 = arith.addf %add3A_327, %mul3A_355 : vector<64x4096xf32>
    %get3A_357 = arith.constant 2 : index
    %get3A_358 = memref.load %arg21[%get3A_357] : memref<8xi32, #tpu.memory_space<smem>>
    %mul3A_359 = arith.constant 128 : i32
    %mul3A_360 = arith.muli %get3A_358, %mul3A_359 : i32
    %get3A_361 = arith.index_cast %mul3A_360 : i32 to index
    %get3A_362 = arith.constant 0 : index
    %get3A_363 = vector.load %arg9[%get3A_361, %get3A_362] : memref<1024x64xf32, #tpu.memory_space<vmem>>, vector<128x64xf32>
    %slice3A_364 = vector.extract_strided_slice %get3A_363 {offsets = [64, 0], sizes = [64, 64], strides = [1, 1]} : vector<128x64xf32> to vector<64x64xf32>
    %slice3A_365 = vector.extract_strided_slice %get3A_363 {offsets = [0, 0], sizes = [64, 64], strides = [1, 1]} : vector<128x64xf32> to vector<64x64xf32>
    %concatenate3A_366 = tpu.concatenate %slice3A_364, %slice3A_365 in 0 : vector<64x64xf32>, vector<64x64xf32> -> vector<128x64xf32>
    %get3A_367 = arith.constant 2 : index
    %get3A_368 = memref.load %arg22[%get3A_367] : memref<8xi32, #tpu.memory_space<smem>>
    %eq3A_369 = arith.constant 1 : i32
    %eq3A_370 = arith.cmpi eq, %get3A_368, %eq3A_369 : i32
    %select_n3A_371 = arith.select %eq3A_370, %concatenate3A_366, %get3A_363 : vector<128x64xf32>
    %get3A_372 = arith.index_cast %get3A_358 : i32 to index
    %get3A_373 = arith.constant 0 : index
    %get3A_374 = vector.load %arg10[%get3A_372, %get3A_373] : memref<8x64xf32, #tpu.memory_space<vmem>>, vector<1x64xf32>
    %concatenate3A_375 = tpu.concatenate %select_n3A_371, %get3A_374 in 0 : vector<128x64xf32>, vector<1x64xf32> -> vector<129x64xf32>
    %dot_general3A_376 = arith.constant dense<0.000000e+00> : vector<64x4096xf32>
    %dot_general3A_377 = tpu.matmul %concatenate3A_375, %concatenate3A_296, %dot_general3A_376 {dimension_numbers = #tpu.dot_dimension_numbers<[0], [0], [1], [1], [0, 1, 1, 1], [], []>, transpose_lhs_hint = false} : vector<129x64xf32>, vector<129x4096xf32>, vector<64x4096xf32> -> vector<64x4096xf32>
    %eq3A_378 = arith.constant 2 : i32
    %eq3A_379 = vector.broadcast %eq3A_378 : i32 to vector<1x4096xi32>
    %eq3A_380 = arith.cmpi eq, %get3A_288, %eq3A_379 : vector<1x4096xi32>
    %convert_element_type3A_381 = arith.extui %eq3A_380 : vector<1x4096xi1> to vector<1x4096xi32>
    %convert_element_type3A_382 = arith.sitofp %convert_element_type3A_381 : vector<1x4096xi32> to vector<1x4096xf32>
    %mul3A_383 = vector.broadcast %convert_element_type3A_382 : vector<1x4096xf32> to vector<64x4096xf32>
    %mul3A_384 = arith.mulf %mul3A_383, %dot_general3A_377 : vector<64x4096xf32>
    %add3A_385 = arith.addf %add3A_356, %mul3A_384 : vector<64x4096xf32>
    %get3A_386 = arith.constant 3 : index
    %get3A_387 = memref.load %arg21[%get3A_386] : memref<8xi32, #tpu.memory_space<smem>>
    %mul3A_388 = arith.constant 128 : i32
    %mul3A_389 = arith.muli %get3A_387, %mul3A_388 : i32
    %get3A_390 = arith.index_cast %mul3A_389 : i32 to index
    %get3A_391 = arith.constant 0 : index
    %get3A_392 = vector.load %arg9[%get3A_390, %get3A_391] : memref<1024x64xf32, #tpu.memory_space<vmem>>, vector<128x64xf32>
    %slice3A_393 = vector.extract_strided_slice %get3A_392 {offsets = [64, 0], sizes = [64, 64], strides = [1, 1]} : vector<128x64xf32> to vector<64x64xf32>
    %slice3A_394 = vector.extract_strided_slice %get3A_392 {offsets = [0, 0], sizes = [64, 64], strides = [1, 1]} : vector<128x64xf32> to vector<64x64xf32>
    %concatenate3A_395 = tpu.concatenate %slice3A_393, %slice3A_394 in 0 : vector<64x64xf32>, vector<64x64xf32> -> vector<128x64xf32>
    %get3A_396 = arith.constant 3 : index
    %get3A_397 = memref.load %arg22[%get3A_396] : memref<8xi32, #tpu.memory_space<smem>>
    %eq3A_398 = arith.constant 1 : i32
    %eq3A_399 = arith.cmpi eq, %get3A_397, %eq3A_398 : i32
    %select_n3A_400 = arith.select %eq3A_399, %concatenate3A_395, %get3A_392 : vector<128x64xf32>
    %get3A_401 = arith.index_cast %get3A_387 : i32 to index
    %get3A_402 = arith.constant 0 : index
    %get3A_403 = vector.load %arg10[%get3A_401, %get3A_402] : memref<8x64xf32, #tpu.memory_space<vmem>>, vector<1x64xf32>
    %concatenate3A_404 = tpu.concatenate %select_n3A_400, %get3A_403 in 0 : vector<128x64xf32>, vector<1x64xf32> -> vector<129x64xf32>
    %dot_general3A_405 = arith.constant dense<0.000000e+00> : vector<64x4096xf32>
    %dot_general3A_406 = tpu.matmul %concatenate3A_404, %concatenate3A_296, %dot_general3A_405 {dimension_numbers = #tpu.dot_dimension_numbers<[0], [0], [1], [1], [0, 1, 1, 1], [], []>, transpose_lhs_hint = false} : vector<129x64xf32>, vector<129x4096xf32>, vector<64x4096xf32> -> vector<64x4096xf32>
    %eq3A_407 = arith.constant 3 : i32
    %eq3A_408 = vector.broadcast %eq3A_407 : i32 to vector<1x4096xi32>
    %eq3A_409 = arith.cmpi eq, %get3A_288, %eq3A_408 : vector<1x4096xi32>
    %convert_element_type3A_410 = arith.extui %eq3A_409 : vector<1x4096xi1> to vector<1x4096xi32>
    %convert_element_type3A_411 = arith.sitofp %convert_element_type3A_410 : vector<1x4096xi32> to vector<1x4096xf32>
    %mul3A_412 = vector.broadcast %convert_element_type3A_411 : vector<1x4096xf32> to vector<64x4096xf32>
    %mul3A_413 = arith.mulf %mul3A_412, %dot_general3A_406 : vector<64x4096xf32>
    %add3A_414 = arith.addf %add3A_385, %mul3A_413 : vector<64x4096xf32>
    %get3A_415 = arith.constant 4 : index
    %get3A_416 = memref.load %arg21[%get3A_415] : memref<8xi32, #tpu.memory_space<smem>>
    %mul3A_417 = arith.constant 128 : i32
    %mul3A_418 = arith.muli %get3A_416, %mul3A_417 : i32
    %get3A_419 = arith.index_cast %mul3A_418 : i32 to index
    %get3A_420 = arith.constant 0 : index
    %get3A_421 = vector.load %arg9[%get3A_419, %get3A_420] : memref<1024x64xf32, #tpu.memory_space<vmem>>, vector<128x64xf32>
    %slice3A_422 = vector.extract_strided_slice %get3A_421 {offsets = [64, 0], sizes = [64, 64], strides = [1, 1]} : vector<128x64xf32> to vector<64x64xf32>
    %slice3A_423 = vector.extract_strided_slice %get3A_421 {offsets = [0, 0], sizes = [64, 64], strides = [1, 1]} : vector<128x64xf32> to vector<64x64xf32>
    %concatenate3A_424 = tpu.concatenate %slice3A_422, %slice3A_423 in 0 : vector<64x64xf32>, vector<64x64xf32> -> vector<128x64xf32>
    %get3A_425 = arith.constant 4 : index
    %get3A_426 = memref.load %arg22[%get3A_425] : memref<8xi32, #tpu.memory_space<smem>>
    %eq3A_427 = arith.constant 1 : i32
    %eq3A_428 = arith.cmpi eq, %get3A_426, %eq3A_427 : i32
    %select_n3A_429 = arith.select %eq3A_428, %concatenate3A_424, %get3A_421 : vector<128x64xf32>
    %get3A_430 = arith.index_cast %get3A_416 : i32 to index
    %get3A_431 = arith.constant 0 : index
    %get3A_432 = vector.load %arg10[%get3A_430, %get3A_431] : memref<8x64xf32, #tpu.memory_space<vmem>>, vector<1x64xf32>
    %concatenate3A_433 = tpu.concatenate %select_n3A_429, %get3A_432 in 0 : vector<128x64xf32>, vector<1x64xf32> -> vector<129x64xf32>
    %dot_general3A_434 = arith.constant dense<0.000000e+00> : vector<64x4096xf32>
    %dot_general3A_435 = tpu.matmul %concatenate3A_433, %concatenate3A_296, %dot_general3A_434 {dimension_numbers = #tpu.dot_dimension_numbers<[0], [0], [1], [1], [0, 1, 1, 1], [], []>, transpose_lhs_hint = false} : vector<129x64xf32>, vector<129x4096xf32>, vector<64x4096xf32> -> vector<64x4096xf32>
    %eq3A_436 = arith.constant 4 : i32
    %eq3A_437 = vector.broadcast %eq3A_436 : i32 to vector<1x4096xi32>
    %eq3A_438 = arith.cmpi eq, %get3A_288, %eq3A_437 : vector<1x4096xi32>
    %convert_element_type3A_439 = arith.extui %eq3A_438 : vector<1x4096xi1> to vector<1x4096xi32>
    %convert_element_type3A_440 = arith.sitofp %convert_element_type3A_439 : vector<1x4096xi32> to vector<1x4096xf32>
    %mul3A_441 = vector.broadcast %convert_element_type3A_440 : vector<1x4096xf32> to vector<64x4096xf32>
    %mul3A_442 = arith.mulf %mul3A_441, %dot_general3A_435 : vector<64x4096xf32>
    %add3A_443 = arith.addf %add3A_414, %mul3A_442 : vector<64x4096xf32>
    %get3A_444 = arith.constant 5 : index
    %get3A_445 = memref.load %arg21[%get3A_444] : memref<8xi32, #tpu.memory_space<smem>>
    %mul3A_446 = arith.constant 128 : i32
    %mul3A_447 = arith.muli %get3A_445, %mul3A_446 : i32
    %get3A_448 = arith.index_cast %mul3A_447 : i32 to index
    %get3A_449 = arith.constant 0 : index
    %get3A_450 = vector.load %arg9[%get3A_448, %get3A_449] : memref<1024x64xf32, #tpu.memory_space<vmem>>, vector<128x64xf32>
    %slice3A_451 = vector.extract_strided_slice %get3A_450 {offsets = [64, 0], sizes = [64, 64], strides = [1, 1]} : vector<128x64xf32> to vector<64x64xf32>
    %slice3A_452 = vector.extract_strided_slice %get3A_450 {offsets = [0, 0], sizes = [64, 64], strides = [1, 1]} : vector<128x64xf32> to vector<64x64xf32>
    %concatenate3A_453 = tpu.concatenate %slice3A_451, %slice3A_452 in 0 : vector<64x64xf32>, vector<64x64xf32> -> vector<128x64xf32>
    %get3A_454 = arith.constant 5 : index
    %get3A_455 = memref.load %arg22[%get3A_454] : memref<8xi32, #tpu.memory_space<smem>>
    %eq3A_456 = arith.constant 1 : i32
    %eq3A_457 = arith.cmpi eq, %get3A_455, %eq3A_456 : i32
    %select_n3A_458 = arith.select %eq3A_457, %concatenate3A_453, %get3A_450 : vector<128x64xf32>
    %get3A_459 = arith.index_cast %get3A_445 : i32 to index
    %get3A_460 = arith.constant 0 : index
    %get3A_461 = vector.load %arg10[%get3A_459, %get3A_460] : memref<8x64xf32, #tpu.memory_space<vmem>>, vector<1x64xf32>
    %concatenate3A_462 = tpu.concatenate %select_n3A_458, %get3A_461 in 0 : vector<128x64xf32>, vector<1x64xf32> -> vector<129x64xf32>
    %dot_general3A_463 = arith.constant dense<0.000000e+00> : vector<64x4096xf32>
    %dot_general3A_464 = tpu.matmul %concatenate3A_462, %concatenate3A_296, %dot_general3A_463 {dimension_numbers = #tpu.dot_dimension_numbers<[0], [0], [1], [1], [0, 1, 1, 1], [], []>, transpose_lhs_hint = false} : vector<129x64xf32>, vector<129x4096xf32>, vector<64x4096xf32> -> vector<64x4096xf32>
    %eq3A_465 = arith.constant 5 : i32
    %eq3A_466 = vector.broadcast %eq3A_465 : i32 to vector<1x4096xi32>
    %eq3A_467 = arith.cmpi eq, %get3A_288, %eq3A_466 : vector<1x4096xi32>
    %convert_element_type3A_468 = arith.extui %eq3A_467 : vector<1x4096xi1> to vector<1x4096xi32>
    %convert_element_type3A_469 = arith.sitofp %convert_element_type3A_468 : vector<1x4096xi32> to vector<1x4096xf32>
    %mul3A_470 = vector.broadcast %convert_element_type3A_469 : vector<1x4096xf32> to vector<64x4096xf32>
    %mul3A_471 = arith.mulf %mul3A_470, %dot_general3A_464 : vector<64x4096xf32>
    %add3A_472 = arith.addf %add3A_443, %mul3A_471 : vector<64x4096xf32>
    %get3A_473 = arith.constant 6 : index
    %get3A_474 = memref.load %arg21[%get3A_473] : memref<8xi32, #tpu.memory_space<smem>>
    %mul3A_475 = arith.constant 128 : i32
    %mul3A_476 = arith.muli %get3A_474, %mul3A_475 : i32
    %get3A_477 = arith.index_cast %mul3A_476 : i32 to index
    %get3A_478 = arith.constant 0 : index
    %get3A_479 = vector.load %arg9[%get3A_477, %get3A_478] : memref<1024x64xf32, #tpu.memory_space<vmem>>, vector<128x64xf32>
    %slice3A_480 = vector.extract_strided_slice %get3A_479 {offsets = [64, 0], sizes = [64, 64], strides = [1, 1]} : vector<128x64xf32> to vector<64x64xf32>
    %slice3A_481 = vector.extract_strided_slice %get3A_479 {offsets = [0, 0], sizes = [64, 64], strides = [1, 1]} : vector<128x64xf32> to vector<64x64xf32>
    %concatenate3A_482 = tpu.concatenate %slice3A_480, %slice3A_481 in 0 : vector<64x64xf32>, vector<64x64xf32> -> vector<128x64xf32>
    %get3A_483 = arith.constant 6 : index
    %get3A_484 = memref.load %arg22[%get3A_483] : memref<8xi32, #tpu.memory_space<smem>>
    %eq3A_485 = arith.constant 1 : i32
    %eq3A_486 = arith.cmpi eq, %get3A_484, %eq3A_485 : i32
    %select_n3A_487 = arith.select %eq3A_486, %concatenate3A_482, %get3A_479 : vector<128x64xf32>
    %get3A_488 = arith.index_cast %get3A_474 : i32 to index
    %get3A_489 = arith.constant 0 : index
    %get3A_490 = vector.load %arg10[%get3A_488, %get3A_489] : memref<8x64xf32, #tpu.memory_space<vmem>>, vector<1x64xf32>
    %concatenate3A_491 = tpu.concatenate %select_n3A_487, %get3A_490 in 0 : vector<128x64xf32>, vector<1x64xf32> -> vector<129x64xf32>
    %dot_general3A_492 = arith.constant dense<0.000000e+00> : vector<64x4096xf32>
    %dot_general3A_493 = tpu.matmul %concatenate3A_491, %concatenate3A_296, %dot_general3A_492 {dimension_numbers = #tpu.dot_dimension_numbers<[0], [0], [1], [1], [0, 1, 1, 1], [], []>, transpose_lhs_hint = false} : vector<129x64xf32>, vector<129x4096xf32>, vector<64x4096xf32> -> vector<64x4096xf32>
    %eq3A_494 = arith.constant 6 : i32
    %eq3A_495 = vector.broadcast %eq3A_494 : i32 to vector<1x4096xi32>
    %eq3A_496 = arith.cmpi eq, %get3A_288, %eq3A_495 : vector<1x4096xi32>
    %convert_element_type3A_497 = arith.extui %eq3A_496 : vector<1x4096xi1> to vector<1x4096xi32>
    %convert_element_type3A_498 = arith.sitofp %convert_element_type3A_497 : vector<1x4096xi32> to vector<1x4096xf32>
    %mul3A_499 = vector.broadcast %convert_element_type3A_498 : vector<1x4096xf32> to vector<64x4096xf32>
    %mul3A_500 = arith.mulf %mul3A_499, %dot_general3A_493 : vector<64x4096xf32>
    %add3A_501 = arith.addf %add3A_472, %mul3A_500 : vector<64x4096xf32>
    %get3A_502 = arith.constant 7 : index
    %get3A_503 = memref.load %arg21[%get3A_502] : memref<8xi32, #tpu.memory_space<smem>>
    %mul3A_504 = arith.constant 128 : i32
    %mul3A_505 = arith.muli %get3A_503, %mul3A_504 : i32
    %get3A_506 = arith.index_cast %mul3A_505 : i32 to index
    %get3A_507 = arith.constant 0 : index
    %get3A_508 = vector.load %arg9[%get3A_506, %get3A_507] : memref<1024x64xf32, #tpu.memory_space<vmem>>, vector<128x64xf32>
    %slice3A_509 = vector.extract_strided_slice %get3A_508 {offsets = [64, 0], sizes = [64, 64], strides = [1, 1]} : vector<128x64xf32> to vector<64x64xf32>
    %slice3A_510 = vector.extract_strided_slice %get3A_508 {offsets = [0, 0], sizes = [64, 64], strides = [1, 1]} : vector<128x64xf32> to vector<64x64xf32>
    %concatenate3A_511 = tpu.concatenate %slice3A_509, %slice3A_510 in 0 : vector<64x64xf32>, vector<64x64xf32> -> vector<128x64xf32>
    %get3A_512 = arith.constant 7 : index
    %get3A_513 = memref.load %arg22[%get3A_512] : memref<8xi32, #tpu.memory_space<smem>>
    %eq3A_514 = arith.constant 1 : i32
    %eq3A_515 = arith.cmpi eq, %get3A_513, %eq3A_514 : i32
    %select_n3A_516 = arith.select %eq3A_515, %concatenate3A_511, %get3A_508 : vector<128x64xf32>
    %get3A_517 = arith.index_cast %get3A_503 : i32 to index
    %get3A_518 = arith.constant 0 : index
    %get3A_519 = vector.load %arg10[%get3A_517, %get3A_518] : memref<8x64xf32, #tpu.memory_space<vmem>>, vector<1x64xf32>
    %concatenate3A_520 = tpu.concatenate %select_n3A_516, %get3A_519 in 0 : vector<128x64xf32>, vector<1x64xf32> -> vector<129x64xf32>
    %dot_general3A_521 = arith.constant dense<0.000000e+00> : vector<64x4096xf32>
    %dot_general3A_522 = tpu.matmul %concatenate3A_520, %concatenate3A_296, %dot_general3A_521 {dimension_numbers = #tpu.dot_dimension_numbers<[0], [0], [1], [1], [0, 1, 1, 1], [], []>, transpose_lhs_hint = false} : vector<129x64xf32>, vector<129x4096xf32>, vector<64x4096xf32> -> vector<64x4096xf32>
    %eq3A_523 = arith.constant 7 : i32
    %eq3A_524 = vector.broadcast %eq3A_523 : i32 to vector<1x4096xi32>
    %eq3A_525 = arith.cmpi eq, %get3A_288, %eq3A_524 : vector<1x4096xi32>
    %convert_element_type3A_526 = arith.extui %eq3A_525 : vector<1x4096xi1> to vector<1x4096xi32>
    %convert_element_type3A_527 = arith.sitofp %convert_element_type3A_526 : vector<1x4096xi32> to vector<1x4096xf32>
    %mul3A_528 = vector.broadcast %convert_element_type3A_527 : vector<1x4096xf32> to vector<64x4096xf32>
    %mul3A_529 = arith.mulf %mul3A_528, %dot_general3A_522 : vector<64x4096xf32>
    %add3A_530 = arith.addf %add3A_501, %mul3A_529 : vector<64x4096xf32>
    %ge3A_531 = arith.constant 0.000000e+00 : f32
    %ge3A_532 = vector.broadcast %ge3A_531 : f32 to vector<64x4096xf32>
    %ge3A_533 = arith.cmpf oge, %add3A_530, %ge3A_532 : vector<64x4096xf32>
    %mul3A_534 = vector.broadcast %get3A_290 : f32 to vector<64x4096xf32>
    %mul3A_535 = arith.mulf %mul3A_534, %add3A_530 : vector<64x4096xf32>
    %select_n3A_536 = arith.select %ge3A_533, %add3A_530, %mul3A_535 : vector<64x4096xi1>, vector<64x4096xf32>
    %get3A_537 = arith.constant 0 : index
    %get3A_538 = arith.constant 0 : index
    %get3A_539 = vector.load %arg0[%get3A_537, %get3A_538] : memref<64x4096xf32, #tpu.memory_space<vmem>>, vector<32x4096xf32>
    %get3A_540 = arith.constant 4 : index
    %get3A_541 = memref.load %arg23[%get3A_540] : memref<9xf32, #tpu.memory_space<smem>>
    %get3A_542 = arith.constant 5 : index
    %get3A_543 = memref.load %arg23[%get3A_542] : memref<9xf32, #tpu.memory_space<smem>>
    %broadcast_in_dim3A_544 = arith.constant 1.000000e+00 : f32
    %broadcast_in_dim3A_545 = vector.broadcast %broadcast_in_dim3A_544 : f32 to vector<1x4096xf32>
    %get3A_546 = arith.constant 0 : index
    %get3A_547 = arith.constant 0 : index
    %get3A_548 = vector.load %arg11[%get3A_546, %get3A_547] : memref<32x64xf32, #tpu.memory_space<vmem>>, vector<32x64xf32>
    %get3A_549 = arith.constant 0 : index
    %get3A_550 = arith.constant 0 : index
    %get3A_551 = vector.load %arg12[%get3A_549, %get3A_550] : memref<1x64xf32, #tpu.memory_space<vmem>>, vector<1x64xf32>
    %concatenate3A_552 = tpu.concatenate %get3A_548, %get3A_551 in 0 : vector<32x64xf32>, vector<1x64xf32> -> vector<33x64xf32>
    %concatenate3A_553 = tpu.concatenate %get3A_539, %broadcast_in_dim3A_545 in 0 : vector<32x4096xf32>, vector<1x4096xf32> -> vector<33x4096xf32>
    %dot_general3A_554 = arith.constant dense<0.000000e+00> : vector<64x4096xf32>
    %dot_general3A_555 = tpu.matmul %concatenate3A_552, %concatenate3A_553, %dot_general3A_554 {dimension_numbers = #tpu.dot_dimension_numbers<[0], [0], [1], [1], [0, 1, 1, 1], [], []>, transpose_lhs_hint = false} : vector<33x64xf32>, vector<33x4096xf32>, vector<64x4096xf32> -> vector<64x4096xf32>
    %ge3A_556 = arith.constant 0.000000e+00 : f32
    %ge3A_557 = vector.broadcast %ge3A_556 : f32 to vector<64x4096xf32>
    %ge3A_558 = arith.cmpf oge, %dot_general3A_555, %ge3A_557 : vector<64x4096xf32>
    %mul3A_559 = vector.broadcast %get3A_541 : f32 to vector<64x4096xf32>
    %mul3A_560 = arith.mulf %mul3A_559, %dot_general3A_555 : vector<64x4096xf32>
    %select_n3A_561 = arith.select %ge3A_558, %dot_general3A_555, %mul3A_560 : vector<64x4096xi1>, vector<64x4096xf32>
    %get3A_562 = arith.constant 0 : index
    %get3A_563 = arith.constant 0 : index
    %get3A_564 = vector.load %arg13[%get3A_562, %get3A_563] : memref<128x64xf32, #tpu.memory_space<vmem>>, vector<128x64xf32>
    %get3A_565 = arith.constant 0 : index
    %get3A_566 = arith.constant 0 : index
    %get3A_567 = vector.load %arg14[%get3A_565, %get3A_566] : memref<1x64xf32, #tpu.memory_space<vmem>>, vector<1x64xf32>
    %concatenate3A_568 = tpu.concatenate %get3A_564, %get3A_567 in 0 : vector<128x64xf32>, vector<1x64xf32> -> vector<129x64xf32>
    %concatenate3A_569 = tpu.concatenate %select_n3A_536, %select_n3A_561, %broadcast_in_dim3A_545 in 0 : vector<64x4096xf32>, vector<64x4096xf32>, vector<1x4096xf32> -> vector<129x4096xf32>
    %dot_general3A_570 = arith.constant dense<0.000000e+00> : vector<64x4096xf32>
    %dot_general3A_571 = tpu.matmul %concatenate3A_568, %concatenate3A_569, %dot_general3A_570 {dimension_numbers = #tpu.dot_dimension_numbers<[0], [0], [1], [1], [0, 1, 1, 1], [], []>, transpose_lhs_hint = false} : vector<129x64xf32>, vector<129x4096xf32>, vector<64x4096xf32> -> vector<64x4096xf32>
    %ge3A_572 = arith.constant 0.000000e+00 : f32
    %ge3A_573 = vector.broadcast %ge3A_572 : f32 to vector<64x4096xf32>
    %ge3A_574 = arith.cmpf oge, %dot_general3A_571, %ge3A_573 : vector<64x4096xf32>
    %mul3A_575 = vector.broadcast %get3A_543 : f32 to vector<64x4096xf32>
    %mul3A_576 = arith.mulf %mul3A_575, %dot_general3A_571 : vector<64x4096xf32>
    %select_n3A_577 = arith.select %ge3A_574, %dot_general3A_571, %mul3A_576 : vector<64x4096xi1>, vector<64x4096xf32>
    %swap3A_578 = arith.constant 64 : index
    %swap3A_579 = arith.constant 0 : index
    %swap3A_580 = vector.load %arg24[%swap3A_578, %swap3A_579] : memref<256x4096xf32, #tpu.memory_space<vmem>>, vector<64x4096xf32>
    tpu.vector_store %arg24[%swap3A_578, %swap3A_579], %select_n3A_577 {strides = array<i32>} : memref<256x4096xf32, #tpu.memory_space<vmem>>, vector<64x4096xf32>,
    %get3A_581 = arith.constant 2 : index
    %get3A_582 = arith.constant 0 : index
    %get3A_583 = vector.load %arg2[%get3A_581, %get3A_582] : memref<3x4096xi32, #tpu.memory_space<vmem>>, vector<1x4096xi32>
    %get3A_584 = arith.constant 6 : index
    %get3A_585 = memref.load %arg23[%get3A_584] : memref<9xf32, #tpu.memory_space<smem>>
    %slice3A_586 = vector.extract_strided_slice %select_n3A_577 {offsets = [0, 4], sizes = [64, 4092], strides = [1, 1]} : vector<64x4096xf32> to vector<64x4092xf32>
    %slice3A_587 = vector.extract_strided_slice %select_n3A_577 {offsets = [0, 0], sizes = [64, 4], strides = [1, 1]} : vector<64x4096xf32> to vector<64x4xf32>
    %concatenate3A_588 = tpu.concatenate %slice3A_586, %slice3A_587 in 1 : vector<64x4092xf32>, vector<64x4xf32> -> vector<64x4096xf32>
    %broadcast_in_dim3A_589 = arith.constant 1.000000e+00 : f32
    %broadcast_in_dim3A_590 = vector.broadcast %broadcast_in_dim3A_589 : f32 to vector<1x4096xf32>
    %concatenate3A_591 = tpu.concatenate %select_n3A_577, %concatenate3A_588, %broadcast_in_dim3A_590 in 0 : vector<64x4096xf32>, vector<64x4096xf32>, vector<1x4096xf32> -> vector<129x4096xf32>
    %broadcast_in_dim3A_592 = arith.constant 0.000000e+00 : f32
    %broadcast_in_dim3A_593 = vector.broadcast %broadcast_in_dim3A_592 : f32 to vector<128x4096xf32>
    %get3A_594 = arith.constant 0 : index
    %get3A_595 = memref.load %arg21[%get3A_594] : memref<8xi32, #tpu.memory_space<smem>>
    %mul3A_596 = arith.constant 128 : i32
    %mul3A_597 = arith.muli %get3A_595, %mul3A_596 : i32
    %get3A_598 = arith.index_cast %mul3A_597 : i32 to index
    %get3A_599 = arith.constant 0 : index
    %get3A_600 = vector.load %arg15[%get3A_598, %get3A_599] : memref<1024x128xf32, #tpu.memory_space<vmem>>, vector<128x128xf32>
    %slice3A_601 = vector.extract_strided_slice %get3A_600 {offsets = [64, 0], sizes = [64, 128], strides = [1, 1]} : vector<128x128xf32> to vector<64x128xf32>
    %slice3A_602 = vector.extract_strided_slice %get3A_600 {offsets = [0, 0], sizes = [64, 128], strides = [1, 1]} : vector<128x128xf32> to vector<64x128xf32>
    %concatenate3A_603 = tpu.concatenate %slice3A_601, %slice3A_602 in 0 : vector<64x128xf32>, vector<64x128xf32> -> vector<128x128xf32>
    %get3A_604 = arith.constant 0 : index
    %get3A_605 = memref.load %arg22[%get3A_604] : memref<8xi32, #tpu.memory_space<smem>>
    %eq3A_606 = arith.constant 1 : i32
    %eq3A_607 = arith.cmpi eq, %get3A_605, %eq3A_606 : i32
    %select_n3A_608 = arith.select %eq3A_607, %concatenate3A_603, %get3A_600 : vector<128x128xf32>
    %get3A_609 = arith.index_cast %get3A_595 : i32 to index
    %get3A_610 = arith.constant 0 : index
    %get3A_611 = vector.load %arg16[%get3A_609, %get3A_610] : memref<8x128xf32, #tpu.memory_space<vmem>>, vector<1x128xf32>
    %concatenate3A_612 = tpu.concatenate %select_n3A_608, %get3A_611 in 0 : vector<128x128xf32>, vector<1x128xf32> -> vector<129x128xf32>
    %dot_general3A_613 = arith.constant dense<0.000000e+00> : vector<128x4096xf32>
    %dot_general3A_614 = tpu.matmul %concatenate3A_612, %concatenate3A_591, %dot_general3A_613 {dimension_numbers = #tpu.dot_dimension_numbers<[0], [0], [1], [1], [0, 1, 1, 1], [], []>, transpose_lhs_hint = false} : vector<129x128xf32>, vector<129x4096xf32>, vector<128x4096xf32> -> vector<128x4096xf32>
    %eq3A_615 = arith.constant 0 : i32
    %eq3A_616 = vector.broadcast %eq3A_615 : i32 to vector<1x4096xi32>
    %eq3A_617 = arith.cmpi eq, %get3A_583, %eq3A_616 : vector<1x4096xi32>
    %convert_element_type3A_618 = arith.extui %eq3A_617 : vector<1x4096xi1> to vector<1x4096xi32>
    %convert_element_type3A_619 = arith.sitofp %convert_element_type3A_618 : vector<1x4096xi32> to vector<1x4096xf32>
    %mul3A_620 = vector.broadcast %convert_element_type3A_619 : vector<1x4096xf32> to vector<128x4096xf32>
    %mul3A_621 = arith.mulf %mul3A_620, %dot_general3A_614 : vector<128x4096xf32>
    %add3A_622 = arith.addf %broadcast_in_dim3A_593, %mul3A_621 : vector<128x4096xf32>
    %get3A_623 = arith.constant 1 : index
    %get3A_624 = memref.load %arg21[%get3A_623] : memref<8xi32, #tpu.memory_space<smem>>
    %mul3A_625 = arith.constant 128 : i32
    %mul3A_626 = arith.muli %get3A_624, %mul3A_625 : i32
    %get3A_627 = arith.index_cast %mul3A_626 : i32 to index
    %get3A_628 = arith.constant 0 : index
    %get3A_629 = vector.load %arg15[%get3A_627, %get3A_628] : memref<1024x128xf32, #tpu.memory_space<vmem>>, vector<128x128xf32>
    %slice3A_630 = vector.extract_strided_slice %get3A_629 {offsets = [64, 0], sizes = [64, 128], strides = [1, 1]} : vector<128x128xf32> to vector<64x128xf32>
    %slice3A_631 = vector.extract_strided_slice %get3A_629 {offsets = [0, 0], sizes = [64, 128], strides = [1, 1]} : vector<128x128xf32> to vector<64x128xf32>
    %concatenate3A_632 = tpu.concatenate %slice3A_630, %slice3A_631 in 0 : vector<64x128xf32>, vector<64x128xf32> -> vector<128x128xf32>
    %get3A_633 = arith.constant 1 : index
    %get3A_634 = memref.load %arg22[%get3A_633] : memref<8xi32, #tpu.memory_space<smem>>
    %eq3A_635 = arith.constant 1 : i32
    %eq3A_636 = arith.cmpi eq, %get3A_634, %eq3A_635 : i32
    %select_n3A_637 = arith.select %eq3A_636, %concatenate3A_632, %get3A_629 : vector<128x128xf32>
    %get3A_638 = arith.index_cast %get3A_624 : i32 to index
    %get3A_639 = arith.constant 0 : index
    %get3A_640 = vector.load %arg16[%get3A_638, %get3A_639] : memref<8x128xf32, #tpu.memory_space<vmem>>, vector<1x128xf32>
    %concatenate3A_641 = tpu.concatenate %select_n3A_637, %get3A_640 in 0 : vector<128x128xf32>, vector<1x128xf32> -> vector<129x128xf32>
    %dot_general3A_642 = arith.constant dense<0.000000e+00> : vector<128x4096xf32>
    %dot_general3A_643 = tpu.matmul %concatenate3A_641, %concatenate3A_591, %dot_general3A_642 {dimension_numbers = #tpu.dot_dimension_numbers<[0], [0], [1], [1], [0, 1, 1, 1], [], []>, transpose_lhs_hint = false} : vector<129x128xf32>, vector<129x4096xf32>, vector<128x4096xf32> -> vector<128x4096xf32>
    %eq3A_644 = arith.constant 1 : i32
    %eq3A_645 = vector.broadcast %eq3A_644 : i32 to vector<1x4096xi32>
    %eq3A_646 = arith.cmpi eq, %get3A_583, %eq3A_645 : vector<1x4096xi32>
    %convert_element_type3A_647 = arith.extui %eq3A_646 : vector<1x4096xi1> to vector<1x4096xi32>
    %convert_element_type3A_648 = arith.sitofp %convert_element_type3A_647 : vector<1x4096xi32> to vector<1x4096xf32>
    %mul3A_649 = vector.broadcast %convert_element_type3A_648 : vector<1x4096xf32> to vector<128x4096xf32>
    %mul3A_650 = arith.mulf %mul3A_649, %dot_general3A_643 : vector<128x4096xf32>
    %add3A_651 = arith.addf %add3A_622, %mul3A_650 : vector<128x4096xf32>
    %get3A_652 = arith.constant 2 : index
    %get3A_653 = memref.load %arg21[%get3A_652] : memref<8xi32, #tpu.memory_space<smem>>
    %mul3A_654 = arith.constant 128 : i32
    %mul3A_655 = arith.muli %get3A_653, %mul3A_654 : i32
    %get3A_656 = arith.index_cast %mul3A_655 : i32 to index
    %get3A_657 = arith.constant 0 : index
    %get3A_658 = vector.load %arg15[%get3A_656, %get3A_657] : memref<1024x128xf32, #tpu.memory_space<vmem>>, vector<128x128xf32>
    %slice3A_659 = vector.extract_strided_slice %get3A_658 {offsets = [64, 0], sizes = [64, 128], strides = [1, 1]} : vector<128x128xf32> to vector<64x128xf32>
    %slice3A_660 = vector.extract_strided_slice %get3A_658 {offsets = [0, 0], sizes = [64, 128], strides = [1, 1]} : vector<128x128xf32> to vector<64x128xf32>
    %concatenate3A_661 = tpu.concatenate %slice3A_659, %slice3A_660 in 0 : vector<64x128xf32>, vector<64x128xf32> -> vector<128x128xf32>
    %get3A_662 = arith.constant 2 : index
    %get3A_663 = memref.load %arg22[%get3A_662] : memref<8xi32, #tpu.memory_space<smem>>
    %eq3A_664 = arith.constant 1 : i32
    %eq3A_665 = arith.cmpi eq, %get3A_663, %eq3A_664 : i32
    %select_n3A_666 = arith.select %eq3A_665, %concatenate3A_661, %get3A_658 : vector<128x128xf32>
    %get3A_667 = arith.index_cast %get3A_653 : i32 to index
    %get3A_668 = arith.constant 0 : index
    %get3A_669 = vector.load %arg16[%get3A_667, %get3A_668] : memref<8x128xf32, #tpu.memory_space<vmem>>, vector<1x128xf32>
    %concatenate3A_670 = tpu.concatenate %select_n3A_666, %get3A_669 in 0 : vector<128x128xf32>, vector<1x128xf32> -> vector<129x128xf32>
    %dot_general3A_671 = arith.constant dense<0.000000e+00> : vector<128x4096xf32>
    %dot_general3A_672 = tpu.matmul %concatenate3A_670, %concatenate3A_591, %dot_general3A_671 {dimension_numbers = #tpu.dot_dimension_numbers<[0], [0], [1], [1], [0, 1, 1, 1], [], []>, transpose_lhs_hint = false} : vector<129x128xf32>, vector<129x4096xf32>, vector<128x4096xf32> -> vector<128x4096xf32>
    %eq3A_673 = arith.constant 2 : i32
    %eq3A_674 = vector.broadcast %eq3A_673 : i32 to vector<1x4096xi32>
    %eq3A_675 = arith.cmpi eq, %get3A_583, %eq3A_674 : vector<1x4096xi32>
    %convert_element_type3A_676 = arith.extui %eq3A_675 : vector<1x4096xi1> to vector<1x4096xi32>
    %convert_element_type3A_677 = arith.sitofp %convert_element_type3A_676 : vector<1x4096xi32> to vector<1x4096xf32>
    %mul3A_678 = vector.broadcast %convert_element_type3A_677 : vector<1x4096xf32> to vector<128x4096xf32>
    %mul3A_679 = arith.mulf %mul3A_678, %dot_general3A_672 : vector<128x4096xf32>
    %add3A_680 = arith.addf %add3A_651, %mul3A_679 : vector<128x4096xf32>
    %get3A_681 = arith.constant 3 : index
    %get3A_682 = memref.load %arg21[%get3A_681] : memref<8xi32, #tpu.memory_space<smem>>
    %mul3A_683 = arith.constant 128 : i32
    %mul3A_684 = arith.muli %get3A_682, %mul3A_683 : i32
    %get3A_685 = arith.index_cast %mul3A_684 : i32 to index
    %get3A_686 = arith.constant 0 : index
    %get3A_687 = vector.load %arg15[%get3A_685, %get3A_686] : memref<1024x128xf32, #tpu.memory_space<vmem>>, vector<128x128xf32>
    %slice3A_688 = vector.extract_strided_slice %get3A_687 {offsets = [64, 0], sizes = [64, 128], strides = [1, 1]} : vector<128x128xf32> to vector<64x128xf32>
    %slice3A_689 = vector.extract_strided_slice %get3A_687 {offsets = [0, 0], sizes = [64, 128], strides = [1, 1]} : vector<128x128xf32> to vector<64x128xf32>
    %concatenate3A_690 = tpu.concatenate %slice3A_688, %slice3A_689 in 0 : vector<64x128xf32>, vector<64x128xf32> -> vector<128x128xf32>
    %get3A_691 = arith.constant 3 : index
    %get3A_692 = memref.load %arg22[%get3A_691] : memref<8xi32, #tpu.memory_space<smem>>
    %eq3A_693 = arith.constant 1 : i32
    %eq3A_694 = arith.cmpi eq, %get3A_692, %eq3A_693 : i32
    %select_n3A_695 = arith.select %eq3A_694, %concatenate3A_690, %get3A_687 : vector<128x128xf32>
    %get3A_696 = arith.index_cast %get3A_682 : i32 to index
    %get3A_697 = arith.constant 0 : index
    %get3A_698 = vector.load %arg16[%get3A_696, %get3A_697] : memref<8x128xf32, #tpu.memory_space<vmem>>, vector<1x128xf32>
    %concatenate3A_699 = tpu.concatenate %select_n3A_695, %get3A_698 in 0 : vector<128x128xf32>, vector<1x128xf32> -> vector<129x128xf32>
    %dot_general3A_700 = arith.constant dense<0.000000e+00> : vector<128x4096xf32>
    %dot_general3A_701 = tpu.matmul %concatenate3A_699, %concatenate3A_591, %dot_general3A_700 {dimension_numbers = #tpu.dot_dimension_numbers<[0], [0], [1], [1], [0, 1, 1, 1], [], []>, transpose_lhs_hint = false} : vector<129x128xf32>, vector<129x4096xf32>, vector<128x4096xf32> -> vector<128x4096xf32>
    %eq3A_702 = arith.constant 3 : i32
    %eq3A_703 = vector.broadcast %eq3A_702 : i32 to vector<1x4096xi32>
    %eq3A_704 = arith.cmpi eq, %get3A_583, %eq3A_703 : vector<1x4096xi32>
    %convert_element_type3A_705 = arith.extui %eq3A_704 : vector<1x4096xi1> to vector<1x4096xi32>
    %convert_element_type3A_706 = arith.sitofp %convert_element_type3A_705 : vector<1x4096xi32> to vector<1x4096xf32>
    %mul3A_707 = vector.broadcast %convert_element_type3A_706 : vector<1x4096xf32> to vector<128x4096xf32>
    %mul3A_708 = arith.mulf %mul3A_707, %dot_general3A_701 : vector<128x4096xf32>
    %add3A_709 = arith.addf %add3A_680, %mul3A_708 : vector<128x4096xf32>
    %get3A_710 = arith.constant 4 : index
    %get3A_711 = memref.load %arg21[%get3A_710] : memref<8xi32, #tpu.memory_space<smem>>
    %mul3A_712 = arith.constant 128 : i32
    %mul3A_713 = arith.muli %get3A_711, %mul3A_712 : i32
    %get3A_714 = arith.index_cast %mul3A_713 : i32 to index
    %get3A_715 = arith.constant 0 : index
    %get3A_716 = vector.load %arg15[%get3A_714, %get3A_715] : memref<1024x128xf32, #tpu.memory_space<vmem>>, vector<128x128xf32>
    %slice3A_717 = vector.extract_strided_slice %get3A_716 {offsets = [64, 0], sizes = [64, 128], strides = [1, 1]} : vector<128x128xf32> to vector<64x128xf32>
    %slice3A_718 = vector.extract_strided_slice %get3A_716 {offsets = [0, 0], sizes = [64, 128], strides = [1, 1]} : vector<128x128xf32> to vector<64x128xf32>
    %concatenate3A_719 = tpu.concatenate %slice3A_717, %slice3A_718 in 0 : vector<64x128xf32>, vector<64x128xf32> -> vector<128x128xf32>
    %get3A_720 = arith.constant 4 : index
    %get3A_721 = memref.load %arg22[%get3A_720] : memref<8xi32, #tpu.memory_space<smem>>
    %eq3A_722 = arith.constant 1 : i32
    %eq3A_723 = arith.cmpi eq, %get3A_721, %eq3A_722 : i32
    %select_n3A_724 = arith.select %eq3A_723, %concatenate3A_719, %get3A_716 : vector<128x128xf32>
    %get3A_725 = arith.index_cast %get3A_711 : i32 to index
    %get3A_726 = arith.constant 0 : index
    %get3A_727 = vector.load %arg16[%get3A_725, %get3A_726] : memref<8x128xf32, #tpu.memory_space<vmem>>, vector<1x128xf32>
    %concatenate3A_728 = tpu.concatenate %select_n3A_724, %get3A_727 in 0 : vector<128x128xf32>, vector<1x128xf32> -> vector<129x128xf32>
    %dot_general3A_729 = arith.constant dense<0.000000e+00> : vector<128x4096xf32>
    %dot_general3A_730 = tpu.matmul %concatenate3A_728, %concatenate3A_591, %dot_general3A_729 {dimension_numbers = #tpu.dot_dimension_numbers<[0], [0], [1], [1], [0, 1, 1, 1], [], []>, transpose_lhs_hint = false} : vector<129x128xf32>, vector<129x4096xf32>, vector<128x4096xf32> -> vector<128x4096xf32>
    %eq3A_731 = arith.constant 4 : i32
    %eq3A_732 = vector.broadcast %eq3A_731 : i32 to vector<1x4096xi32>
    %eq3A_733 = arith.cmpi eq, %get3A_583, %eq3A_732 : vector<1x4096xi32>
    %convert_element_type3A_734 = arith.extui %eq3A_733 : vector<1x4096xi1> to vector<1x4096xi32>
    %convert_element_type3A_735 = arith.sitofp %convert_element_type3A_734 : vector<1x4096xi32> to vector<1x4096xf32>
    %mul3A_736 = vector.broadcast %convert_element_type3A_735 : vector<1x4096xf32> to vector<128x4096xf32>
    %mul3A_737 = arith.mulf %mul3A_736, %dot_general3A_730 : vector<128x4096xf32>
    %add3A_738 = arith.addf %add3A_709, %mul3A_737 : vector<128x4096xf32>
    %get3A_739 = arith.constant 5 : index
    %get3A_740 = memref.load %arg21[%get3A_739] : memref<8xi32, #tpu.memory_space<smem>>
    %mul3A_741 = arith.constant 128 : i32
    %mul3A_742 = arith.muli %get3A_740, %mul3A_741 : i32
    %get3A_743 = arith.index_cast %mul3A_742 : i32 to index
    %get3A_744 = arith.constant 0 : index
    %get3A_745 = vector.load %arg15[%get3A_743, %get3A_744] : memref<1024x128xf32, #tpu.memory_space<vmem>>, vector<128x128xf32>
    %slice3A_746 = vector.extract_strided_slice %get3A_745 {offsets = [64, 0], sizes = [64, 128], strides = [1, 1]} : vector<128x128xf32> to vector<64x128xf32>
    %slice3A_747 = vector.extract_strided_slice %get3A_745 {offsets = [0, 0], sizes = [64, 128], strides = [1, 1]} : vector<128x128xf32> to vector<64x128xf32>
    %concatenate3A_748 = tpu.concatenate %slice3A_746, %slice3A_747 in 0 : vector<64x128xf32>, vector<64x128xf32> -> vector<128x128xf32>
    %get3A_749 = arith.constant 5 : index
    %get3A_750 = memref.load %arg22[%get3A_749] : memref<8xi32, #tpu.memory_space<smem>>
    %eq3A_751 = arith.constant 1 : i32
    %eq3A_752 = arith.cmpi eq, %get3A_750, %eq3A_751 : i32
    %select_n3A_753 = arith.select %eq3A_752, %concatenate3A_748, %get3A_745 : vector<128x128xf32>
    %get3A_754 = arith.index_cast %get3A_740 : i32 to index
    %get3A_755 = arith.constant 0 : index
    %get3A_756 = vector.load %arg16[%get3A_754, %get3A_755] : memref<8x128xf32, #tpu.memory_space<vmem>>, vector<1x128xf32>
    %concatenate3A_757 = tpu.concatenate %select_n3A_753, %get3A_756 in 0 : vector<128x128xf32>, vector<1x128xf32> -> vector<129x128xf32>
    %dot_general3A_758 = arith.constant dense<0.000000e+00> : vector<128x4096xf32>
    %dot_general3A_759 = tpu.matmul %concatenate3A_757, %concatenate3A_591, %dot_general3A_758 {dimension_numbers = #tpu.dot_dimension_numbers<[0], [0], [1], [1], [0, 1, 1, 1], [], []>, transpose_lhs_hint = false} : vector<129x128xf32>, vector<129x4096xf32>, vector<128x4096xf32> -> vector<128x4096xf32>
    %eq3A_760 = arith.constant 5 : i32
    %eq3A_761 = vector.broadcast %eq3A_760 : i32 to vector<1x4096xi32>
    %eq3A_762 = arith.cmpi eq, %get3A_583, %eq3A_761 : vector<1x4096xi32>
    %convert_element_type3A_763 = arith.extui %eq3A_762 : vector<1x4096xi1> to vector<1x4096xi32>
    %convert_element_type3A_764 = arith.sitofp %convert_element_type3A_763 : vector<1x4096xi32> to vector<1x4096xf32>
    %mul3A_765 = vector.broadcast %convert_element_type3A_764 : vector<1x4096xf32> to vector<128x4096xf32>
    %mul3A_766 = arith.mulf %mul3A_765, %dot_general3A_759 : vector<128x4096xf32>
    %add3A_767 = arith.addf %add3A_738, %mul3A_766 : vector<128x4096xf32>
    %get3A_768 = arith.constant 6 : index
    %get3A_769 = memref.load %arg21[%get3A_768] : memref<8xi32, #tpu.memory_space<smem>>
    %mul3A_770 = arith.constant 128 : i32
    %mul3A_771 = arith.muli %get3A_769, %mul3A_770 : i32
    %get3A_772 = arith.index_cast %mul3A_771 : i32 to index
    %get3A_773 = arith.constant 0 : index
    %get3A_774 = vector.load %arg15[%get3A_772, %get3A_773] : memref<1024x128xf32, #tpu.memory_space<vmem>>, vector<128x128xf32>
    %slice3A_775 = vector.extract_strided_slice %get3A_774 {offsets = [64, 0], sizes = [64, 128], strides = [1, 1]} : vector<128x128xf32> to vector<64x128xf32>
    %slice3A_776 = vector.extract_strided_slice %get3A_774 {offsets = [0, 0], sizes = [64, 128], strides = [1, 1]} : vector<128x128xf32> to vector<64x128xf32>
    %concatenate3A_777 = tpu.concatenate %slice3A_775, %slice3A_776 in 0 : vector<64x128xf32>, vector<64x128xf32> -> vector<128x128xf32>
    %get3A_778 = arith.constant 6 : index
    %get3A_779 = memref.load %arg22[%get3A_778] : memref<8xi32, #tpu.memory_space<smem>>
    %eq3A_780 = arith.constant 1 : i32
    %eq3A_781 = arith.cmpi eq, %get3A_779, %eq3A_780 : i32
    %select_n3A_782 = arith.select %eq3A_781, %concatenate3A_777, %get3A_774 : vector<128x128xf32>
    %get3A_783 = arith.index_cast %get3A_769 : i32 to index
    %get3A_784 = arith.constant 0 : index
    %get3A_785 = vector.load %arg16[%get3A_783, %get3A_784] : memref<8x128xf32, #tpu.memory_space<vmem>>, vector<1x128xf32>
    %concatenate3A_786 = tpu.concatenate %select_n3A_782, %get3A_785 in 0 : vector<128x128xf32>, vector<1x128xf32> -> vector<129x128xf32>
    %dot_general3A_787 = arith.constant dense<0.000000e+00> : vector<128x4096xf32>
    %dot_general3A_788 = tpu.matmul %concatenate3A_786, %concatenate3A_591, %dot_general3A_787 {dimension_numbers = #tpu.dot_dimension_numbers<[0], [0], [1], [1], [0, 1, 1, 1], [], []>, transpose_lhs_hint = false} : vector<129x128xf32>, vector<129x4096xf32>, vector<128x4096xf32> -> vector<128x4096xf32>
    %eq3A_789 = arith.constant 6 : i32
    %eq3A_790 = vector.broadcast %eq3A_789 : i32 to vector<1x4096xi32>
    %eq3A_791 = arith.cmpi eq, %get3A_583, %eq3A_790 : vector<1x4096xi32>
    %convert_element_type3A_792 = arith.extui %eq3A_791 : vector<1x4096xi1> to vector<1x4096xi32>
    %convert_element_type3A_793 = arith.sitofp %convert_element_type3A_792 : vector<1x4096xi32> to vector<1x4096xf32>
    %mul3A_794 = vector.broadcast %convert_element_type3A_793 : vector<1x4096xf32> to vector<128x4096xf32>
    %mul3A_795 = arith.mulf %mul3A_794, %dot_general3A_788 : vector<128x4096xf32>
    %add3A_796 = arith.addf %add3A_767, %mul3A_795 : vector<128x4096xf32>
    %get3A_797 = arith.constant 7 : index
    %get3A_798 = memref.load %arg21[%get3A_797] : memref<8xi32, #tpu.memory_space<smem>>
    %mul3A_799 = arith.constant 128 : i32
    %mul3A_800 = arith.muli %get3A_798, %mul3A_799 : i32
    %get3A_801 = arith.index_cast %mul3A_800 : i32 to index
    %get3A_802 = arith.constant 0 : index
    %get3A_803 = vector.load %arg15[%get3A_801, %get3A_802] : memref<1024x128xf32, #tpu.memory_space<vmem>>, vector<128x128xf32>
    %slice3A_804 = vector.extract_strided_slice %get3A_803 {offsets = [64, 0], sizes = [64, 128], strides = [1, 1]} : vector<128x128xf32> to vector<64x128xf32>
    %slice3A_805 = vector.extract_strided_slice %get3A_803 {offsets = [0, 0], sizes = [64, 128], strides = [1, 1]} : vector<128x128xf32> to vector<64x128xf32>
    %concatenate3A_806 = tpu.concatenate %slice3A_804, %slice3A_805 in 0 : vector<64x128xf32>, vector<64x128xf32> -> vector<128x128xf32>
    %get3A_807 = arith.constant 7 : index
    %get3A_808 = memref.load %arg22[%get3A_807] : memref<8xi32, #tpu.memory_space<smem>>
    %eq3A_809 = arith.constant 1 : i32
    %eq3A_810 = arith.cmpi eq, %get3A_808, %eq3A_809 : i32
    %select_n3A_811 = arith.select %eq3A_810, %concatenate3A_806, %get3A_803 : vector<128x128xf32>
    %get3A_812 = arith.index_cast %get3A_798 : i32 to index
    %get3A_813 = arith.constant 0 : index
    %get3A_814 = vector.load %arg16[%get3A_812, %get3A_813] : memref<8x128xf32, #tpu.memory_space<vmem>>, vector<1x128xf32>
    %concatenate3A_815 = tpu.concatenate %select_n3A_811, %get3A_814 in 0 : vector<128x128xf32>, vector<1x128xf32> -> vector<129x128xf32>
    %dot_general3A_816 = arith.constant dense<0.000000e+00> : vector<128x4096xf32>
    %dot_general3A_817 = tpu.matmul %concatenate3A_815, %concatenate3A_591, %dot_general3A_816 {dimension_numbers = #tpu.dot_dimension_numbers<[0], [0], [1], [1], [0, 1, 1, 1], [], []>, transpose_lhs_hint = false} : vector<129x128xf32>, vector<129x4096xf32>, vector<128x4096xf32> -> vector<128x4096xf32>
    %eq3A_818 = arith.constant 7 : i32
    %eq3A_819 = vector.broadcast %eq3A_818 : i32 to vector<1x4096xi32>
    %eq3A_820 = arith.cmpi eq, %get3A_583, %eq3A_819 : vector<1x4096xi32>
    %convert_element_type3A_821 = arith.extui %eq3A_820 : vector<1x4096xi1> to vector<1x4096xi32>
    %convert_element_type3A_822 = arith.sitofp %convert_element_type3A_821 : vector<1x4096xi32> to vector<1x4096xf32>
    %mul3A_823 = vector.broadcast %convert_element_type3A_822 : vector<1x4096xf32> to vector<128x4096xf32>
    %mul3A_824 = arith.mulf %mul3A_823, %dot_general3A_817 : vector<128x4096xf32>
    %add3A_825 = arith.addf %add3A_796, %mul3A_824 : vector<128x4096xf32>
    %ge3A_826 = arith.constant 0.000000e+00 : f32
    %ge3A_827 = vector.broadcast %ge3A_826 : f32 to vector<128x4096xf32>
    %ge3A_828 = arith.cmpf oge, %add3A_825, %ge3A_827 : vector<128x4096xf32>
    %mul3A_829 = vector.broadcast %get3A_585 : f32 to vector<128x4096xf32>
    %mul3A_830 = arith.mulf %mul3A_829, %add3A_825 : vector<128x4096xf32>
    %select_n3A_831 = arith.select %ge3A_828, %add3A_825, %mul3A_830 : vector<128x4096xi1>, vector<128x4096xf32>
    %get3A_832 = arith.constant 32 : index
    %get3A_833 = arith.constant 0 : index
    %get3A_834 = vector.load %arg0[%get3A_832, %get3A_833] : memref<64x4096xf32, #tpu.memory_space<vmem>>, vector<32x4096xf32>
    %get3A_835 = arith.constant 7 : index
    %get3A_836 = memref.load %arg23[%get3A_835] : memref<9xf32, #tpu.memory_space<smem>>
    %get3A_837 = arith.constant 8 : index
    %get3A_838 = memref.load %arg23[%get3A_837] : memref<9xf32, #tpu.memory_space<smem>>
    %broadcast_in_dim3A_839 = arith.constant 1.000000e+00 : f32
    %broadcast_in_dim3A_840 = vector.broadcast %broadcast_in_dim3A_839 : f32 to vector<1x4096xf32>
    %get3A_841 = arith.constant 0 : index
    %get3A_842 = arith.constant 0 : index
    %get3A_843 = vector.load %arg17[%get3A_841, %get3A_842] : memref<32x128xf32, #tpu.memory_space<vmem>>, vector<32x128xf32>
    %get3A_844 = arith.constant 0 : index
    %get3A_845 = arith.constant 0 : index
    %get3A_846 = vector.load %arg18[%get3A_844, %get3A_845] : memref<1x128xf32, #tpu.memory_space<vmem>>, vector<1x128xf32>
    %concatenate3A_847 = tpu.concatenate %get3A_843, %get3A_846 in 0 : vector<32x128xf32>, vector<1x128xf32> -> vector<33x128xf32>
    %concatenate3A_848 = tpu.concatenate %get3A_834, %broadcast_in_dim3A_840 in 0 : vector<32x4096xf32>, vector<1x4096xf32> -> vector<33x4096xf32>
    %dot_general3A_849 = arith.constant dense<0.000000e+00> : vector<128x4096xf32>
    %dot_general3A_850 = tpu.matmul %concatenate3A_847, %concatenate3A_848, %dot_general3A_849 {dimension_numbers = #tpu.dot_dimension_numbers<[0], [0], [1], [1], [0, 1, 1, 1], [], []>, transpose_lhs_hint = false} : vector<33x128xf32>, vector<33x4096xf32>, vector<128x4096xf32> -> vector<128x4096xf32>
    %ge3A_851 = arith.constant 0.000000e+00 : f32
    %ge3A_852 = vector.broadcast %ge3A_851 : f32 to vector<128x4096xf32>
    %ge3A_853 = arith.cmpf oge, %dot_general3A_850, %ge3A_852 : vector<128x4096xf32>
    %mul3A_854 = vector.broadcast %get3A_836 : f32 to vector<128x4096xf32>
    %mul3A_855 = arith.mulf %mul3A_854, %dot_general3A_850 : vector<128x4096xf32>
    %select_n3A_856 = arith.select %ge3A_853, %dot_general3A_850, %mul3A_855 : vector<128x4096xi1>, vector<128x4096xf32>
    %get3A_857 = arith.constant 0 : index
    %get3A_858 = arith.constant 0 : index
    %get3A_859 = vector.load %arg19[%get3A_857, %get3A_858] : memref<256x128xf32, #tpu.memory_space<vmem>>, vector<256x128xf32>
    %get3A_860 = arith.constant 0 : index
    %get3A_861 = arith.constant 0 : index
    %get3A_862 = vector.load %arg20[%get3A_860, %get3A_861] : memref<1x128xf32, #tpu.memory_space<vmem>>, vector<1x128xf32>
    %concatenate3A_863 = tpu.concatenate %get3A_859, %get3A_862 in 0 : vector<256x128xf32>, vector<1x128xf32> -> vector<257x128xf32>
    %concatenate3A_864 = tpu.concatenate %select_n3A_831, %select_n3A_856, %broadcast_in_dim3A_840 in 0 : vector<128x4096xf32>, vector<128x4096xf32>, vector<1x4096xf32> -> vector<257x4096xf32>
    %dot_general3A_865 = arith.constant dense<0.000000e+00> : vector<128x4096xf32>
    %dot_general3A_866 = tpu.matmul %concatenate3A_863, %concatenate3A_864, %dot_general3A_865 {dimension_numbers = #tpu.dot_dimension_numbers<[0], [0], [1], [1], [0, 1, 1, 1], [], []>, transpose_lhs_hint = false} : vector<257x128xf32>, vector<257x4096xf32>, vector<128x4096xf32> -> vector<128x4096xf32>
    %ge3A_867 = arith.constant 0.000000e+00 : f32
    %ge3A_868 = vector.broadcast %ge3A_867 : f32 to vector<128x4096xf32>
    %ge3A_869 = arith.cmpf oge, %dot_general3A_866, %ge3A_868 : vector<128x4096xf32>
    %mul3A_870 = vector.broadcast %get3A_838 : f32 to vector<128x4096xf32>
    %mul3A_871 = arith.mulf %mul3A_870, %dot_general3A_866 : vector<128x4096xf32>
    %select_n3A_872 = arith.select %ge3A_869, %dot_general3A_866, %mul3A_871 : vector<128x4096xi1>, vector<128x4096xf32>
    %swap3A_873 = arith.constant 128 : index
    %swap3A_874 = arith.constant 0 : index
    %swap3A_875 = vector.load %arg24[%swap3A_873, %swap3A_874] : memref<256x4096xf32, #tpu.memory_space<vmem>>, vector<128x4096xf32>
    tpu.vector_store %arg24[%swap3A_873, %swap3A_874], %select_n3A_872 {strides = array<i32>} : memref<256x4096xf32, #tpu.memory_space<vmem>>, vector<128x4096xf32>,
    return
  }
}

module attributes {stable_mosaic.version = 14 : i64} {
  func.func @_body_d(%arg0: memref<256x512xf32, #tpu.memory_space<vmem>>, %arg1: memref<5x512xi32, #tpu.memory_space<vmem>>, %arg2: memref<16x512xf32, #tpu.memory_space<vmem>>, %arg3: memref<2048x128xf32, #tpu.memory_space<vmem>>, %arg4: memref<8x128xf32, #tpu.memory_space<vmem>>, %arg5: memref<64x128xf32, #tpu.memory_space<vmem>>, %arg6: memref<1x128xf32, #tpu.memory_space<vmem>>, %arg7: memref<256x128xf32, #tpu.memory_space<vmem>>, %arg8: memref<1x128xf32, #tpu.memory_space<vmem>>, %arg9: memref<2048x128xf32, #tpu.memory_space<vmem>>, %arg10: memref<8x128xf32, #tpu.memory_space<vmem>>, %arg11: memref<64x128xf32, #tpu.memory_space<vmem>>, %arg12: memref<1x128xf32, #tpu.memory_space<vmem>>, %arg13: memref<256x128xf32, #tpu.memory_space<vmem>>, %arg14: memref<1x128xf32, #tpu.memory_space<vmem>>, %arg15: memref<2048x128xf32, #tpu.memory_space<vmem>>, %arg16: memref<8x128xf32, #tpu.memory_space<vmem>>, %arg17: memref<128x128xf32, #tpu.memory_space<vmem>>, %arg18: memref<1x128xf32, #tpu.memory_space<vmem>>, %arg19: memref<256x128xf32, #tpu.memory_space<vmem>>, %arg20: memref<1x128xf32, #tpu.memory_space<vmem>>, %arg21: memref<2048x128xf32, #tpu.memory_space<vmem>>, %arg22: memref<8x128xf32, #tpu.memory_space<vmem>>, %arg23: memref<128x128xf32, #tpu.memory_space<vmem>>, %arg24: memref<1x128xf32, #tpu.memory_space<vmem>>, %arg25: memref<256x128xf32, #tpu.memory_space<vmem>>, %arg26: memref<1x128xf32, #tpu.memory_space<vmem>>, %arg27: memref<2048x128xf32, #tpu.memory_space<vmem>>, %arg28: memref<8x128xf32, #tpu.memory_space<vmem>>, %arg29: memref<128x128xf32, #tpu.memory_space<vmem>>, %arg30: memref<1x128xf32, #tpu.memory_space<vmem>>, %arg31: memref<256x128xf32, #tpu.memory_space<vmem>>, %arg32: memref<1x128xf32, #tpu.memory_space<vmem>>, %arg33: memref<8xi32, #tpu.memory_space<smem>>, %arg34: memref<8xi32, #tpu.memory_space<smem>>, %arg35: memref<15xf32, #tpu.memory_space<smem>>, %arg36: memref<16x128xf32, #tpu.memory_space<vmem>>) attributes {dimension_semantics = [], scalar_prefetch = 0 : i64, scratch_operands = 0 : i64, tpu.core_type = #tpu.core_type<tc>} {
    %get3A = arith.constant 128 : index
    %get3A_0 = arith.constant 0 : index
    %get3A_1 = vector.load %arg0[%get3A, %get3A_0] : memref<256x512xf32, #tpu.memory_space<vmem>>, vector<128x512xf32>
    %get3A_2 = arith.constant 0 : index
    %get3A_3 = arith.constant 0 : index
    %get3A_4 = vector.load %arg1[%get3A_2, %get3A_3] : memref<5x512xi32, #tpu.memory_space<vmem>>, vector<1x512xi32>
    %get3A_5 = arith.constant 0 : index
    %get3A_6 = memref.load %arg35[%get3A_5] : memref<15xf32, #tpu.memory_space<smem>>
    %slice3A = vector.extract_strided_slice %get3A_1 {offsets = [0, 1], sizes = [128, 511], strides = [1, 1]} : vector<128x512xf32> to vector<128x511xf32>
    %slice3A_7 = vector.extract_strided_slice %get3A_1 {offsets = [0, 0], sizes = [128, 1], strides = [1, 1]} : vector<128x512xf32> to vector<128x1xf32>
    %concatenate3A = tpu.concatenate %slice3A, %slice3A_7 in 1 : vector<128x511xf32>, vector<128x1xf32> -> vector<128x512xf32>
    %broadcast_in_dim3A = arith.constant 1.000000e+00 : f32
    %broadcast_in_dim3A_8 = vector.broadcast %broadcast_in_dim3A : f32 to vector<1x512xf32>
    %concatenate3A_9 = tpu.concatenate %get3A_1, %concatenate3A, %broadcast_in_dim3A_8 in 0 : vector<128x512xf32>, vector<128x512xf32>, vector<1x512xf32> -> vector<257x512xf32>
    %broadcast_in_dim3A_10 = arith.constant 0.000000e+00 : f32
    %broadcast_in_dim3A_11 = vector.broadcast %broadcast_in_dim3A_10 : f32 to vector<128x512xf32>
    %get3A_12 = arith.constant 0 : index
    %get3A_13 = memref.load %arg33[%get3A_12] : memref<8xi32, #tpu.memory_space<smem>>
    %mul3A = arith.constant 256 : i32
    %mul3A_14 = arith.muli %get3A_13, %mul3A : i32
    %get3A_15 = arith.index_cast %mul3A_14 : i32 to index
    %get3A_16 = arith.constant 0 : index
    %get3A_17 = vector.load %arg3[%get3A_15, %get3A_16] : memref<2048x128xf32, #tpu.memory_space<vmem>>, vector<256x128xf32>
    %slice3A_18 = vector.extract_strided_slice %get3A_17 {offsets = [128, 0], sizes = [128, 128], strides = [1, 1]} : vector<256x128xf32> to vector<128x128xf32>
    %slice3A_19 = vector.extract_strided_slice %get3A_17 {offsets = [0, 0], sizes = [128, 128], strides = [1, 1]} : vector<256x128xf32> to vector<128x128xf32>
    %concatenate3A_20 = tpu.concatenate %slice3A_18, %slice3A_19 in 0 : vector<128x128xf32>, vector<128x128xf32> -> vector<256x128xf32>
    %get3A_21 = arith.constant 0 : index
    %get3A_22 = memref.load %arg34[%get3A_21] : memref<8xi32, #tpu.memory_space<smem>>
    %eq3A = arith.constant 1 : i32
    %eq3A_23 = arith.cmpi eq, %get3A_22, %eq3A : i32
    %select_n3A = arith.select %eq3A_23, %concatenate3A_20, %get3A_17 : vector<256x128xf32>
    %get3A_24 = arith.index_cast %get3A_13 : i32 to index
    %get3A_25 = arith.constant 0 : index
    %get3A_26 = vector.load %arg4[%get3A_24, %get3A_25] : memref<8x128xf32, #tpu.memory_space<vmem>>, vector<1x128xf32>
    %concatenate3A_27 = tpu.concatenate %select_n3A, %get3A_26 in 0 : vector<256x128xf32>, vector<1x128xf32> -> vector<257x128xf32>
    %dot_general3A = arith.constant dense<0.000000e+00> : vector<128x512xf32>
    %dot_general3A_28 = tpu.matmul %concatenate3A_27, %concatenate3A_9, %dot_general3A {dimension_numbers = #tpu.dot_dimension_numbers<[0], [0], [1], [1], [0, 1, 1, 1], [], []>, transpose_lhs_hint = false} : vector<257x128xf32>, vector<257x512xf32>, vector<128x512xf32> -> vector<128x512xf32>
    %eq3A_29 = arith.constant 0 : i32
    %eq3A_30 = vector.broadcast %eq3A_29 : i32 to vector<1x512xi32>
    %eq3A_31 = arith.cmpi eq, %get3A_4, %eq3A_30 : vector<1x512xi32>
    %convert_element_type3A = arith.extui %eq3A_31 : vector<1x512xi1> to vector<1x512xi32>
    %convert_element_type3A_32 = arith.sitofp %convert_element_type3A : vector<1x512xi32> to vector<1x512xf32>
    %mul3A_33 = vector.broadcast %convert_element_type3A_32 : vector<1x512xf32> to vector<128x512xf32>
    %mul3A_34 = arith.mulf %mul3A_33, %dot_general3A_28 : vector<128x512xf32>
    %add3A = arith.addf %broadcast_in_dim3A_11, %mul3A_34 : vector<128x512xf32>
    %get3A_35 = arith.constant 1 : index
    %get3A_36 = memref.load %arg33[%get3A_35] : memref<8xi32, #tpu.memory_space<smem>>
    %mul3A_37 = arith.constant 256 : i32
    %mul3A_38 = arith.muli %get3A_36, %mul3A_37 : i32
    %get3A_39 = arith.index_cast %mul3A_38 : i32 to index
    %get3A_40 = arith.constant 0 : index
    %get3A_41 = vector.load %arg3[%get3A_39, %get3A_40] : memref<2048x128xf32, #tpu.memory_space<vmem>>, vector<256x128xf32>
    %slice3A_42 = vector.extract_strided_slice %get3A_41 {offsets = [128, 0], sizes = [128, 128], strides = [1, 1]} : vector<256x128xf32> to vector<128x128xf32>
    %slice3A_43 = vector.extract_strided_slice %get3A_41 {offsets = [0, 0], sizes = [128, 128], strides = [1, 1]} : vector<256x128xf32> to vector<128x128xf32>
    %concatenate3A_44 = tpu.concatenate %slice3A_42, %slice3A_43 in 0 : vector<128x128xf32>, vector<128x128xf32> -> vector<256x128xf32>
    %get3A_45 = arith.constant 1 : index
    %get3A_46 = memref.load %arg34[%get3A_45] : memref<8xi32, #tpu.memory_space<smem>>
    %eq3A_47 = arith.constant 1 : i32
    %eq3A_48 = arith.cmpi eq, %get3A_46, %eq3A_47 : i32
    %select_n3A_49 = arith.select %eq3A_48, %concatenate3A_44, %get3A_41 : vector<256x128xf32>
    %get3A_50 = arith.index_cast %get3A_36 : i32 to index
    %get3A_51 = arith.constant 0 : index
    %get3A_52 = vector.load %arg4[%get3A_50, %get3A_51] : memref<8x128xf32, #tpu.memory_space<vmem>>, vector<1x128xf32>
    %concatenate3A_53 = tpu.concatenate %select_n3A_49, %get3A_52 in 0 : vector<256x128xf32>, vector<1x128xf32> -> vector<257x128xf32>
    %dot_general3A_54 = arith.constant dense<0.000000e+00> : vector<128x512xf32>
    %dot_general3A_55 = tpu.matmul %concatenate3A_53, %concatenate3A_9, %dot_general3A_54 {dimension_numbers = #tpu.dot_dimension_numbers<[0], [0], [1], [1], [0, 1, 1, 1], [], []>, transpose_lhs_hint = false} : vector<257x128xf32>, vector<257x512xf32>, vector<128x512xf32> -> vector<128x512xf32>
    %eq3A_56 = arith.constant 1 : i32
    %eq3A_57 = vector.broadcast %eq3A_56 : i32 to vector<1x512xi32>
    %eq3A_58 = arith.cmpi eq, %get3A_4, %eq3A_57 : vector<1x512xi32>
    %convert_element_type3A_59 = arith.extui %eq3A_58 : vector<1x512xi1> to vector<1x512xi32>
    %convert_element_type3A_60 = arith.sitofp %convert_element_type3A_59 : vector<1x512xi32> to vector<1x512xf32>
    %mul3A_61 = vector.broadcast %convert_element_type3A_60 : vector<1x512xf32> to vector<128x512xf32>
    %mul3A_62 = arith.mulf %mul3A_61, %dot_general3A_55 : vector<128x512xf32>
    %add3A_63 = arith.addf %add3A, %mul3A_62 : vector<128x512xf32>
    %get3A_64 = arith.constant 2 : index
    %get3A_65 = memref.load %arg33[%get3A_64] : memref<8xi32, #tpu.memory_space<smem>>
    %mul3A_66 = arith.constant 256 : i32
    %mul3A_67 = arith.muli %get3A_65, %mul3A_66 : i32
    %get3A_68 = arith.index_cast %mul3A_67 : i32 to index
    %get3A_69 = arith.constant 0 : index
    %get3A_70 = vector.load %arg3[%get3A_68, %get3A_69] : memref<2048x128xf32, #tpu.memory_space<vmem>>, vector<256x128xf32>
    %slice3A_71 = vector.extract_strided_slice %get3A_70 {offsets = [128, 0], sizes = [128, 128], strides = [1, 1]} : vector<256x128xf32> to vector<128x128xf32>
    %slice3A_72 = vector.extract_strided_slice %get3A_70 {offsets = [0, 0], sizes = [128, 128], strides = [1, 1]} : vector<256x128xf32> to vector<128x128xf32>
    %concatenate3A_73 = tpu.concatenate %slice3A_71, %slice3A_72 in 0 : vector<128x128xf32>, vector<128x128xf32> -> vector<256x128xf32>
    %get3A_74 = arith.constant 2 : index
    %get3A_75 = memref.load %arg34[%get3A_74] : memref<8xi32, #tpu.memory_space<smem>>
    %eq3A_76 = arith.constant 1 : i32
    %eq3A_77 = arith.cmpi eq, %get3A_75, %eq3A_76 : i32
    %select_n3A_78 = arith.select %eq3A_77, %concatenate3A_73, %get3A_70 : vector<256x128xf32>
    %get3A_79 = arith.index_cast %get3A_65 : i32 to index
    %get3A_80 = arith.constant 0 : index
    %get3A_81 = vector.load %arg4[%get3A_79, %get3A_80] : memref<8x128xf32, #tpu.memory_space<vmem>>, vector<1x128xf32>
    %concatenate3A_82 = tpu.concatenate %select_n3A_78, %get3A_81 in 0 : vector<256x128xf32>, vector<1x128xf32> -> vector<257x128xf32>
    %dot_general3A_83 = arith.constant dense<0.000000e+00> : vector<128x512xf32>
    %dot_general3A_84 = tpu.matmul %concatenate3A_82, %concatenate3A_9, %dot_general3A_83 {dimension_numbers = #tpu.dot_dimension_numbers<[0], [0], [1], [1], [0, 1, 1, 1], [], []>, transpose_lhs_hint = false} : vector<257x128xf32>, vector<257x512xf32>, vector<128x512xf32> -> vector<128x512xf32>
    %eq3A_85 = arith.constant 2 : i32
    %eq3A_86 = vector.broadcast %eq3A_85 : i32 to vector<1x512xi32>
    %eq3A_87 = arith.cmpi eq, %get3A_4, %eq3A_86 : vector<1x512xi32>
    %convert_element_type3A_88 = arith.extui %eq3A_87 : vector<1x512xi1> to vector<1x512xi32>
    %convert_element_type3A_89 = arith.sitofp %convert_element_type3A_88 : vector<1x512xi32> to vector<1x512xf32>
    %mul3A_90 = vector.broadcast %convert_element_type3A_89 : vector<1x512xf32> to vector<128x512xf32>
    %mul3A_91 = arith.mulf %mul3A_90, %dot_general3A_84 : vector<128x512xf32>
    %add3A_92 = arith.addf %add3A_63, %mul3A_91 : vector<128x512xf32>
    %get3A_93 = arith.constant 3 : index
    %get3A_94 = memref.load %arg33[%get3A_93] : memref<8xi32, #tpu.memory_space<smem>>
    %mul3A_95 = arith.constant 256 : i32
    %mul3A_96 = arith.muli %get3A_94, %mul3A_95 : i32
    %get3A_97 = arith.index_cast %mul3A_96 : i32 to index
    %get3A_98 = arith.constant 0 : index
    %get3A_99 = vector.load %arg3[%get3A_97, %get3A_98] : memref<2048x128xf32, #tpu.memory_space<vmem>>, vector<256x128xf32>
    %slice3A_100 = vector.extract_strided_slice %get3A_99 {offsets = [128, 0], sizes = [128, 128], strides = [1, 1]} : vector<256x128xf32> to vector<128x128xf32>
    %slice3A_101 = vector.extract_strided_slice %get3A_99 {offsets = [0, 0], sizes = [128, 128], strides = [1, 1]} : vector<256x128xf32> to vector<128x128xf32>
    %concatenate3A_102 = tpu.concatenate %slice3A_100, %slice3A_101 in 0 : vector<128x128xf32>, vector<128x128xf32> -> vector<256x128xf32>
    %get3A_103 = arith.constant 3 : index
    %get3A_104 = memref.load %arg34[%get3A_103] : memref<8xi32, #tpu.memory_space<smem>>
    %eq3A_105 = arith.constant 1 : i32
    %eq3A_106 = arith.cmpi eq, %get3A_104, %eq3A_105 : i32
    %select_n3A_107 = arith.select %eq3A_106, %concatenate3A_102, %get3A_99 : vector<256x128xf32>
    %get3A_108 = arith.index_cast %get3A_94 : i32 to index
    %get3A_109 = arith.constant 0 : index
    %get3A_110 = vector.load %arg4[%get3A_108, %get3A_109] : memref<8x128xf32, #tpu.memory_space<vmem>>, vector<1x128xf32>
    %concatenate3A_111 = tpu.concatenate %select_n3A_107, %get3A_110 in 0 : vector<256x128xf32>, vector<1x128xf32> -> vector<257x128xf32>
    %dot_general3A_112 = arith.constant dense<0.000000e+00> : vector<128x512xf32>
    %dot_general3A_113 = tpu.matmul %concatenate3A_111, %concatenate3A_9, %dot_general3A_112 {dimension_numbers = #tpu.dot_dimension_numbers<[0], [0], [1], [1], [0, 1, 1, 1], [], []>, transpose_lhs_hint = false} : vector<257x128xf32>, vector<257x512xf32>, vector<128x512xf32> -> vector<128x512xf32>
    %eq3A_114 = arith.constant 3 : i32
    %eq3A_115 = vector.broadcast %eq3A_114 : i32 to vector<1x512xi32>
    %eq3A_116 = arith.cmpi eq, %get3A_4, %eq3A_115 : vector<1x512xi32>
    %convert_element_type3A_117 = arith.extui %eq3A_116 : vector<1x512xi1> to vector<1x512xi32>
    %convert_element_type3A_118 = arith.sitofp %convert_element_type3A_117 : vector<1x512xi32> to vector<1x512xf32>
    %mul3A_119 = vector.broadcast %convert_element_type3A_118 : vector<1x512xf32> to vector<128x512xf32>
    %mul3A_120 = arith.mulf %mul3A_119, %dot_general3A_113 : vector<128x512xf32>
    %add3A_121 = arith.addf %add3A_92, %mul3A_120 : vector<128x512xf32>
    %get3A_122 = arith.constant 4 : index
    %get3A_123 = memref.load %arg33[%get3A_122] : memref<8xi32, #tpu.memory_space<smem>>
    %mul3A_124 = arith.constant 256 : i32
    %mul3A_125 = arith.muli %get3A_123, %mul3A_124 : i32
    %get3A_126 = arith.index_cast %mul3A_125 : i32 to index
    %get3A_127 = arith.constant 0 : index
    %get3A_128 = vector.load %arg3[%get3A_126, %get3A_127] : memref<2048x128xf32, #tpu.memory_space<vmem>>, vector<256x128xf32>
    %slice3A_129 = vector.extract_strided_slice %get3A_128 {offsets = [128, 0], sizes = [128, 128], strides = [1, 1]} : vector<256x128xf32> to vector<128x128xf32>
    %slice3A_130 = vector.extract_strided_slice %get3A_128 {offsets = [0, 0], sizes = [128, 128], strides = [1, 1]} : vector<256x128xf32> to vector<128x128xf32>
    %concatenate3A_131 = tpu.concatenate %slice3A_129, %slice3A_130 in 0 : vector<128x128xf32>, vector<128x128xf32> -> vector<256x128xf32>
    %get3A_132 = arith.constant 4 : index
    %get3A_133 = memref.load %arg34[%get3A_132] : memref<8xi32, #tpu.memory_space<smem>>
    %eq3A_134 = arith.constant 1 : i32
    %eq3A_135 = arith.cmpi eq, %get3A_133, %eq3A_134 : i32
    %select_n3A_136 = arith.select %eq3A_135, %concatenate3A_131, %get3A_128 : vector<256x128xf32>
    %get3A_137 = arith.index_cast %get3A_123 : i32 to index
    %get3A_138 = arith.constant 0 : index
    %get3A_139 = vector.load %arg4[%get3A_137, %get3A_138] : memref<8x128xf32, #tpu.memory_space<vmem>>, vector<1x128xf32>
    %concatenate3A_140 = tpu.concatenate %select_n3A_136, %get3A_139 in 0 : vector<256x128xf32>, vector<1x128xf32> -> vector<257x128xf32>
    %dot_general3A_141 = arith.constant dense<0.000000e+00> : vector<128x512xf32>
    %dot_general3A_142 = tpu.matmul %concatenate3A_140, %concatenate3A_9, %dot_general3A_141 {dimension_numbers = #tpu.dot_dimension_numbers<[0], [0], [1], [1], [0, 1, 1, 1], [], []>, transpose_lhs_hint = false} : vector<257x128xf32>, vector<257x512xf32>, vector<128x512xf32> -> vector<128x512xf32>
    %eq3A_143 = arith.constant 4 : i32
    %eq3A_144 = vector.broadcast %eq3A_143 : i32 to vector<1x512xi32>
    %eq3A_145 = arith.cmpi eq, %get3A_4, %eq3A_144 : vector<1x512xi32>
    %convert_element_type3A_146 = arith.extui %eq3A_145 : vector<1x512xi1> to vector<1x512xi32>
    %convert_element_type3A_147 = arith.sitofp %convert_element_type3A_146 : vector<1x512xi32> to vector<1x512xf32>
    %mul3A_148 = vector.broadcast %convert_element_type3A_147 : vector<1x512xf32> to vector<128x512xf32>
    %mul3A_149 = arith.mulf %mul3A_148, %dot_general3A_142 : vector<128x512xf32>
    %add3A_150 = arith.addf %add3A_121, %mul3A_149 : vector<128x512xf32>
    %get3A_151 = arith.constant 5 : index
    %get3A_152 = memref.load %arg33[%get3A_151] : memref<8xi32, #tpu.memory_space<smem>>
    %mul3A_153 = arith.constant 256 : i32
    %mul3A_154 = arith.muli %get3A_152, %mul3A_153 : i32
    %get3A_155 = arith.index_cast %mul3A_154 : i32 to index
    %get3A_156 = arith.constant 0 : index
    %get3A_157 = vector.load %arg3[%get3A_155, %get3A_156] : memref<2048x128xf32, #tpu.memory_space<vmem>>, vector<256x128xf32>
    %slice3A_158 = vector.extract_strided_slice %get3A_157 {offsets = [128, 0], sizes = [128, 128], strides = [1, 1]} : vector<256x128xf32> to vector<128x128xf32>
    %slice3A_159 = vector.extract_strided_slice %get3A_157 {offsets = [0, 0], sizes = [128, 128], strides = [1, 1]} : vector<256x128xf32> to vector<128x128xf32>
    %concatenate3A_160 = tpu.concatenate %slice3A_158, %slice3A_159 in 0 : vector<128x128xf32>, vector<128x128xf32> -> vector<256x128xf32>
    %get3A_161 = arith.constant 5 : index
    %get3A_162 = memref.load %arg34[%get3A_161] : memref<8xi32, #tpu.memory_space<smem>>
    %eq3A_163 = arith.constant 1 : i32
    %eq3A_164 = arith.cmpi eq, %get3A_162, %eq3A_163 : i32
    %select_n3A_165 = arith.select %eq3A_164, %concatenate3A_160, %get3A_157 : vector<256x128xf32>
    %get3A_166 = arith.index_cast %get3A_152 : i32 to index
    %get3A_167 = arith.constant 0 : index
    %get3A_168 = vector.load %arg4[%get3A_166, %get3A_167] : memref<8x128xf32, #tpu.memory_space<vmem>>, vector<1x128xf32>
    %concatenate3A_169 = tpu.concatenate %select_n3A_165, %get3A_168 in 0 : vector<256x128xf32>, vector<1x128xf32> -> vector<257x128xf32>
    %dot_general3A_170 = arith.constant dense<0.000000e+00> : vector<128x512xf32>
    %dot_general3A_171 = tpu.matmul %concatenate3A_169, %concatenate3A_9, %dot_general3A_170 {dimension_numbers = #tpu.dot_dimension_numbers<[0], [0], [1], [1], [0, 1, 1, 1], [], []>, transpose_lhs_hint = false} : vector<257x128xf32>, vector<257x512xf32>, vector<128x512xf32> -> vector<128x512xf32>
    %eq3A_172 = arith.constant 5 : i32
    %eq3A_173 = vector.broadcast %eq3A_172 : i32 to vector<1x512xi32>
    %eq3A_174 = arith.cmpi eq, %get3A_4, %eq3A_173 : vector<1x512xi32>
    %convert_element_type3A_175 = arith.extui %eq3A_174 : vector<1x512xi1> to vector<1x512xi32>
    %convert_element_type3A_176 = arith.sitofp %convert_element_type3A_175 : vector<1x512xi32> to vector<1x512xf32>
    %mul3A_177 = vector.broadcast %convert_element_type3A_176 : vector<1x512xf32> to vector<128x512xf32>
    %mul3A_178 = arith.mulf %mul3A_177, %dot_general3A_171 : vector<128x512xf32>
    %add3A_179 = arith.addf %add3A_150, %mul3A_178 : vector<128x512xf32>
    %get3A_180 = arith.constant 6 : index
    %get3A_181 = memref.load %arg33[%get3A_180] : memref<8xi32, #tpu.memory_space<smem>>
    %mul3A_182 = arith.constant 256 : i32
    %mul3A_183 = arith.muli %get3A_181, %mul3A_182 : i32
    %get3A_184 = arith.index_cast %mul3A_183 : i32 to index
    %get3A_185 = arith.constant 0 : index
    %get3A_186 = vector.load %arg3[%get3A_184, %get3A_185] : memref<2048x128xf32, #tpu.memory_space<vmem>>, vector<256x128xf32>
    %slice3A_187 = vector.extract_strided_slice %get3A_186 {offsets = [128, 0], sizes = [128, 128], strides = [1, 1]} : vector<256x128xf32> to vector<128x128xf32>
    %slice3A_188 = vector.extract_strided_slice %get3A_186 {offsets = [0, 0], sizes = [128, 128], strides = [1, 1]} : vector<256x128xf32> to vector<128x128xf32>
    %concatenate3A_189 = tpu.concatenate %slice3A_187, %slice3A_188 in 0 : vector<128x128xf32>, vector<128x128xf32> -> vector<256x128xf32>
    %get3A_190 = arith.constant 6 : index
    %get3A_191 = memref.load %arg34[%get3A_190] : memref<8xi32, #tpu.memory_space<smem>>
    %eq3A_192 = arith.constant 1 : i32
    %eq3A_193 = arith.cmpi eq, %get3A_191, %eq3A_192 : i32
    %select_n3A_194 = arith.select %eq3A_193, %concatenate3A_189, %get3A_186 : vector<256x128xf32>
    %get3A_195 = arith.index_cast %get3A_181 : i32 to index
    %get3A_196 = arith.constant 0 : index
    %get3A_197 = vector.load %arg4[%get3A_195, %get3A_196] : memref<8x128xf32, #tpu.memory_space<vmem>>, vector<1x128xf32>
    %concatenate3A_198 = tpu.concatenate %select_n3A_194, %get3A_197 in 0 : vector<256x128xf32>, vector<1x128xf32> -> vector<257x128xf32>
    %dot_general3A_199 = arith.constant dense<0.000000e+00> : vector<128x512xf32>
    %dot_general3A_200 = tpu.matmul %concatenate3A_198, %concatenate3A_9, %dot_general3A_199 {dimension_numbers = #tpu.dot_dimension_numbers<[0], [0], [1], [1], [0, 1, 1, 1], [], []>, transpose_lhs_hint = false} : vector<257x128xf32>, vector<257x512xf32>, vector<128x512xf32> -> vector<128x512xf32>
    %eq3A_201 = arith.constant 6 : i32
    %eq3A_202 = vector.broadcast %eq3A_201 : i32 to vector<1x512xi32>
    %eq3A_203 = arith.cmpi eq, %get3A_4, %eq3A_202 : vector<1x512xi32>
    %convert_element_type3A_204 = arith.extui %eq3A_203 : vector<1x512xi1> to vector<1x512xi32>
    %convert_element_type3A_205 = arith.sitofp %convert_element_type3A_204 : vector<1x512xi32> to vector<1x512xf32>
    %mul3A_206 = vector.broadcast %convert_element_type3A_205 : vector<1x512xf32> to vector<128x512xf32>
    %mul3A_207 = arith.mulf %mul3A_206, %dot_general3A_200 : vector<128x512xf32>
    %add3A_208 = arith.addf %add3A_179, %mul3A_207 : vector<128x512xf32>
    %get3A_209 = arith.constant 7 : index
    %get3A_210 = memref.load %arg33[%get3A_209] : memref<8xi32, #tpu.memory_space<smem>>
    %mul3A_211 = arith.constant 256 : i32
    %mul3A_212 = arith.muli %get3A_210, %mul3A_211 : i32
    %get3A_213 = arith.index_cast %mul3A_212 : i32 to index
    %get3A_214 = arith.constant 0 : index
    %get3A_215 = vector.load %arg3[%get3A_213, %get3A_214] : memref<2048x128xf32, #tpu.memory_space<vmem>>, vector<256x128xf32>
    %slice3A_216 = vector.extract_strided_slice %get3A_215 {offsets = [128, 0], sizes = [128, 128], strides = [1, 1]} : vector<256x128xf32> to vector<128x128xf32>
    %slice3A_217 = vector.extract_strided_slice %get3A_215 {offsets = [0, 0], sizes = [128, 128], strides = [1, 1]} : vector<256x128xf32> to vector<128x128xf32>
    %concatenate3A_218 = tpu.concatenate %slice3A_216, %slice3A_217 in 0 : vector<128x128xf32>, vector<128x128xf32> -> vector<256x128xf32>
    %get3A_219 = arith.constant 7 : index
    %get3A_220 = memref.load %arg34[%get3A_219] : memref<8xi32, #tpu.memory_space<smem>>
    %eq3A_221 = arith.constant 1 : i32
    %eq3A_222 = arith.cmpi eq, %get3A_220, %eq3A_221 : i32
    %select_n3A_223 = arith.select %eq3A_222, %concatenate3A_218, %get3A_215 : vector<256x128xf32>
    %get3A_224 = arith.index_cast %get3A_210 : i32 to index
    %get3A_225 = arith.constant 0 : index
    %get3A_226 = vector.load %arg4[%get3A_224, %get3A_225] : memref<8x128xf32, #tpu.memory_space<vmem>>, vector<1x128xf32>
    %concatenate3A_227 = tpu.concatenate %select_n3A_223, %get3A_226 in 0 : vector<256x128xf32>, vector<1x128xf32> -> vector<257x128xf32>
    %dot_general3A_228 = arith.constant dense<0.000000e+00> : vector<128x512xf32>
    %dot_general3A_229 = tpu.matmul %concatenate3A_227, %concatenate3A_9, %dot_general3A_228 {dimension_numbers = #tpu.dot_dimension_numbers<[0], [0], [1], [1], [0, 1, 1, 1], [], []>, transpose_lhs_hint = false} : vector<257x128xf32>, vector<257x512xf32>, vector<128x512xf32> -> vector<128x512xf32>
    %eq3A_230 = arith.constant 7 : i32
    %eq3A_231 = vector.broadcast %eq3A_230 : i32 to vector<1x512xi32>
    %eq3A_232 = arith.cmpi eq, %get3A_4, %eq3A_231 : vector<1x512xi32>
    %convert_element_type3A_233 = arith.extui %eq3A_232 : vector<1x512xi1> to vector<1x512xi32>
    %convert_element_type3A_234 = arith.sitofp %convert_element_type3A_233 : vector<1x512xi32> to vector<1x512xf32>
    %mul3A_235 = vector.broadcast %convert_element_type3A_234 : vector<1x512xf32> to vector<128x512xf32>
    %mul3A_236 = arith.mulf %mul3A_235, %dot_general3A_229 : vector<128x512xf32>
    %add3A_237 = arith.addf %add3A_208, %mul3A_236 : vector<128x512xf32>
    %ge3A = arith.constant 0.000000e+00 : f32
    %ge3A_238 = vector.broadcast %ge3A : f32 to vector<128x512xf32>
    %ge3A_239 = arith.cmpf oge, %add3A_237, %ge3A_238 : vector<128x512xf32>
    %mul3A_240 = vector.broadcast %get3A_6 : f32 to vector<128x512xf32>
    %mul3A_241 = arith.mulf %mul3A_240, %add3A_237 : vector<128x512xf32>
    %select_n3A_242 = arith.select %ge3A_239, %add3A_237, %mul3A_241 : vector<128x512xi1>, vector<128x512xf32>
    %get3A_243 = arith.constant 0 : index
    %get3A_244 = arith.constant 0 : index
    %get3A_245 = vector.load %arg0[%get3A_243, %get3A_244] : memref<256x512xf32, #tpu.memory_space<vmem>>, vector<64x512xf32>
    %get3A_246 = arith.constant 1 : index
    %get3A_247 = memref.load %arg35[%get3A_246] : memref<15xf32, #tpu.memory_space<smem>>
    %get3A_248 = arith.constant 2 : index
    %get3A_249 = memref.load %arg35[%get3A_248] : memref<15xf32, #tpu.memory_space<smem>>
    %broadcast_in_dim3A_250 = arith.constant 1.000000e+00 : f32
    %broadcast_in_dim3A_251 = vector.broadcast %broadcast_in_dim3A_250 : f32 to vector<1x512xf32>
    %get3A_252 = arith.constant 0 : index
    %get3A_253 = arith.constant 0 : index
    %get3A_254 = vector.load %arg5[%get3A_252, %get3A_253] : memref<64x128xf32, #tpu.memory_space<vmem>>, vector<64x128xf32>
    %get3A_255 = arith.constant 0 : index
    %get3A_256 = arith.constant 0 : index
    %get3A_257 = vector.load %arg6[%get3A_255, %get3A_256] : memref<1x128xf32, #tpu.memory_space<vmem>>, vector<1x128xf32>
    %concatenate3A_258 = tpu.concatenate %get3A_254, %get3A_257 in 0 : vector<64x128xf32>, vector<1x128xf32> -> vector<65x128xf32>
    %concatenate3A_259 = tpu.concatenate %get3A_245, %broadcast_in_dim3A_251 in 0 : vector<64x512xf32>, vector<1x512xf32> -> vector<65x512xf32>
    %dot_general3A_260 = arith.constant dense<0.000000e+00> : vector<128x512xf32>
    %dot_general3A_261 = tpu.matmul %concatenate3A_258, %concatenate3A_259, %dot_general3A_260 {dimension_numbers = #tpu.dot_dimension_numbers<[0], [0], [1], [1], [0, 1, 1, 1], [], []>, transpose_lhs_hint = false} : vector<65x128xf32>, vector<65x512xf32>, vector<128x512xf32> -> vector<128x512xf32>
    %ge3A_262 = arith.constant 0.000000e+00 : f32
    %ge3A_263 = vector.broadcast %ge3A_262 : f32 to vector<128x512xf32>
    %ge3A_264 = arith.cmpf oge, %dot_general3A_261, %ge3A_263 : vector<128x512xf32>
    %mul3A_265 = vector.broadcast %get3A_247 : f32 to vector<128x512xf32>
    %mul3A_266 = arith.mulf %mul3A_265, %dot_general3A_261 : vector<128x512xf32>
    %select_n3A_267 = arith.select %ge3A_264, %dot_general3A_261, %mul3A_266 : vector<128x512xi1>, vector<128x512xf32>
    %get3A_268 = arith.constant 0 : index
    %get3A_269 = arith.constant 0 : index
    %get3A_270 = vector.load %arg7[%get3A_268, %get3A_269] : memref<256x128xf32, #tpu.memory_space<vmem>>, vector<256x128xf32>
    %get3A_271 = arith.constant 0 : index
    %get3A_272 = arith.constant 0 : index
    %get3A_273 = vector.load %arg8[%get3A_271, %get3A_272] : memref<1x128xf32, #tpu.memory_space<vmem>>, vector<1x128xf32>
    %concatenate3A_274 = tpu.concatenate %get3A_270, %get3A_273 in 0 : vector<256x128xf32>, vector<1x128xf32> -> vector<257x128xf32>
    %concatenate3A_275 = tpu.concatenate %select_n3A_242, %select_n3A_267, %broadcast_in_dim3A_251 in 0 : vector<128x512xf32>, vector<128x512xf32>, vector<1x512xf32> -> vector<257x512xf32>
    %dot_general3A_276 = arith.constant dense<0.000000e+00> : vector<128x512xf32>
    %dot_general3A_277 = tpu.matmul %concatenate3A_274, %concatenate3A_275, %dot_general3A_276 {dimension_numbers = #tpu.dot_dimension_numbers<[0], [0], [1], [1], [0, 1, 1, 1], [], []>, transpose_lhs_hint = false} : vector<257x128xf32>, vector<257x512xf32>, vector<128x512xf32> -> vector<128x512xf32>
    %ge3A_278 = arith.constant 0.000000e+00 : f32
    %ge3A_279 = vector.broadcast %ge3A_278 : f32 to vector<128x512xf32>
    %ge3A_280 = arith.cmpf oge, %dot_general3A_277, %ge3A_279 : vector<128x512xf32>
    %mul3A_281 = vector.broadcast %get3A_249 : f32 to vector<128x512xf32>
    %mul3A_282 = arith.mulf %mul3A_281, %dot_general3A_277 : vector<128x512xf32>
    %select_n3A_283 = arith.select %ge3A_280, %dot_general3A_277, %mul3A_282 : vector<128x512xi1>, vector<128x512xf32>
    %get3A_284 = arith.constant 1 : index
    %get3A_285 = arith.constant 0 : index
    %get3A_286 = vector.load %arg1[%get3A_284, %get3A_285] : memref<5x512xi32, #tpu.memory_space<vmem>>, vector<1x512xi32>
    %get3A_287 = arith.constant 3 : index
    %get3A_288 = memref.load %arg35[%get3A_287] : memref<15xf32, #tpu.memory_space<smem>>
    %slice3A_289 = vector.extract_strided_slice %select_n3A_283 {offsets = [0, 2], sizes = [128, 510], strides = [1, 1]} : vector<128x512xf32> to vector<128x510xf32>
    %slice3A_290 = vector.extract_strided_slice %select_n3A_283 {offsets = [0, 0], sizes = [128, 2], strides = [1, 1]} : vector<128x512xf32> to vector<128x2xf32>
    %concatenate3A_291 = tpu.concatenate %slice3A_289, %slice3A_290 in 1 : vector<128x510xf32>, vector<128x2xf32> -> vector<128x512xf32>
    %broadcast_in_dim3A_292 = arith.constant 1.000000e+00 : f32
    %broadcast_in_dim3A_293 = vector.broadcast %broadcast_in_dim3A_292 : f32 to vector<1x512xf32>
    %concatenate3A_294 = tpu.concatenate %select_n3A_283, %concatenate3A_291, %broadcast_in_dim3A_293 in 0 : vector<128x512xf32>, vector<128x512xf32>, vector<1x512xf32> -> vector<257x512xf32>
    %broadcast_in_dim3A_295 = arith.constant 0.000000e+00 : f32
    %broadcast_in_dim3A_296 = vector.broadcast %broadcast_in_dim3A_295 : f32 to vector<128x512xf32>
    %get3A_297 = arith.constant 0 : index
    %get3A_298 = memref.load %arg33[%get3A_297] : memref<8xi32, #tpu.memory_space<smem>>
    %mul3A_299 = arith.constant 256 : i32
    %mul3A_300 = arith.muli %get3A_298, %mul3A_299 : i32
    %get3A_301 = arith.index_cast %mul3A_300 : i32 to index
    %get3A_302 = arith.constant 0 : index
    %get3A_303 = vector.load %arg9[%get3A_301, %get3A_302] : memref<2048x128xf32, #tpu.memory_space<vmem>>, vector<256x128xf32>
    %slice3A_304 = vector.extract_strided_slice %get3A_303 {offsets = [128, 0], sizes = [128, 128], strides = [1, 1]} : vector<256x128xf32> to vector<128x128xf32>
    %slice3A_305 = vector.extract_strided_slice %get3A_303 {offsets = [0, 0], sizes = [128, 128], strides = [1, 1]} : vector<256x128xf32> to vector<128x128xf32>
    %concatenate3A_306 = tpu.concatenate %slice3A_304, %slice3A_305 in 0 : vector<128x128xf32>, vector<128x128xf32> -> vector<256x128xf32>
    %get3A_307 = arith.constant 0 : index
    %get3A_308 = memref.load %arg34[%get3A_307] : memref<8xi32, #tpu.memory_space<smem>>
    %eq3A_309 = arith.constant 1 : i32
    %eq3A_310 = arith.cmpi eq, %get3A_308, %eq3A_309 : i32
    %select_n3A_311 = arith.select %eq3A_310, %concatenate3A_306, %get3A_303 : vector<256x128xf32>
    %get3A_312 = arith.index_cast %get3A_298 : i32 to index
    %get3A_313 = arith.constant 0 : index
    %get3A_314 = vector.load %arg10[%get3A_312, %get3A_313] : memref<8x128xf32, #tpu.memory_space<vmem>>, vector<1x128xf32>
    %concatenate3A_315 = tpu.concatenate %select_n3A_311, %get3A_314 in 0 : vector<256x128xf32>, vector<1x128xf32> -> vector<257x128xf32>
    %dot_general3A_316 = arith.constant dense<0.000000e+00> : vector<128x512xf32>
    %dot_general3A_317 = tpu.matmul %concatenate3A_315, %concatenate3A_294, %dot_general3A_316 {dimension_numbers = #tpu.dot_dimension_numbers<[0], [0], [1], [1], [0, 1, 1, 1], [], []>, transpose_lhs_hint = false} : vector<257x128xf32>, vector<257x512xf32>, vector<128x512xf32> -> vector<128x512xf32>
    %eq3A_318 = arith.constant 0 : i32
    %eq3A_319 = vector.broadcast %eq3A_318 : i32 to vector<1x512xi32>
    %eq3A_320 = arith.cmpi eq, %get3A_286, %eq3A_319 : vector<1x512xi32>
    %convert_element_type3A_321 = arith.extui %eq3A_320 : vector<1x512xi1> to vector<1x512xi32>
    %convert_element_type3A_322 = arith.sitofp %convert_element_type3A_321 : vector<1x512xi32> to vector<1x512xf32>
    %mul3A_323 = vector.broadcast %convert_element_type3A_322 : vector<1x512xf32> to vector<128x512xf32>
    %mul3A_324 = arith.mulf %mul3A_323, %dot_general3A_317 : vector<128x512xf32>
    %add3A_325 = arith.addf %broadcast_in_dim3A_296, %mul3A_324 : vector<128x512xf32>
    %get3A_326 = arith.constant 1 : index
    %get3A_327 = memref.load %arg33[%get3A_326] : memref<8xi32, #tpu.memory_space<smem>>
    %mul3A_328 = arith.constant 256 : i32
    %mul3A_329 = arith.muli %get3A_327, %mul3A_328 : i32
    %get3A_330 = arith.index_cast %mul3A_329 : i32 to index
    %get3A_331 = arith.constant 0 : index
    %get3A_332 = vector.load %arg9[%get3A_330, %get3A_331] : memref<2048x128xf32, #tpu.memory_space<vmem>>, vector<256x128xf32>
    %slice3A_333 = vector.extract_strided_slice %get3A_332 {offsets = [128, 0], sizes = [128, 128], strides = [1, 1]} : vector<256x128xf32> to vector<128x128xf32>
    %slice3A_334 = vector.extract_strided_slice %get3A_332 {offsets = [0, 0], sizes = [128, 128], strides = [1, 1]} : vector<256x128xf32> to vector<128x128xf32>
    %concatenate3A_335 = tpu.concatenate %slice3A_333, %slice3A_334 in 0 : vector<128x128xf32>, vector<128x128xf32> -> vector<256x128xf32>
    %get3A_336 = arith.constant 1 : index
    %get3A_337 = memref.load %arg34[%get3A_336] : memref<8xi32, #tpu.memory_space<smem>>
    %eq3A_338 = arith.constant 1 : i32
    %eq3A_339 = arith.cmpi eq, %get3A_337, %eq3A_338 : i32
    %select_n3A_340 = arith.select %eq3A_339, %concatenate3A_335, %get3A_332 : vector<256x128xf32>
    %get3A_341 = arith.index_cast %get3A_327 : i32 to index
    %get3A_342 = arith.constant 0 : index
    %get3A_343 = vector.load %arg10[%get3A_341, %get3A_342] : memref<8x128xf32, #tpu.memory_space<vmem>>, vector<1x128xf32>
    %concatenate3A_344 = tpu.concatenate %select_n3A_340, %get3A_343 in 0 : vector<256x128xf32>, vector<1x128xf32> -> vector<257x128xf32>
    %dot_general3A_345 = arith.constant dense<0.000000e+00> : vector<128x512xf32>
    %dot_general3A_346 = tpu.matmul %concatenate3A_344, %concatenate3A_294, %dot_general3A_345 {dimension_numbers = #tpu.dot_dimension_numbers<[0], [0], [1], [1], [0, 1, 1, 1], [], []>, transpose_lhs_hint = false} : vector<257x128xf32>, vector<257x512xf32>, vector<128x512xf32> -> vector<128x512xf32>
    %eq3A_347 = arith.constant 1 : i32
    %eq3A_348 = vector.broadcast %eq3A_347 : i32 to vector<1x512xi32>
    %eq3A_349 = arith.cmpi eq, %get3A_286, %eq3A_348 : vector<1x512xi32>
    %convert_element_type3A_350 = arith.extui %eq3A_349 : vector<1x512xi1> to vector<1x512xi32>
    %convert_element_type3A_351 = arith.sitofp %convert_element_type3A_350 : vector<1x512xi32> to vector<1x512xf32>
    %mul3A_352 = vector.broadcast %convert_element_type3A_351 : vector<1x512xf32> to vector<128x512xf32>
    %mul3A_353 = arith.mulf %mul3A_352, %dot_general3A_346 : vector<128x512xf32>
    %add3A_354 = arith.addf %add3A_325, %mul3A_353 : vector<128x512xf32>
    %get3A_355 = arith.constant 2 : index
    %get3A_356 = memref.load %arg33[%get3A_355] : memref<8xi32, #tpu.memory_space<smem>>
    %mul3A_357 = arith.constant 256 : i32
    %mul3A_358 = arith.muli %get3A_356, %mul3A_357 : i32
    %get3A_359 = arith.index_cast %mul3A_358 : i32 to index
    %get3A_360 = arith.constant 0 : index
    %get3A_361 = vector.load %arg9[%get3A_359, %get3A_360] : memref<2048x128xf32, #tpu.memory_space<vmem>>, vector<256x128xf32>
    %slice3A_362 = vector.extract_strided_slice %get3A_361 {offsets = [128, 0], sizes = [128, 128], strides = [1, 1]} : vector<256x128xf32> to vector<128x128xf32>
    %slice3A_363 = vector.extract_strided_slice %get3A_361 {offsets = [0, 0], sizes = [128, 128], strides = [1, 1]} : vector<256x128xf32> to vector<128x128xf32>
    %concatenate3A_364 = tpu.concatenate %slice3A_362, %slice3A_363 in 0 : vector<128x128xf32>, vector<128x128xf32> -> vector<256x128xf32>
    %get3A_365 = arith.constant 2 : index
    %get3A_366 = memref.load %arg34[%get3A_365] : memref<8xi32, #tpu.memory_space<smem>>
    %eq3A_367 = arith.constant 1 : i32
    %eq3A_368 = arith.cmpi eq, %get3A_366, %eq3A_367 : i32
    %select_n3A_369 = arith.select %eq3A_368, %concatenate3A_364, %get3A_361 : vector<256x128xf32>
    %get3A_370 = arith.index_cast %get3A_356 : i32 to index
    %get3A_371 = arith.constant 0 : index
    %get3A_372 = vector.load %arg10[%get3A_370, %get3A_371] : memref<8x128xf32, #tpu.memory_space<vmem>>, vector<1x128xf32>
    %concatenate3A_373 = tpu.concatenate %select_n3A_369, %get3A_372 in 0 : vector<256x128xf32>, vector<1x128xf32> -> vector<257x128xf32>
    %dot_general3A_374 = arith.constant dense<0.000000e+00> : vector<128x512xf32>
    %dot_general3A_375 = tpu.matmul %concatenate3A_373, %concatenate3A_294, %dot_general3A_374 {dimension_numbers = #tpu.dot_dimension_numbers<[0], [0], [1], [1], [0, 1, 1, 1], [], []>, transpose_lhs_hint = false} : vector<257x128xf32>, vector<257x512xf32>, vector<128x512xf32> -> vector<128x512xf32>
    %eq3A_376 = arith.constant 2 : i32
    %eq3A_377 = vector.broadcast %eq3A_376 : i32 to vector<1x512xi32>
    %eq3A_378 = arith.cmpi eq, %get3A_286, %eq3A_377 : vector<1x512xi32>
    %convert_element_type3A_379 = arith.extui %eq3A_378 : vector<1x512xi1> to vector<1x512xi32>
    %convert_element_type3A_380 = arith.sitofp %convert_element_type3A_379 : vector<1x512xi32> to vector<1x512xf32>
    %mul3A_381 = vector.broadcast %convert_element_type3A_380 : vector<1x512xf32> to vector<128x512xf32>
    %mul3A_382 = arith.mulf %mul3A_381, %dot_general3A_375 : vector<128x512xf32>
    %add3A_383 = arith.addf %add3A_354, %mul3A_382 : vector<128x512xf32>
    %get3A_384 = arith.constant 3 : index
    %get3A_385 = memref.load %arg33[%get3A_384] : memref<8xi32, #tpu.memory_space<smem>>
    %mul3A_386 = arith.constant 256 : i32
    %mul3A_387 = arith.muli %get3A_385, %mul3A_386 : i32
    %get3A_388 = arith.index_cast %mul3A_387 : i32 to index
    %get3A_389 = arith.constant 0 : index
    %get3A_390 = vector.load %arg9[%get3A_388, %get3A_389] : memref<2048x128xf32, #tpu.memory_space<vmem>>, vector<256x128xf32>
    %slice3A_391 = vector.extract_strided_slice %get3A_390 {offsets = [128, 0], sizes = [128, 128], strides = [1, 1]} : vector<256x128xf32> to vector<128x128xf32>
    %slice3A_392 = vector.extract_strided_slice %get3A_390 {offsets = [0, 0], sizes = [128, 128], strides = [1, 1]} : vector<256x128xf32> to vector<128x128xf32>
    %concatenate3A_393 = tpu.concatenate %slice3A_391, %slice3A_392 in 0 : vector<128x128xf32>, vector<128x128xf32> -> vector<256x128xf32>
    %get3A_394 = arith.constant 3 : index
    %get3A_395 = memref.load %arg34[%get3A_394] : memref<8xi32, #tpu.memory_space<smem>>
    %eq3A_396 = arith.constant 1 : i32
    %eq3A_397 = arith.cmpi eq, %get3A_395, %eq3A_396 : i32
    %select_n3A_398 = arith.select %eq3A_397, %concatenate3A_393, %get3A_390 : vector<256x128xf32>
    %get3A_399 = arith.index_cast %get3A_385 : i32 to index
    %get3A_400 = arith.constant 0 : index
    %get3A_401 = vector.load %arg10[%get3A_399, %get3A_400] : memref<8x128xf32, #tpu.memory_space<vmem>>, vector<1x128xf32>
    %concatenate3A_402 = tpu.concatenate %select_n3A_398, %get3A_401 in 0 : vector<256x128xf32>, vector<1x128xf32> -> vector<257x128xf32>
    %dot_general3A_403 = arith.constant dense<0.000000e+00> : vector<128x512xf32>
    %dot_general3A_404 = tpu.matmul %concatenate3A_402, %concatenate3A_294, %dot_general3A_403 {dimension_numbers = #tpu.dot_dimension_numbers<[0], [0], [1], [1], [0, 1, 1, 1], [], []>, transpose_lhs_hint = false} : vector<257x128xf32>, vector<257x512xf32>, vector<128x512xf32> -> vector<128x512xf32>
    %eq3A_405 = arith.constant 3 : i32
    %eq3A_406 = vector.broadcast %eq3A_405 : i32 to vector<1x512xi32>
    %eq3A_407 = arith.cmpi eq, %get3A_286, %eq3A_406 : vector<1x512xi32>
    %convert_element_type3A_408 = arith.extui %eq3A_407 : vector<1x512xi1> to vector<1x512xi32>
    %convert_element_type3A_409 = arith.sitofp %convert_element_type3A_408 : vector<1x512xi32> to vector<1x512xf32>
    %mul3A_410 = vector.broadcast %convert_element_type3A_409 : vector<1x512xf32> to vector<128x512xf32>
    %mul3A_411 = arith.mulf %mul3A_410, %dot_general3A_404 : vector<128x512xf32>
    %add3A_412 = arith.addf %add3A_383, %mul3A_411 : vector<128x512xf32>
    %get3A_413 = arith.constant 4 : index
    %get3A_414 = memref.load %arg33[%get3A_413] : memref<8xi32, #tpu.memory_space<smem>>
    %mul3A_415 = arith.constant 256 : i32
    %mul3A_416 = arith.muli %get3A_414, %mul3A_415 : i32
    %get3A_417 = arith.index_cast %mul3A_416 : i32 to index
    %get3A_418 = arith.constant 0 : index
    %get3A_419 = vector.load %arg9[%get3A_417, %get3A_418] : memref<2048x128xf32, #tpu.memory_space<vmem>>, vector<256x128xf32>
    %slice3A_420 = vector.extract_strided_slice %get3A_419 {offsets = [128, 0], sizes = [128, 128], strides = [1, 1]} : vector<256x128xf32> to vector<128x128xf32>
    %slice3A_421 = vector.extract_strided_slice %get3A_419 {offsets = [0, 0], sizes = [128, 128], strides = [1, 1]} : vector<256x128xf32> to vector<128x128xf32>
    %concatenate3A_422 = tpu.concatenate %slice3A_420, %slice3A_421 in 0 : vector<128x128xf32>, vector<128x128xf32> -> vector<256x128xf32>
    %get3A_423 = arith.constant 4 : index
    %get3A_424 = memref.load %arg34[%get3A_423] : memref<8xi32, #tpu.memory_space<smem>>
    %eq3A_425 = arith.constant 1 : i32
    %eq3A_426 = arith.cmpi eq, %get3A_424, %eq3A_425 : i32
    %select_n3A_427 = arith.select %eq3A_426, %concatenate3A_422, %get3A_419 : vector<256x128xf32>
    %get3A_428 = arith.index_cast %get3A_414 : i32 to index
    %get3A_429 = arith.constant 0 : index
    %get3A_430 = vector.load %arg10[%get3A_428, %get3A_429] : memref<8x128xf32, #tpu.memory_space<vmem>>, vector<1x128xf32>
    %concatenate3A_431 = tpu.concatenate %select_n3A_427, %get3A_430 in 0 : vector<256x128xf32>, vector<1x128xf32> -> vector<257x128xf32>
    %dot_general3A_432 = arith.constant dense<0.000000e+00> : vector<128x512xf32>
    %dot_general3A_433 = tpu.matmul %concatenate3A_431, %concatenate3A_294, %dot_general3A_432 {dimension_numbers = #tpu.dot_dimension_numbers<[0], [0], [1], [1], [0, 1, 1, 1], [], []>, transpose_lhs_hint = false} : vector<257x128xf32>, vector<257x512xf32>, vector<128x512xf32> -> vector<128x512xf32>
    %eq3A_434 = arith.constant 4 : i32
    %eq3A_435 = vector.broadcast %eq3A_434 : i32 to vector<1x512xi32>
    %eq3A_436 = arith.cmpi eq, %get3A_286, %eq3A_435 : vector<1x512xi32>
    %convert_element_type3A_437 = arith.extui %eq3A_436 : vector<1x512xi1> to vector<1x512xi32>
    %convert_element_type3A_438 = arith.sitofp %convert_element_type3A_437 : vector<1x512xi32> to vector<1x512xf32>
    %mul3A_439 = vector.broadcast %convert_element_type3A_438 : vector<1x512xf32> to vector<128x512xf32>
    %mul3A_440 = arith.mulf %mul3A_439, %dot_general3A_433 : vector<128x512xf32>
    %add3A_441 = arith.addf %add3A_412, %mul3A_440 : vector<128x512xf32>
    %get3A_442 = arith.constant 5 : index
    %get3A_443 = memref.load %arg33[%get3A_442] : memref<8xi32, #tpu.memory_space<smem>>
    %mul3A_444 = arith.constant 256 : i32
    %mul3A_445 = arith.muli %get3A_443, %mul3A_444 : i32
    %get3A_446 = arith.index_cast %mul3A_445 : i32 to index
    %get3A_447 = arith.constant 0 : index
    %get3A_448 = vector.load %arg9[%get3A_446, %get3A_447] : memref<2048x128xf32, #tpu.memory_space<vmem>>, vector<256x128xf32>
    %slice3A_449 = vector.extract_strided_slice %get3A_448 {offsets = [128, 0], sizes = [128, 128], strides = [1, 1]} : vector<256x128xf32> to vector<128x128xf32>
    %slice3A_450 = vector.extract_strided_slice %get3A_448 {offsets = [0, 0], sizes = [128, 128], strides = [1, 1]} : vector<256x128xf32> to vector<128x128xf32>
    %concatenate3A_451 = tpu.concatenate %slice3A_449, %slice3A_450 in 0 : vector<128x128xf32>, vector<128x128xf32> -> vector<256x128xf32>
    %get3A_452 = arith.constant 5 : index
    %get3A_453 = memref.load %arg34[%get3A_452] : memref<8xi32, #tpu.memory_space<smem>>
    %eq3A_454 = arith.constant 1 : i32
    %eq3A_455 = arith.cmpi eq, %get3A_453, %eq3A_454 : i32
    %select_n3A_456 = arith.select %eq3A_455, %concatenate3A_451, %get3A_448 : vector<256x128xf32>
    %get3A_457 = arith.index_cast %get3A_443 : i32 to index
    %get3A_458 = arith.constant 0 : index
    %get3A_459 = vector.load %arg10[%get3A_457, %get3A_458] : memref<8x128xf32, #tpu.memory_space<vmem>>, vector<1x128xf32>
    %concatenate3A_460 = tpu.concatenate %select_n3A_456, %get3A_459 in 0 : vector<256x128xf32>, vector<1x128xf32> -> vector<257x128xf32>
    %dot_general3A_461 = arith.constant dense<0.000000e+00> : vector<128x512xf32>
    %dot_general3A_462 = tpu.matmul %concatenate3A_460, %concatenate3A_294, %dot_general3A_461 {dimension_numbers = #tpu.dot_dimension_numbers<[0], [0], [1], [1], [0, 1, 1, 1], [], []>, transpose_lhs_hint = false} : vector<257x128xf32>, vector<257x512xf32>, vector<128x512xf32> -> vector<128x512xf32>
    %eq3A_463 = arith.constant 5 : i32
    %eq3A_464 = vector.broadcast %eq3A_463 : i32 to vector<1x512xi32>
    %eq3A_465 = arith.cmpi eq, %get3A_286, %eq3A_464 : vector<1x512xi32>
    %convert_element_type3A_466 = arith.extui %eq3A_465 : vector<1x512xi1> to vector<1x512xi32>
    %convert_element_type3A_467 = arith.sitofp %convert_element_type3A_466 : vector<1x512xi32> to vector<1x512xf32>
    %mul3A_468 = vector.broadcast %convert_element_type3A_467 : vector<1x512xf32> to vector<128x512xf32>
    %mul3A_469 = arith.mulf %mul3A_468, %dot_general3A_462 : vector<128x512xf32>
    %add3A_470 = arith.addf %add3A_441, %mul3A_469 : vector<128x512xf32>
    %get3A_471 = arith.constant 6 : index
    %get3A_472 = memref.load %arg33[%get3A_471] : memref<8xi32, #tpu.memory_space<smem>>
    %mul3A_473 = arith.constant 256 : i32
    %mul3A_474 = arith.muli %get3A_472, %mul3A_473 : i32
    %get3A_475 = arith.index_cast %mul3A_474 : i32 to index
    %get3A_476 = arith.constant 0 : index
    %get3A_477 = vector.load %arg9[%get3A_475, %get3A_476] : memref<2048x128xf32, #tpu.memory_space<vmem>>, vector<256x128xf32>
    %slice3A_478 = vector.extract_strided_slice %get3A_477 {offsets = [128, 0], sizes = [128, 128], strides = [1, 1]} : vector<256x128xf32> to vector<128x128xf32>
    %slice3A_479 = vector.extract_strided_slice %get3A_477 {offsets = [0, 0], sizes = [128, 128], strides = [1, 1]} : vector<256x128xf32> to vector<128x128xf32>
    %concatenate3A_480 = tpu.concatenate %slice3A_478, %slice3A_479 in 0 : vector<128x128xf32>, vector<128x128xf32> -> vector<256x128xf32>
    %get3A_481 = arith.constant 6 : index
    %get3A_482 = memref.load %arg34[%get3A_481] : memref<8xi32, #tpu.memory_space<smem>>
    %eq3A_483 = arith.constant 1 : i32
    %eq3A_484 = arith.cmpi eq, %get3A_482, %eq3A_483 : i32
    %select_n3A_485 = arith.select %eq3A_484, %concatenate3A_480, %get3A_477 : vector<256x128xf32>
    %get3A_486 = arith.index_cast %get3A_472 : i32 to index
    %get3A_487 = arith.constant 0 : index
    %get3A_488 = vector.load %arg10[%get3A_486, %get3A_487] : memref<8x128xf32, #tpu.memory_space<vmem>>, vector<1x128xf32>
    %concatenate3A_489 = tpu.concatenate %select_n3A_485, %get3A_488 in 0 : vector<256x128xf32>, vector<1x128xf32> -> vector<257x128xf32>
    %dot_general3A_490 = arith.constant dense<0.000000e+00> : vector<128x512xf32>
    %dot_general3A_491 = tpu.matmul %concatenate3A_489, %concatenate3A_294, %dot_general3A_490 {dimension_numbers = #tpu.dot_dimension_numbers<[0], [0], [1], [1], [0, 1, 1, 1], [], []>, transpose_lhs_hint = false} : vector<257x128xf32>, vector<257x512xf32>, vector<128x512xf32> -> vector<128x512xf32>
    %eq3A_492 = arith.constant 6 : i32
    %eq3A_493 = vector.broadcast %eq3A_492 : i32 to vector<1x512xi32>
    %eq3A_494 = arith.cmpi eq, %get3A_286, %eq3A_493 : vector<1x512xi32>
    %convert_element_type3A_495 = arith.extui %eq3A_494 : vector<1x512xi1> to vector<1x512xi32>
    %convert_element_type3A_496 = arith.sitofp %convert_element_type3A_495 : vector<1x512xi32> to vector<1x512xf32>
    %mul3A_497 = vector.broadcast %convert_element_type3A_496 : vector<1x512xf32> to vector<128x512xf32>
    %mul3A_498 = arith.mulf %mul3A_497, %dot_general3A_491 : vector<128x512xf32>
    %add3A_499 = arith.addf %add3A_470, %mul3A_498 : vector<128x512xf32>
    %get3A_500 = arith.constant 7 : index
    %get3A_501 = memref.load %arg33[%get3A_500] : memref<8xi32, #tpu.memory_space<smem>>
    %mul3A_502 = arith.constant 256 : i32
    %mul3A_503 = arith.muli %get3A_501, %mul3A_502 : i32
    %get3A_504 = arith.index_cast %mul3A_503 : i32 to index
    %get3A_505 = arith.constant 0 : index
    %get3A_506 = vector.load %arg9[%get3A_504, %get3A_505] : memref<2048x128xf32, #tpu.memory_space<vmem>>, vector<256x128xf32>
    %slice3A_507 = vector.extract_strided_slice %get3A_506 {offsets = [128, 0], sizes = [128, 128], strides = [1, 1]} : vector<256x128xf32> to vector<128x128xf32>
    %slice3A_508 = vector.extract_strided_slice %get3A_506 {offsets = [0, 0], sizes = [128, 128], strides = [1, 1]} : vector<256x128xf32> to vector<128x128xf32>
    %concatenate3A_509 = tpu.concatenate %slice3A_507, %slice3A_508 in 0 : vector<128x128xf32>, vector<128x128xf32> -> vector<256x128xf32>
    %get3A_510 = arith.constant 7 : index
    %get3A_511 = memref.load %arg34[%get3A_510] : memref<8xi32, #tpu.memory_space<smem>>
    %eq3A_512 = arith.constant 1 : i32
    %eq3A_513 = arith.cmpi eq, %get3A_511, %eq3A_512 : i32
    %select_n3A_514 = arith.select %eq3A_513, %concatenate3A_509, %get3A_506 : vector<256x128xf32>
    %get3A_515 = arith.index_cast %get3A_501 : i32 to index
    %get3A_516 = arith.constant 0 : index
    %get3A_517 = vector.load %arg10[%get3A_515, %get3A_516] : memref<8x128xf32, #tpu.memory_space<vmem>>, vector<1x128xf32>
    %concatenate3A_518 = tpu.concatenate %select_n3A_514, %get3A_517 in 0 : vector<256x128xf32>, vector<1x128xf32> -> vector<257x128xf32>
    %dot_general3A_519 = arith.constant dense<0.000000e+00> : vector<128x512xf32>
    %dot_general3A_520 = tpu.matmul %concatenate3A_518, %concatenate3A_294, %dot_general3A_519 {dimension_numbers = #tpu.dot_dimension_numbers<[0], [0], [1], [1], [0, 1, 1, 1], [], []>, transpose_lhs_hint = false} : vector<257x128xf32>, vector<257x512xf32>, vector<128x512xf32> -> vector<128x512xf32>
    %eq3A_521 = arith.constant 7 : i32
    %eq3A_522 = vector.broadcast %eq3A_521 : i32 to vector<1x512xi32>
    %eq3A_523 = arith.cmpi eq, %get3A_286, %eq3A_522 : vector<1x512xi32>
    %convert_element_type3A_524 = arith.extui %eq3A_523 : vector<1x512xi1> to vector<1x512xi32>
    %convert_element_type3A_525 = arith.sitofp %convert_element_type3A_524 : vector<1x512xi32> to vector<1x512xf32>
    %mul3A_526 = vector.broadcast %convert_element_type3A_525 : vector<1x512xf32> to vector<128x512xf32>
    %mul3A_527 = arith.mulf %mul3A_526, %dot_general3A_520 : vector<128x512xf32>
    %add3A_528 = arith.addf %add3A_499, %mul3A_527 : vector<128x512xf32>
    %ge3A_529 = arith.constant 0.000000e+00 : f32
    %ge3A_530 = vector.broadcast %ge3A_529 : f32 to vector<128x512xf32>
    %ge3A_531 = arith.cmpf oge, %add3A_528, %ge3A_530 : vector<128x512xf32>
    %mul3A_532 = vector.broadcast %get3A_288 : f32 to vector<128x512xf32>
    %mul3A_533 = arith.mulf %mul3A_532, %add3A_528 : vector<128x512xf32>
    %select_n3A_534 = arith.select %ge3A_531, %add3A_528, %mul3A_533 : vector<128x512xi1>, vector<128x512xf32>
    %get3A_535 = arith.constant 64 : index
    %get3A_536 = arith.constant 0 : index
    %get3A_537 = vector.load %arg0[%get3A_535, %get3A_536] : memref<256x512xf32, #tpu.memory_space<vmem>>, vector<64x512xf32>
    %get3A_538 = arith.constant 4 : index
    %get3A_539 = memref.load %arg35[%get3A_538] : memref<15xf32, #tpu.memory_space<smem>>
    %get3A_540 = arith.constant 5 : index
    %get3A_541 = memref.load %arg35[%get3A_540] : memref<15xf32, #tpu.memory_space<smem>>
    %broadcast_in_dim3A_542 = arith.constant 1.000000e+00 : f32
    %broadcast_in_dim3A_543 = vector.broadcast %broadcast_in_dim3A_542 : f32 to vector<1x512xf32>
    %get3A_544 = arith.constant 0 : index
    %get3A_545 = arith.constant 0 : index
    %get3A_546 = vector.load %arg11[%get3A_544, %get3A_545] : memref<64x128xf32, #tpu.memory_space<vmem>>, vector<64x128xf32>
    %get3A_547 = arith.constant 0 : index
    %get3A_548 = arith.constant 0 : index
    %get3A_549 = vector.load %arg12[%get3A_547, %get3A_548] : memref<1x128xf32, #tpu.memory_space<vmem>>, vector<1x128xf32>
    %concatenate3A_550 = tpu.concatenate %get3A_546, %get3A_549 in 0 : vector<64x128xf32>, vector<1x128xf32> -> vector<65x128xf32>
    %concatenate3A_551 = tpu.concatenate %get3A_537, %broadcast_in_dim3A_543 in 0 : vector<64x512xf32>, vector<1x512xf32> -> vector<65x512xf32>
    %dot_general3A_552 = arith.constant dense<0.000000e+00> : vector<128x512xf32>
    %dot_general3A_553 = tpu.matmul %concatenate3A_550, %concatenate3A_551, %dot_general3A_552 {dimension_numbers = #tpu.dot_dimension_numbers<[0], [0], [1], [1], [0, 1, 1, 1], [], []>, transpose_lhs_hint = false} : vector<65x128xf32>, vector<65x512xf32>, vector<128x512xf32> -> vector<128x512xf32>
    %ge3A_554 = arith.constant 0.000000e+00 : f32
    %ge3A_555 = vector.broadcast %ge3A_554 : f32 to vector<128x512xf32>
    %ge3A_556 = arith.cmpf oge, %dot_general3A_553, %ge3A_555 : vector<128x512xf32>
    %mul3A_557 = vector.broadcast %get3A_539 : f32 to vector<128x512xf32>
    %mul3A_558 = arith.mulf %mul3A_557, %dot_general3A_553 : vector<128x512xf32>
    %select_n3A_559 = arith.select %ge3A_556, %dot_general3A_553, %mul3A_558 : vector<128x512xi1>, vector<128x512xf32>
    %get3A_560 = arith.constant 0 : index
    %get3A_561 = arith.constant 0 : index
    %get3A_562 = vector.load %arg13[%get3A_560, %get3A_561] : memref<256x128xf32, #tpu.memory_space<vmem>>, vector<256x128xf32>
    %get3A_563 = arith.constant 0 : index
    %get3A_564 = arith.constant 0 : index
    %get3A_565 = vector.load %arg14[%get3A_563, %get3A_564] : memref<1x128xf32, #tpu.memory_space<vmem>>, vector<1x128xf32>
    %concatenate3A_566 = tpu.concatenate %get3A_562, %get3A_565 in 0 : vector<256x128xf32>, vector<1x128xf32> -> vector<257x128xf32>
    %concatenate3A_567 = tpu.concatenate %select_n3A_534, %select_n3A_559, %broadcast_in_dim3A_543 in 0 : vector<128x512xf32>, vector<128x512xf32>, vector<1x512xf32> -> vector<257x512xf32>
    %dot_general3A_568 = arith.constant dense<0.000000e+00> : vector<128x512xf32>
    %dot_general3A_569 = tpu.matmul %concatenate3A_566, %concatenate3A_567, %dot_general3A_568 {dimension_numbers = #tpu.dot_dimension_numbers<[0], [0], [1], [1], [0, 1, 1, 1], [], []>, transpose_lhs_hint = false} : vector<257x128xf32>, vector<257x512xf32>, vector<128x512xf32> -> vector<128x512xf32>
    %ge3A_570 = arith.constant 0.000000e+00 : f32
    %ge3A_571 = vector.broadcast %ge3A_570 : f32 to vector<128x512xf32>
    %ge3A_572 = arith.cmpf oge, %dot_general3A_569, %ge3A_571 : vector<128x512xf32>
    %mul3A_573 = vector.broadcast %get3A_541 : f32 to vector<128x512xf32>
    %mul3A_574 = arith.mulf %mul3A_573, %dot_general3A_569 : vector<128x512xf32>
    %select_n3A_575 = arith.select %ge3A_572, %dot_general3A_569, %mul3A_574 : vector<128x512xi1>, vector<128x512xf32>
    %get3A_576 = arith.constant 2 : index
    %get3A_577 = arith.constant 0 : index
    %get3A_578 = vector.load %arg1[%get3A_576, %get3A_577] : memref<5x512xi32, #tpu.memory_space<vmem>>, vector<1x512xi32>
    %get3A_579 = arith.constant 6 : index
    %get3A_580 = memref.load %arg35[%get3A_579] : memref<15xf32, #tpu.memory_space<smem>>
    %slice3A_581 = vector.extract_strided_slice %select_n3A_575 {offsets = [0, 4], sizes = [128, 508], strides = [1, 1]} : vector<128x512xf32> to vector<128x508xf32>
    %slice3A_582 = vector.extract_strided_slice %select_n3A_575 {offsets = [0, 0], sizes = [128, 4], strides = [1, 1]} : vector<128x512xf32> to vector<128x4xf32>
    %concatenate3A_583 = tpu.concatenate %slice3A_581, %slice3A_582 in 1 : vector<128x508xf32>, vector<128x4xf32> -> vector<128x512xf32>
    %broadcast_in_dim3A_584 = arith.constant 1.000000e+00 : f32
    %broadcast_in_dim3A_585 = vector.broadcast %broadcast_in_dim3A_584 : f32 to vector<1x512xf32>
    %concatenate3A_586 = tpu.concatenate %select_n3A_575, %concatenate3A_583, %broadcast_in_dim3A_585 in 0 : vector<128x512xf32>, vector<128x512xf32>, vector<1x512xf32> -> vector<257x512xf32>
    %broadcast_in_dim3A_587 = arith.constant 0.000000e+00 : f32
    %broadcast_in_dim3A_588 = vector.broadcast %broadcast_in_dim3A_587 : f32 to vector<128x512xf32>
    %get3A_589 = arith.constant 0 : index
    %get3A_590 = memref.load %arg33[%get3A_589] : memref<8xi32, #tpu.memory_space<smem>>
    %mul3A_591 = arith.constant 256 : i32
    %mul3A_592 = arith.muli %get3A_590, %mul3A_591 : i32
    %get3A_593 = arith.index_cast %mul3A_592 : i32 to index
    %get3A_594 = arith.constant 0 : index
    %get3A_595 = vector.load %arg15[%get3A_593, %get3A_594] : memref<2048x128xf32, #tpu.memory_space<vmem>>, vector<256x128xf32>
    %slice3A_596 = vector.extract_strided_slice %get3A_595 {offsets = [128, 0], sizes = [128, 128], strides = [1, 1]} : vector<256x128xf32> to vector<128x128xf32>
    %slice3A_597 = vector.extract_strided_slice %get3A_595 {offsets = [0, 0], sizes = [128, 128], strides = [1, 1]} : vector<256x128xf32> to vector<128x128xf32>
    %concatenate3A_598 = tpu.concatenate %slice3A_596, %slice3A_597 in 0 : vector<128x128xf32>, vector<128x128xf32> -> vector<256x128xf32>
    %get3A_599 = arith.constant 0 : index
    %get3A_600 = memref.load %arg34[%get3A_599] : memref<8xi32, #tpu.memory_space<smem>>
    %eq3A_601 = arith.constant 1 : i32
    %eq3A_602 = arith.cmpi eq, %get3A_600, %eq3A_601 : i32
    %select_n3A_603 = arith.select %eq3A_602, %concatenate3A_598, %get3A_595 : vector<256x128xf32>
    %get3A_604 = arith.index_cast %get3A_590 : i32 to index
    %get3A_605 = arith.constant 0 : index
    %get3A_606 = vector.load %arg16[%get3A_604, %get3A_605] : memref<8x128xf32, #tpu.memory_space<vmem>>, vector<1x128xf32>
    %concatenate3A_607 = tpu.concatenate %select_n3A_603, %get3A_606 in 0 : vector<256x128xf32>, vector<1x128xf32> -> vector<257x128xf32>
    %dot_general3A_608 = arith.constant dense<0.000000e+00> : vector<128x512xf32>
    %dot_general3A_609 = tpu.matmul %concatenate3A_607, %concatenate3A_586, %dot_general3A_608 {dimension_numbers = #tpu.dot_dimension_numbers<[0], [0], [1], [1], [0, 1, 1, 1], [], []>, transpose_lhs_hint = false} : vector<257x128xf32>, vector<257x512xf32>, vector<128x512xf32> -> vector<128x512xf32>
    %eq3A_610 = arith.constant 0 : i32
    %eq3A_611 = vector.broadcast %eq3A_610 : i32 to vector<1x512xi32>
    %eq3A_612 = arith.cmpi eq, %get3A_578, %eq3A_611 : vector<1x512xi32>
    %convert_element_type3A_613 = arith.extui %eq3A_612 : vector<1x512xi1> to vector<1x512xi32>
    %convert_element_type3A_614 = arith.sitofp %convert_element_type3A_613 : vector<1x512xi32> to vector<1x512xf32>
    %mul3A_615 = vector.broadcast %convert_element_type3A_614 : vector<1x512xf32> to vector<128x512xf32>
    %mul3A_616 = arith.mulf %mul3A_615, %dot_general3A_609 : vector<128x512xf32>
    %add3A_617 = arith.addf %broadcast_in_dim3A_588, %mul3A_616 : vector<128x512xf32>
    %get3A_618 = arith.constant 1 : index
    %get3A_619 = memref.load %arg33[%get3A_618] : memref<8xi32, #tpu.memory_space<smem>>
    %mul3A_620 = arith.constant 256 : i32
    %mul3A_621 = arith.muli %get3A_619, %mul3A_620 : i32
    %get3A_622 = arith.index_cast %mul3A_621 : i32 to index
    %get3A_623 = arith.constant 0 : index
    %get3A_624 = vector.load %arg15[%get3A_622, %get3A_623] : memref<2048x128xf32, #tpu.memory_space<vmem>>, vector<256x128xf32>
    %slice3A_625 = vector.extract_strided_slice %get3A_624 {offsets = [128, 0], sizes = [128, 128], strides = [1, 1]} : vector<256x128xf32> to vector<128x128xf32>
    %slice3A_626 = vector.extract_strided_slice %get3A_624 {offsets = [0, 0], sizes = [128, 128], strides = [1, 1]} : vector<256x128xf32> to vector<128x128xf32>
    %concatenate3A_627 = tpu.concatenate %slice3A_625, %slice3A_626 in 0 : vector<128x128xf32>, vector<128x128xf32> -> vector<256x128xf32>
    %get3A_628 = arith.constant 1 : index
    %get3A_629 = memref.load %arg34[%get3A_628] : memref<8xi32, #tpu.memory_space<smem>>
    %eq3A_630 = arith.constant 1 : i32
    %eq3A_631 = arith.cmpi eq, %get3A_629, %eq3A_630 : i32
    %select_n3A_632 = arith.select %eq3A_631, %concatenate3A_627, %get3A_624 : vector<256x128xf32>
    %get3A_633 = arith.index_cast %get3A_619 : i32 to index
    %get3A_634 = arith.constant 0 : index
    %get3A_635 = vector.load %arg16[%get3A_633, %get3A_634] : memref<8x128xf32, #tpu.memory_space<vmem>>, vector<1x128xf32>
    %concatenate3A_636 = tpu.concatenate %select_n3A_632, %get3A_635 in 0 : vector<256x128xf32>, vector<1x128xf32> -> vector<257x128xf32>
    %dot_general3A_637 = arith.constant dense<0.000000e+00> : vector<128x512xf32>
    %dot_general3A_638 = tpu.matmul %concatenate3A_636, %concatenate3A_586, %dot_general3A_637 {dimension_numbers = #tpu.dot_dimension_numbers<[0], [0], [1], [1], [0, 1, 1, 1], [], []>, transpose_lhs_hint = false} : vector<257x128xf32>, vector<257x512xf32>, vector<128x512xf32> -> vector<128x512xf32>
    %eq3A_639 = arith.constant 1 : i32
    %eq3A_640 = vector.broadcast %eq3A_639 : i32 to vector<1x512xi32>
    %eq3A_641 = arith.cmpi eq, %get3A_578, %eq3A_640 : vector<1x512xi32>
    %convert_element_type3A_642 = arith.extui %eq3A_641 : vector<1x512xi1> to vector<1x512xi32>
    %convert_element_type3A_643 = arith.sitofp %convert_element_type3A_642 : vector<1x512xi32> to vector<1x512xf32>
    %mul3A_644 = vector.broadcast %convert_element_type3A_643 : vector<1x512xf32> to vector<128x512xf32>
    %mul3A_645 = arith.mulf %mul3A_644, %dot_general3A_638 : vector<128x512xf32>
    %add3A_646 = arith.addf %add3A_617, %mul3A_645 : vector<128x512xf32>
    %get3A_647 = arith.constant 2 : index
    %get3A_648 = memref.load %arg33[%get3A_647] : memref<8xi32, #tpu.memory_space<smem>>
    %mul3A_649 = arith.constant 256 : i32
    %mul3A_650 = arith.muli %get3A_648, %mul3A_649 : i32
    %get3A_651 = arith.index_cast %mul3A_650 : i32 to index
    %get3A_652 = arith.constant 0 : index
    %get3A_653 = vector.load %arg15[%get3A_651, %get3A_652] : memref<2048x128xf32, #tpu.memory_space<vmem>>, vector<256x128xf32>
    %slice3A_654 = vector.extract_strided_slice %get3A_653 {offsets = [128, 0], sizes = [128, 128], strides = [1, 1]} : vector<256x128xf32> to vector<128x128xf32>
    %slice3A_655 = vector.extract_strided_slice %get3A_653 {offsets = [0, 0], sizes = [128, 128], strides = [1, 1]} : vector<256x128xf32> to vector<128x128xf32>
    %concatenate3A_656 = tpu.concatenate %slice3A_654, %slice3A_655 in 0 : vector<128x128xf32>, vector<128x128xf32> -> vector<256x128xf32>
    %get3A_657 = arith.constant 2 : index
    %get3A_658 = memref.load %arg34[%get3A_657] : memref<8xi32, #tpu.memory_space<smem>>
    %eq3A_659 = arith.constant 1 : i32
    %eq3A_660 = arith.cmpi eq, %get3A_658, %eq3A_659 : i32
    %select_n3A_661 = arith.select %eq3A_660, %concatenate3A_656, %get3A_653 : vector<256x128xf32>
    %get3A_662 = arith.index_cast %get3A_648 : i32 to index
    %get3A_663 = arith.constant 0 : index
    %get3A_664 = vector.load %arg16[%get3A_662, %get3A_663] : memref<8x128xf32, #tpu.memory_space<vmem>>, vector<1x128xf32>
    %concatenate3A_665 = tpu.concatenate %select_n3A_661, %get3A_664 in 0 : vector<256x128xf32>, vector<1x128xf32> -> vector<257x128xf32>
    %dot_general3A_666 = arith.constant dense<0.000000e+00> : vector<128x512xf32>
    %dot_general3A_667 = tpu.matmul %concatenate3A_665, %concatenate3A_586, %dot_general3A_666 {dimension_numbers = #tpu.dot_dimension_numbers<[0], [0], [1], [1], [0, 1, 1, 1], [], []>, transpose_lhs_hint = false} : vector<257x128xf32>, vector<257x512xf32>, vector<128x512xf32> -> vector<128x512xf32>
    %eq3A_668 = arith.constant 2 : i32
    %eq3A_669 = vector.broadcast %eq3A_668 : i32 to vector<1x512xi32>
    %eq3A_670 = arith.cmpi eq, %get3A_578, %eq3A_669 : vector<1x512xi32>
    %convert_element_type3A_671 = arith.extui %eq3A_670 : vector<1x512xi1> to vector<1x512xi32>
    %convert_element_type3A_672 = arith.sitofp %convert_element_type3A_671 : vector<1x512xi32> to vector<1x512xf32>
    %mul3A_673 = vector.broadcast %convert_element_type3A_672 : vector<1x512xf32> to vector<128x512xf32>
    %mul3A_674 = arith.mulf %mul3A_673, %dot_general3A_667 : vector<128x512xf32>
    %add3A_675 = arith.addf %add3A_646, %mul3A_674 : vector<128x512xf32>
    %get3A_676 = arith.constant 3 : index
    %get3A_677 = memref.load %arg33[%get3A_676] : memref<8xi32, #tpu.memory_space<smem>>
    %mul3A_678 = arith.constant 256 : i32
    %mul3A_679 = arith.muli %get3A_677, %mul3A_678 : i32
    %get3A_680 = arith.index_cast %mul3A_679 : i32 to index
    %get3A_681 = arith.constant 0 : index
    %get3A_682 = vector.load %arg15[%get3A_680, %get3A_681] : memref<2048x128xf32, #tpu.memory_space<vmem>>, vector<256x128xf32>
    %slice3A_683 = vector.extract_strided_slice %get3A_682 {offsets = [128, 0], sizes = [128, 128], strides = [1, 1]} : vector<256x128xf32> to vector<128x128xf32>
    %slice3A_684 = vector.extract_strided_slice %get3A_682 {offsets = [0, 0], sizes = [128, 128], strides = [1, 1]} : vector<256x128xf32> to vector<128x128xf32>
    %concatenate3A_685 = tpu.concatenate %slice3A_683, %slice3A_684 in 0 : vector<128x128xf32>, vector<128x128xf32> -> vector<256x128xf32>
    %get3A_686 = arith.constant 3 : index
    %get3A_687 = memref.load %arg34[%get3A_686] : memref<8xi32, #tpu.memory_space<smem>>
    %eq3A_688 = arith.constant 1 : i32
    %eq3A_689 = arith.cmpi eq, %get3A_687, %eq3A_688 : i32
    %select_n3A_690 = arith.select %eq3A_689, %concatenate3A_685, %get3A_682 : vector<256x128xf32>
    %get3A_691 = arith.index_cast %get3A_677 : i32 to index
    %get3A_692 = arith.constant 0 : index
    %get3A_693 = vector.load %arg16[%get3A_691, %get3A_692] : memref<8x128xf32, #tpu.memory_space<vmem>>, vector<1x128xf32>
    %concatenate3A_694 = tpu.concatenate %select_n3A_690, %get3A_693 in 0 : vector<256x128xf32>, vector<1x128xf32> -> vector<257x128xf32>
    %dot_general3A_695 = arith.constant dense<0.000000e+00> : vector<128x512xf32>
    %dot_general3A_696 = tpu.matmul %concatenate3A_694, %concatenate3A_586, %dot_general3A_695 {dimension_numbers = #tpu.dot_dimension_numbers<[0], [0], [1], [1], [0, 1, 1, 1], [], []>, transpose_lhs_hint = false} : vector<257x128xf32>, vector<257x512xf32>, vector<128x512xf32> -> vector<128x512xf32>
    %eq3A_697 = arith.constant 3 : i32
    %eq3A_698 = vector.broadcast %eq3A_697 : i32 to vector<1x512xi32>
    %eq3A_699 = arith.cmpi eq, %get3A_578, %eq3A_698 : vector<1x512xi32>
    %convert_element_type3A_700 = arith.extui %eq3A_699 : vector<1x512xi1> to vector<1x512xi32>
    %convert_element_type3A_701 = arith.sitofp %convert_element_type3A_700 : vector<1x512xi32> to vector<1x512xf32>
    %mul3A_702 = vector.broadcast %convert_element_type3A_701 : vector<1x512xf32> to vector<128x512xf32>
    %mul3A_703 = arith.mulf %mul3A_702, %dot_general3A_696 : vector<128x512xf32>
    %add3A_704 = arith.addf %add3A_675, %mul3A_703 : vector<128x512xf32>
    %get3A_705 = arith.constant 4 : index
    %get3A_706 = memref.load %arg33[%get3A_705] : memref<8xi32, #tpu.memory_space<smem>>
    %mul3A_707 = arith.constant 256 : i32
    %mul3A_708 = arith.muli %get3A_706, %mul3A_707 : i32
    %get3A_709 = arith.index_cast %mul3A_708 : i32 to index
    %get3A_710 = arith.constant 0 : index
    %get3A_711 = vector.load %arg15[%get3A_709, %get3A_710] : memref<2048x128xf32, #tpu.memory_space<vmem>>, vector<256x128xf32>
    %slice3A_712 = vector.extract_strided_slice %get3A_711 {offsets = [128, 0], sizes = [128, 128], strides = [1, 1]} : vector<256x128xf32> to vector<128x128xf32>
    %slice3A_713 = vector.extract_strided_slice %get3A_711 {offsets = [0, 0], sizes = [128, 128], strides = [1, 1]} : vector<256x128xf32> to vector<128x128xf32>
    %concatenate3A_714 = tpu.concatenate %slice3A_712, %slice3A_713 in 0 : vector<128x128xf32>, vector<128x128xf32> -> vector<256x128xf32>
    %get3A_715 = arith.constant 4 : index
    %get3A_716 = memref.load %arg34[%get3A_715] : memref<8xi32, #tpu.memory_space<smem>>
    %eq3A_717 = arith.constant 1 : i32
    %eq3A_718 = arith.cmpi eq, %get3A_716, %eq3A_717 : i32
    %select_n3A_719 = arith.select %eq3A_718, %concatenate3A_714, %get3A_711 : vector<256x128xf32>
    %get3A_720 = arith.index_cast %get3A_706 : i32 to index
    %get3A_721 = arith.constant 0 : index
    %get3A_722 = vector.load %arg16[%get3A_720, %get3A_721] : memref<8x128xf32, #tpu.memory_space<vmem>>, vector<1x128xf32>
    %concatenate3A_723 = tpu.concatenate %select_n3A_719, %get3A_722 in 0 : vector<256x128xf32>, vector<1x128xf32> -> vector<257x128xf32>
    %dot_general3A_724 = arith.constant dense<0.000000e+00> : vector<128x512xf32>
    %dot_general3A_725 = tpu.matmul %concatenate3A_723, %concatenate3A_586, %dot_general3A_724 {dimension_numbers = #tpu.dot_dimension_numbers<[0], [0], [1], [1], [0, 1, 1, 1], [], []>, transpose_lhs_hint = false} : vector<257x128xf32>, vector<257x512xf32>, vector<128x512xf32> -> vector<128x512xf32>
    %eq3A_726 = arith.constant 4 : i32
    %eq3A_727 = vector.broadcast %eq3A_726 : i32 to vector<1x512xi32>
    %eq3A_728 = arith.cmpi eq, %get3A_578, %eq3A_727 : vector<1x512xi32>
    %convert_element_type3A_729 = arith.extui %eq3A_728 : vector<1x512xi1> to vector<1x512xi32>
    %convert_element_type3A_730 = arith.sitofp %convert_element_type3A_729 : vector<1x512xi32> to vector<1x512xf32>
    %mul3A_731 = vector.broadcast %convert_element_type3A_730 : vector<1x512xf32> to vector<128x512xf32>
    %mul3A_732 = arith.mulf %mul3A_731, %dot_general3A_725 : vector<128x512xf32>
    %add3A_733 = arith.addf %add3A_704, %mul3A_732 : vector<128x512xf32>
    %get3A_734 = arith.constant 5 : index
    %get3A_735 = memref.load %arg33[%get3A_734] : memref<8xi32, #tpu.memory_space<smem>>
    %mul3A_736 = arith.constant 256 : i32
    %mul3A_737 = arith.muli %get3A_735, %mul3A_736 : i32
    %get3A_738 = arith.index_cast %mul3A_737 : i32 to index
    %get3A_739 = arith.constant 0 : index
    %get3A_740 = vector.load %arg15[%get3A_738, %get3A_739] : memref<2048x128xf32, #tpu.memory_space<vmem>>, vector<256x128xf32>
    %slice3A_741 = vector.extract_strided_slice %get3A_740 {offsets = [128, 0], sizes = [128, 128], strides = [1, 1]} : vector<256x128xf32> to vector<128x128xf32>
    %slice3A_742 = vector.extract_strided_slice %get3A_740 {offsets = [0, 0], sizes = [128, 128], strides = [1, 1]} : vector<256x128xf32> to vector<128x128xf32>
    %concatenate3A_743 = tpu.concatenate %slice3A_741, %slice3A_742 in 0 : vector<128x128xf32>, vector<128x128xf32> -> vector<256x128xf32>
    %get3A_744 = arith.constant 5 : index
    %get3A_745 = memref.load %arg34[%get3A_744] : memref<8xi32, #tpu.memory_space<smem>>
    %eq3A_746 = arith.constant 1 : i32
    %eq3A_747 = arith.cmpi eq, %get3A_745, %eq3A_746 : i32
    %select_n3A_748 = arith.select %eq3A_747, %concatenate3A_743, %get3A_740 : vector<256x128xf32>
    %get3A_749 = arith.index_cast %get3A_735 : i32 to index
    %get3A_750 = arith.constant 0 : index
    %get3A_751 = vector.load %arg16[%get3A_749, %get3A_750] : memref<8x128xf32, #tpu.memory_space<vmem>>, vector<1x128xf32>
    %concatenate3A_752 = tpu.concatenate %select_n3A_748, %get3A_751 in 0 : vector<256x128xf32>, vector<1x128xf32> -> vector<257x128xf32>
    %dot_general3A_753 = arith.constant dense<0.000000e+00> : vector<128x512xf32>
    %dot_general3A_754 = tpu.matmul %concatenate3A_752, %concatenate3A_586, %dot_general3A_753 {dimension_numbers = #tpu.dot_dimension_numbers<[0], [0], [1], [1], [0, 1, 1, 1], [], []>, transpose_lhs_hint = false} : vector<257x128xf32>, vector<257x512xf32>, vector<128x512xf32> -> vector<128x512xf32>
    %eq3A_755 = arith.constant 5 : i32
    %eq3A_756 = vector.broadcast %eq3A_755 : i32 to vector<1x512xi32>
    %eq3A_757 = arith.cmpi eq, %get3A_578, %eq3A_756 : vector<1x512xi32>
    %convert_element_type3A_758 = arith.extui %eq3A_757 : vector<1x512xi1> to vector<1x512xi32>
    %convert_element_type3A_759 = arith.sitofp %convert_element_type3A_758 : vector<1x512xi32> to vector<1x512xf32>
    %mul3A_760 = vector.broadcast %convert_element_type3A_759 : vector<1x512xf32> to vector<128x512xf32>
    %mul3A_761 = arith.mulf %mul3A_760, %dot_general3A_754 : vector<128x512xf32>
    %add3A_762 = arith.addf %add3A_733, %mul3A_761 : vector<128x512xf32>
    %get3A_763 = arith.constant 6 : index
    %get3A_764 = memref.load %arg33[%get3A_763] : memref<8xi32, #tpu.memory_space<smem>>
    %mul3A_765 = arith.constant 256 : i32
    %mul3A_766 = arith.muli %get3A_764, %mul3A_765 : i32
    %get3A_767 = arith.index_cast %mul3A_766 : i32 to index
    %get3A_768 = arith.constant 0 : index
    %get3A_769 = vector.load %arg15[%get3A_767, %get3A_768] : memref<2048x128xf32, #tpu.memory_space<vmem>>, vector<256x128xf32>
    %slice3A_770 = vector.extract_strided_slice %get3A_769 {offsets = [128, 0], sizes = [128, 128], strides = [1, 1]} : vector<256x128xf32> to vector<128x128xf32>
    %slice3A_771 = vector.extract_strided_slice %get3A_769 {offsets = [0, 0], sizes = [128, 128], strides = [1, 1]} : vector<256x128xf32> to vector<128x128xf32>
    %concatenate3A_772 = tpu.concatenate %slice3A_770, %slice3A_771 in 0 : vector<128x128xf32>, vector<128x128xf32> -> vector<256x128xf32>
    %get3A_773 = arith.constant 6 : index
    %get3A_774 = memref.load %arg34[%get3A_773] : memref<8xi32, #tpu.memory_space<smem>>
    %eq3A_775 = arith.constant 1 : i32
    %eq3A_776 = arith.cmpi eq, %get3A_774, %eq3A_775 : i32
    %select_n3A_777 = arith.select %eq3A_776, %concatenate3A_772, %get3A_769 : vector<256x128xf32>
    %get3A_778 = arith.index_cast %get3A_764 : i32 to index
    %get3A_779 = arith.constant 0 : index
    %get3A_780 = vector.load %arg16[%get3A_778, %get3A_779] : memref<8x128xf32, #tpu.memory_space<vmem>>, vector<1x128xf32>
    %concatenate3A_781 = tpu.concatenate %select_n3A_777, %get3A_780 in 0 : vector<256x128xf32>, vector<1x128xf32> -> vector<257x128xf32>
    %dot_general3A_782 = arith.constant dense<0.000000e+00> : vector<128x512xf32>
    %dot_general3A_783 = tpu.matmul %concatenate3A_781, %concatenate3A_586, %dot_general3A_782 {dimension_numbers = #tpu.dot_dimension_numbers<[0], [0], [1], [1], [0, 1, 1, 1], [], []>, transpose_lhs_hint = false} : vector<257x128xf32>, vector<257x512xf32>, vector<128x512xf32> -> vector<128x512xf32>
    %eq3A_784 = arith.constant 6 : i32
    %eq3A_785 = vector.broadcast %eq3A_784 : i32 to vector<1x512xi32>
    %eq3A_786 = arith.cmpi eq, %get3A_578, %eq3A_785 : vector<1x512xi32>
    %convert_element_type3A_787 = arith.extui %eq3A_786 : vector<1x512xi1> to vector<1x512xi32>
    %convert_element_type3A_788 = arith.sitofp %convert_element_type3A_787 : vector<1x512xi32> to vector<1x512xf32>
    %mul3A_789 = vector.broadcast %convert_element_type3A_788 : vector<1x512xf32> to vector<128x512xf32>
    %mul3A_790 = arith.mulf %mul3A_789, %dot_general3A_783 : vector<128x512xf32>
    %add3A_791 = arith.addf %add3A_762, %mul3A_790 : vector<128x512xf32>
    %get3A_792 = arith.constant 7 : index
    %get3A_793 = memref.load %arg33[%get3A_792] : memref<8xi32, #tpu.memory_space<smem>>
    %mul3A_794 = arith.constant 256 : i32
    %mul3A_795 = arith.muli %get3A_793, %mul3A_794 : i32
    %get3A_796 = arith.index_cast %mul3A_795 : i32 to index
    %get3A_797 = arith.constant 0 : index
    %get3A_798 = vector.load %arg15[%get3A_796, %get3A_797] : memref<2048x128xf32, #tpu.memory_space<vmem>>, vector<256x128xf32>
    %slice3A_799 = vector.extract_strided_slice %get3A_798 {offsets = [128, 0], sizes = [128, 128], strides = [1, 1]} : vector<256x128xf32> to vector<128x128xf32>
    %slice3A_800 = vector.extract_strided_slice %get3A_798 {offsets = [0, 0], sizes = [128, 128], strides = [1, 1]} : vector<256x128xf32> to vector<128x128xf32>
    %concatenate3A_801 = tpu.concatenate %slice3A_799, %slice3A_800 in 0 : vector<128x128xf32>, vector<128x128xf32> -> vector<256x128xf32>
    %get3A_802 = arith.constant 7 : index
    %get3A_803 = memref.load %arg34[%get3A_802] : memref<8xi32, #tpu.memory_space<smem>>
    %eq3A_804 = arith.constant 1 : i32
    %eq3A_805 = arith.cmpi eq, %get3A_803, %eq3A_804 : i32
    %select_n3A_806 = arith.select %eq3A_805, %concatenate3A_801, %get3A_798 : vector<256x128xf32>
    %get3A_807 = arith.index_cast %get3A_793 : i32 to index
    %get3A_808 = arith.constant 0 : index
    %get3A_809 = vector.load %arg16[%get3A_807, %get3A_808] : memref<8x128xf32, #tpu.memory_space<vmem>>, vector<1x128xf32>
    %concatenate3A_810 = tpu.concatenate %select_n3A_806, %get3A_809 in 0 : vector<256x128xf32>, vector<1x128xf32> -> vector<257x128xf32>
    %dot_general3A_811 = arith.constant dense<0.000000e+00> : vector<128x512xf32>
    %dot_general3A_812 = tpu.matmul %concatenate3A_810, %concatenate3A_586, %dot_general3A_811 {dimension_numbers = #tpu.dot_dimension_numbers<[0], [0], [1], [1], [0, 1, 1, 1], [], []>, transpose_lhs_hint = false} : vector<257x128xf32>, vector<257x512xf32>, vector<128x512xf32> -> vector<128x512xf32>
    %eq3A_813 = arith.constant 7 : i32
    %eq3A_814 = vector.broadcast %eq3A_813 : i32 to vector<1x512xi32>
    %eq3A_815 = arith.cmpi eq, %get3A_578, %eq3A_814 : vector<1x512xi32>
    %convert_element_type3A_816 = arith.extui %eq3A_815 : vector<1x512xi1> to vector<1x512xi32>
    %convert_element_type3A_817 = arith.sitofp %convert_element_type3A_816 : vector<1x512xi32> to vector<1x512xf32>
    %mul3A_818 = vector.broadcast %convert_element_type3A_817 : vector<1x512xf32> to vector<128x512xf32>
    %mul3A_819 = arith.mulf %mul3A_818, %dot_general3A_812 : vector<128x512xf32>
    %add3A_820 = arith.addf %add3A_791, %mul3A_819 : vector<128x512xf32>
    %ge3A_821 = arith.constant 0.000000e+00 : f32
    %ge3A_822 = vector.broadcast %ge3A_821 : f32 to vector<128x512xf32>
    %ge3A_823 = arith.cmpf oge, %add3A_820, %ge3A_822 : vector<128x512xf32>
    %mul3A_824 = vector.broadcast %get3A_580 : f32 to vector<128x512xf32>
    %mul3A_825 = arith.mulf %mul3A_824, %add3A_820 : vector<128x512xf32>
    %select_n3A_826 = arith.select %ge3A_823, %add3A_820, %mul3A_825 : vector<128x512xi1>, vector<128x512xf32>
    %get3A_827 = arith.constant 128 : index
    %get3A_828 = arith.constant 0 : index
    %get3A_829 = vector.load %arg0[%get3A_827, %get3A_828] : memref<256x512xf32, #tpu.memory_space<vmem>>, vector<128x512xf32>
    %get3A_830 = arith.constant 7 : index
    %get3A_831 = memref.load %arg35[%get3A_830] : memref<15xf32, #tpu.memory_space<smem>>
    %get3A_832 = arith.constant 8 : index
    %get3A_833 = memref.load %arg35[%get3A_832] : memref<15xf32, #tpu.memory_space<smem>>
    %broadcast_in_dim3A_834 = arith.constant 1.000000e+00 : f32
    %broadcast_in_dim3A_835 = vector.broadcast %broadcast_in_dim3A_834 : f32 to vector<1x512xf32>
    %get3A_836 = arith.constant 0 : index
    %get3A_837 = arith.constant 0 : index
    %get3A_838 = vector.load %arg17[%get3A_836, %get3A_837] : memref<128x128xf32, #tpu.memory_space<vmem>>, vector<128x128xf32>
    %get3A_839 = arith.constant 0 : index
    %get3A_840 = arith.constant 0 : index
    %get3A_841 = vector.load %arg18[%get3A_839, %get3A_840] : memref<1x128xf32, #tpu.memory_space<vmem>>, vector<1x128xf32>
    %concatenate3A_842 = tpu.concatenate %get3A_838, %get3A_841 in 0 : vector<128x128xf32>, vector<1x128xf32> -> vector<129x128xf32>
    %concatenate3A_843 = tpu.concatenate %get3A_829, %broadcast_in_dim3A_835 in 0 : vector<128x512xf32>, vector<1x512xf32> -> vector<129x512xf32>
    %dot_general3A_844 = arith.constant dense<0.000000e+00> : vector<128x512xf32>
    %dot_general3A_845 = tpu.matmul %concatenate3A_842, %concatenate3A_843, %dot_general3A_844 {dimension_numbers = #tpu.dot_dimension_numbers<[0], [0], [1], [1], [0, 1, 1, 1], [], []>, transpose_lhs_hint = false} : vector<129x128xf32>, vector<129x512xf32>, vector<128x512xf32> -> vector<128x512xf32>
    %ge3A_846 = arith.constant 0.000000e+00 : f32
    %ge3A_847 = vector.broadcast %ge3A_846 : f32 to vector<128x512xf32>
    %ge3A_848 = arith.cmpf oge, %dot_general3A_845, %ge3A_847 : vector<128x512xf32>
    %mul3A_849 = vector.broadcast %get3A_831 : f32 to vector<128x512xf32>
    %mul3A_850 = arith.mulf %mul3A_849, %dot_general3A_845 : vector<128x512xf32>
    %select_n3A_851 = arith.select %ge3A_848, %dot_general3A_845, %mul3A_850 : vector<128x512xi1>, vector<128x512xf32>
    %get3A_852 = arith.constant 0 : index
    %get3A_853 = arith.constant 0 : index
    %get3A_854 = vector.load %arg19[%get3A_852, %get3A_853] : memref<256x128xf32, #tpu.memory_space<vmem>>, vector<256x128xf32>
    %get3A_855 = arith.constant 0 : index
    %get3A_856 = arith.constant 0 : index
    %get3A_857 = vector.load %arg20[%get3A_855, %get3A_856] : memref<1x128xf32, #tpu.memory_space<vmem>>, vector<1x128xf32>
    %concatenate3A_858 = tpu.concatenate %get3A_854, %get3A_857 in 0 : vector<256x128xf32>, vector<1x128xf32> -> vector<257x128xf32>
    %concatenate3A_859 = tpu.concatenate %select_n3A_826, %select_n3A_851, %broadcast_in_dim3A_835 in 0 : vector<128x512xf32>, vector<128x512xf32>, vector<1x512xf32> -> vector<257x512xf32>
    %dot_general3A_860 = arith.constant dense<0.000000e+00> : vector<128x512xf32>
    %dot_general3A_861 = tpu.matmul %concatenate3A_858, %concatenate3A_859, %dot_general3A_860 {dimension_numbers = #tpu.dot_dimension_numbers<[0], [0], [1], [1], [0, 1, 1, 1], [], []>, transpose_lhs_hint = false} : vector<257x128xf32>, vector<257x512xf32>, vector<128x512xf32> -> vector<128x512xf32>
    %ge3A_862 = arith.constant 0.000000e+00 : f32
    %ge3A_863 = vector.broadcast %ge3A_862 : f32 to vector<128x512xf32>
    %ge3A_864 = arith.cmpf oge, %dot_general3A_861, %ge3A_863 : vector<128x512xf32>
    %mul3A_865 = vector.broadcast %get3A_833 : f32 to vector<128x512xf32>
    %mul3A_866 = arith.mulf %mul3A_865, %dot_general3A_861 : vector<128x512xf32>
    %select_n3A_867 = arith.select %ge3A_864, %dot_general3A_861, %mul3A_866 : vector<128x512xi1>, vector<128x512xf32>
    %get3A_868 = arith.constant 3 : index
    %get3A_869 = arith.constant 0 : index
    %get3A_870 = vector.load %arg1[%get3A_868, %get3A_869] : memref<5x512xi32, #tpu.memory_space<vmem>>, vector<1x512xi32>
    %get3A_871 = arith.constant 9 : index
    %get3A_872 = memref.load %arg35[%get3A_871] : memref<15xf32, #tpu.memory_space<smem>>
    %slice3A_873 = vector.extract_strided_slice %select_n3A_867 {offsets = [0, 8], sizes = [128, 504], strides = [1, 1]} : vector<128x512xf32> to vector<128x504xf32>
    %slice3A_874 = vector.extract_strided_slice %select_n3A_867 {offsets = [0, 0], sizes = [128, 8], strides = [1, 1]} : vector<128x512xf32> to vector<128x8xf32>
    %concatenate3A_875 = tpu.concatenate %slice3A_873, %slice3A_874 in 1 : vector<128x504xf32>, vector<128x8xf32> -> vector<128x512xf32>
    %broadcast_in_dim3A_876 = arith.constant 1.000000e+00 : f32
    %broadcast_in_dim3A_877 = vector.broadcast %broadcast_in_dim3A_876 : f32 to vector<1x512xf32>
    %concatenate3A_878 = tpu.concatenate %select_n3A_867, %concatenate3A_875, %broadcast_in_dim3A_877 in 0 : vector<128x512xf32>, vector<128x512xf32>, vector<1x512xf32> -> vector<257x512xf32>
    %broadcast_in_dim3A_879 = arith.constant 0.000000e+00 : f32
    %broadcast_in_dim3A_880 = vector.broadcast %broadcast_in_dim3A_879 : f32 to vector<128x512xf32>
    %get3A_881 = arith.constant 0 : index
    %get3A_882 = memref.load %arg33[%get3A_881] : memref<8xi32, #tpu.memory_space<smem>>
    %mul3A_883 = arith.constant 256 : i32
    %mul3A_884 = arith.muli %get3A_882, %mul3A_883 : i32
    %get3A_885 = arith.index_cast %mul3A_884 : i32 to index
    %get3A_886 = arith.constant 0 : index
    %get3A_887 = vector.load %arg21[%get3A_885, %get3A_886] : memref<2048x128xf32, #tpu.memory_space<vmem>>, vector<256x128xf32>
    %slice3A_888 = vector.extract_strided_slice %get3A_887 {offsets = [128, 0], sizes = [128, 128], strides = [1, 1]} : vector<256x128xf32> to vector<128x128xf32>
    %slice3A_889 = vector.extract_strided_slice %get3A_887 {offsets = [0, 0], sizes = [128, 128], strides = [1, 1]} : vector<256x128xf32> to vector<128x128xf32>
    %concatenate3A_890 = tpu.concatenate %slice3A_888, %slice3A_889 in 0 : vector<128x128xf32>, vector<128x128xf32> -> vector<256x128xf32>
    %get3A_891 = arith.constant 0 : index
    %get3A_892 = memref.load %arg34[%get3A_891] : memref<8xi32, #tpu.memory_space<smem>>
    %eq3A_893 = arith.constant 1 : i32
    %eq3A_894 = arith.cmpi eq, %get3A_892, %eq3A_893 : i32
    %select_n3A_895 = arith.select %eq3A_894, %concatenate3A_890, %get3A_887 : vector<256x128xf32>
    %get3A_896 = arith.index_cast %get3A_882 : i32 to index
    %get3A_897 = arith.constant 0 : index
    %get3A_898 = vector.load %arg22[%get3A_896, %get3A_897] : memref<8x128xf32, #tpu.memory_space<vmem>>, vector<1x128xf32>
    %concatenate3A_899 = tpu.concatenate %select_n3A_895, %get3A_898 in 0 : vector<256x128xf32>, vector<1x128xf32> -> vector<257x128xf32>
    %dot_general3A_900 = arith.constant dense<0.000000e+00> : vector<128x512xf32>
    %dot_general3A_901 = tpu.matmul %concatenate3A_899, %concatenate3A_878, %dot_general3A_900 {dimension_numbers = #tpu.dot_dimension_numbers<[0], [0], [1], [1], [0, 1, 1, 1], [], []>, transpose_lhs_hint = false} : vector<257x128xf32>, vector<257x512xf32>, vector<128x512xf32> -> vector<128x512xf32>
    %eq3A_902 = arith.constant 0 : i32
    %eq3A_903 = vector.broadcast %eq3A_902 : i32 to vector<1x512xi32>
    %eq3A_904 = arith.cmpi eq, %get3A_870, %eq3A_903 : vector<1x512xi32>
    %convert_element_type3A_905 = arith.extui %eq3A_904 : vector<1x512xi1> to vector<1x512xi32>
    %convert_element_type3A_906 = arith.sitofp %convert_element_type3A_905 : vector<1x512xi32> to vector<1x512xf32>
    %mul3A_907 = vector.broadcast %convert_element_type3A_906 : vector<1x512xf32> to vector<128x512xf32>
    %mul3A_908 = arith.mulf %mul3A_907, %dot_general3A_901 : vector<128x512xf32>
    %add3A_909 = arith.addf %broadcast_in_dim3A_880, %mul3A_908 : vector<128x512xf32>
    %get3A_910 = arith.constant 1 : index
    %get3A_911 = memref.load %arg33[%get3A_910] : memref<8xi32, #tpu.memory_space<smem>>
    %mul3A_912 = arith.constant 256 : i32
    %mul3A_913 = arith.muli %get3A_911, %mul3A_912 : i32
    %get3A_914 = arith.index_cast %mul3A_913 : i32 to index
    %get3A_915 = arith.constant 0 : index
    %get3A_916 = vector.load %arg21[%get3A_914, %get3A_915] : memref<2048x128xf32, #tpu.memory_space<vmem>>, vector<256x128xf32>
    %slice3A_917 = vector.extract_strided_slice %get3A_916 {offsets = [128, 0], sizes = [128, 128], strides = [1, 1]} : vector<256x128xf32> to vector<128x128xf32>
    %slice3A_918 = vector.extract_strided_slice %get3A_916 {offsets = [0, 0], sizes = [128, 128], strides = [1, 1]} : vector<256x128xf32> to vector<128x128xf32>
    %concatenate3A_919 = tpu.concatenate %slice3A_917, %slice3A_918 in 0 : vector<128x128xf32>, vector<128x128xf32> -> vector<256x128xf32>
    %get3A_920 = arith.constant 1 : index
    %get3A_921 = memref.load %arg34[%get3A_920] : memref<8xi32, #tpu.memory_space<smem>>
    %eq3A_922 = arith.constant 1 : i32
    %eq3A_923 = arith.cmpi eq, %get3A_921, %eq3A_922 : i32
    %select_n3A_924 = arith.select %eq3A_923, %concatenate3A_919, %get3A_916 : vector<256x128xf32>
    %get3A_925 = arith.index_cast %get3A_911 : i32 to index
    %get3A_926 = arith.constant 0 : index
    %get3A_927 = vector.load %arg22[%get3A_925, %get3A_926] : memref<8x128xf32, #tpu.memory_space<vmem>>, vector<1x128xf32>
    %concatenate3A_928 = tpu.concatenate %select_n3A_924, %get3A_927 in 0 : vector<256x128xf32>, vector<1x128xf32> -> vector<257x128xf32>
    %dot_general3A_929 = arith.constant dense<0.000000e+00> : vector<128x512xf32>
    %dot_general3A_930 = tpu.matmul %concatenate3A_928, %concatenate3A_878, %dot_general3A_929 {dimension_numbers = #tpu.dot_dimension_numbers<[0], [0], [1], [1], [0, 1, 1, 1], [], []>, transpose_lhs_hint = false} : vector<257x128xf32>, vector<257x512xf32>, vector<128x512xf32> -> vector<128x512xf32>
    %eq3A_931 = arith.constant 1 : i32
    %eq3A_932 = vector.broadcast %eq3A_931 : i32 to vector<1x512xi32>
    %eq3A_933 = arith.cmpi eq, %get3A_870, %eq3A_932 : vector<1x512xi32>
    %convert_element_type3A_934 = arith.extui %eq3A_933 : vector<1x512xi1> to vector<1x512xi32>
    %convert_element_type3A_935 = arith.sitofp %convert_element_type3A_934 : vector<1x512xi32> to vector<1x512xf32>
    %mul3A_936 = vector.broadcast %convert_element_type3A_935 : vector<1x512xf32> to vector<128x512xf32>
    %mul3A_937 = arith.mulf %mul3A_936, %dot_general3A_930 : vector<128x512xf32>
    %add3A_938 = arith.addf %add3A_909, %mul3A_937 : vector<128x512xf32>
    %get3A_939 = arith.constant 2 : index
    %get3A_940 = memref.load %arg33[%get3A_939] : memref<8xi32, #tpu.memory_space<smem>>
    %mul3A_941 = arith.constant 256 : i32
    %mul3A_942 = arith.muli %get3A_940, %mul3A_941 : i32
    %get3A_943 = arith.index_cast %mul3A_942 : i32 to index
    %get3A_944 = arith.constant 0 : index
    %get3A_945 = vector.load %arg21[%get3A_943, %get3A_944] : memref<2048x128xf32, #tpu.memory_space<vmem>>, vector<256x128xf32>
    %slice3A_946 = vector.extract_strided_slice %get3A_945 {offsets = [128, 0], sizes = [128, 128], strides = [1, 1]} : vector<256x128xf32> to vector<128x128xf32>
    %slice3A_947 = vector.extract_strided_slice %get3A_945 {offsets = [0, 0], sizes = [128, 128], strides = [1, 1]} : vector<256x128xf32> to vector<128x128xf32>
    %concatenate3A_948 = tpu.concatenate %slice3A_946, %slice3A_947 in 0 : vector<128x128xf32>, vector<128x128xf32> -> vector<256x128xf32>
    %get3A_949 = arith.constant 2 : index
    %get3A_950 = memref.load %arg34[%get3A_949] : memref<8xi32, #tpu.memory_space<smem>>
    %eq3A_951 = arith.constant 1 : i32
    %eq3A_952 = arith.cmpi eq, %get3A_950, %eq3A_951 : i32
    %select_n3A_953 = arith.select %eq3A_952, %concatenate3A_948, %get3A_945 : vector<256x128xf32>
    %get3A_954 = arith.index_cast %get3A_940 : i32 to index
    %get3A_955 = arith.constant 0 : index
    %get3A_956 = vector.load %arg22[%get3A_954, %get3A_955] : memref<8x128xf32, #tpu.memory_space<vmem>>, vector<1x128xf32>
    %concatenate3A_957 = tpu.concatenate %select_n3A_953, %get3A_956 in 0 : vector<256x128xf32>, vector<1x128xf32> -> vector<257x128xf32>
    %dot_general3A_958 = arith.constant dense<0.000000e+00> : vector<128x512xf32>
    %dot_general3A_959 = tpu.matmul %concatenate3A_957, %concatenate3A_878, %dot_general3A_958 {dimension_numbers = #tpu.dot_dimension_numbers<[0], [0], [1], [1], [0, 1, 1, 1], [], []>, transpose_lhs_hint = false} : vector<257x128xf32>, vector<257x512xf32>, vector<128x512xf32> -> vector<128x512xf32>
    %eq3A_960 = arith.constant 2 : i32
    %eq3A_961 = vector.broadcast %eq3A_960 : i32 to vector<1x512xi32>
    %eq3A_962 = arith.cmpi eq, %get3A_870, %eq3A_961 : vector<1x512xi32>
    %convert_element_type3A_963 = arith.extui %eq3A_962 : vector<1x512xi1> to vector<1x512xi32>
    %convert_element_type3A_964 = arith.sitofp %convert_element_type3A_963 : vector<1x512xi32> to vector<1x512xf32>
    %mul3A_965 = vector.broadcast %convert_element_type3A_964 : vector<1x512xf32> to vector<128x512xf32>
    %mul3A_966 = arith.mulf %mul3A_965, %dot_general3A_959 : vector<128x512xf32>
    %add3A_967 = arith.addf %add3A_938, %mul3A_966 : vector<128x512xf32>
    %get3A_968 = arith.constant 3 : index
    %get3A_969 = memref.load %arg33[%get3A_968] : memref<8xi32, #tpu.memory_space<smem>>
    %mul3A_970 = arith.constant 256 : i32
    %mul3A_971 = arith.muli %get3A_969, %mul3A_970 : i32
    %get3A_972 = arith.index_cast %mul3A_971 : i32 to index
    %get3A_973 = arith.constant 0 : index
    %get3A_974 = vector.load %arg21[%get3A_972, %get3A_973] : memref<2048x128xf32, #tpu.memory_space<vmem>>, vector<256x128xf32>
    %slice3A_975 = vector.extract_strided_slice %get3A_974 {offsets = [128, 0], sizes = [128, 128], strides = [1, 1]} : vector<256x128xf32> to vector<128x128xf32>
    %slice3A_976 = vector.extract_strided_slice %get3A_974 {offsets = [0, 0], sizes = [128, 128], strides = [1, 1]} : vector<256x128xf32> to vector<128x128xf32>
    %concatenate3A_977 = tpu.concatenate %slice3A_975, %slice3A_976 in 0 : vector<128x128xf32>, vector<128x128xf32> -> vector<256x128xf32>
    %get3A_978 = arith.constant 3 : index
    %get3A_979 = memref.load %arg34[%get3A_978] : memref<8xi32, #tpu.memory_space<smem>>
    %eq3A_980 = arith.constant 1 : i32
    %eq3A_981 = arith.cmpi eq, %get3A_979, %eq3A_980 : i32
    %select_n3A_982 = arith.select %eq3A_981, %concatenate3A_977, %get3A_974 : vector<256x128xf32>
    %get3A_983 = arith.index_cast %get3A_969 : i32 to index
    %get3A_984 = arith.constant 0 : index
    %get3A_985 = vector.load %arg22[%get3A_983, %get3A_984] : memref<8x128xf32, #tpu.memory_space<vmem>>, vector<1x128xf32>
    %concatenate3A_986 = tpu.concatenate %select_n3A_982, %get3A_985 in 0 : vector<256x128xf32>, vector<1x128xf32> -> vector<257x128xf32>
    %dot_general3A_987 = arith.constant dense<0.000000e+00> : vector<128x512xf32>
    %dot_general3A_988 = tpu.matmul %concatenate3A_986, %concatenate3A_878, %dot_general3A_987 {dimension_numbers = #tpu.dot_dimension_numbers<[0], [0], [1], [1], [0, 1, 1, 1], [], []>, transpose_lhs_hint = false} : vector<257x128xf32>, vector<257x512xf32>, vector<128x512xf32> -> vector<128x512xf32>
    %eq3A_989 = arith.constant 3 : i32
    %eq3A_990 = vector.broadcast %eq3A_989 : i32 to vector<1x512xi32>
    %eq3A_991 = arith.cmpi eq, %get3A_870, %eq3A_990 : vector<1x512xi32>
    %convert_element_type3A_992 = arith.extui %eq3A_991 : vector<1x512xi1> to vector<1x512xi32>
    %convert_element_type3A_993 = arith.sitofp %convert_element_type3A_992 : vector<1x512xi32> to vector<1x512xf32>
    %mul3A_994 = vector.broadcast %convert_element_type3A_993 : vector<1x512xf32> to vector<128x512xf32>
    %mul3A_995 = arith.mulf %mul3A_994, %dot_general3A_988 : vector<128x512xf32>
    %add3A_996 = arith.addf %add3A_967, %mul3A_995 : vector<128x512xf32>
    %get3A_997 = arith.constant 4 : index
    %get3A_998 = memref.load %arg33[%get3A_997] : memref<8xi32, #tpu.memory_space<smem>>
    %mul3A_999 = arith.constant 256 : i32
    %mul3A_1000 = arith.muli %get3A_998, %mul3A_999 : i32
    %get3A_1001 = arith.index_cast %mul3A_1000 : i32 to index
    %get3A_1002 = arith.constant 0 : index
    %get3A_1003 = vector.load %arg21[%get3A_1001, %get3A_1002] : memref<2048x128xf32, #tpu.memory_space<vmem>>, vector<256x128xf32>
    %slice3A_1004 = vector.extract_strided_slice %get3A_1003 {offsets = [128, 0], sizes = [128, 128], strides = [1, 1]} : vector<256x128xf32> to vector<128x128xf32>
    %slice3A_1005 = vector.extract_strided_slice %get3A_1003 {offsets = [0, 0], sizes = [128, 128], strides = [1, 1]} : vector<256x128xf32> to vector<128x128xf32>
    %concatenate3A_1006 = tpu.concatenate %slice3A_1004, %slice3A_1005 in 0 : vector<128x128xf32>, vector<128x128xf32> -> vector<256x128xf32>
    %get3A_1007 = arith.constant 4 : index
    %get3A_1008 = memref.load %arg34[%get3A_1007] : memref<8xi32, #tpu.memory_space<smem>>
    %eq3A_1009 = arith.constant 1 : i32
    %eq3A_1010 = arith.cmpi eq, %get3A_1008, %eq3A_1009 : i32
    %select_n3A_1011 = arith.select %eq3A_1010, %concatenate3A_1006, %get3A_1003 : vector<256x128xf32>
    %get3A_1012 = arith.index_cast %get3A_998 : i32 to index
    %get3A_1013 = arith.constant 0 : index
    %get3A_1014 = vector.load %arg22[%get3A_1012, %get3A_1013] : memref<8x128xf32, #tpu.memory_space<vmem>>, vector<1x128xf32>
    %concatenate3A_1015 = tpu.concatenate %select_n3A_1011, %get3A_1014 in 0 : vector<256x128xf32>, vector<1x128xf32> -> vector<257x128xf32>
    %dot_general3A_1016 = arith.constant dense<0.000000e+00> : vector<128x512xf32>
    %dot_general3A_1017 = tpu.matmul %concatenate3A_1015, %concatenate3A_878, %dot_general3A_1016 {dimension_numbers = #tpu.dot_dimension_numbers<[0], [0], [1], [1], [0, 1, 1, 1], [], []>, transpose_lhs_hint = false} : vector<257x128xf32>, vector<257x512xf32>, vector<128x512xf32> -> vector<128x512xf32>
    %eq3A_1018 = arith.constant 4 : i32
    %eq3A_1019 = vector.broadcast %eq3A_1018 : i32 to vector<1x512xi32>
    %eq3A_1020 = arith.cmpi eq, %get3A_870, %eq3A_1019 : vector<1x512xi32>
    %convert_element_type3A_1021 = arith.extui %eq3A_1020 : vector<1x512xi1> to vector<1x512xi32>
    %convert_element_type3A_1022 = arith.sitofp %convert_element_type3A_1021 : vector<1x512xi32> to vector<1x512xf32>
    %mul3A_1023 = vector.broadcast %convert_element_type3A_1022 : vector<1x512xf32> to vector<128x512xf32>
    %mul3A_1024 = arith.mulf %mul3A_1023, %dot_general3A_1017 : vector<128x512xf32>
    %add3A_1025 = arith.addf %add3A_996, %mul3A_1024 : vector<128x512xf32>
    %get3A_1026 = arith.constant 5 : index
    %get3A_1027 = memref.load %arg33[%get3A_1026] : memref<8xi32, #tpu.memory_space<smem>>
    %mul3A_1028 = arith.constant 256 : i32
    %mul3A_1029 = arith.muli %get3A_1027, %mul3A_1028 : i32
    %get3A_1030 = arith.index_cast %mul3A_1029 : i32 to index
    %get3A_1031 = arith.constant 0 : index
    %get3A_1032 = vector.load %arg21[%get3A_1030, %get3A_1031] : memref<2048x128xf32, #tpu.memory_space<vmem>>, vector<256x128xf32>
    %slice3A_1033 = vector.extract_strided_slice %get3A_1032 {offsets = [128, 0], sizes = [128, 128], strides = [1, 1]} : vector<256x128xf32> to vector<128x128xf32>
    %slice3A_1034 = vector.extract_strided_slice %get3A_1032 {offsets = [0, 0], sizes = [128, 128], strides = [1, 1]} : vector<256x128xf32> to vector<128x128xf32>
    %concatenate3A_1035 = tpu.concatenate %slice3A_1033, %slice3A_1034 in 0 : vector<128x128xf32>, vector<128x128xf32> -> vector<256x128xf32>
    %get3A_1036 = arith.constant 5 : index
    %get3A_1037 = memref.load %arg34[%get3A_1036] : memref<8xi32, #tpu.memory_space<smem>>
    %eq3A_1038 = arith.constant 1 : i32
    %eq3A_1039 = arith.cmpi eq, %get3A_1037, %eq3A_1038 : i32
    %select_n3A_1040 = arith.select %eq3A_1039, %concatenate3A_1035, %get3A_1032 : vector<256x128xf32>
    %get3A_1041 = arith.index_cast %get3A_1027 : i32 to index
    %get3A_1042 = arith.constant 0 : index
    %get3A_1043 = vector.load %arg22[%get3A_1041, %get3A_1042] : memref<8x128xf32, #tpu.memory_space<vmem>>, vector<1x128xf32>
    %concatenate3A_1044 = tpu.concatenate %select_n3A_1040, %get3A_1043 in 0 : vector<256x128xf32>, vector<1x128xf32> -> vector<257x128xf32>
    %dot_general3A_1045 = arith.constant dense<0.000000e+00> : vector<128x512xf32>
    %dot_general3A_1046 = tpu.matmul %concatenate3A_1044, %concatenate3A_878, %dot_general3A_1045 {dimension_numbers = #tpu.dot_dimension_numbers<[0], [0], [1], [1], [0, 1, 1, 1], [], []>, transpose_lhs_hint = false} : vector<257x128xf32>, vector<257x512xf32>, vector<128x512xf32> -> vector<128x512xf32>
    %eq3A_1047 = arith.constant 5 : i32
    %eq3A_1048 = vector.broadcast %eq3A_1047 : i32 to vector<1x512xi32>
    %eq3A_1049 = arith.cmpi eq, %get3A_870, %eq3A_1048 : vector<1x512xi32>
    %convert_element_type3A_1050 = arith.extui %eq3A_1049 : vector<1x512xi1> to vector<1x512xi32>
    %convert_element_type3A_1051 = arith.sitofp %convert_element_type3A_1050 : vector<1x512xi32> to vector<1x512xf32>
    %mul3A_1052 = vector.broadcast %convert_element_type3A_1051 : vector<1x512xf32> to vector<128x512xf32>
    %mul3A_1053 = arith.mulf %mul3A_1052, %dot_general3A_1046 : vector<128x512xf32>
    %add3A_1054 = arith.addf %add3A_1025, %mul3A_1053 : vector<128x512xf32>
    %get3A_1055 = arith.constant 6 : index
    %get3A_1056 = memref.load %arg33[%get3A_1055] : memref<8xi32, #tpu.memory_space<smem>>
    %mul3A_1057 = arith.constant 256 : i32
    %mul3A_1058 = arith.muli %get3A_1056, %mul3A_1057 : i32
    %get3A_1059 = arith.index_cast %mul3A_1058 : i32 to index
    %get3A_1060 = arith.constant 0 : index
    %get3A_1061 = vector.load %arg21[%get3A_1059, %get3A_1060] : memref<2048x128xf32, #tpu.memory_space<vmem>>, vector<256x128xf32>
    %slice3A_1062 = vector.extract_strided_slice %get3A_1061 {offsets = [128, 0], sizes = [128, 128], strides = [1, 1]} : vector<256x128xf32> to vector<128x128xf32>
    %slice3A_1063 = vector.extract_strided_slice %get3A_1061 {offsets = [0, 0], sizes = [128, 128], strides = [1, 1]} : vector<256x128xf32> to vector<128x128xf32>
    %concatenate3A_1064 = tpu.concatenate %slice3A_1062, %slice3A_1063 in 0 : vector<128x128xf32>, vector<128x128xf32> -> vector<256x128xf32>
    %get3A_1065 = arith.constant 6 : index
    %get3A_1066 = memref.load %arg34[%get3A_1065] : memref<8xi32, #tpu.memory_space<smem>>
    %eq3A_1067 = arith.constant 1 : i32
    %eq3A_1068 = arith.cmpi eq, %get3A_1066, %eq3A_1067 : i32
    %select_n3A_1069 = arith.select %eq3A_1068, %concatenate3A_1064, %get3A_1061 : vector<256x128xf32>
    %get3A_1070 = arith.index_cast %get3A_1056 : i32 to index
    %get3A_1071 = arith.constant 0 : index
    %get3A_1072 = vector.load %arg22[%get3A_1070, %get3A_1071] : memref<8x128xf32, #tpu.memory_space<vmem>>, vector<1x128xf32>
    %concatenate3A_1073 = tpu.concatenate %select_n3A_1069, %get3A_1072 in 0 : vector<256x128xf32>, vector<1x128xf32> -> vector<257x128xf32>
    %dot_general3A_1074 = arith.constant dense<0.000000e+00> : vector<128x512xf32>
    %dot_general3A_1075 = tpu.matmul %concatenate3A_1073, %concatenate3A_878, %dot_general3A_1074 {dimension_numbers = #tpu.dot_dimension_numbers<[0], [0], [1], [1], [0, 1, 1, 1], [], []>, transpose_lhs_hint = false} : vector<257x128xf32>, vector<257x512xf32>, vector<128x512xf32> -> vector<128x512xf32>
    %eq3A_1076 = arith.constant 6 : i32
    %eq3A_1077 = vector.broadcast %eq3A_1076 : i32 to vector<1x512xi32>
    %eq3A_1078 = arith.cmpi eq, %get3A_870, %eq3A_1077 : vector<1x512xi32>
    %convert_element_type3A_1079 = arith.extui %eq3A_1078 : vector<1x512xi1> to vector<1x512xi32>
    %convert_element_type3A_1080 = arith.sitofp %convert_element_type3A_1079 : vector<1x512xi32> to vector<1x512xf32>
    %mul3A_1081 = vector.broadcast %convert_element_type3A_1080 : vector<1x512xf32> to vector<128x512xf32>
    %mul3A_1082 = arith.mulf %mul3A_1081, %dot_general3A_1075 : vector<128x512xf32>
    %add3A_1083 = arith.addf %add3A_1054, %mul3A_1082 : vector<128x512xf32>
    %get3A_1084 = arith.constant 7 : index
    %get3A_1085 = memref.load %arg33[%get3A_1084] : memref<8xi32, #tpu.memory_space<smem>>
    %mul3A_1086 = arith.constant 256 : i32
    %mul3A_1087 = arith.muli %get3A_1085, %mul3A_1086 : i32
    %get3A_1088 = arith.index_cast %mul3A_1087 : i32 to index
    %get3A_1089 = arith.constant 0 : index
    %get3A_1090 = vector.load %arg21[%get3A_1088, %get3A_1089] : memref<2048x128xf32, #tpu.memory_space<vmem>>, vector<256x128xf32>
    %slice3A_1091 = vector.extract_strided_slice %get3A_1090 {offsets = [128, 0], sizes = [128, 128], strides = [1, 1]} : vector<256x128xf32> to vector<128x128xf32>
    %slice3A_1092 = vector.extract_strided_slice %get3A_1090 {offsets = [0, 0], sizes = [128, 128], strides = [1, 1]} : vector<256x128xf32> to vector<128x128xf32>
    %concatenate3A_1093 = tpu.concatenate %slice3A_1091, %slice3A_1092 in 0 : vector<128x128xf32>, vector<128x128xf32> -> vector<256x128xf32>
    %get3A_1094 = arith.constant 7 : index
    %get3A_1095 = memref.load %arg34[%get3A_1094] : memref<8xi32, #tpu.memory_space<smem>>
    %eq3A_1096 = arith.constant 1 : i32
    %eq3A_1097 = arith.cmpi eq, %get3A_1095, %eq3A_1096 : i32
    %select_n3A_1098 = arith.select %eq3A_1097, %concatenate3A_1093, %get3A_1090 : vector<256x128xf32>
    %get3A_1099 = arith.index_cast %get3A_1085 : i32 to index
    %get3A_1100 = arith.constant 0 : index
    %get3A_1101 = vector.load %arg22[%get3A_1099, %get3A_1100] : memref<8x128xf32, #tpu.memory_space<vmem>>, vector<1x128xf32>
    %concatenate3A_1102 = tpu.concatenate %select_n3A_1098, %get3A_1101 in 0 : vector<256x128xf32>, vector<1x128xf32> -> vector<257x128xf32>
    %dot_general3A_1103 = arith.constant dense<0.000000e+00> : vector<128x512xf32>
    %dot_general3A_1104 = tpu.matmul %concatenate3A_1102, %concatenate3A_878, %dot_general3A_1103 {dimension_numbers = #tpu.dot_dimension_numbers<[0], [0], [1], [1], [0, 1, 1, 1], [], []>, transpose_lhs_hint = false} : vector<257x128xf32>, vector<257x512xf32>, vector<128x512xf32> -> vector<128x512xf32>
    %eq3A_1105 = arith.constant 7 : i32
    %eq3A_1106 = vector.broadcast %eq3A_1105 : i32 to vector<1x512xi32>
    %eq3A_1107 = arith.cmpi eq, %get3A_870, %eq3A_1106 : vector<1x512xi32>
    %convert_element_type3A_1108 = arith.extui %eq3A_1107 : vector<1x512xi1> to vector<1x512xi32>
    %convert_element_type3A_1109 = arith.sitofp %convert_element_type3A_1108 : vector<1x512xi32> to vector<1x512xf32>
    %mul3A_1110 = vector.broadcast %convert_element_type3A_1109 : vector<1x512xf32> to vector<128x512xf32>
    %mul3A_1111 = arith.mulf %mul3A_1110, %dot_general3A_1104 : vector<128x512xf32>
    %add3A_1112 = arith.addf %add3A_1083, %mul3A_1111 : vector<128x512xf32>
    %ge3A_1113 = arith.constant 0.000000e+00 : f32
    %ge3A_1114 = vector.broadcast %ge3A_1113 : f32 to vector<128x512xf32>
    %ge3A_1115 = arith.cmpf oge, %add3A_1112, %ge3A_1114 : vector<128x512xf32>
    %mul3A_1116 = vector.broadcast %get3A_872 : f32 to vector<128x512xf32>
    %mul3A_1117 = arith.mulf %mul3A_1116, %add3A_1112 : vector<128x512xf32>
    %select_n3A_1118 = arith.select %ge3A_1115, %add3A_1112, %mul3A_1117 : vector<128x512xi1>, vector<128x512xf32>
    %get3A_1119 = arith.constant 10 : index
    %get3A_1120 = memref.load %arg35[%get3A_1119] : memref<15xf32, #tpu.memory_space<smem>>
    %get3A_1121 = arith.constant 11 : index
    %get3A_1122 = memref.load %arg35[%get3A_1121] : memref<15xf32, #tpu.memory_space<smem>>
    %broadcast_in_dim3A_1123 = arith.constant 1.000000e+00 : f32
    %broadcast_in_dim3A_1124 = vector.broadcast %broadcast_in_dim3A_1123 : f32 to vector<1x512xf32>
    %get3A_1125 = arith.constant 0 : index
    %get3A_1126 = arith.constant 0 : index
    %get3A_1127 = vector.load %arg23[%get3A_1125, %get3A_1126] : memref<128x128xf32, #tpu.memory_space<vmem>>, vector<128x128xf32>
    %get3A_1128 = arith.constant 0 : index
    %get3A_1129 = arith.constant 0 : index
    %get3A_1130 = vector.load %arg24[%get3A_1128, %get3A_1129] : memref<1x128xf32, #tpu.memory_space<vmem>>, vector<1x128xf32>
    %concatenate3A_1131 = tpu.concatenate %get3A_1127, %get3A_1130 in 0 : vector<128x128xf32>, vector<1x128xf32> -> vector<129x128xf32>
    %concatenate3A_1132 = tpu.concatenate %select_n3A_283, %broadcast_in_dim3A_1124 in 0 : vector<128x512xf32>, vector<1x512xf32> -> vector<129x512xf32>
    %dot_general3A_1133 = arith.constant dense<0.000000e+00> : vector<128x512xf32>
    %dot_general3A_1134 = tpu.matmul %concatenate3A_1131, %concatenate3A_1132, %dot_general3A_1133 {dimension_numbers = #tpu.dot_dimension_numbers<[0], [0], [1], [1], [0, 1, 1, 1], [], []>, transpose_lhs_hint = false} : vector<129x128xf32>, vector<129x512xf32>, vector<128x512xf32> -> vector<128x512xf32>
    %ge3A_1135 = arith.constant 0.000000e+00 : f32
    %ge3A_1136 = vector.broadcast %ge3A_1135 : f32 to vector<128x512xf32>
    %ge3A_1137 = arith.cmpf oge, %dot_general3A_1134, %ge3A_1136 : vector<128x512xf32>
    %mul3A_1138 = vector.broadcast %get3A_1120 : f32 to vector<128x512xf32>
    %mul3A_1139 = arith.mulf %mul3A_1138, %dot_general3A_1134 : vector<128x512xf32>
    %select_n3A_1140 = arith.select %ge3A_1137, %dot_general3A_1134, %mul3A_1139 : vector<128x512xi1>, vector<128x512xf32>
    %get3A_1141 = arith.constant 0 : index
    %get3A_1142 = arith.constant 0 : index
    %get3A_1143 = vector.load %arg25[%get3A_1141, %get3A_1142] : memref<256x128xf32, #tpu.memory_space<vmem>>, vector<256x128xf32>
    %get3A_1144 = arith.constant 0 : index
    %get3A_1145 = arith.constant 0 : index
    %get3A_1146 = vector.load %arg26[%get3A_1144, %get3A_1145] : memref<1x128xf32, #tpu.memory_space<vmem>>, vector<1x128xf32>
    %concatenate3A_1147 = tpu.concatenate %get3A_1143, %get3A_1146 in 0 : vector<256x128xf32>, vector<1x128xf32> -> vector<257x128xf32>
    %concatenate3A_1148 = tpu.concatenate %select_n3A_1118, %select_n3A_1140, %broadcast_in_dim3A_1124 in 0 : vector<128x512xf32>, vector<128x512xf32>, vector<1x512xf32> -> vector<257x512xf32>
    %dot_general3A_1149 = arith.constant dense<0.000000e+00> : vector<128x512xf32>
    %dot_general3A_1150 = tpu.matmul %concatenate3A_1147, %concatenate3A_1148, %dot_general3A_1149 {dimension_numbers = #tpu.dot_dimension_numbers<[0], [0], [1], [1], [0, 1, 1, 1], [], []>, transpose_lhs_hint = false} : vector<257x128xf32>, vector<257x512xf32>, vector<128x512xf32> -> vector<128x512xf32>
    %ge3A_1151 = arith.constant 0.000000e+00 : f32
    %ge3A_1152 = vector.broadcast %ge3A_1151 : f32 to vector<128x512xf32>
    %ge3A_1153 = arith.cmpf oge, %dot_general3A_1150, %ge3A_1152 : vector<128x512xf32>
    %mul3A_1154 = vector.broadcast %get3A_1122 : f32 to vector<128x512xf32>
    %mul3A_1155 = arith.mulf %mul3A_1154, %dot_general3A_1150 : vector<128x512xf32>
    %select_n3A_1156 = arith.select %ge3A_1153, %dot_general3A_1150, %mul3A_1155 : vector<128x512xi1>, vector<128x512xf32>
    %get3A_1157 = arith.constant 4 : index
    %get3A_1158 = arith.constant 0 : index
    %get3A_1159 = vector.load %arg1[%get3A_1157, %get3A_1158] : memref<5x512xi32, #tpu.memory_space<vmem>>, vector<1x512xi32>
    %get3A_1160 = arith.constant 12 : index
    %get3A_1161 = memref.load %arg35[%get3A_1160] : memref<15xf32, #tpu.memory_space<smem>>
    %slice3A_1162 = vector.extract_strided_slice %select_n3A_1156 {offsets = [0, 16], sizes = [128, 496], strides = [1, 1]} : vector<128x512xf32> to vector<128x496xf32>
    %slice3A_1163 = vector.extract_strided_slice %select_n3A_1156 {offsets = [0, 0], sizes = [128, 16], strides = [1, 1]} : vector<128x512xf32> to vector<128x16xf32>
    %concatenate3A_1164 = tpu.concatenate %slice3A_1162, %slice3A_1163 in 1 : vector<128x496xf32>, vector<128x16xf32> -> vector<128x512xf32>
    %broadcast_in_dim3A_1165 = arith.constant 1.000000e+00 : f32
    %broadcast_in_dim3A_1166 = vector.broadcast %broadcast_in_dim3A_1165 : f32 to vector<1x512xf32>
    %concatenate3A_1167 = tpu.concatenate %select_n3A_1156, %concatenate3A_1164, %broadcast_in_dim3A_1166 in 0 : vector<128x512xf32>, vector<128x512xf32>, vector<1x512xf32> -> vector<257x512xf32>
    %broadcast_in_dim3A_1168 = arith.constant 0.000000e+00 : f32
    %broadcast_in_dim3A_1169 = vector.broadcast %broadcast_in_dim3A_1168 : f32 to vector<128x512xf32>
    %get3A_1170 = arith.constant 0 : index
    %get3A_1171 = memref.load %arg33[%get3A_1170] : memref<8xi32, #tpu.memory_space<smem>>
    %mul3A_1172 = arith.constant 256 : i32
    %mul3A_1173 = arith.muli %get3A_1171, %mul3A_1172 : i32
    %get3A_1174 = arith.index_cast %mul3A_1173 : i32 to index
    %get3A_1175 = arith.constant 0 : index
    %get3A_1176 = vector.load %arg27[%get3A_1174, %get3A_1175] : memref<2048x128xf32, #tpu.memory_space<vmem>>, vector<256x128xf32>
    %slice3A_1177 = vector.extract_strided_slice %get3A_1176 {offsets = [128, 0], sizes = [128, 128], strides = [1, 1]} : vector<256x128xf32> to vector<128x128xf32>
    %slice3A_1178 = vector.extract_strided_slice %get3A_1176 {offsets = [0, 0], sizes = [128, 128], strides = [1, 1]} : vector<256x128xf32> to vector<128x128xf32>
    %concatenate3A_1179 = tpu.concatenate %slice3A_1177, %slice3A_1178 in 0 : vector<128x128xf32>, vector<128x128xf32> -> vector<256x128xf32>
    %get3A_1180 = arith.constant 0 : index
    %get3A_1181 = memref.load %arg34[%get3A_1180] : memref<8xi32, #tpu.memory_space<smem>>
    %eq3A_1182 = arith.constant 1 : i32
    %eq3A_1183 = arith.cmpi eq, %get3A_1181, %eq3A_1182 : i32
    %select_n3A_1184 = arith.select %eq3A_1183, %concatenate3A_1179, %get3A_1176 : vector<256x128xf32>
    %get3A_1185 = arith.index_cast %get3A_1171 : i32 to index
    %get3A_1186 = arith.constant 0 : index
    %get3A_1187 = vector.load %arg28[%get3A_1185, %get3A_1186] : memref<8x128xf32, #tpu.memory_space<vmem>>, vector<1x128xf32>
    %concatenate3A_1188 = tpu.concatenate %select_n3A_1184, %get3A_1187 in 0 : vector<256x128xf32>, vector<1x128xf32> -> vector<257x128xf32>
    %dot_general3A_1189 = arith.constant dense<0.000000e+00> : vector<128x512xf32>
    %dot_general3A_1190 = tpu.matmul %concatenate3A_1188, %concatenate3A_1167, %dot_general3A_1189 {dimension_numbers = #tpu.dot_dimension_numbers<[0], [0], [1], [1], [0, 1, 1, 1], [], []>, transpose_lhs_hint = false} : vector<257x128xf32>, vector<257x512xf32>, vector<128x512xf32> -> vector<128x512xf32>
    %eq3A_1191 = arith.constant 0 : i32
    %eq3A_1192 = vector.broadcast %eq3A_1191 : i32 to vector<1x512xi32>
    %eq3A_1193 = arith.cmpi eq, %get3A_1159, %eq3A_1192 : vector<1x512xi32>
    %convert_element_type3A_1194 = arith.extui %eq3A_1193 : vector<1x512xi1> to vector<1x512xi32>
    %convert_element_type3A_1195 = arith.sitofp %convert_element_type3A_1194 : vector<1x512xi32> to vector<1x512xf32>
    %mul3A_1196 = vector.broadcast %convert_element_type3A_1195 : vector<1x512xf32> to vector<128x512xf32>
    %mul3A_1197 = arith.mulf %mul3A_1196, %dot_general3A_1190 : vector<128x512xf32>
    %add3A_1198 = arith.addf %broadcast_in_dim3A_1169, %mul3A_1197 : vector<128x512xf32>
    %get3A_1199 = arith.constant 1 : index
    %get3A_1200 = memref.load %arg33[%get3A_1199] : memref<8xi32, #tpu.memory_space<smem>>
    %mul3A_1201 = arith.constant 256 : i32
    %mul3A_1202 = arith.muli %get3A_1200, %mul3A_1201 : i32
    %get3A_1203 = arith.index_cast %mul3A_1202 : i32 to index
    %get3A_1204 = arith.constant 0 : index
    %get3A_1205 = vector.load %arg27[%get3A_1203, %get3A_1204] : memref<2048x128xf32, #tpu.memory_space<vmem>>, vector<256x128xf32>
    %slice3A_1206 = vector.extract_strided_slice %get3A_1205 {offsets = [128, 0], sizes = [128, 128], strides = [1, 1]} : vector<256x128xf32> to vector<128x128xf32>
    %slice3A_1207 = vector.extract_strided_slice %get3A_1205 {offsets = [0, 0], sizes = [128, 128], strides = [1, 1]} : vector<256x128xf32> to vector<128x128xf32>
    %concatenate3A_1208 = tpu.concatenate %slice3A_1206, %slice3A_1207 in 0 : vector<128x128xf32>, vector<128x128xf32> -> vector<256x128xf32>
    %get3A_1209 = arith.constant 1 : index
    %get3A_1210 = memref.load %arg34[%get3A_1209] : memref<8xi32, #tpu.memory_space<smem>>
    %eq3A_1211 = arith.constant 1 : i32
    %eq3A_1212 = arith.cmpi eq, %get3A_1210, %eq3A_1211 : i32
    %select_n3A_1213 = arith.select %eq3A_1212, %concatenate3A_1208, %get3A_1205 : vector<256x128xf32>
    %get3A_1214 = arith.index_cast %get3A_1200 : i32 to index
    %get3A_1215 = arith.constant 0 : index
    %get3A_1216 = vector.load %arg28[%get3A_1214, %get3A_1215] : memref<8x128xf32, #tpu.memory_space<vmem>>, vector<1x128xf32>
    %concatenate3A_1217 = tpu.concatenate %select_n3A_1213, %get3A_1216 in 0 : vector<256x128xf32>, vector<1x128xf32> -> vector<257x128xf32>
    %dot_general3A_1218 = arith.constant dense<0.000000e+00> : vector<128x512xf32>
    %dot_general3A_1219 = tpu.matmul %concatenate3A_1217, %concatenate3A_1167, %dot_general3A_1218 {dimension_numbers = #tpu.dot_dimension_numbers<[0], [0], [1], [1], [0, 1, 1, 1], [], []>, transpose_lhs_hint = false} : vector<257x128xf32>, vector<257x512xf32>, vector<128x512xf32> -> vector<128x512xf32>
    %eq3A_1220 = arith.constant 1 : i32
    %eq3A_1221 = vector.broadcast %eq3A_1220 : i32 to vector<1x512xi32>
    %eq3A_1222 = arith.cmpi eq, %get3A_1159, %eq3A_1221 : vector<1x512xi32>
    %convert_element_type3A_1223 = arith.extui %eq3A_1222 : vector<1x512xi1> to vector<1x512xi32>
    %convert_element_type3A_1224 = arith.sitofp %convert_element_type3A_1223 : vector<1x512xi32> to vector<1x512xf32>
    %mul3A_1225 = vector.broadcast %convert_element_type3A_1224 : vector<1x512xf32> to vector<128x512xf32>
    %mul3A_1226 = arith.mulf %mul3A_1225, %dot_general3A_1219 : vector<128x512xf32>
    %add3A_1227 = arith.addf %add3A_1198, %mul3A_1226 : vector<128x512xf32>
    %get3A_1228 = arith.constant 2 : index
    %get3A_1229 = memref.load %arg33[%get3A_1228] : memref<8xi32, #tpu.memory_space<smem>>
    %mul3A_1230 = arith.constant 256 : i32
    %mul3A_1231 = arith.muli %get3A_1229, %mul3A_1230 : i32
    %get3A_1232 = arith.index_cast %mul3A_1231 : i32 to index
    %get3A_1233 = arith.constant 0 : index
    %get3A_1234 = vector.load %arg27[%get3A_1232, %get3A_1233] : memref<2048x128xf32, #tpu.memory_space<vmem>>, vector<256x128xf32>
    %slice3A_1235 = vector.extract_strided_slice %get3A_1234 {offsets = [128, 0], sizes = [128, 128], strides = [1, 1]} : vector<256x128xf32> to vector<128x128xf32>
    %slice3A_1236 = vector.extract_strided_slice %get3A_1234 {offsets = [0, 0], sizes = [128, 128], strides = [1, 1]} : vector<256x128xf32> to vector<128x128xf32>
    %concatenate3A_1237 = tpu.concatenate %slice3A_1235, %slice3A_1236 in 0 : vector<128x128xf32>, vector<128x128xf32> -> vector<256x128xf32>
    %get3A_1238 = arith.constant 2 : index
    %get3A_1239 = memref.load %arg34[%get3A_1238] : memref<8xi32, #tpu.memory_space<smem>>
    %eq3A_1240 = arith.constant 1 : i32
    %eq3A_1241 = arith.cmpi eq, %get3A_1239, %eq3A_1240 : i32
    %select_n3A_1242 = arith.select %eq3A_1241, %concatenate3A_1237, %get3A_1234 : vector<256x128xf32>
    %get3A_1243 = arith.index_cast %get3A_1229 : i32 to index
    %get3A_1244 = arith.constant 0 : index
    %get3A_1245 = vector.load %arg28[%get3A_1243, %get3A_1244] : memref<8x128xf32, #tpu.memory_space<vmem>>, vector<1x128xf32>
    %concatenate3A_1246 = tpu.concatenate %select_n3A_1242, %get3A_1245 in 0 : vector<256x128xf32>, vector<1x128xf32> -> vector<257x128xf32>
    %dot_general3A_1247 = arith.constant dense<0.000000e+00> : vector<128x512xf32>
    %dot_general3A_1248 = tpu.matmul %concatenate3A_1246, %concatenate3A_1167, %dot_general3A_1247 {dimension_numbers = #tpu.dot_dimension_numbers<[0], [0], [1], [1], [0, 1, 1, 1], [], []>, transpose_lhs_hint = false} : vector<257x128xf32>, vector<257x512xf32>, vector<128x512xf32> -> vector<128x512xf32>
    %eq3A_1249 = arith.constant 2 : i32
    %eq3A_1250 = vector.broadcast %eq3A_1249 : i32 to vector<1x512xi32>
    %eq3A_1251 = arith.cmpi eq, %get3A_1159, %eq3A_1250 : vector<1x512xi32>
    %convert_element_type3A_1252 = arith.extui %eq3A_1251 : vector<1x512xi1> to vector<1x512xi32>
    %convert_element_type3A_1253 = arith.sitofp %convert_element_type3A_1252 : vector<1x512xi32> to vector<1x512xf32>
    %mul3A_1254 = vector.broadcast %convert_element_type3A_1253 : vector<1x512xf32> to vector<128x512xf32>
    %mul3A_1255 = arith.mulf %mul3A_1254, %dot_general3A_1248 : vector<128x512xf32>
    %add3A_1256 = arith.addf %add3A_1227, %mul3A_1255 : vector<128x512xf32>
    %get3A_1257 = arith.constant 3 : index
    %get3A_1258 = memref.load %arg33[%get3A_1257] : memref<8xi32, #tpu.memory_space<smem>>
    %mul3A_1259 = arith.constant 256 : i32
    %mul3A_1260 = arith.muli %get3A_1258, %mul3A_1259 : i32
    %get3A_1261 = arith.index_cast %mul3A_1260 : i32 to index
    %get3A_1262 = arith.constant 0 : index
    %get3A_1263 = vector.load %arg27[%get3A_1261, %get3A_1262] : memref<2048x128xf32, #tpu.memory_space<vmem>>, vector<256x128xf32>
    %slice3A_1264 = vector.extract_strided_slice %get3A_1263 {offsets = [128, 0], sizes = [128, 128], strides = [1, 1]} : vector<256x128xf32> to vector<128x128xf32>
    %slice3A_1265 = vector.extract_strided_slice %get3A_1263 {offsets = [0, 0], sizes = [128, 128], strides = [1, 1]} : vector<256x128xf32> to vector<128x128xf32>
    %concatenate3A_1266 = tpu.concatenate %slice3A_1264, %slice3A_1265 in 0 : vector<128x128xf32>, vector<128x128xf32> -> vector<256x128xf32>
    %get3A_1267 = arith.constant 3 : index
    %get3A_1268 = memref.load %arg34[%get3A_1267] : memref<8xi32, #tpu.memory_space<smem>>
    %eq3A_1269 = arith.constant 1 : i32
    %eq3A_1270 = arith.cmpi eq, %get3A_1268, %eq3A_1269 : i32
    %select_n3A_1271 = arith.select %eq3A_1270, %concatenate3A_1266, %get3A_1263 : vector<256x128xf32>
    %get3A_1272 = arith.index_cast %get3A_1258 : i32 to index
    %get3A_1273 = arith.constant 0 : index
    %get3A_1274 = vector.load %arg28[%get3A_1272, %get3A_1273] : memref<8x128xf32, #tpu.memory_space<vmem>>, vector<1x128xf32>
    %concatenate3A_1275 = tpu.concatenate %select_n3A_1271, %get3A_1274 in 0 : vector<256x128xf32>, vector<1x128xf32> -> vector<257x128xf32>
    %dot_general3A_1276 = arith.constant dense<0.000000e+00> : vector<128x512xf32>
    %dot_general3A_1277 = tpu.matmul %concatenate3A_1275, %concatenate3A_1167, %dot_general3A_1276 {dimension_numbers = #tpu.dot_dimension_numbers<[0], [0], [1], [1], [0, 1, 1, 1], [], []>, transpose_lhs_hint = false} : vector<257x128xf32>, vector<257x512xf32>, vector<128x512xf32> -> vector<128x512xf32>
    %eq3A_1278 = arith.constant 3 : i32
    %eq3A_1279 = vector.broadcast %eq3A_1278 : i32 to vector<1x512xi32>
    %eq3A_1280 = arith.cmpi eq, %get3A_1159, %eq3A_1279 : vector<1x512xi32>
    %convert_element_type3A_1281 = arith.extui %eq3A_1280 : vector<1x512xi1> to vector<1x512xi32>
    %convert_element_type3A_1282 = arith.sitofp %convert_element_type3A_1281 : vector<1x512xi32> to vector<1x512xf32>
    %mul3A_1283 = vector.broadcast %convert_element_type3A_1282 : vector<1x512xf32> to vector<128x512xf32>
    %mul3A_1284 = arith.mulf %mul3A_1283, %dot_general3A_1277 : vector<128x512xf32>
    %add3A_1285 = arith.addf %add3A_1256, %mul3A_1284 : vector<128x512xf32>
    %get3A_1286 = arith.constant 4 : index
    %get3A_1287 = memref.load %arg33[%get3A_1286] : memref<8xi32, #tpu.memory_space<smem>>
    %mul3A_1288 = arith.constant 256 : i32
    %mul3A_1289 = arith.muli %get3A_1287, %mul3A_1288 : i32
    %get3A_1290 = arith.index_cast %mul3A_1289 : i32 to index
    %get3A_1291 = arith.constant 0 : index
    %get3A_1292 = vector.load %arg27[%get3A_1290, %get3A_1291] : memref<2048x128xf32, #tpu.memory_space<vmem>>, vector<256x128xf32>
    %slice3A_1293 = vector.extract_strided_slice %get3A_1292 {offsets = [128, 0], sizes = [128, 128], strides = [1, 1]} : vector<256x128xf32> to vector<128x128xf32>
    %slice3A_1294 = vector.extract_strided_slice %get3A_1292 {offsets = [0, 0], sizes = [128, 128], strides = [1, 1]} : vector<256x128xf32> to vector<128x128xf32>
    %concatenate3A_1295 = tpu.concatenate %slice3A_1293, %slice3A_1294 in 0 : vector<128x128xf32>, vector<128x128xf32> -> vector<256x128xf32>
    %get3A_1296 = arith.constant 4 : index
    %get3A_1297 = memref.load %arg34[%get3A_1296] : memref<8xi32, #tpu.memory_space<smem>>
    %eq3A_1298 = arith.constant 1 : i32
    %eq3A_1299 = arith.cmpi eq, %get3A_1297, %eq3A_1298 : i32
    %select_n3A_1300 = arith.select %eq3A_1299, %concatenate3A_1295, %get3A_1292 : vector<256x128xf32>
    %get3A_1301 = arith.index_cast %get3A_1287 : i32 to index
    %get3A_1302 = arith.constant 0 : index
    %get3A_1303 = vector.load %arg28[%get3A_1301, %get3A_1302] : memref<8x128xf32, #tpu.memory_space<vmem>>, vector<1x128xf32>
    %concatenate3A_1304 = tpu.concatenate %select_n3A_1300, %get3A_1303 in 0 : vector<256x128xf32>, vector<1x128xf32> -> vector<257x128xf32>
    %dot_general3A_1305 = arith.constant dense<0.000000e+00> : vector<128x512xf32>
    %dot_general3A_1306 = tpu.matmul %concatenate3A_1304, %concatenate3A_1167, %dot_general3A_1305 {dimension_numbers = #tpu.dot_dimension_numbers<[0], [0], [1], [1], [0, 1, 1, 1], [], []>, transpose_lhs_hint = false} : vector<257x128xf32>, vector<257x512xf32>, vector<128x512xf32> -> vector<128x512xf32>
    %eq3A_1307 = arith.constant 4 : i32
    %eq3A_1308 = vector.broadcast %eq3A_1307 : i32 to vector<1x512xi32>
    %eq3A_1309 = arith.cmpi eq, %get3A_1159, %eq3A_1308 : vector<1x512xi32>
    %convert_element_type3A_1310 = arith.extui %eq3A_1309 : vector<1x512xi1> to vector<1x512xi32>
    %convert_element_type3A_1311 = arith.sitofp %convert_element_type3A_1310 : vector<1x512xi32> to vector<1x512xf32>
    %mul3A_1312 = vector.broadcast %convert_element_type3A_1311 : vector<1x512xf32> to vector<128x512xf32>
    %mul3A_1313 = arith.mulf %mul3A_1312, %dot_general3A_1306 : vector<128x512xf32>
    %add3A_1314 = arith.addf %add3A_1285, %mul3A_1313 : vector<128x512xf32>
    %get3A_1315 = arith.constant 5 : index
    %get3A_1316 = memref.load %arg33[%get3A_1315] : memref<8xi32, #tpu.memory_space<smem>>
    %mul3A_1317 = arith.constant 256 : i32
    %mul3A_1318 = arith.muli %get3A_1316, %mul3A_1317 : i32
    %get3A_1319 = arith.index_cast %mul3A_1318 : i32 to index
    %get3A_1320 = arith.constant 0 : index
    %get3A_1321 = vector.load %arg27[%get3A_1319, %get3A_1320] : memref<2048x128xf32, #tpu.memory_space<vmem>>, vector<256x128xf32>
    %slice3A_1322 = vector.extract_strided_slice %get3A_1321 {offsets = [128, 0], sizes = [128, 128], strides = [1, 1]} : vector<256x128xf32> to vector<128x128xf32>
    %slice3A_1323 = vector.extract_strided_slice %get3A_1321 {offsets = [0, 0], sizes = [128, 128], strides = [1, 1]} : vector<256x128xf32> to vector<128x128xf32>
    %concatenate3A_1324 = tpu.concatenate %slice3A_1322, %slice3A_1323 in 0 : vector<128x128xf32>, vector<128x128xf32> -> vector<256x128xf32>
    %get3A_1325 = arith.constant 5 : index
    %get3A_1326 = memref.load %arg34[%get3A_1325] : memref<8xi32, #tpu.memory_space<smem>>
    %eq3A_1327 = arith.constant 1 : i32
    %eq3A_1328 = arith.cmpi eq, %get3A_1326, %eq3A_1327 : i32
    %select_n3A_1329 = arith.select %eq3A_1328, %concatenate3A_1324, %get3A_1321 : vector<256x128xf32>
    %get3A_1330 = arith.index_cast %get3A_1316 : i32 to index
    %get3A_1331 = arith.constant 0 : index
    %get3A_1332 = vector.load %arg28[%get3A_1330, %get3A_1331] : memref<8x128xf32, #tpu.memory_space<vmem>>, vector<1x128xf32>
    %concatenate3A_1333 = tpu.concatenate %select_n3A_1329, %get3A_1332 in 0 : vector<256x128xf32>, vector<1x128xf32> -> vector<257x128xf32>
    %dot_general3A_1334 = arith.constant dense<0.000000e+00> : vector<128x512xf32>
    %dot_general3A_1335 = tpu.matmul %concatenate3A_1333, %concatenate3A_1167, %dot_general3A_1334 {dimension_numbers = #tpu.dot_dimension_numbers<[0], [0], [1], [1], [0, 1, 1, 1], [], []>, transpose_lhs_hint = false} : vector<257x128xf32>, vector<257x512xf32>, vector<128x512xf32> -> vector<128x512xf32>
    %eq3A_1336 = arith.constant 5 : i32
    %eq3A_1337 = vector.broadcast %eq3A_1336 : i32 to vector<1x512xi32>
    %eq3A_1338 = arith.cmpi eq, %get3A_1159, %eq3A_1337 : vector<1x512xi32>
    %convert_element_type3A_1339 = arith.extui %eq3A_1338 : vector<1x512xi1> to vector<1x512xi32>
    %convert_element_type3A_1340 = arith.sitofp %convert_element_type3A_1339 : vector<1x512xi32> to vector<1x512xf32>
    %mul3A_1341 = vector.broadcast %convert_element_type3A_1340 : vector<1x512xf32> to vector<128x512xf32>
    %mul3A_1342 = arith.mulf %mul3A_1341, %dot_general3A_1335 : vector<128x512xf32>
    %add3A_1343 = arith.addf %add3A_1314, %mul3A_1342 : vector<128x512xf32>
    %get3A_1344 = arith.constant 6 : index
    %get3A_1345 = memref.load %arg33[%get3A_1344] : memref<8xi32, #tpu.memory_space<smem>>
    %mul3A_1346 = arith.constant 256 : i32
    %mul3A_1347 = arith.muli %get3A_1345, %mul3A_1346 : i32
    %get3A_1348 = arith.index_cast %mul3A_1347 : i32 to index
    %get3A_1349 = arith.constant 0 : index
    %get3A_1350 = vector.load %arg27[%get3A_1348, %get3A_1349] : memref<2048x128xf32, #tpu.memory_space<vmem>>, vector<256x128xf32>
    %slice3A_1351 = vector.extract_strided_slice %get3A_1350 {offsets = [128, 0], sizes = [128, 128], strides = [1, 1]} : vector<256x128xf32> to vector<128x128xf32>
    %slice3A_1352 = vector.extract_strided_slice %get3A_1350 {offsets = [0, 0], sizes = [128, 128], strides = [1, 1]} : vector<256x128xf32> to vector<128x128xf32>
    %concatenate3A_1353 = tpu.concatenate %slice3A_1351, %slice3A_1352 in 0 : vector<128x128xf32>, vector<128x128xf32> -> vector<256x128xf32>
    %get3A_1354 = arith.constant 6 : index
    %get3A_1355 = memref.load %arg34[%get3A_1354] : memref<8xi32, #tpu.memory_space<smem>>
    %eq3A_1356 = arith.constant 1 : i32
    %eq3A_1357 = arith.cmpi eq, %get3A_1355, %eq3A_1356 : i32
    %select_n3A_1358 = arith.select %eq3A_1357, %concatenate3A_1353, %get3A_1350 : vector<256x128xf32>
    %get3A_1359 = arith.index_cast %get3A_1345 : i32 to index
    %get3A_1360 = arith.constant 0 : index
    %get3A_1361 = vector.load %arg28[%get3A_1359, %get3A_1360] : memref<8x128xf32, #tpu.memory_space<vmem>>, vector<1x128xf32>
    %concatenate3A_1362 = tpu.concatenate %select_n3A_1358, %get3A_1361 in 0 : vector<256x128xf32>, vector<1x128xf32> -> vector<257x128xf32>
    %dot_general3A_1363 = arith.constant dense<0.000000e+00> : vector<128x512xf32>
    %dot_general3A_1364 = tpu.matmul %concatenate3A_1362, %concatenate3A_1167, %dot_general3A_1363 {dimension_numbers = #tpu.dot_dimension_numbers<[0], [0], [1], [1], [0, 1, 1, 1], [], []>, transpose_lhs_hint = false} : vector<257x128xf32>, vector<257x512xf32>, vector<128x512xf32> -> vector<128x512xf32>
    %eq3A_1365 = arith.constant 6 : i32
    %eq3A_1366 = vector.broadcast %eq3A_1365 : i32 to vector<1x512xi32>
    %eq3A_1367 = arith.cmpi eq, %get3A_1159, %eq3A_1366 : vector<1x512xi32>
    %convert_element_type3A_1368 = arith.extui %eq3A_1367 : vector<1x512xi1> to vector<1x512xi32>
    %convert_element_type3A_1369 = arith.sitofp %convert_element_type3A_1368 : vector<1x512xi32> to vector<1x512xf32>
    %mul3A_1370 = vector.broadcast %convert_element_type3A_1369 : vector<1x512xf32> to vector<128x512xf32>
    %mul3A_1371 = arith.mulf %mul3A_1370, %dot_general3A_1364 : vector<128x512xf32>
    %add3A_1372 = arith.addf %add3A_1343, %mul3A_1371 : vector<128x512xf32>
    %get3A_1373 = arith.constant 7 : index
    %get3A_1374 = memref.load %arg33[%get3A_1373] : memref<8xi32, #tpu.memory_space<smem>>
    %mul3A_1375 = arith.constant 256 : i32
    %mul3A_1376 = arith.muli %get3A_1374, %mul3A_1375 : i32
    %get3A_1377 = arith.index_cast %mul3A_1376 : i32 to index
    %get3A_1378 = arith.constant 0 : index
    %get3A_1379 = vector.load %arg27[%get3A_1377, %get3A_1378] : memref<2048x128xf32, #tpu.memory_space<vmem>>, vector<256x128xf32>
    %slice3A_1380 = vector.extract_strided_slice %get3A_1379 {offsets = [128, 0], sizes = [128, 128], strides = [1, 1]} : vector<256x128xf32> to vector<128x128xf32>
    %slice3A_1381 = vector.extract_strided_slice %get3A_1379 {offsets = [0, 0], sizes = [128, 128], strides = [1, 1]} : vector<256x128xf32> to vector<128x128xf32>
    %concatenate3A_1382 = tpu.concatenate %slice3A_1380, %slice3A_1381 in 0 : vector<128x128xf32>, vector<128x128xf32> -> vector<256x128xf32>
    %get3A_1383 = arith.constant 7 : index
    %get3A_1384 = memref.load %arg34[%get3A_1383] : memref<8xi32, #tpu.memory_space<smem>>
    %eq3A_1385 = arith.constant 1 : i32
    %eq3A_1386 = arith.cmpi eq, %get3A_1384, %eq3A_1385 : i32
    %select_n3A_1387 = arith.select %eq3A_1386, %concatenate3A_1382, %get3A_1379 : vector<256x128xf32>
    %get3A_1388 = arith.index_cast %get3A_1374 : i32 to index
    %get3A_1389 = arith.constant 0 : index
    %get3A_1390 = vector.load %arg28[%get3A_1388, %get3A_1389] : memref<8x128xf32, #tpu.memory_space<vmem>>, vector<1x128xf32>
    %concatenate3A_1391 = tpu.concatenate %select_n3A_1387, %get3A_1390 in 0 : vector<256x128xf32>, vector<1x128xf32> -> vector<257x128xf32>
    %dot_general3A_1392 = arith.constant dense<0.000000e+00> : vector<128x512xf32>
    %dot_general3A_1393 = tpu.matmul %concatenate3A_1391, %concatenate3A_1167, %dot_general3A_1392 {dimension_numbers = #tpu.dot_dimension_numbers<[0], [0], [1], [1], [0, 1, 1, 1], [], []>, transpose_lhs_hint = false} : vector<257x128xf32>, vector<257x512xf32>, vector<128x512xf32> -> vector<128x512xf32>
    %eq3A_1394 = arith.constant 7 : i32
    %eq3A_1395 = vector.broadcast %eq3A_1394 : i32 to vector<1x512xi32>
    %eq3A_1396 = arith.cmpi eq, %get3A_1159, %eq3A_1395 : vector<1x512xi32>
    %convert_element_type3A_1397 = arith.extui %eq3A_1396 : vector<1x512xi1> to vector<1x512xi32>
    %convert_element_type3A_1398 = arith.sitofp %convert_element_type3A_1397 : vector<1x512xi32> to vector<1x512xf32>
    %mul3A_1399 = vector.broadcast %convert_element_type3A_1398 : vector<1x512xf32> to vector<128x512xf32>
    %mul3A_1400 = arith.mulf %mul3A_1399, %dot_general3A_1393 : vector<128x512xf32>
    %add3A_1401 = arith.addf %add3A_1372, %mul3A_1400 : vector<128x512xf32>
    %ge3A_1402 = arith.constant 0.000000e+00 : f32
    %ge3A_1403 = vector.broadcast %ge3A_1402 : f32 to vector<128x512xf32>
    %ge3A_1404 = arith.cmpf oge, %add3A_1401, %ge3A_1403 : vector<128x512xf32>
    %mul3A_1405 = vector.broadcast %get3A_1161 : f32 to vector<128x512xf32>
    %mul3A_1406 = arith.mulf %mul3A_1405, %add3A_1401 : vector<128x512xf32>
    %select_n3A_1407 = arith.select %ge3A_1404, %add3A_1401, %mul3A_1406 : vector<128x512xi1>, vector<128x512xf32>
    %get3A_1408 = arith.constant 13 : index
    %get3A_1409 = memref.load %arg35[%get3A_1408] : memref<15xf32, #tpu.memory_space<smem>>
    %get3A_1410 = arith.constant 14 : index
    %get3A_1411 = memref.load %arg35[%get3A_1410] : memref<15xf32, #tpu.memory_space<smem>>
    %broadcast_in_dim3A_1412 = arith.constant 1.000000e+00 : f32
    %broadcast_in_dim3A_1413 = vector.broadcast %broadcast_in_dim3A_1412 : f32 to vector<1x512xf32>
    %get3A_1414 = arith.constant 0 : index
    %get3A_1415 = arith.constant 0 : index
    %get3A_1416 = vector.load %arg29[%get3A_1414, %get3A_1415] : memref<128x128xf32, #tpu.memory_space<vmem>>, vector<128x128xf32>
    %get3A_1417 = arith.constant 0 : index
    %get3A_1418 = arith.constant 0 : index
    %get3A_1419 = vector.load %arg30[%get3A_1417, %get3A_1418] : memref<1x128xf32, #tpu.memory_space<vmem>>, vector<1x128xf32>
    %concatenate3A_1420 = tpu.concatenate %get3A_1416, %get3A_1419 in 0 : vector<128x128xf32>, vector<1x128xf32> -> vector<129x128xf32>
    %concatenate3A_1421 = tpu.concatenate %select_n3A_575, %broadcast_in_dim3A_1413 in 0 : vector<128x512xf32>, vector<1x512xf32> -> vector<129x512xf32>
    %dot_general3A_1422 = arith.constant dense<0.000000e+00> : vector<128x512xf32>
    %dot_general3A_1423 = tpu.matmul %concatenate3A_1420, %concatenate3A_1421, %dot_general3A_1422 {dimension_numbers = #tpu.dot_dimension_numbers<[0], [0], [1], [1], [0, 1, 1, 1], [], []>, transpose_lhs_hint = false} : vector<129x128xf32>, vector<129x512xf32>, vector<128x512xf32> -> vector<128x512xf32>
    %ge3A_1424 = arith.constant 0.000000e+00 : f32
    %ge3A_1425 = vector.broadcast %ge3A_1424 : f32 to vector<128x512xf32>
    %ge3A_1426 = arith.cmpf oge, %dot_general3A_1423, %ge3A_1425 : vector<128x512xf32>
    %mul3A_1427 = vector.broadcast %get3A_1409 : f32 to vector<128x512xf32>
    %mul3A_1428 = arith.mulf %mul3A_1427, %dot_general3A_1423 : vector<128x512xf32>
    %select_n3A_1429 = arith.select %ge3A_1426, %dot_general3A_1423, %mul3A_1428 : vector<128x512xi1>, vector<128x512xf32>
    %get3A_1430 = arith.constant 0 : index
    %get3A_1431 = arith.constant 0 : index
    %get3A_1432 = vector.load %arg31[%get3A_1430, %get3A_1431] : memref<256x128xf32, #tpu.memory_space<vmem>>, vector<256x128xf32>
    %get3A_1433 = arith.constant 0 : index
    %get3A_1434 = arith.constant 0 : index
    %get3A_1435 = vector.load %arg32[%get3A_1433, %get3A_1434] : memref<1x128xf32, #tpu.memory_space<vmem>>, vector<1x128xf32>
    %concatenate3A_1436 = tpu.concatenate %get3A_1432, %get3A_1435 in 0 : vector<256x128xf32>, vector<1x128xf32> -> vector<257x128xf32>
    %concatenate3A_1437 = tpu.concatenate %select_n3A_1407, %select_n3A_1429, %broadcast_in_dim3A_1413 in 0 : vector<128x512xf32>, vector<128x512xf32>, vector<1x512xf32> -> vector<257x512xf32>
    %dot_general3A_1438 = arith.constant dense<0.000000e+00> : vector<128x512xf32>
    %dot_general3A_1439 = tpu.matmul %concatenate3A_1436, %concatenate3A_1437, %dot_general3A_1438 {dimension_numbers = #tpu.dot_dimension_numbers<[0], [0], [1], [1], [0, 1, 1, 1], [], []>, transpose_lhs_hint = false} : vector<257x128xf32>, vector<257x512xf32>, vector<128x512xf32> -> vector<128x512xf32>
    %ge3A_1440 = arith.constant 0.000000e+00 : f32
    %ge3A_1441 = vector.broadcast %ge3A_1440 : f32 to vector<128x512xf32>
    %ge3A_1442 = arith.cmpf oge, %dot_general3A_1439, %ge3A_1441 : vector<128x512xf32>
    %mul3A_1443 = vector.broadcast %get3A_1411 : f32 to vector<128x512xf32>
    %mul3A_1444 = arith.mulf %mul3A_1443, %dot_general3A_1439 : vector<128x512xf32>
    %select_n3A_1445 = arith.select %ge3A_1442, %dot_general3A_1439, %mul3A_1444 : vector<128x512xi1>, vector<128x512xf32>
    %get3A_1446 = arith.constant 0 : index
    %get3A_1447 = arith.constant 0 : index
    %get3A_1448 = vector.load %arg2[%get3A_1446, %get3A_1447] : memref<16x512xf32, #tpu.memory_space<vmem>>, vector<16x512xf32>
    %dot_general3A_1449 = arith.constant dense<0.000000e+00> : vector<16x128xf32>
    %dot_general3A_1450 = tpu.matmul %get3A_1448, %select_n3A_1445, %dot_general3A_1449 {dimension_numbers = #tpu.dot_dimension_numbers<[1], [1], [0], [0], [0, 0, 1, 0], [], []>, transpose_lhs_hint = false} : vector<16x512xf32>, vector<128x512xf32>, vector<16x128xf32> -> vector<16x128xf32>
    %swap3A = arith.constant 0 : index
    %swap3A_1451 = arith.constant 0 : index
    %swap3A_1452 = vector.load %arg36[%swap3A, %swap3A_1451] : memref<16x128xf32, #tpu.memory_space<vmem>>, vector<16x128xf32>
    tpu.vector_store %arg36[%swap3A, %swap3A_1451], %dot_general3A_1450 {strides = array<i32>} : memref<16x128xf32, #tpu.memory_space<vmem>>, vector<16x128xf32>,
    return
  }
}

</mosaic_0001>

<sc_bundles>
// kernel: gather_offload_async_start.1
scs
__scs_entry_jumppad:
0x0: {  	(pc) =	sbr.rel $0x88, $3  }
0x1: {  	(tag) =	ssettag $0x0;
	lr =	simm.s32 $0x1  }
0x2: {  	[smem:$0x3F38] =	sst lr;
	_ =	strace $0xD0000000  }
0x3: {  	_ = 	snop  }
0x4: {  	_ = 	snop  }
0x5: {  	_ = 	snop  }
0x6: {  	_ = 	snop  }
0x7: {  	_ = 	snop  }
__scs_overlays_trampoline_lowered:
0x8: {  	[smem:$0x3F47] =	sst s0  }
0x9: {  	[smem:$0x3F48] =	sst s1  }
0xa: {  	[smem:$0x3F49] =	sst s2  }
0xb: {  	[smem:$0x3F4A] =	sst s3  }
0xc: {  	[smem:$0x3F4B] =	sst s4  }
0xd: {  	[smem:$0x3F4C] =	sst s5  }
0xe: {  	[smem:$0x3F4D] =	sst s6  }
0xf: {  	[smem:$0x3F4E] =	sst s7  }
0x10: {  	[smem:$0x3F4F] =	sst s8  }
0x11: {  	[smem:$0x3F50] =	sst s9;
	s0 =	simm.s32 @!p0 $0x0  }
0x12: {  	s1 =	sld [smem:$0x3F36];
	s0 =	simm.s32 @p0 $0x1  }
0x13: {  	[smem:$0x3F51] =	sst s0;
	s0 =	simm.s32 @!p1 $0x0  }
0x14: {  	s2 =	sld [smem:$0x3F35];
	s0 =	simm.s32 @p1 $0x1  }
0x15: {  	[smem:$0x3F52] =	sst s0;
	s0 =	simm.s32 @!p2 $0x0  }
0x16: {  	s3 =	sld [smem:$0x3FDB];
	s0 =	simm.s32 @p2 $0x1  }
0x17: {  	s4 =	simm.s32 $0x1BF5;
	[smem:$0x3F54] =	sst s0  }
0x18: {  	s0 =	sld [smem:$0x3F37];
	_ =	swait.ge [sflag:s4], $0x0  }
0x19: {  	s7 =	sld [smem:$0x3F38]  }
0x1a: {  	s8 =	sadd.s32 $0xFFFFE003, lr  }
0x1b: {  	s9 =	sadd.s32 $0xFFFFFEF7, lr;
	s5 =	simm.s32 $0xFFFFFFFF;
	p2 =	slt.u32 s8, $0xFFFFF086  }
0x1c: {  	p1 =	slt.u32 s9, $0xF7A;
	s5 =	simm.s32 @!p2 $0x0  }
0x1d: {  	s5 =	simm.s32 @p1 $0x1;
	p0 =	seq.s32 s7, s2  }
0x1e: {  	s7 =	smul.u32 @!p0 $0xF7A, s2;
	p2 =	seq.s32 @!p0 s5, $0x0  }
0x1f: {  	s9 =	smul.u32 $0xF7A, s1;
	s8 =	simm.s32 @!p0 $0x1BF5;
	p2 =	por !p2, p0  }
0x20: {  	[sflag:s8] =	ssyncset.s32 @!p0 $0xFFFFF086;
	s6 =	sadd.s32 @!p0 s3, s7;
	s7 =	simm.s32 @!p0 $0x108  }
0x21: {  	s3 =	sadd.s32 s3, s9;
	s6 =	sadd.s32 @!p0 $0x88, s6;
	s7 =	simm.s32 @p2 $0x1082  }
0x22: {  	[simem:s7], [sflag:s8] =	dma.local @!p0 [hbm:s6], $0xF7A  }
0x23: {  	s9 =	sor.u32 $0xD0000000, s2;
	s6 =	simm.s32 $0x108;
	_ =	swait.ge @!p0 [sflag:s8], $0x0  }
0x24: {  	s3 =	sadd.s32 $0x88, s3;
	s6 =	simm.s32 @!p1 $0x1082;
	[sflag:s4] =	ssyncset.s32 $0xFFFFF086  }
0x25: {  	[simem:s6], [sflag:s4] =	dma.local [hbm:s3], $0xF7A  }
0x26: {  	[smem:$0x3F38] =	sst s1;
	(tag) =	ssettag s2;
	_ =	strace s9  }
0x27: {  	s1 =	sld [smem:$0x3F48]  }
0x28: {  	s2 =	sld [smem:$0x3F49]  }
0x29: {  	s4 =	sld [smem:$0x3F4B]  }
0x2a: {  	p0 =	seq.s32 s5, $0x0;
	s5 =	sld [smem:$0x3F4C]  }
0x2b: {  	s6 =	sld [smem:$0x3F4D]  }
0x2c: {  	s7 =	sld [smem:$0x3F4E]  }
0x2d: {  	s3 =	simm.s32 $0x108;
	s8 =	sld [smem:$0x3F4F]  }
0x2e: {  	s3 =	simm.s32 @!p0 $0x1082;
	s9 =	sld [smem:$0x3F50]  }
0x2f: {  	lr =	sadd.s32 s0, s3;
	s0 =	sld [smem:$0x3F47]  }
0x30: {  	s3 =	sld [smem:$0x3F4A]  }
0x31: {  	[smem:$0x3F53] =	sst s10  }
0x32: {  	s10 =	sld [smem:$0x3F51];
	_ =	sdelay $0x3  }
0x33: {  	p0 =	seq.s32 s10, $0x1;
	s10 =	sld [smem:$0x3F53];
	_ =	sdelay $0x3  }
0x34: {  	[smem:$0x3F53] =	sst s10  }
0x35: {  	s10 =	sld [smem:$0x3F52];
	_ =	sdelay $0x3  }
0x36: {  	p1 =	seq.s32 s10, $0x1;
	s10 =	sld [smem:$0x3F53];
	_ =	sdelay $0x3  }
0x37: {  	[smem:$0x3F53] =	sst s10  }
0x38: {  	s10 =	sld [smem:$0x3F54]  }
0x39: {  	_ = 	snop;
	(pc) =	sbr.ind lr, $3  }
0x3a: {  	_ = 	snop  }
0x3b: {  	_ = 	snop  }
0x3c: {  	p2 =	seq.s32 s10, $0x1;
	s10 =	sld [smem:$0x3F53]  }
0x3d: {  	_ =	shalt  }
0x3e: {  	_ =	shalt  }
0x3f: {  	_ =	shalt  }
0x40: {  	_ =	shalt  }
0x41: {  	_ =	shalt  }
0x42: {  	_ =	shalt  }
0x43: {  	_ =	shalt  }
0x44: {  	_ =	shalt  }
0x45: {  	_ =	shalt  }
0x46: {  	_ =	shalt  }
0x47: {  	_ =	shalt  }
0x48: {  	_ =	shalt  }
0x49: {  	_ =	shalt  }
0x4a: {  	_ =	shalt  }
0x4b: {  	_ =	shalt  }
0x4c: {  	_ =	shalt  }
0x4d: {  	_ =	shalt  }
0x4e: {  	_ =	shalt  }
0x4f: {  	_ =	shalt  }
0x50: {  	_ =	shalt  }
0x51: {  	_ =	shalt  }
0x52: {  	_ =	shalt  }
0x53: {  	_ =	shalt  }
0x54: {  	_ =	shalt  }
0x55: {  	_ =	shalt  }
0x56: {  	_ =	shalt  }
0x57: {  	_ =	shalt  }
0x58: {  	_ =	shalt  }
0x59: {  	_ =	shalt  }
0x5a: {  	_ =	shalt  }
0x5b: {  	_ =	shalt  }
0x5c: {  	_ =	shalt  }
0x5d: {  	_ =	shalt  }
0x5e: {  	_ =	shalt  }
0x5f: {  	_ =	shalt  }
0x60: {  	_ =	shalt  }
0x61: {  	_ =	shalt  }
0x62: {  	_ =	shalt  }
0x63: {  	_ =	shalt  }
0x64: {  	_ =	shalt  }
0x65: {  	_ =	shalt  }
0x66: {  	_ =	shalt  }
0x67: {  	_ =	shalt  }
0x68: {  	_ =	shalt  }
0x69: {  	_ =	shalt  }
0x6a: {  	_ =	shalt  }
0x6b: {  	_ =	shalt  }
0x6c: {  	_ =	shalt  }
0x6d: {  	_ =	shalt  }
0x6e: {  	_ =	shalt  }
0x6f: {  	_ =	shalt  }
0x70: {  	_ =	shalt  }
0x71: {  	_ =	shalt  }
0x72: {  	_ =	shalt  }
0x73: {  	_ =	shalt  }
0x74: {  	_ =	shalt  }
0x75: {  	_ =	shalt  }
0x76: {  	_ =	shalt  }
0x77: {  	_ =	shalt  }
0x78: {  	_ =	shalt  }
0x79: {  	_ =	shalt  }
0x7a: {  	_ =	shalt  }
0x7b: {  	_ =	shalt  }
0x7c: {  	_ =	shalt  }
0x7d: {  	_ =	shalt  }
0x7e: {  	_ =	shalt  }
0x7f: {  	_ =	shalt  }
0x80: {  	_ =	shalt  }
0x81: {  	_ =	shalt  }
0x82: {  	_ =	shalt  }
0x83: {  	_ =	shalt  }
0x84: {  	_ =	shalt  }
0x85: {  	_ =	shalt  }
0x86: {  	_ =	shalt  }
0x87: {  	_ =	shalt  }
.Lfunc_end0:
.L_simem_size_0:
called_computation.1_lowered:
.L_overlay_start_0:
0x88: {  	s2 =	sld [smem:$0x3FD9]  }
0x89: {  	s3 =	sld [smem:$0x3FFE];
	_ =	sdelay $0x1  }
0x8a: {  	s1 =	srdreg.scid  }
0x8b: {  	s0 =	sand.u32 $0x1, s1  }
0x8c: {  	s16 =	sshll.u32 s0, $0xA;
	s2 =	sadd.s32 s3, s2  }
0x8d: {  	s2 =	sadd.s32 s2, s16  }
0x8e: {  	[smem:$0x3F5F] =	sst s2  }
0x8f: {  	_ = 	snop  }
0x90: {  	(tm) =	ssettm $0x1  }
0x91: {  	s17 =	sld [smem:$0x3FFB];
	_ =	sdelay $0x3  }
0x92: {  	_ =	strace s17  }
0x93: {  	s2 =	sld [smem:$0x3FFC];
	_ =	sdelay $0x3  }
0x94: {  	_ =	strace s2  }
0x95: {  	s2 =	sld [smem:$0x3FFD];
	_ =	sdelay $0x3  }
0x96: {  	_ =	strace s2  }
0x97: {  	_ =	strace $0x8FFFFFFF  }
0x98: {  	s18 =	sld [smem:$0x3FDB];
	_ =	sdelay $0x1  }
0x99: {  	s19 =	simm.s32 $_scs_section_size  }
0x9a: {  	s4 =	simm.s32 $_size__tile_overlayer_lowered;
	s5 =	simm.s32 $_tile_overlayer_lowered  }
0x9b: {  	s22 =	simm.s32 $0x1BFF;
	s21 =	sshll.u32 s5, $0x1;
	s2 =	sadd.s32 s19, s18  }
0x9c: {  	s6 =	simm.s32 $0x0;
	s20 =	sshll.u32 s4, $0x1;
	s4 =	sadd.s32 s21, s2  }
0x9d: {  	[timem:s6], [sflag:s22] =	dma.local [hbm:s4], s20  }
0x9e: {  	_ =	swait.ge [sflag:s22], s20  }
0x9f: {  	s3 =	ssub.s32 $0x0, s20;
	[sflag:s22] =	ssyncset.done $0x0  }
0xa0: {  	[sflag:s22] =	ssyncadd.s32 s3;
	_ =	sdelay $0x1  }
0xa1: {  	s23 =	simm.s32 $0x1B8B  }
0xa2: {  	_ =	swait.ge [sflag:s23], $0x1  }
0xa3: {  	[sflag:s23] =	ssyncset.done $0x0  }
0xa4: {  	s25 =	simm.s32 $0x1B8E;
	s24 =	sld [smem:$0x3FFE];
	[sflag:s23] =	ssyncadd.s32 $0xFFFFFFFF  }
0xa5: {  	s26 =	simm.s32 $execute0_lowered;
	[smem:$0x3FD2] =	sst s25  }
0xa6: {  	s4 =	sshll.u32 s26, $0x1;
	_ =	strace $0x80000049;
	[dreg:$0x1] =	wrdreg $0xFFFFFFFF  }
0xa7: {  	s28 =	simm.s32 $_size_execute0_lowered;
	s2 =	sadd.s32 s2, s4;
	[dreg:$0x0] =	wrdreg $0x0  }
0xa8: {  	s4 =	sshll.u32 s28, $0x1;
	[dreg:$0x2] =	wrdreg s2  }
0xa9: {  	[dreg:$0x3] =	wrdreg s4  }
0xaa: {  	[dreg:$0x4] =	wrdreg $0xC0  }
0xab: {  	_ =	task [dreg:s6], $0x5FFFF  }
0xac: {  	[dreg:$0x1] =	wrdreg $0xFFFFFFFF  }
0xad: {  	[dreg:$0x0] =	wrdreg $0x60  }
0xae: {  	[dreg:$0x2] =	wrdreg s24  }
0xaf: {  	[dreg:$0x3] =	wrdreg $0x9  }
0xb0: {  	_ =	task.clear_ibuf [dreg:s6], $0x4FFFF;
	_ =	strace $0x90000049  }
0xb1: {  	s29 =	simm.s32 $0x9;
	_ =	strace $0x8000004B  }
0xb2: {  	_ =	swait.ge [sflag:s29], $0x1  }
0xb3: {  	[sflag:s29] =	ssyncadd.s32 $0xFFFFFFFF  }
0xb4: {  	_ =	strace $0x9000004B  }
0xb5: {  	_ =	sfence  }
0xb6: {  	s30 =	sld [smem:$0x0];
	_ =	sdelay $0x2  }
0xb7: {  	s31 =	sshll.u32 s1, $0xD;
	s1 =	sshrl.u32 s1, $0x2  }
0xb8: {  	s3 =	sand.u32 $0x4000, s31;
	s1 =	sadd.s32 s1, s30  }
0xb9: {  	s0 =	sor.u32 s3, s0;
	s1 =	sshll.u32 s1, $0x11  }
0xba: {  	s0 =	sor.u32 s1, s0  }
0xbb: {  	s0 =	sadd.s32 $0x8F2B, s0  }
0xbc: {  	[sflag:s0] =	ssyncadd.remote.s32 $0x1  }
0xbd: {  	_ =	sfence.sel $0xFFFF  }
0xbe: {  	[dreg:$0x0] =	wrdreg $0xFFFFFFFF;
	(pc) =	sbr.abs _section_cstart, $3  }
0xbf: {  	[dreg:$0x1] =	wrdreg $0xFFFFFFFF  }
0xc0: {  	_ =	task.clear_ibuf [dreg:s6], $0x2FFFF;
	_ =	strace $0x9FFFFFFF  }
0xc1: {  	(tm) =	ssettm $0x7FFFFFFF  }
tec
execute0_lowered:
.L_overlay_start_1:
0x0: {  	(tag) =	ssettag $0x1  }
0x1: {  	s0 =	srdreg.scid;
	s5 =	rddreg [dreg:$0x0]  }
0x2: {  	s1 =	stileid.u32;
	s6 =	simm.s32 $0x1;
	s9 =	simm.s32 $0x1  }
0x3: {  	s10 =	simm.s32 $0x3;
	s13 =	simm.s32 $0x0;
	s2 =	sshll.u32 s0, $0x8  }
0x4: {  	s12 =	simm.s32 $0x0;
	s3 =	sshll.u32 s1, $0x9;
	s2 =	sand.u32 $0x100, s2  }
0x5: {  	s0 =	rddreg [dreg:$0x1];
	_ =	strace $0x8000004A;
	s2 =	sor.u32 s3, s2  }
0x6: {  	s4 =	sadd.s32 $0x15A00, s5;
	[sflag:s6] =	ssyncpa.u1 $0x0;
	s8 =	ssub.s32 $0x3000, s2  }
.Ltmp0:
0x7: {  	s3 =	sadd.s32 $0xC200, s5;
	s7 =	sand.u32 $0x1F00, s8;
	(pc) =	sbr.rel .LBB2_1-.Ltmp0, $4  }
0x8: {  	s5 =	sadd.s32 $0x17000, s5;
	s11 =	smov.u32 s2;
	p0 =	sne.s32 s7, $0x0  }
0x9: {  	s8 =	sshrl.u32 s8, $0xD;
	s7 =	simm.s32 $0x2;
	s9 =	simm.s32 @!p0 $0x0  }
0xa: {  	[sflag:s7] =	ssyncpa.u1 $0x0;
	p0 =	por $0x0, $0x0;
	s8 =	sadd.s32 s9, s8  }
0xb: {  	vm0 =	vmmov $0xffff;
	[sflag:s10] =	ssyncpa.u1 $0x0;
	s10 =	simm.s32 $0x0;
	s9 =	sadd.s32 $0x1, s8  }
.LBB2_4:
0xc: {  	v2 =	vnsel vm1, $0x0, v2  }
0xd: {  	vm1 =	vgt.s32 v0, $0x0;
	v2 =	vmin.u32 v2, $0xFFEF  }
0xe: {  	v0 =	vnsel vm1, $0x0, v0  }
0xf: {  	v0 =	vmin.u32 v0, $0xFFEF  }
0x10: {  	[tilespmem:s15], [sflag:$0x1] =	stream.indirect_vreg.gather [hbm4b:s3+s10], $0x1, v1, vm0, $0x4038;
	[tilespmem:$0x400] =	vst v63  }
0x11: {  	(ifvalue) =	ssetifvalue $0x7FFFFFFF  }
0x12: {  	[tilespmem:s16], [sflag:$0x1] =	stream.indirect_vreg.gather [hbm4b:s3+s10], $0x1, v2, vm0, $0x4038;
	[tilespmem:$0x400] =	vst v63  }
0x13: {  	s29 =	sadd.s32 $0x10, s16;
	(ifvalue) =	ssetifvalue $0x7FFFFFFF  }
0x14: {  	[tilespmem:s29], [sflag:$0x1] =	stream.indirect_vreg.gather [hbm4b:s3+s10], $0x1, v0, vm0, $0x4038;
	[tilespmem:$0x400] =	vst v63  }
0x15: {  	_ =	swait.ge [sflag:s6], $0x100  }
0x16: {  	s30 =	sshrl.u32 s13, $0x3;
	[sflag:s6] =	ssyncset.done $0x0  }
0x17: {  	s31 =	sand.u32 $0x7, s13;
	s15 =	sadd.s32 s5, s30;
	[sflag:s6] =	ssyncadd.s32 $0xFFFFFF00  }
0x18: {  	[hbm4b:s15+s31] =	stream.linear.scatter [tilespmem:s14], [sflag:$0x3], $0x100, $0x38;
	[tilespmem:$0x400] =	vst v63  }
.LBB2_5:
0x19: {  	s15 =	sadd.s32 $0x2000, s11  }
0x1a: {  	p2 =	sgt.s32 s15, $0x2FFF  }
0x1b: {  	s15 =	smov.u32 @p2 s2;
	p2 =	sne.s32 s12, s9  }
.Ltmp1:
0x1c: {  	p1 =	slt.u32 s12, $0x2;
	(pc) =	sbr.rel @!p2 .LBB2_6-.Ltmp1, $4  }
0x1d: {  	s14 =	simm.s32 @!p1 $0x3  }
0x1e: {  	s16 =	sadd.s32 $0x1, s12;
	_ =	swait.ge @!p1 [sflag:s14], $0x100  }
0x1f: {  	s13 =	smov.u32 s11;
	p0 =	por !p0, !p0;
	[sflag:s14] =	ssyncset.done @!p1 $0x0  }
0x20: {  	s12 =	smov.u32 s16;
	s11 =	smov.u32 s15;
	[sflag:s14] =	ssyncadd.s32 @!p1 $0xFFFFFF00  }
.LBB2_1:
0x21: {  	p1 =	sge.u32 s12, s8  }
0x22: {  	s14 =	sxor.u32 @!p1 $0xFFFFFFFF, s12  }
0x23: {  	s31 =	sadd.s32 $0xFFFFFFFF, s12;
	s15 =	sshrl.u32 @!p1 s11, $0x3;
	s14 =	sshll.u32 @!p1 s14, $0x8  }
0x24: {  	s16 =	sand.u32 @!p1 $0x7, s11;
	s15 =	sadd.s32 @!p1 s4, s15;
	s14 =	sand.u32 @!p1 $0x100, s14  }
0x25: {  	[tilespmem:s14], [sflag:$0x2] =	stream.linear.gather @!p1 [hbm4b:s15+s16], $0x100, $0x38;
	[tilespmem:$0x400] =	vst v63  }
0x26: {  	p1 =	sge.u32 s31, s8  }
.Ltmp2:
0x27: {  	_ = 	snop;
	(pc) =	sbr.rel @p1 .LBB2_5-.Ltmp2, $1  }
0x28: {  	_ =	sdelay $0x3  }
0x29: {  	s14 =	simm.s32 $0x1  }
0x2a: {  	_ =	swait.ge [sflag:s7], $0x100;
	s14 =	simm.s32 @!p0 $0x0  }
0x2b: {  	[sflag:s7] =	ssyncset.done $0x0;
	s14 =	sshll.u32 s14, $0x8  }
0x2c: {  	[sflag:s7] =	ssyncadd.s32 $0xFFFFFF00;
	(ifvalue) =	ssetifvalue $0x7FFFFFFF;
	v0 =	vld.msk [tilespmem:s14+$0x0 ss:$0x1], $0xffff;
	_ =	sdelay $0x4  }
0x2d: {  	s15 =	sadd.s32 $0x10, s14;
	vm1 =	vgt.s32 v0, $0x0  }
0x2e: {  	v2 =	vld.msk [tilespmem:s15+$0x0 ss:$0x1], $0xffff;
	v1 =	vnsel vm1, $0x0, v0  }
0x2f: {  	v1 =	vmin.u32 v1, $0xFFEF;
	_ =	sdelay $0x1  }
0x30: {  	s16 =	sshll.u32 s12, $0x8;
	s18 =	simm.s32 $0x20  }
0x31: {  	s16 =	sand.u32 $0x100, s16;
	s17 =	sadd.s32 $0x10, s15;
	s15 =	sor.u32 $0x200, s14  }
0x32: {  	s14 =	sor.u32 $0x200, s16;
	s16 =	sadd.s32 $0x10, s15;
	v0 =	vld.msk [tilespmem:s17+$0x0 ss:$0x1], $0xffff;
	vm1 =	vgt.s32 v2, $0x0;
	(ifvalue) =	ssetifvalue $0x7FFFFFFF  }
.LBB2_3:
0x33: {  	[tilespmem:s15], [sflag:$0x1] =	stream.indirect_vreg.gather [hbm4b:s3+s10], $0x1, v1, vm0, $0x4038;
	[tilespmem:$0x400] =	vst v63  }
0x34: {  	s18 =	sadd.s32 $0x10, s18  }
0x35: {  	v2 =	vnsel vm1, $0x0, v2;
	p1 =	slt.u32 s18, $0xF0  }
.Ltmp3:
0x36: {  	s15 =	smov.u32 s16;
	v1 =	vmin.u32 v2, $0xFFEF;
	(pc) =	sbr.rel @p1 .LBB2_3-.Ltmp3, $3  }
0x37: {  	_ =	sdelay $0x1  }
0x38: {  	s17 =	sadd.s32 $0x10, s17  }
0x39: {  	vm1 =	vgt.s32 v0, $0x0;
	s16 =	sadd.s32 $0x10, s16;
	v2 =	vmov v0;
	(ifvalue) =	ssetifvalue $0x7FFFFFFF;
	v0 =	vld.msk [tilespmem:s17+$0x0 ss:$0x1], $0xffff  }
.Ltmp4:
0x3a: {  	_ = 	snop;
	(pc) =	sbr.rel .LBB2_4-.Ltmp4, $1  }
0x3b: {  	_ =	sdelay $0x3  }
.LBB2_6:
0x3c: {  	_ =	sfence.sel $0x180000  }
0x3d: {  	s2 =	simm.s32 $0x2;
	[bflag:$0x0] =	sbarrier.arrive $0xFFFF  }
0x3e: {  	s30 =	simm.s32 $0x3;
	[sflag:s2] =	ssyncpa.u1 $0x1  }
0x3f: {  	s31 =	simm.s32 $0x1;
	[sflag:s30] =	ssyncpa.u1 $0x1  }
0x40: {  	[sflag:s31] =	ssyncpa.u1 $0x1  }
0x41: {  	p0 =	sne.s32 s1, $0x0;
	_ =	strace $0x9000004A  }
0x42: {  	s0 =	sadd.s32 @!p0 $0x100000, s0;
	[bflag:$0x2] =	sbarrier.arrive $0xFFFF  }
0x43: {  	[sflag:s0] =	ssyncadd.tile.s32 @!p0 $0x1;
	_ =	shalt  }
.Lfunc_end2:
_tile_overlayer_lowered:
.L_overlay_start_2:
0x44: {  	(tag) =	ssettag $0x2  }
0x45: {  	s0 =	rddreg [dreg:$0x0];
	s2 =	stileid.u32  }
0x46: {  	s1 =	rddreg [dreg:$0x1];
	p0 =	sne.s32 s2, $0x0  }
0x47: {  	s3 =	rddreg [dreg:$0x2];
	[bflag:$0x3] =	sbarrier.arrive $0xFFFF;
	s2 =	simm.s32 @!p0 $0x1C01  }
0x48: {  	[timem:s3], [sflag:s2] =	dma.local @!p0 [hbm:s0], s1  }
0x49: {  	s0 =	simm.s32 @!p0 $0x1  }
0x4a: {  	_ =	swait.ge @!p0 [sflag:s0], s1  }
0x4b: {  	s1 =	ssub.s32 @!p0 $0x0, s1;
	[sflag:s0] =	ssyncset.done @!p0 $0x0  }
0x4c: {  	[sflag:s0] =	ssyncadd.s32 @!p0 s1  }
0x4d: {  	[bflag:$0x3] =	sbarrier.arrive $0xFFFF  }
0x4e: {  	_ =	shalt  }

// kernel: gather_offload_async_start.2
scs
__scs_entry_jumppad:
0x0: {  	(pc) =	sbr.rel $0x88, $3  }
0x1: {  	(tag) =	ssettag $0x0;
	lr =	simm.s32 $0x1  }
0x2: {  	[smem:$0x3F38] =	sst lr;
	_ =	strace $0xD0000000  }
0x3: {  	_ = 	snop  }
0x4: {  	_ = 	snop  }
0x5: {  	_ = 	snop  }
0x6: {  	_ = 	snop  }
0x7: {  	_ = 	snop  }
__scs_overlays_trampoline_lowered:
0x8: {  	[smem:$0x3F47] =	sst s0  }
0x9: {  	[smem:$0x3F48] =	sst s1  }
0xa: {  	[smem:$0x3F49] =	sst s2  }
0xb: {  	[smem:$0x3F4A] =	sst s3  }
0xc: {  	[smem:$0x3F4B] =	sst s4  }
0xd: {  	[smem:$0x3F4C] =	sst s5  }
0xe: {  	[smem:$0x3F4D] =	sst s6  }
0xf: {  	[smem:$0x3F4E] =	sst s7  }
0x10: {  	[smem:$0x3F4F] =	sst s8  }
0x11: {  	[smem:$0x3F50] =	sst s9;
	s0 =	simm.s32 @!p0 $0x0  }
0x12: {  	s1 =	sld [smem:$0x3F36];
	s0 =	simm.s32 @p0 $0x1  }
0x13: {  	[smem:$0x3F51] =	sst s0;
	s0 =	simm.s32 @!p1 $0x0  }
0x14: {  	s2 =	sld [smem:$0x3F35];
	s0 =	simm.s32 @p1 $0x1  }
0x15: {  	[smem:$0x3F52] =	sst s0;
	s0 =	simm.s32 @!p2 $0x0  }
0x16: {  	s3 =	sld [smem:$0x3FDB];
	s0 =	simm.s32 @p2 $0x1  }
0x17: {  	s4 =	simm.s32 $0x1BF5;
	[smem:$0x3F54] =	sst s0  }
0x18: {  	s0 =	sld [smem:$0x3F37];
	_ =	swait.ge [sflag:s4], $0x0  }
0x19: {  	s7 =	sld [smem:$0x3F38]  }
0x1a: {  	s8 =	sadd.s32 $0xFFFFE003, lr  }
0x1b: {  	s9 =	sadd.s32 $0xFFFFFEF7, lr;
	s5 =	simm.s32 $0xFFFFFFFF;
	p2 =	slt.u32 s8, $0xFFFFF086  }
0x1c: {  	p1 =	slt.u32 s9, $0xF7A;
	s5 =	simm.s32 @!p2 $0x0  }
0x1d: {  	s5 =	simm.s32 @p1 $0x1;
	p0 =	seq.s32 s7, s2  }
0x1e: {  	s7 =	smul.u32 @!p0 $0xF7A, s2;
	p2 =	seq.s32 @!p0 s5, $0x0  }
0x1f: {  	s9 =	smul.u32 $0xF7A, s1;
	s8 =	simm.s32 @!p0 $0x1BF5;
	p2 =	por !p2, p0  }
0x20: {  	[sflag:s8] =	ssyncset.s32 @!p0 $0xFFFFF086;
	s6 =	sadd.s32 @!p0 s3, s7;
	s7 =	simm.s32 @!p0 $0x108  }
0x21: {  	s3 =	sadd.s32 s3, s9;
	s6 =	sadd.s32 @!p0 $0x88, s6;
	s7 =	simm.s32 @p2 $0x1082  }
0x22: {  	[simem:s7], [sflag:s8] =	dma.local @!p0 [hbm:s6], $0xF7A  }
0x23: {  	s9 =	sor.u32 $0xD0000000, s2;
	s6 =	simm.s32 $0x108;
	_ =	swait.ge @!p0 [sflag:s8], $0x0  }
0x24: {  	s3 =	sadd.s32 $0x88, s3;
	s6 =	simm.s32 @!p1 $0x1082;
	[sflag:s4] =	ssyncset.s32 $0xFFFFF086  }
0x25: {  	[simem:s6], [sflag:s4] =	dma.local [hbm:s3], $0xF7A  }
0x26: {  	[smem:$0x3F38] =	sst s1;
	(tag) =	ssettag s2;
	_ =	strace s9  }
0x27: {  	s1 =	sld [smem:$0x3F48]  }
0x28: {  	s2 =	sld [smem:$0x3F49]  }
0x29: {  	s4 =	sld [smem:$0x3F4B]  }
0x2a: {  	p0 =	seq.s32 s5, $0x0;
	s5 =	sld [smem:$0x3F4C]  }
0x2b: {  	s6 =	sld [smem:$0x3F4D]  }
0x2c: {  	s7 =	sld [smem:$0x3F4E]  }
0x2d: {  	s3 =	simm.s32 $0x108;
	s8 =	sld [smem:$0x3F4F]  }
0x2e: {  	s3 =	simm.s32 @!p0 $0x1082;
	s9 =	sld [smem:$0x3F50]  }
0x2f: {  	lr =	sadd.s32 s0, s3;
	s0 =	sld [smem:$0x3F47]  }
0x30: {  	s3 =	sld [smem:$0x3F4A]  }
0x31: {  	[smem:$0x3F53] =	sst s10  }
0x32: {  	s10 =	sld [smem:$0x3F51];
	_ =	sdelay $0x3  }
0x33: {  	p0 =	seq.s32 s10, $0x1;
	s10 =	sld [smem:$0x3F53];
	_ =	sdelay $0x3  }
0x34: {  	[smem:$0x3F53] =	sst s10  }
0x35: {  	s10 =	sld [smem:$0x3F52];
	_ =	sdelay $0x3  }
0x36: {  	p1 =	seq.s32 s10, $0x1;
	s10 =	sld [smem:$0x3F53];
	_ =	sdelay $0x3  }
0x37: {  	[smem:$0x3F53] =	sst s10  }
0x38: {  	s10 =	sld [smem:$0x3F54]  }
0x39: {  	_ = 	snop;
	(pc) =	sbr.ind lr, $3  }
0x3a: {  	_ = 	snop  }
0x3b: {  	_ = 	snop  }
0x3c: {  	p2 =	seq.s32 s10, $0x1;
	s10 =	sld [smem:$0x3F53]  }
0x3d: {  	_ =	shalt  }
0x3e: {  	_ =	shalt  }
0x3f: {  	_ =	shalt  }
0x40: {  	_ =	shalt  }
0x41: {  	_ =	shalt  }
0x42: {  	_ =	shalt  }
0x43: {  	_ =	shalt  }
0x44: {  	_ =	shalt  }
0x45: {  	_ =	shalt  }
0x46: {  	_ =	shalt  }
0x47: {  	_ =	shalt  }
0x48: {  	_ =	shalt  }
0x49: {  	_ =	shalt  }
0x4a: {  	_ =	shalt  }
0x4b: {  	_ =	shalt  }
0x4c: {  	_ =	shalt  }
0x4d: {  	_ =	shalt  }
0x4e: {  	_ =	shalt  }
0x4f: {  	_ =	shalt  }
0x50: {  	_ =	shalt  }
0x51: {  	_ =	shalt  }
0x52: {  	_ =	shalt  }
0x53: {  	_ =	shalt  }
0x54: {  	_ =	shalt  }
0x55: {  	_ =	shalt  }
0x56: {  	_ =	shalt  }
0x57: {  	_ =	shalt  }
0x58: {  	_ =	shalt  }
0x59: {  	_ =	shalt  }
0x5a: {  	_ =	shalt  }
0x5b: {  	_ =	shalt  }
0x5c: {  	_ =	shalt  }
0x5d: {  	_ =	shalt  }
0x5e: {  	_ =	shalt  }
0x5f: {  	_ =	shalt  }
0x60: {  	_ =	shalt  }
0x61: {  	_ =	shalt  }
0x62: {  	_ =	shalt  }
0x63: {  	_ =	shalt  }
0x64: {  	_ =	shalt  }
0x65: {  	_ =	shalt  }
0x66: {  	_ =	shalt  }
0x67: {  	_ =	shalt  }
0x68: {  	_ =	shalt  }
0x69: {  	_ =	shalt  }
0x6a: {  	_ =	shalt  }
0x6b: {  	_ =	shalt  }
0x6c: {  	_ =	shalt  }
0x6d: {  	_ =	shalt  }
0x6e: {  	_ =	shalt  }
0x6f: {  	_ =	shalt  }
0x70: {  	_ =	shalt  }
0x71: {  	_ =	shalt  }
0x72: {  	_ =	shalt  }
0x73: {  	_ =	shalt  }
0x74: {  	_ =	shalt  }
0x75: {  	_ =	shalt  }
0x76: {  	_ =	shalt  }
0x77: {  	_ =	shalt  }
0x78: {  	_ =	shalt  }
0x79: {  	_ =	shalt  }
0x7a: {  	_ =	shalt  }
0x7b: {  	_ =	shalt  }
0x7c: {  	_ =	shalt  }
0x7d: {  	_ =	shalt  }
0x7e: {  	_ =	shalt  }
0x7f: {  	_ =	shalt  }
0x80: {  	_ =	shalt  }
0x81: {  	_ =	shalt  }
0x82: {  	_ =	shalt  }
0x83: {  	_ =	shalt  }
0x84: {  	_ =	shalt  }
0x85: {  	_ =	shalt  }
0x86: {  	_ =	shalt  }
0x87: {  	_ =	shalt  }
.Lfunc_end0:
.L_simem_size_0:
called_computation.2_lowered:
.L_overlay_start_0:
0x88: {  	s2 =	sld [smem:$0x3FD9]  }
0x89: {  	s3 =	sld [smem:$0x3FFE];
	_ =	sdelay $0x1  }
0x8a: {  	s1 =	srdreg.scid  }
0x8b: {  	s0 =	sand.u32 $0x1, s1  }
0x8c: {  	s16 =	sshll.u32 s0, $0xA;
	s2 =	sadd.s32 s3, s2  }
0x8d: {  	s2 =	sadd.s32 s2, s16  }
0x8e: {  	[smem:$0x3F5F] =	sst s2  }
0x8f: {  	_ = 	snop  }
0x90: {  	(tm) =	ssettm $0x1  }
0x91: {  	s17 =	sld [smem:$0x3FFB];
	_ =	sdelay $0x3  }
0x92: {  	_ =	strace s17  }
0x93: {  	s2 =	sld [smem:$0x3FFC];
	_ =	sdelay $0x3  }
0x94: {  	_ =	strace s2  }
0x95: {  	s2 =	sld [smem:$0x3FFD];
	_ =	sdelay $0x3  }
0x96: {  	_ =	strace s2  }
0x97: {  	_ =	strace $0x8FFFFFFF  }
0x98: {  	s18 =	sld [smem:$0x3FDB];
	_ =	sdelay $0x1  }
0x99: {  	s19 =	simm.s32 $_scs_section_size  }
0x9a: {  	s4 =	simm.s32 $_size__tile_overlayer_lowered;
	s5 =	simm.s32 $_tile_overlayer_lowered  }
0x9b: {  	s22 =	simm.s32 $0x1BFF;
	s21 =	sshll.u32 s5, $0x1;
	s2 =	sadd.s32 s19, s18  }
0x9c: {  	s6 =	simm.s32 $0x0;
	s20 =	sshll.u32 s4, $0x1;
	s4 =	sadd.s32 s21, s2  }
0x9d: {  	[timem:s6], [sflag:s22] =	dma.local [hbm:s4], s20  }
0x9e: {  	_ =	swait.ge [sflag:s22], s20  }
0x9f: {  	s3 =	ssub.s32 $0x0, s20;
	[sflag:s22] =	ssyncset.done $0x0  }
0xa0: {  	[sflag:s22] =	ssyncadd.s32 s3;
	_ =	sdelay $0x1  }
0xa1: {  	s23 =	simm.s32 $0x1B8B  }
0xa2: {  	_ =	swait.ge [sflag:s23], $0x1  }
0xa3: {  	[sflag:s23] =	ssyncset.done $0x0  }
0xa4: {  	s25 =	simm.s32 $0x1B8E;
	s24 =	sld [smem:$0x3FFE];
	[sflag:s23] =	ssyncadd.s32 $0xFFFFFFFF  }
0xa5: {  	s26 =	simm.s32 $execute0_lowered;
	[smem:$0x3FD2] =	sst s25  }
0xa6: {  	s4 =	sshll.u32 s26, $0x1;
	_ =	strace $0x8000004C;
	[dreg:$0x1] =	wrdreg $0xFFFFFFFF  }
0xa7: {  	s28 =	simm.s32 $_size_execute0_lowered;
	s2 =	sadd.s32 s2, s4;
	[dreg:$0x0] =	wrdreg $0x0  }
0xa8: {  	s4 =	sshll.u32 s28, $0x1;
	[dreg:$0x2] =	wrdreg s2  }
0xa9: {  	[dreg:$0x3] =	wrdreg s4  }
0xaa: {  	[dreg:$0x4] =	wrdreg $0xC0  }
0xab: {  	_ =	task [dreg:s6], $0x5FFFF  }
0xac: {  	[dreg:$0x1] =	wrdreg $0xFFFFFFFF  }
0xad: {  	[dreg:$0x0] =	wrdreg $0x60  }
0xae: {  	[dreg:$0x2] =	wrdreg s24  }
0xaf: {  	[dreg:$0x3] =	wrdreg $0x9  }
0xb0: {  	_ =	task.clear_ibuf [dreg:s6], $0x4FFFF;
	_ =	strace $0x9000004C  }
0xb1: {  	s29 =	simm.s32 $0x9;
	_ =	strace $0x8000004E  }
0xb2: {  	_ =	swait.ge [sflag:s29], $0x1  }
0xb3: {  	[sflag:s29] =	ssyncadd.s32 $0xFFFFFFFF  }
0xb4: {  	_ =	strace $0x9000004E  }
0xb5: {  	_ =	sfence  }
0xb6: {  	s30 =	sld [smem:$0x0];
	_ =	sdelay $0x2  }
0xb7: {  	s31 =	sshll.u32 s1, $0xD;
	s1 =	sshrl.u32 s1, $0x2  }
0xb8: {  	s3 =	sand.u32 $0x4000, s31;
	s1 =	sadd.s32 s1, s30  }
0xb9: {  	s0 =	sor.u32 s3, s0;
	s1 =	sshll.u32 s1, $0x11  }
0xba: {  	s0 =	sor.u32 s1, s0  }
0xbb: {  	s0 =	sadd.s32 $0x8F2B, s0  }
0xbc: {  	[sflag:s0] =	ssyncadd.remote.s32 $0x1  }
0xbd: {  	_ =	sfence.sel $0xFFFF  }
0xbe: {  	[dreg:$0x0] =	wrdreg $0xFFFFFFFF;
	(pc) =	sbr.abs _section_cstart, $3  }
0xbf: {  	[dreg:$0x1] =	wrdreg $0xFFFFFFFF  }
0xc0: {  	_ =	task.clear_ibuf [dreg:s6], $0x2FFFF;
	_ =	strace $0x9FFFFFFF  }
0xc1: {  	(tm) =	ssettm $0x7FFFFFFF  }
tec
execute0_lowered:
.L_overlay_start_1:
0x0: {  	(tag) =	ssettag $0x1  }
0x1: {  	s0 =	srdreg.scid;
	s5 =	rddreg [dreg:$0x0]  }
0x2: {  	s1 =	stileid.u32;
	s6 =	simm.s32 $0x1;
	s9 =	simm.s32 $0x1  }
0x3: {  	s10 =	simm.s32 $0x3;
	s13 =	simm.s32 $0x0;
	s2 =	sshll.u32 s0, $0x6  }
0x4: {  	s12 =	simm.s32 $0x0;
	s3 =	sshll.u32 s1, $0x7;
	s2 =	sand.u32 $0x40, s2  }
0x5: {  	s0 =	rddreg [dreg:$0x1];
	_ =	strace $0x8000004D;
	s2 =	sor.u32 s3, s2  }
0x6: {  	s4 =	sadd.s32 $0x15800, s5;
	[sflag:s6] =	ssyncpa.u1 $0x0;
	s8 =	ssub.s32 $0xA00, s2  }
.Ltmp0:
0x7: {  	s3 =	sadd.s32 $0xC200, s5;
	s7 =	sand.u32 $0x7C0, s8;
	(pc) =	sbr.rel .LBB2_1-.Ltmp0, $4  }
0x8: {  	s5 =	sadd.s32 $0xAE00, s5;
	s11 =	smov.u32 s2;
	p0 =	sne.s32 s7, $0x0  }
0x9: {  	s8 =	sshrl.u32 s8, $0xB;
	s7 =	simm.s32 $0x2;
	s9 =	simm.s32 @!p0 $0x0  }
0xa: {  	[sflag:s7] =	ssyncpa.u1 $0x0;
	p0 =	por $0x0, $0x0;
	s8 =	sadd.s32 s9, s8  }
0xb: {  	vm0 =	vmmov $0xffff;
	[sflag:s10] =	ssyncpa.u1 $0x0;
	s10 =	simm.s32 $0x0;
	s9 =	sadd.s32 $0x1, s8  }
.LBB2_4:
0xc: {  	v2 =	vnsel vm1, $0x0, v2  }
0xd: {  	vm1 =	vgt.s32 v0, $0x0;
	v2 =	vmin.u32 v2, $0xFFEF  }
0xe: {  	v0 =	vnsel vm1, $0x0, v0  }
0xf: {  	v0 =	vmin.u32 v0, $0xFFEF  }
0x10: {  	[tilespmem:s15], [sflag:$0x1] =	stream.indirect_vreg.gather [hbm4b:s3+s10], $0x1, v1, vm0, $0x4038;
	[tilespmem:$0x100] =	vst v63  }
0x11: {  	(ifvalue) =	ssetifvalue $0x7FFFFFFF  }
0x12: {  	[tilespmem:s16], [sflag:$0x1] =	stream.indirect_vreg.gather [hbm4b:s3+s10], $0x1, v2, vm0, $0x4038;
	[tilespmem:$0x100] =	vst v63  }
0x13: {  	s29 =	sadd.s32 $0x10, s16;
	(ifvalue) =	ssetifvalue $0x7FFFFFFF  }
0x14: {  	[tilespmem:s29], [sflag:$0x1] =	stream.indirect_vreg.gather [hbm4b:s3+s10], $0x1, v0, vm0, $0x4038;
	[tilespmem:$0x100] =	vst v63  }
0x15: {  	_ =	swait.ge [sflag:s6], $0x40  }
0x16: {  	s30 =	sshrl.u32 s13, $0x3;
	[sflag:s6] =	ssyncset.done $0x0  }
0x17: {  	s31 =	sand.u32 $0x7, s13;
	s15 =	sadd.s32 s5, s30;
	[sflag:s6] =	ssyncadd.s32 $0xFFFFFFC0  }
0x18: {  	[hbm4b:s15+s31] =	stream.linear.scatter [tilespmem:s14], [sflag:$0x3], $0x40, $0x38;
	[tilespmem:$0x100] =	vst v63  }
.LBB2_5:
0x19: {  	s15 =	sadd.s32 $0x800, s11  }
0x1a: {  	p2 =	sgt.s32 s15, $0x9FF  }
0x1b: {  	s15 =	smov.u32 @p2 s2;
	p2 =	sne.s32 s12, s9  }
.Ltmp1:
0x1c: {  	p1 =	slt.u32 s12, $0x2;
	(pc) =	sbr.rel @!p2 .LBB2_6-.Ltmp1, $4  }
0x1d: {  	s14 =	simm.s32 @!p1 $0x3  }
0x1e: {  	s16 =	sadd.s32 $0x1, s12;
	_ =	swait.ge @!p1 [sflag:s14], $0x40  }
0x1f: {  	s13 =	smov.u32 s11;
	p0 =	por !p0, !p0;
	[sflag:s14] =	ssyncset.done @!p1 $0x0  }
0x20: {  	s12 =	smov.u32 s16;
	s11 =	smov.u32 s15;
	[sflag:s14] =	ssyncadd.s32 @!p1 $0xFFFFFFC0  }
.LBB2_1:
0x21: {  	p1 =	sge.u32 s12, s8  }
0x22: {  	s14 =	sxor.u32 @!p1 $0xFFFFFFFF, s12  }
0x23: {  	s31 =	sadd.s32 $0xFFFFFFFF, s12;
	s15 =	sshrl.u32 @!p1 s11, $0x3;
	s14 =	sshll.u32 @!p1 s14, $0x6  }
0x24: {  	s16 =	sand.u32 @!p1 $0x7, s11;
	s15 =	sadd.s32 @!p1 s4, s15;
	s14 =	sand.u32 @!p1 $0x40, s14  }
0x25: {  	[tilespmem:s14], [sflag:$0x2] =	stream.linear.gather @!p1 [hbm4b:s15+s16], $0x40, $0x38;
	[tilespmem:$0x100] =	vst v63  }
0x26: {  	p1 =	sge.u32 s31, s8  }
.Ltmp2:
0x27: {  	_ = 	snop;
	(pc) =	sbr.rel @p1 .LBB2_5-.Ltmp2, $1  }
0x28: {  	_ =	sdelay $0x3  }
0x29: {  	s14 =	simm.s32 $0x1  }
0x2a: {  	_ =	swait.ge [sflag:s7], $0x40;
	s14 =	simm.s32 @!p0 $0x0  }
0x2b: {  	[sflag:s7] =	ssyncset.done $0x0;
	s14 =	sshll.u32 s14, $0x6  }
0x2c: {  	[sflag:s7] =	ssyncadd.s32 $0xFFFFFFC0;
	(ifvalue) =	ssetifvalue $0x7FFFFFFF;
	v0 =	vld.msk [tilespmem:s14+$0x0 ss:$0x1], $0xffff;
	_ =	sdelay $0x4  }
0x2d: {  	s15 =	sadd.s32 $0x10, s14;
	vm1 =	vgt.s32 v0, $0x0  }
0x2e: {  	v2 =	vld.msk [tilespmem:s15+$0x0 ss:$0x1], $0xffff;
	v1 =	vnsel vm1, $0x0, v0  }
0x2f: {  	v1 =	vmin.u32 v1, $0xFFEF;
	_ =	sdelay $0x1  }
0x30: {  	s16 =	sshll.u32 s12, $0x6;
	s18 =	simm.s32 $0x20  }
0x31: {  	s16 =	sand.u32 $0x40, s16;
	s17 =	sadd.s32 $0x10, s15;
	s15 =	sor.u32 $0x80, s14  }
0x32: {  	s14 =	sor.u32 $0x80, s16;
	s16 =	sadd.s32 $0x10, s15;
	v0 =	vld.msk [tilespmem:s17+$0x0 ss:$0x1], $0xffff;
	vm1 =	vgt.s32 v2, $0x0;
	(ifvalue) =	ssetifvalue $0x7FFFFFFF  }
.LBB2_3:
0x33: {  	[tilespmem:s15], [sflag:$0x1] =	stream.indirect_vreg.gather [hbm4b:s3+s10], $0x1, v1, vm0, $0x4038;
	[tilespmem:$0x100] =	vst v63  }
0x34: {  	s18 =	sadd.s32 $0x10, s18  }
0x35: {  	v2 =	vnsel vm1, $0x0, v2;
	p1 =	slt.u32 s18, $0x30  }
.Ltmp3:
0x36: {  	s15 =	smov.u32 s16;
	v1 =	vmin.u32 v2, $0xFFEF;
	(pc) =	sbr.rel @p1 .LBB2_3-.Ltmp3, $3  }
0x37: {  	_ =	sdelay $0x1  }
0x38: {  	s17 =	sadd.s32 $0x10, s17  }
0x39: {  	vm1 =	vgt.s32 v0, $0x0;
	s16 =	sadd.s32 $0x10, s16;
	v2 =	vmov v0;
	(ifvalue) =	ssetifvalue $0x7FFFFFFF;
	v0 =	vld.msk [tilespmem:s17+$0x0 ss:$0x1], $0xffff  }
.Ltmp4:
0x3a: {  	_ = 	snop;
	(pc) =	sbr.rel .LBB2_4-.Ltmp4, $1  }
0x3b: {  	_ =	sdelay $0x3  }
.LBB2_6:
0x3c: {  	_ =	sfence.sel $0x180000  }
0x3d: {  	s2 =	simm.s32 $0x2;
	[bflag:$0x0] =	sbarrier.arrive $0xFFFF  }
0x3e: {  	s30 =	simm.s32 $0x3;
	[sflag:s2] =	ssyncpa.u1 $0x1  }
0x3f: {  	s31 =	simm.s32 $0x1;
	[sflag:s30] =	ssyncpa.u1 $0x1  }
0x40: {  	[sflag:s31] =	ssyncpa.u1 $0x1  }
0x41: {  	p0 =	sne.s32 s1, $0x0;
	_ =	strace $0x9000004D  }
0x42: {  	s0 =	sadd.s32 @!p0 $0x100000, s0;
	[bflag:$0x2] =	sbarrier.arrive $0xFFFF  }
0x43: {  	[sflag:s0] =	ssyncadd.tile.s32 @!p0 $0x1;
	_ =	shalt  }
.Lfunc_end2:
_tile_overlayer_lowered:
.L_overlay_start_2:
0x44: {  	(tag) =	ssettag $0x2  }
0x45: {  	s0 =	rddreg [dreg:$0x0];
	s2 =	stileid.u32  }
0x46: {  	s1 =	rddreg [dreg:$0x1];
	p0 =	sne.s32 s2, $0x0  }
0x47: {  	s3 =	rddreg [dreg:$0x2];
	[bflag:$0x3] =	sbarrier.arrive $0xFFFF;
	s2 =	simm.s32 @!p0 $0x1C01  }
0x48: {  	[timem:s3], [sflag:s2] =	dma.local @!p0 [hbm:s0], s1  }
0x49: {  	s0 =	simm.s32 @!p0 $0x1  }
0x4a: {  	_ =	swait.ge @!p0 [sflag:s0], s1  }
0x4b: {  	s1 =	ssub.s32 @!p0 $0x0, s1;
	[sflag:s0] =	ssyncset.done @!p0 $0x0  }
0x4c: {  	[sflag:s0] =	ssyncadd.s32 @!p0 s1  }
0x4d: {  	[bflag:$0x3] =	sbarrier.arrive $0xFFFF  }
0x4e: {  	_ =	shalt  }

// kernel: gather_offload_async_start
scs
__scs_entry_jumppad:
0x0: {  	(pc) =	sbr.rel $0x88, $3  }
0x1: {  	(tag) =	ssettag $0x0;
	lr =	simm.s32 $0x1  }
0x2: {  	[smem:$0x3F38] =	sst lr;
	_ =	strace $0xD0000000  }
0x3: {  	_ = 	snop  }
0x4: {  	_ = 	snop  }
0x5: {  	_ = 	snop  }
0x6: {  	_ = 	snop  }
0x7: {  	_ = 	snop  }
__scs_overlays_trampoline_lowered:
0x8: {  	[smem:$0x3F47] =	sst s0  }
0x9: {  	[smem:$0x3F48] =	sst s1  }
0xa: {  	[smem:$0x3F49] =	sst s2  }
0xb: {  	[smem:$0x3F4A] =	sst s3  }
0xc: {  	[smem:$0x3F4B] =	sst s4  }
0xd: {  	[smem:$0x3F4C] =	sst s5  }
0xe: {  	[smem:$0x3F4D] =	sst s6  }
0xf: {  	[smem:$0x3F4E] =	sst s7  }
0x10: {  	[smem:$0x3F4F] =	sst s8  }
0x11: {  	[smem:$0x3F50] =	sst s9;
	s0 =	simm.s32 @!p0 $0x0  }
0x12: {  	s1 =	sld [smem:$0x3F36];
	s0 =	simm.s32 @p0 $0x1  }
0x13: {  	[smem:$0x3F51] =	sst s0;
	s0 =	simm.s32 @!p1 $0x0  }
0x14: {  	s2 =	sld [smem:$0x3F35];
	s0 =	simm.s32 @p1 $0x1  }
0x15: {  	[smem:$0x3F52] =	sst s0;
	s0 =	simm.s32 @!p2 $0x0  }
0x16: {  	s3 =	sld [smem:$0x3FDB];
	s0 =	simm.s32 @p2 $0x1  }
0x17: {  	s4 =	simm.s32 $0x1BF5;
	[smem:$0x3F54] =	sst s0  }
0x18: {  	s0 =	sld [smem:$0x3F37];
	_ =	swait.ge [sflag:s4], $0x0  }
0x19: {  	s7 =	sld [smem:$0x3F38]  }
0x1a: {  	s8 =	sadd.s32 $0xFFFFE003, lr  }
0x1b: {  	s9 =	sadd.s32 $0xFFFFFEF7, lr;
	s5 =	simm.s32 $0xFFFFFFFF;
	p2 =	slt.u32 s8, $0xFFFFF086  }
0x1c: {  	p1 =	slt.u32 s9, $0xF7A;
	s5 =	simm.s32 @!p2 $0x0  }
0x1d: {  	s5 =	simm.s32 @p1 $0x1;
	p0 =	seq.s32 s7, s2  }
0x1e: {  	s7 =	smul.u32 @!p0 $0xF7A, s2;
	p2 =	seq.s32 @!p0 s5, $0x0  }
0x1f: {  	s9 =	smul.u32 $0xF7A, s1;
	s8 =	simm.s32 @!p0 $0x1BF5;
	p2 =	por !p2, p0  }
0x20: {  	[sflag:s8] =	ssyncset.s32 @!p0 $0xFFFFF086;
	s6 =	sadd.s32 @!p0 s3, s7;
	s7 =	simm.s32 @!p0 $0x108  }
0x21: {  	s3 =	sadd.s32 s3, s9;
	s6 =	sadd.s32 @!p0 $0x88, s6;
	s7 =	simm.s32 @p2 $0x1082  }
0x22: {  	[simem:s7], [sflag:s8] =	dma.local @!p0 [hbm:s6], $0xF7A  }
0x23: {  	s9 =	sor.u32 $0xD0000000, s2;
	s6 =	simm.s32 $0x108;
	_ =	swait.ge @!p0 [sflag:s8], $0x0  }
0x24: {  	s3 =	sadd.s32 $0x88, s3;
	s6 =	simm.s32 @!p1 $0x1082;
	[sflag:s4] =	ssyncset.s32 $0xFFFFF086  }
0x25: {  	[simem:s6], [sflag:s4] =	dma.local [hbm:s3], $0xF7A  }
0x26: {  	[smem:$0x3F38] =	sst s1;
	(tag) =	ssettag s2;
	_ =	strace s9  }
0x27: {  	s1 =	sld [smem:$0x3F48]  }
0x28: {  	s2 =	sld [smem:$0x3F49]  }
0x29: {  	s4 =	sld [smem:$0x3F4B]  }
0x2a: {  	p0 =	seq.s32 s5, $0x0;
	s5 =	sld [smem:$0x3F4C]  }
0x2b: {  	s6 =	sld [smem:$0x3F4D]  }
0x2c: {  	s7 =	sld [smem:$0x3F4E]  }
0x2d: {  	s3 =	simm.s32 $0x108;
	s8 =	sld [smem:$0x3F4F]  }
0x2e: {  	s3 =	simm.s32 @!p0 $0x1082;
	s9 =	sld [smem:$0x3F50]  }
0x2f: {  	lr =	sadd.s32 s0, s3;
	s0 =	sld [smem:$0x3F47]  }
0x30: {  	s3 =	sld [smem:$0x3F4A]  }
0x31: {  	[smem:$0x3F53] =	sst s10  }
0x32: {  	s10 =	sld [smem:$0x3F51];
	_ =	sdelay $0x3  }
0x33: {  	p0 =	seq.s32 s10, $0x1;
	s10 =	sld [smem:$0x3F53];
	_ =	sdelay $0x3  }
0x34: {  	[smem:$0x3F53] =	sst s10  }
0x35: {  	s10 =	sld [smem:$0x3F52];
	_ =	sdelay $0x3  }
0x36: {  	p1 =	seq.s32 s10, $0x1;
	s10 =	sld [smem:$0x3F53];
	_ =	sdelay $0x3  }
0x37: {  	[smem:$0x3F53] =	sst s10  }
0x38: {  	s10 =	sld [smem:$0x3F54]  }
0x39: {  	_ = 	snop;
	(pc) =	sbr.ind lr, $3  }
0x3a: {  	_ = 	snop  }
0x3b: {  	_ = 	snop  }
0x3c: {  	p2 =	seq.s32 s10, $0x1;
	s10 =	sld [smem:$0x3F53]  }
0x3d: {  	_ =	shalt  }
0x3e: {  	_ =	shalt  }
0x3f: {  	_ =	shalt  }
0x40: {  	_ =	shalt  }
0x41: {  	_ =	shalt  }
0x42: {  	_ =	shalt  }
0x43: {  	_ =	shalt  }
0x44: {  	_ =	shalt  }
0x45: {  	_ =	shalt  }
0x46: {  	_ =	shalt  }
0x47: {  	_ =	shalt  }
0x48: {  	_ =	shalt  }
0x49: {  	_ =	shalt  }
0x4a: {  	_ =	shalt  }
0x4b: {  	_ =	shalt  }
0x4c: {  	_ =	shalt  }
0x4d: {  	_ =	shalt  }
0x4e: {  	_ =	shalt  }
0x4f: {  	_ =	shalt  }
0x50: {  	_ =	shalt  }
0x51: {  	_ =	shalt  }
0x52: {  	_ =	shalt  }
0x53: {  	_ =	shalt  }
0x54: {  	_ =	shalt  }
0x55: {  	_ =	shalt  }
0x56: {  	_ =	shalt  }
0x57: {  	_ =	shalt  }
0x58: {  	_ =	shalt  }
0x59: {  	_ =	shalt  }
0x5a: {  	_ =	shalt  }
0x5b: {  	_ =	shalt  }
0x5c: {  	_ =	shalt  }
0x5d: {  	_ =	shalt  }
0x5e: {  	_ =	shalt  }
0x5f: {  	_ =	shalt  }
0x60: {  	_ =	shalt  }
0x61: {  	_ =	shalt  }
0x62: {  	_ =	shalt  }
0x63: {  	_ =	shalt  }
0x64: {  	_ =	shalt  }
0x65: {  	_ =	shalt  }
0x66: {  	_ =	shalt  }
0x67: {  	_ =	shalt  }
0x68: {  	_ =	shalt  }
0x69: {  	_ =	shalt  }
0x6a: {  	_ =	shalt  }
0x6b: {  	_ =	shalt  }
0x6c: {  	_ =	shalt  }
0x6d: {  	_ =	shalt  }
0x6e: {  	_ =	shalt  }
0x6f: {  	_ =	shalt  }
0x70: {  	_ =	shalt  }
0x71: {  	_ =	shalt  }
0x72: {  	_ =	shalt  }
0x73: {  	_ =	shalt  }
0x74: {  	_ =	shalt  }
0x75: {  	_ =	shalt  }
0x76: {  	_ =	shalt  }
0x77: {  	_ =	shalt  }
0x78: {  	_ =	shalt  }
0x79: {  	_ =	shalt  }
0x7a: {  	_ =	shalt  }
0x7b: {  	_ =	shalt  }
0x7c: {  	_ =	shalt  }
0x7d: {  	_ =	shalt  }
0x7e: {  	_ =	shalt  }
0x7f: {  	_ =	shalt  }
0x80: {  	_ =	shalt  }
0x81: {  	_ =	shalt  }
0x82: {  	_ =	shalt  }
0x83: {  	_ =	shalt  }
0x84: {  	_ =	shalt  }
0x85: {  	_ =	shalt  }
0x86: {  	_ =	shalt  }
0x87: {  	_ =	shalt  }
.Lfunc_end0:
.L_simem_size_0:
called_computation_lowered:
.L_overlay_start_0:
0x88: {  	s2 =	sld [smem:$0x3FD9]  }
0x89: {  	s3 =	sld [smem:$0x3FFE];
	_ =	sdelay $0x1  }
0x8a: {  	s1 =	srdreg.scid  }
0x8b: {  	s0 =	sand.u32 $0x1, s1  }
0x8c: {  	s16 =	sshll.u32 s0, $0xA;
	s2 =	sadd.s32 s3, s2  }
0x8d: {  	s2 =	sadd.s32 s2, s16  }
0x8e: {  	[smem:$0x3F5F] =	sst s2  }
0x8f: {  	_ = 	snop  }
0x90: {  	(tm) =	ssettm $0x1  }
0x91: {  	s17 =	sld [smem:$0x3FFB];
	_ =	sdelay $0x3  }
0x92: {  	_ =	strace s17  }
0x93: {  	s2 =	sld [smem:$0x3FFC];
	_ =	sdelay $0x3  }
0x94: {  	_ =	strace s2  }
0x95: {  	s2 =	sld [smem:$0x3FFD];
	_ =	sdelay $0x3  }
0x96: {  	_ =	strace s2  }
0x97: {  	_ =	strace $0x8FFFFFFF  }
0x98: {  	s18 =	sld [smem:$0x3FDB];
	_ =	sdelay $0x1  }
0x99: {  	s19 =	simm.s32 $_scs_section_size  }
0x9a: {  	s4 =	simm.s32 $_size__tile_overlayer_lowered;
	s5 =	simm.s32 $_tile_overlayer_lowered  }
0x9b: {  	s22 =	simm.s32 $0x1BFF;
	s21 =	sshll.u32 s5, $0x1;
	s2 =	sadd.s32 s19, s18  }
0x9c: {  	s6 =	simm.s32 $0x0;
	s20 =	sshll.u32 s4, $0x1;
	s4 =	sadd.s32 s21, s2  }
0x9d: {  	[timem:s6], [sflag:s22] =	dma.local [hbm:s4], s20  }
0x9e: {  	_ =	swait.ge [sflag:s22], s20  }
0x9f: {  	s3 =	ssub.s32 $0x0, s20;
	[sflag:s22] =	ssyncset.done $0x0  }
0xa0: {  	[sflag:s22] =	ssyncadd.s32 s3;
	_ =	sdelay $0x1  }
0xa1: {  	s23 =	simm.s32 $0x1B8B  }
0xa2: {  	_ =	swait.ge [sflag:s23], $0x1  }
0xa3: {  	[sflag:s23] =	ssyncset.done $0x0  }
0xa4: {  	s25 =	simm.s32 $0x1B8E;
	s24 =	sld [smem:$0x3FFE];
	[sflag:s23] =	ssyncadd.s32 $0xFFFFFFFF  }
0xa5: {  	s26 =	simm.s32 $execute0_lowered;
	[smem:$0x3FD2] =	sst s25  }
0xa6: {  	s4 =	sshll.u32 s26, $0x1;
	_ =	strace $0x80000046;
	[dreg:$0x1] =	wrdreg $0xFFFFFFFF  }
0xa7: {  	s28 =	simm.s32 $_size_execute0_lowered;
	s2 =	sadd.s32 s2, s4;
	[dreg:$0x0] =	wrdreg $0x0  }
0xa8: {  	s4 =	sshll.u32 s28, $0x1;
	[dreg:$0x2] =	wrdreg s2  }
0xa9: {  	[dreg:$0x3] =	wrdreg s4  }
0xaa: {  	[dreg:$0x4] =	wrdreg $0xC0  }
0xab: {  	_ =	task [dreg:s6], $0x5FFFF  }
0xac: {  	[dreg:$0x1] =	wrdreg $0xFFFFFFFF  }
0xad: {  	[dreg:$0x0] =	wrdreg $0x60  }
0xae: {  	[dreg:$0x2] =	wrdreg s24  }
0xaf: {  	[dreg:$0x3] =	wrdreg $0x9  }
0xb0: {  	_ =	task.clear_ibuf [dreg:s6], $0x4FFFF;
	_ =	strace $0x90000046  }
0xb1: {  	s29 =	simm.s32 $0x9;
	_ =	strace $0x80000048  }
0xb2: {  	_ =	swait.ge [sflag:s29], $0x1  }
0xb3: {  	[sflag:s29] =	ssyncadd.s32 $0xFFFFFFFF  }
0xb4: {  	_ =	strace $0x90000048  }
0xb5: {  	_ =	sfence  }
0xb6: {  	s30 =	sld [smem:$0x0];
	_ =	sdelay $0x2  }
0xb7: {  	s31 =	sshll.u32 s1, $0xD;
	s1 =	sshrl.u32 s1, $0x2  }
0xb8: {  	s3 =	sand.u32 $0x4000, s31;
	s1 =	sadd.s32 s1, s30  }
0xb9: {  	s0 =	sor.u32 s3, s0;
	s1 =	sshll.u32 s1, $0x11  }
0xba: {  	s0 =	sor.u32 s1, s0  }
0xbb: {  	s0 =	sadd.s32 $0x8F2B, s0  }
0xbc: {  	[sflag:s0] =	ssyncadd.remote.s32 $0x1  }
0xbd: {  	_ =	sfence.sel $0xFFFF  }
0xbe: {  	[dreg:$0x0] =	wrdreg $0xFFFFFFFF;
	(pc) =	sbr.abs _section_cstart, $3  }
0xbf: {  	[dreg:$0x1] =	wrdreg $0xFFFFFFFF  }
0xc0: {  	_ =	task.clear_ibuf [dreg:s6], $0x2FFFF;
	_ =	strace $0x9FFFFFFF  }
0xc1: {  	(tm) =	ssettm $0x7FFFFFFF  }
tec
execute0_lowered:
.L_overlay_start_1:
0x0: {  	(tag) =	ssettag $0x1  }
0x1: {  	s0 =	srdreg.scid;
	s5 =	rddreg [dreg:$0x0]  }
0x2: {  	s1 =	stileid.u32;
	s6 =	simm.s32 $0x1;
	s9 =	simm.s32 $0x1  }
0x3: {  	s10 =	simm.s32 $0x3;
	s13 =	simm.s32 $0x0;
	s2 =	sshll.u32 s0, $0x9  }
0x4: {  	s12 =	simm.s32 $0x0;
	s3 =	sshll.u32 s1, $0xA;
	s2 =	sand.u32 $0x200, s2  }
0x5: {  	s0 =	rddreg [dreg:$0x1];
	_ =	strace $0x80000047;
	s2 =	sor.u32 s3, s2  }
0x6: {  	s4 =	sadd.s32 $0x17000, s5;
	[sflag:s6] =	ssyncpa.u1 $0x0;
	s8 =	ssub.s32 $0x8000, s2  }
.Ltmp0:
0x7: {  	s3 =	sadd.s32 $0xC200, s5;
	s7 =	sand.u32 $0x3E00, s8;
	(pc) =	sbr.rel .LBB2_1-.Ltmp0, $4  }
0x8: {  	s5 =	sadd.s32 $0x1C000, s5;
	s11 =	smov.u32 s2;
	p0 =	sne.s32 s7, $0x0  }
0x9: {  	s8 =	sshrl.u32 s8, $0xE;
	s7 =	simm.s32 $0x2;
	s9 =	simm.s32 @!p0 $0x0  }
0xa: {  	[sflag:s7] =	ssyncpa.u1 $0x0;
	p0 =	por $0x0, $0x0;
	s8 =	sadd.s32 s9, s8  }
0xb: {  	vm0 =	vmmov $0xffff;
	[sflag:s10] =	ssyncpa.u1 $0x0;
	s10 =	simm.s32 $0x0;
	s9 =	sadd.s32 $0x1, s8  }
.LBB2_4:
0xc: {  	v2 =	vnsel vm1, $0x0, v2  }
0xd: {  	vm1 =	vgt.s32 v0, $0x0;
	v2 =	vmin.u32 v2, $0xFFEF  }
0xe: {  	v0 =	vnsel vm1, $0x0, v0  }
0xf: {  	v0 =	vmin.u32 v0, $0xFFEF  }
0x10: {  	[tilespmem:s15], [sflag:$0x1] =	stream.indirect_vreg.gather [hbm4b:s3+s10], $0x1, v1, vm0, $0x4038;
	[tilespmem:$0x800] =	vst v63  }
0x11: {  	(ifvalue) =	ssetifvalue $0x7FFFFFFF  }
0x12: {  	[tilespmem:s16], [sflag:$0x1] =	stream.indirect_vreg.gather [hbm4b:s3+s10], $0x1, v2, vm0, $0x4038;
	[tilespmem:$0x800] =	vst v63  }
0x13: {  	s29 =	sadd.s32 $0x10, s16;
	(ifvalue) =	ssetifvalue $0x7FFFFFFF  }
0x14: {  	[tilespmem:s29], [sflag:$0x1] =	stream.indirect_vreg.gather [hbm4b:s3+s10], $0x1, v0, vm0, $0x4038;
	[tilespmem:$0x800] =	vst v63  }
0x15: {  	_ =	swait.ge [sflag:s6], $0x200  }
0x16: {  	s30 =	sshrl.u32 s13, $0x3;
	[sflag:s6] =	ssyncset.done $0x0  }
0x17: {  	s31 =	sand.u32 $0x7, s13;
	s15 =	sadd.s32 s5, s30;
	[sflag:s6] =	ssyncadd.s32 $0xFFFFFE00  }
0x18: {  	[hbm4b:s15+s31] =	stream.linear.scatter [tilespmem:s14], [sflag:$0x3], $0x200, $0x38;
	[tilespmem:$0x800] =	vst v63  }
.LBB2_5:
0x19: {  	s15 =	sadd.s32 $0x4000, s11  }
0x1a: {  	p2 =	sgt.s32 s15, $0x7FFF  }
0x1b: {  	s15 =	smov.u32 @p2 s2;
	p2 =	sne.s32 s12, s9  }
.Ltmp1:
0x1c: {  	p1 =	slt.u32 s12, $0x2;
	(pc) =	sbr.rel @!p2 .LBB2_6-.Ltmp1, $4  }
0x1d: {  	s14 =	simm.s32 @!p1 $0x3  }
0x1e: {  	s16 =	sadd.s32 $0x1, s12;
	_ =	swait.ge @!p1 [sflag:s14], $0x200  }
0x1f: {  	s13 =	smov.u32 s11;
	p0 =	por !p0, !p0;
	[sflag:s14] =	ssyncset.done @!p1 $0x0  }
0x20: {  	s12 =	smov.u32 s16;
	s11 =	smov.u32 s15;
	[sflag:s14] =	ssyncadd.s32 @!p1 $0xFFFFFE00  }
.LBB2_1:
0x21: {  	p1 =	sge.u32 s12, s8  }
0x22: {  	s14 =	sxor.u32 @!p1 $0xFFFFFFFF, s12  }
0x23: {  	s31 =	sadd.s32 $0xFFFFFFFF, s12;
	s15 =	sshrl.u32 @!p1 s11, $0x3;
	s14 =	sshll.u32 @!p1 s14, $0x9  }
0x24: {  	s16 =	sand.u32 @!p1 $0x7, s11;
	s15 =	sadd.s32 @!p1 s4, s15;
	s14 =	sand.u32 @!p1 $0x200, s14  }
0x25: {  	[tilespmem:s14], [sflag:$0x2] =	stream.linear.gather @!p1 [hbm4b:s15+s16], $0x200, $0x38;
	[tilespmem:$0x800] =	vst v63  }
0x26: {  	p1 =	sge.u32 s31, s8  }
.Ltmp2:
0x27: {  	_ = 	snop;
	(pc) =	sbr.rel @p1 .LBB2_5-.Ltmp2, $1  }
0x28: {  	_ =	sdelay $0x3  }
0x29: {  	s14 =	simm.s32 $0x1  }
0x2a: {  	_ =	swait.ge [sflag:s7], $0x200;
	s14 =	simm.s32 @!p0 $0x0  }
0x2b: {  	[sflag:s7] =	ssyncset.done $0x0;
	s14 =	sshll.u32 s14, $0x9  }
0x2c: {  	[sflag:s7] =	ssyncadd.s32 $0xFFFFFE00;
	(ifvalue) =	ssetifvalue $0x7FFFFFFF;
	v0 =	vld.msk [tilespmem:s14+$0x0 ss:$0x1], $0xffff;
	_ =	sdelay $0x4  }
0x2d: {  	s15 =	sadd.s32 $0x10, s14;
	vm1 =	vgt.s32 v0, $0x0  }
0x2e: {  	v2 =	vld.msk [tilespmem:s15+$0x0 ss:$0x1], $0xffff;
	v1 =	vnsel vm1, $0x0, v0  }
0x2f: {  	v1 =	vmin.u32 v1, $0xFFEF;
	_ =	sdelay $0x1  }
0x30: {  	s16 =	sshll.u32 s12, $0x9;
	s18 =	simm.s32 $0x20  }
0x31: {  	s16 =	sand.u32 $0x200, s16;
	s17 =	sadd.s32 $0x10, s15;
	s15 =	sor.u32 $0x400, s14  }
0x32: {  	s14 =	sor.u32 $0x400, s16;
	s16 =	sadd.s32 $0x10, s15;
	v0 =	vld.msk [tilespmem:s17+$0x0 ss:$0x1], $0xffff;
	vm1 =	vgt.s32 v2, $0x0;
	(ifvalue) =	ssetifvalue $0x7FFFFFFF  }
.LBB2_3:
0x33: {  	[tilespmem:s15], [sflag:$0x1] =	stream.indirect_vreg.gather [hbm4b:s3+s10], $0x1, v1, vm0, $0x4038;
	[tilespmem:$0x800] =	vst v63  }
0x34: {  	s18 =	sadd.s32 $0x10, s18  }
0x35: {  	v2 =	vnsel vm1, $0x0, v2;
	p1 =	slt.u32 s18, $0x1F0  }
.Ltmp3:
0x36: {  	s15 =	smov.u32 s16;
	v1 =	vmin.u32 v2, $0xFFEF;
	(pc) =	sbr.rel @p1 .LBB2_3-.Ltmp3, $3  }
0x37: {  	_ =	sdelay $0x1  }
0x38: {  	s17 =	sadd.s32 $0x10, s17  }
0x39: {  	vm1 =	vgt.s32 v0, $0x0;
	s16 =	sadd.s32 $0x10, s16;
	v2 =	vmov v0;
	(ifvalue) =	ssetifvalue $0x7FFFFFFF;
	v0 =	vld.msk [tilespmem:s17+$0x0 ss:$0x1], $0xffff  }
.Ltmp4:
0x3a: {  	_ = 	snop;
	(pc) =	sbr.rel .LBB2_4-.Ltmp4, $1  }
0x3b: {  	_ =	sdelay $0x3  }
.LBB2_6:
0x3c: {  	_ =	sfence.sel $0x180000  }
0x3d: {  	s2 =	simm.s32 $0x2;
	[bflag:$0x0] =	sbarrier.arrive $0xFFFF  }
0x3e: {  	s30 =	simm.s32 $0x3;
	[sflag:s2] =	ssyncpa.u1 $0x1  }
0x3f: {  	s31 =	simm.s32 $0x1;
	[sflag:s30] =	ssyncpa.u1 $0x1  }
0x40: {  	[sflag:s31] =	ssyncpa.u1 $0x1  }
0x41: {  	p0 =	sne.s32 s1, $0x0;
	_ =	strace $0x90000047  }
0x42: {  	s0 =	sadd.s32 @!p0 $0x100000, s0;
	[bflag:$0x2] =	sbarrier.arrive $0xFFFF  }
0x43: {  	[sflag:s0] =	ssyncadd.tile.s32 @!p0 $0x1;
	_ =	shalt  }
.Lfunc_end2:
_tile_overlayer_lowered:
.L_overlay_start_2:
0x44: {  	(tag) =	ssettag $0x2  }
0x45: {  	s0 =	rddreg [dreg:$0x0];
	s2 =	stileid.u32  }
0x46: {  	s1 =	rddreg [dreg:$0x1];
	p0 =	sne.s32 s2, $0x0  }
0x47: {  	s3 =	rddreg [dreg:$0x2];
	[bflag:$0x3] =	sbarrier.arrive $0xFFFF;
	s2 =	simm.s32 @!p0 $0x1C01  }
0x48: {  	[timem:s3], [sflag:s2] =	dma.local @!p0 [hbm:s0], s1  }
0x49: {  	s0 =	simm.s32 @!p0 $0x1  }
0x4a: {  	_ =	swait.ge @!p0 [sflag:s0], s1  }
0x4b: {  	s1 =	ssub.s32 @!p0 $0x0, s1;
	[sflag:s0] =	ssyncset.done @!p0 $0x0  }
0x4c: {  	[sflag:s0] =	ssyncadd.s32 @!p0 s1  }
0x4d: {  	[bflag:$0x3] =	sbarrier.arrive $0xFFFF  }
0x4e: {  	_ =	shalt  }

</sc_bundles>
